<compile_context>
chip_gen: v7x
topology: tpu7x:2x2x1
jax: 0.10.2.dev20260603
libtpu: 0.0.44.dev20260713+nightly
codegen_flags: <defaults>
</compile_context>

<pallas_src>
import jax
import jax.numpy as jnp
from jax import lax
from jax.experimental import pallas as pl
from jax.experimental.pallas import tpu as pltpu
from jax.experimental.pallas import tpu_sc as plsc

NC = 2
NS = 16
NW = NC * NS
CHUNK = 128


def _make_segsum(n_pad, ch_a, ch_b, d, with_counts):
    rows_per = n_pad // NS
    ch = max(ch_a, ch_b)
    chh = (ch + 1) // 2
    mesh = plsc.VectorSubcoreMesh(core_axis_name="c", subcore_axis_name="s")
    out_type = [jax.ShapeDtypeStruct((NC, n_pad, d), jnp.float32)]
    if with_counts:
        out_type.append(jax.ShapeDtypeStruct((NC * n_pad,), jnp.float32))
    scratch = [
        pltpu.VMEM_SHARED((n_pad, d), jnp.float32),
        pltpu.VMEM((ch, CHUNK), jnp.int32),
        pltpu.VMEM((ch, CHUNK), jnp.int32),
        pltpu.VMEM((CHUNK, d), jnp.float32),
        pltpu.VMEM((16, d), jnp.float32),
        pltpu.SemaphoreType.DMA,
    ]
    if with_counts:
        scratch += [
            pltpu.VMEM_SHARED((n_pad,), jnp.float32),
            pltpu.VMEM((CHUNK,), jnp.float32),
        ]

    def body(h_hbm, src_hbm, dst_hbm, *rest):
        if with_counts:
            (s_hbm, c_hbm, s_sh, src_v, dst_v, rows_v, zbuf, gsem,
             c_sh, ones_v) = rest
        else:
            s_hbm, s_sh, src_v, dst_v, rows_v, zbuf, gsem = rest
        cid = lax.axis_index("c")
        sid = lax.axis_index("s")
        wid = cid * NS + sid
        row0 = sid * rows_per
        mych = jnp.where(cid == 0, ch_a, ch_b)

        with jax.named_scope("zero"):
            zero16 = jnp.zeros((16,), jnp.float32)

            def zsloop(r, carry):
                for k in range(d // 16):
                    zbuf[r, pl.ds(k * 16, 16)] = zero16
                return carry
            lax.fori_loop(0, 16, zsloop, 0)
            for i in range(rows_per // 16):
                pltpu.sync_copy(zbuf, s_sh.at[pl.ds(row0 + i * 16, 16)])
            if with_counts:
                one16 = jnp.ones((16,), jnp.float32)
                for k in range(CHUNK // 16):
                    ones_v[pl.ds(k * 16, 16)] = one16
                for k in range(rows_per // d):
                    pltpu.sync_copy(zbuf.at[0],
                                    c_sh.at[pl.ds(row0 + k * d, d)])
        plsc.subcore_barrier()

        with jax.named_scope("edges"):
            pltpu.sync_copy(src_hbm.at[wid], src_v)
            pltpu.sync_copy(dst_hbm.at[wid], dst_v)
            pltpu.async_copy(h_hbm.at[src_v.at[0]], rows_v, gsem)

            def eloop(j, carry):
                pltpu.make_async_copy(h_hbm.at[src_v.at[j]], rows_v, gsem
                                      ).wait()
                pltpu.sync_copy(rows_v, s_sh.at[dst_v.at[j]], add=True)

                @pl.when(j + 1 < mych)
                def _():
                    pltpu.async_copy(h_hbm.at[src_v.at[j + 1]], rows_v, gsem)
                if with_counts:
                    pltpu.sync_copy(ones_v, c_sh.at[dst_v.at[j]], add=True)
                return carry
            lax.fori_loop(0, mych, eloop, 0)
        plsc.subcore_barrier()

        with jax.named_scope("writeout"):
            pltpu.sync_copy(s_sh.at[pl.ds(row0, rows_per)],
                            s_hbm.at[cid, pl.ds(row0, rows_per)])
            if with_counts:
                pltpu.sync_copy(c_sh.at[pl.ds(row0, rows_per)],
                                c_hbm.at[pl.ds(cid * n_pad + row0,
                                               rows_per)])

    return pl.kernel(body, out_type=tuple(out_type), mesh=mesh,
                     scratch_types=scratch)


def _dot_t(a, w):
    return lax.dot_general(a, w, (((1,), (1,)), ((), ())),
                           preferred_element_type=jnp.float32,
                           precision=lax.Precision.HIGHEST)


def _sage_dense(s_ref, c_ref, h_ref, wl_ref, bl_ref, wr_ref, sc_ref, sh_ref,
                o_ref):
    c2 = c_ref[...]
    s2 = s_ref[...]
    cnt = c2[0] + c2[1]
    inv = 1.0 / jnp.maximum(cnt, 1.0)
    mean = (s2[0] + s2[1]) * inv
    z = _dot_t(mean, wl_ref[...]) + _dot_t(h_ref[...], wr_ref[...])
    z = z + bl_ref[...]
    o_ref[...] = jnp.maximum(z * sc_ref[...] + sh_ref[...], 0.0)


def _sage_dense_mlp(s_ref, c_ref, h_ref, wl_ref, bl_ref, wr_ref, sc_ref,
                    sh_ref, w1_ref, b1_ref, w2_ref, b2_ref, w3_ref, b3_ref,
                    o_ref):
    c2 = c_ref[...]
    s2 = s_ref[...]
    cnt = c2[0] + c2[1]
    inv = 1.0 / jnp.maximum(cnt, 1.0)
    mean = (s2[0] + s2[1]) * inv
    z = _dot_t(mean, wl_ref[...]) + _dot_t(h_ref[...], wr_ref[...])
    z = z + bl_ref[...]
    h3 = jnp.maximum(z * sc_ref[...] + sh_ref[...], 0.0)
    h4 = jnp.maximum(_dot_t(h3, w1_ref[...]) + b1_ref[...], 0.0)
    h5 = jnp.maximum(_dot_t(h4, w2_ref[...]) + b2_ref[...], 0.0)
    z3 = jax.nn.sigmoid(_dot_t(h5, w3_ref[...]) + b3_ref[...])
    o_ref[...] = z3[:, 0:1]


def kernel(x, edge_index, Wl_0, bl_0, Wr_0, gamma_0, beta_0,
           Wl_1, bl_1, Wr_1, gamma_1, beta_1,
           Wl_2, bl_2, Wr_2, gamma_2, beta_2,
           pW1, pb1, pW2, pb2, pW3, pb3):
    n, d = x.shape
    e = edge_index.shape[1]
    h = pW1.shape[0]
    n_pad = -(-(n + 1) // 2048) * 2048
    ch_tot = -(-e // (NS * CHUNK))
    ch_a = max(2, int(round(ch_tot * 0.34)))
    ch_b = ch_tot - ch_a
    ch = -(-max(ch_a, ch_b) // 2) * 2
    e_pad = NS * ch_tot * CHUNK

    src = edge_index[0]
    dst = edge_index[1]
    pad = e_pad - e
    srcq = jnp.concatenate([src, jnp.zeros((pad,), src.dtype)])
    dstq = jnp.concatenate([dst, jnp.full((pad,), n, dst.dtype)])
    ea = NS * ch_a * CHUNK

    def slab(q, fill):
        qa = q[:ea].reshape(NS, ch_a, CHUNK)
        qb = q[ea:].reshape(NS, ch_b, CHUNK)
        full = jnp.full((NS, ch, CHUNK), fill, q.dtype)
        qa = full.at[:, :ch_a].set(qa)
        qb = full.at[:, :ch_b].set(qb)
        return jnp.concatenate([qa, qb])

    srcp = slab(srcq, 0)
    dstp = slab(dstq, n)

    h0 = jnp.concatenate([x, jnp.zeros((n_pad - n, d), x.dtype)])

    bn = 1.0 / jnp.sqrt(jnp.float32(1.0 + 1e-5))
    params = [(Wl_0, bl_0, Wr_0, gamma_0, beta_0),
              (Wl_1, bl_1, Wr_1, gamma_1, beta_1),
              (Wl_2, bl_2, Wr_2, gamma_2, beta_2)]

    segsum_c = _make_segsum(n_pad, ch_a, ch_b, d, True)
    segsum = _make_segsum(n_pad, ch_a, ch_b, d, False)

    s_shape = jax.ShapeDtypeStruct((n_pad, h), jnp.float32)

    hh = h0
    cnt = None
    for i, (wl, bl, wr, g, b) in enumerate(params):
        if i == 0:
            s, c = segsum_c(hh, srcp, dstp)
            cnt = c.reshape(NC, n_pad, 1)
        else:
            (s,) = segsum(hh, srcp, dstp)
        scale = (g * bn).reshape(1, h)
        shift = b.reshape(1, h)
        blr = bl.reshape(1, h)
        blk = 2048
        grid = (n_pad // blk,)
        row_spec = lambda r, c_: pl.BlockSpec((r, c_), lambda i: (i, 0))
        full2 = lambda a: pl.BlockSpec(a.shape, lambda i: (0, 0))
        base_specs = [
            pl.BlockSpec((NC, blk, d), lambda i: (0, i, 0)),
            pl.BlockSpec((NC, blk, 1), lambda i: (0, i, 0)),
            row_spec(blk, d),
            full2(wl), full2(blr), full2(wr), full2(scale), full2(shift),
        ]
        if i < 2:
            hh = pl.pallas_call(
                _sage_dense, out_shape=s_shape, grid=grid,
                in_specs=base_specs,
                out_specs=row_spec(blk, h))(
                s, cnt, hh, wl, blr, wr, scale, shift)
        else:
            pb1r = pb1.reshape(1, h)
            pb2r = pb2.reshape(1, h // 2)
            pW3p = jnp.concatenate([pW3, jnp.zeros((h - 1, h // 2),
                                                   jnp.float32)])
            pb3r = jnp.pad(pb3.reshape(1, 1), ((0, 0), (0, h - 1)))
            out = pl.pallas_call(
                _sage_dense_mlp,
                out_shape=jax.ShapeDtypeStruct((n_pad, 1), jnp.float32),
                grid=grid,
                in_specs=base_specs + [full2(pW1), full2(pb1r), full2(pW2),
                                       full2(pb2r), full2(pW3p), full2(pb3r)],
                out_specs=row_spec(blk, 1))(
                s, cnt, hh, wl, blr, wr, scale, shift,
                pW1, pb1r, pW2, pb2r, pW3p, pb3r)
    return out[:n]

# --- scband reference (transcript-rebuilt; emitter-appended) ---
"""Pipeline reference for scband-surge-gnn-10282151707180 (READ-ONLY COPY).

The authoritative reference and input builder live on the scoring server;
editing this copy changes nothing except your own understanding.
"""

import jax, jax.numpy as jnp
import numpy as np

N = 10000
E = 320000
D = 128
H = 128

def _init(key, shape, fan_in):
    return jax.random.uniform(key, shape, jnp.float32, -1.0, 1.0) / np.sqrt(fan_in)

def setup_inputs(seed: int = 0):
    key = jax.random.key(seed)
    ks = jax.random.split(key, 32)
    inp = {}
    inp["x"] = jax.random.normal(ks[0], (N, D), dtype=jnp.float32)
    inp["edge_index"] = jax.random.randint(ks[1], (2, E), 0, N, dtype=jnp.int32)
    dims = [(D, H), (H, H), (H, H)]
    k = 2
    for i, (din, dout) in enumerate(dims):
        inp["Wl_%d" % i] = _init(ks[k], (dout, din), din); k += 1
        inp["bl_%d" % i] = jnp.zeros((dout,), jnp.float32)
        inp["Wr_%d" % i] = _init(ks[k], (dout, din), din); k += 1
        inp["gamma_%d" % i] = jnp.ones((dout,), jnp.float32)
        inp["beta_%d" % i] = jnp.zeros((dout,), jnp.float32)
    inp["pW1"] = _init(ks[k], (H, H), H); k += 1
    inp["pb1"] = jnp.zeros((H,), jnp.float32)
    inp["pW2"] = _init(ks[k], (H // 2, H), H); k += 1
    inp["pb2"] = jnp.zeros((H // 2,), jnp.float32)
    inp["pW3"] = _init(ks[k], (1, H // 2), H // 2); k += 1
    inp["pb3"] = jnp.zeros((1,), jnp.float32)
    return inp

def _sage(x, src, dst, Wl, bl, Wr):
    # PyG SAGEConv: mean-aggregate source features at dst, then lin_l(aggr) + lin_r(x)
    m = jnp.take(x, src, axis=0)
    s = jax.ops.segment_sum(m, dst, num_segments=N)
    c = jax.ops.segment_sum(jnp.ones((src.shape[0],), jnp.float32), dst, num_segments=N)
    mean = s / jnp.clip(c, 1.0, None)[:, None]
    return mean @ Wl.T + bl + x @ Wr.T

def _bn(h, g, b):
    # eval-mode BatchNorm with running_mean=0, running_var=1, eps=1e-5
    return (h / jnp.sqrt(1.0 + 1e-05)) * g + b

def reference(x, edge_index, Wl_0, bl_0, Wr_0, gamma_0, beta_0, Wl_1, bl_1, Wr_1, gamma_1, beta_1, Wl_2, bl_2, Wr_2, gamma_2, beta_2, pW1, pb1, pW2, pb2, pW3, pb3):
    src = edge_index[0]
    dst = edge_index[1]
    h = x
    params = [(Wl_0, bl_0, Wr_0, gamma_0, beta_0), (Wl_1, bl_1, Wr_1, gamma_1, beta_1), (Wl_2, bl_2, Wr_2, gamma_2, beta_2)]
    for Wl, bl, Wr, g, b in params:
        h = _sage(h, src, dst, Wl, bl, Wr)
        h = _bn(h, g, b)
        h = jax.nn.relu(h)
    # dropout is identity in eval mode
    h1 = jax.nn.relu(h @ pW1.T + pb1)
    h2 = jax.nn.relu(h1 @ pW2.T + pb2)
    out = jax.nn.sigmoid(h2 @ pW3.T + pb3)
    return out

if __name__ == "__main__":
    import jax
    _d = setup_inputs()
    print(jax.jit(kernel)(*tuple(_d.values())))

</pallas_src>

<mosaic_0001>
#map = affine_map<(d0, d1) -> (0, 0)>
#map1 = affine_map<(d0, d1) -> (0, 0, 0)>
#map2 = affine_map<(d0, d1) -> (0)>
module attributes {stable_mosaic.version = 14 : i64} {
  func.func @body(%arg0: i32, %arg1: i32, %arg2: memref<10240x128xf32, #tpu.memory_space<hbm>>, %arg3: memref<32x104x128xi32, #tpu.memory_space<hbm>>, %arg4: memref<32x104x128xi32, #tpu.memory_space<hbm>>, %arg5: memref<2x10240x128xf32, #tpu.memory_space<hbm>>, %arg6: memref<20480xf32, #tpu.memory_space<hbm>>, %arg7: memref<10240x128xf32, #tpu.memory_space<vmem_shared>>, %arg8: memref<104x128xi32, #tpu.memory_space<vmem>>, %arg9: memref<104x128xi32, #tpu.memory_space<vmem>>, %arg10: memref<128x128xf32, #tpu.memory_space<vmem>>, %arg11: memref<16x128xf32, #tpu.memory_space<vmem>>, %arg12: memref<!tpu.dma_semaphore, #tpu.memory_space<semaphore_mem>>, %arg13: memref<10240xf32, #tpu.memory_space<vmem_shared>>, %arg14: memref<128xf32, #tpu.memory_space<vmem>>) attributes {dimension_semantics = [#tpu.dimension_semantics<core_parallel>, #tpu.dimension_semantics<subcore_parallel>], iteration_bounds = array<i64: 2, 16>, scalar_prefetch = 0 : i64, scratch_operands = 8 : i64, tpu.core_type = #tpu.core_type<sc_vector_subcore>, window_params = [{transform_indices = #map}, {transform_indices = #map1}, {transform_indices = #map1}, {transform_indices = #map1}, {transform_indices = #map2}]} {
    %mul3A = arith.constant 16 : i32
    %mul3A_0 = arith.muli %arg0, %mul3A : i32
    %add3A = arith.addi %mul3A_0, %arg1 : i32
    %mul3A_1 = arith.constant 640 : i32
    %mul3A_2 = arith.muli %arg1, %mul3A_1 : i32
    %eq3A = arith.constant 0 : i32
    %eq3A_3 = arith.cmpi eq, %arg0, %eq3A : i32
    %jit3A = arith.constant 53 : i32
    %jit3A_4 = arith.constant 104 : i32
    %select_n3A = arith.select %eq3A_3, %jit3A, %jit3A_4 : i32
    %broadcast_in_dim3A = arith.constant 0.000000e+00 : f32
    "tpu.trace_start"() <{level = 10 : i32, message = "zero"}> : () -> ()
    %broadcast_in_dim3A_5 = vector.broadcast %broadcast_in_dim3A : f32 to vector<16xf32>
    %scan3A = arith.constant 0 : i32
    %scan3A_6 = arith.constant 0 : i32
    %scan3A_7 = arith.constant 16 : i32
    %scan3A_8 = arith.addi %scan3A_6, %scan3A_7 : i32
    %scan3A_9 = arith.constant 1 : i32
    scf.for %scan3A_157 = %scan3A_6 to %scan3A_8 step %scan3A_9  : i32 {
      %swap3A_158 = arith.index_cast %scan3A_157 : i32 to index
      %swap3A_159 = arith.constant 0 : index
      %swap3A_160 = tpu.vector_load %arg11[%swap3A_158, %swap3A_159] {strides = array<i32>} : memref<16x128xf32, #tpu.memory_space<vmem>>, vector<1x16xf32>,
      %swap3A_161 = vector.shape_cast %swap3A_160 : vector<1x16xf32> to vector<16xf32>
      %swap3A_162 = vector.shape_cast %broadcast_in_dim3A_5 : vector<16xf32> to vector<1x16xf32>
      tpu.vector_store %arg11[%swap3A_158, %swap3A_159], %swap3A_162 {strides = array<i32>} : memref<16x128xf32, #tpu.memory_space<vmem>>, vector<1x16xf32>,
      %swap3A_163 = arith.index_cast %scan3A_157 : i32 to index
      %swap3A_164 = arith.constant 16 : index
      %swap3A_165 = tpu.vector_load %arg11[%swap3A_163, %swap3A_164] {strides = array<i32>} : memref<16x128xf32, #tpu.memory_space<vmem>>, vector<1x16xf32>,
      %swap3A_166 = vector.shape_cast %swap3A_165 : vector<1x16xf32> to vector<16xf32>
      %swap3A_167 = vector.shape_cast %broadcast_in_dim3A_5 : vector<16xf32> to vector<1x16xf32>
      tpu.vector_store %arg11[%swap3A_163, %swap3A_164], %swap3A_167 {strides = array<i32>} : memref<16x128xf32, #tpu.memory_space<vmem>>, vector<1x16xf32>,
      %swap3A_168 = arith.index_cast %scan3A_157 : i32 to index
      %swap3A_169 = arith.constant 32 : index
      %swap3A_170 = tpu.vector_load %arg11[%swap3A_168, %swap3A_169] {strides = array<i32>} : memref<16x128xf32, #tpu.memory_space<vmem>>, vector<1x16xf32>,
      %swap3A_171 = vector.shape_cast %swap3A_170 : vector<1x16xf32> to vector<16xf32>
      %swap3A_172 = vector.shape_cast %broadcast_in_dim3A_5 : vector<16xf32> to vector<1x16xf32>
      tpu.vector_store %arg11[%swap3A_168, %swap3A_169], %swap3A_172 {strides = array<i32>} : memref<16x128xf32, #tpu.memory_space<vmem>>, vector<1x16xf32>,
      %swap3A_173 = arith.index_cast %scan3A_157 : i32 to index
      %swap3A_174 = arith.constant 48 : index
      %swap3A_175 = tpu.vector_load %arg11[%swap3A_173, %swap3A_174] {strides = array<i32>} : memref<16x128xf32, #tpu.memory_space<vmem>>, vector<1x16xf32>,
      %swap3A_176 = vector.shape_cast %swap3A_175 : vector<1x16xf32> to vector<16xf32>
      %swap3A_177 = vector.shape_cast %broadcast_in_dim3A_5 : vector<16xf32> to vector<1x16xf32>
      tpu.vector_store %arg11[%swap3A_173, %swap3A_174], %swap3A_177 {strides = array<i32>} : memref<16x128xf32, #tpu.memory_space<vmem>>, vector<1x16xf32>,
      %swap3A_178 = arith.index_cast %scan3A_157 : i32 to index
      %swap3A_179 = arith.constant 64 : index
      %swap3A_180 = tpu.vector_load %arg11[%swap3A_178, %swap3A_179] {strides = array<i32>} : memref<16x128xf32, #tpu.memory_space<vmem>>, vector<1x16xf32>,
      %swap3A_181 = vector.shape_cast %swap3A_180 : vector<1x16xf32> to vector<16xf32>
      %swap3A_182 = vector.shape_cast %broadcast_in_dim3A_5 : vector<16xf32> to vector<1x16xf32>
      tpu.vector_store %arg11[%swap3A_178, %swap3A_179], %swap3A_182 {strides = array<i32>} : memref<16x128xf32, #tpu.memory_space<vmem>>, vector<1x16xf32>,
      %swap3A_183 = arith.index_cast %scan3A_157 : i32 to index
      %swap3A_184 = arith.constant 80 : index
      %swap3A_185 = tpu.vector_load %arg11[%swap3A_183, %swap3A_184] {strides = array<i32>} : memref<16x128xf32, #tpu.memory_space<vmem>>, vector<1x16xf32>,
      %swap3A_186 = vector.shape_cast %swap3A_185 : vector<1x16xf32> to vector<16xf32>
      %swap3A_187 = vector.shape_cast %broadcast_in_dim3A_5 : vector<16xf32> to vector<1x16xf32>
      tpu.vector_store %arg11[%swap3A_183, %swap3A_184], %swap3A_187 {strides = array<i32>} : memref<16x128xf32, #tpu.memory_space<vmem>>, vector<1x16xf32>,
      %swap3A_188 = arith.index_cast %scan3A_157 : i32 to index
      %swap3A_189 = arith.constant 96 : index
      %swap3A_190 = tpu.vector_load %arg11[%swap3A_188, %swap3A_189] {strides = array<i32>} : memref<16x128xf32, #tpu.memory_space<vmem>>, vector<1x16xf32>,
      %swap3A_191 = vector.shape_cast %swap3A_190 : vector<1x16xf32> to vector<16xf32>
      %swap3A_192 = vector.shape_cast %broadcast_in_dim3A_5 : vector<16xf32> to vector<1x16xf32>
      tpu.vector_store %arg11[%swap3A_188, %swap3A_189], %swap3A_192 {strides = array<i32>} : memref<16x128xf32, #tpu.memory_space<vmem>>, vector<1x16xf32>,
      %swap3A_193 = arith.index_cast %scan3A_157 : i32 to index
      %swap3A_194 = arith.constant 112 : index
      %swap3A_195 = tpu.vector_load %arg11[%swap3A_193, %swap3A_194] {strides = array<i32>} : memref<16x128xf32, #tpu.memory_space<vmem>>, vector<1x16xf32>,
      %swap3A_196 = vector.shape_cast %swap3A_195 : vector<1x16xf32> to vector<16xf32>
      %swap3A_197 = vector.shape_cast %broadcast_in_dim3A_5 : vector<16xf32> to vector<1x16xf32>
      tpu.vector_store %arg11[%swap3A_193, %swap3A_194], %swap3A_197 {strides = array<i32>} : memref<16x128xf32, #tpu.memory_space<vmem>>, vector<1x16xf32>,
    }
    %scan3A_10 = arith.constant 16 : i32
    %add3A_11 = arith.constant 0 : i32
    %add3A_12 = arith.addi %mul3A_2, %add3A_11 : i32
    "tpu.region"() ({
      %run_scoped3A_157 = tpu.sem_alloc : memref<!tpu.dma_semaphore, #tpu.memory_space<semaphore_mem>>
      %dma_start3A_158 = arith.constant 0 : i32
      %dma_start3A_159 = tpu.memref_slice %arg7[%add3A_12, %dma_start3A_158] : memref<10240x128xf32, #tpu.memory_space<vmem_shared>> -> memref<16x128xf32, #tpu.memory_space<vmem_shared>>
      %dma_start3A_160 = arith.constant 0 : i32
      %dma_start3A_161 = tpu.memref_slice %arg7[%add3A_12, %dma_start3A_160] : memref<10240x128xf32, #tpu.memory_space<vmem_shared>> -> memref<16x128xf32, #tpu.memory_space<vmem_shared>>
      tpu.enqueue_dma source(%arg11 : memref<16x128xf32, #tpu.memory_space<vmem>>) target(%dma_start3A_161 : memref<16x128xf32, #tpu.memory_space<vmem_shared>>) target_semaphore(%run_scoped3A_157 : memref<!tpu.dma_semaphore, #tpu.memory_space<semaphore_mem>>)
      %dma_wait3A = arith.constant 0 : i32
      %dma_wait3A_162 = tpu.memref_slice %arg7[%add3A_12, %dma_wait3A] : memref<10240x128xf32, #tpu.memory_space<vmem_shared>> -> memref<16x128xf32, #tpu.memory_space<vmem_shared>>
      %dma_wait3A_163 = arith.constant 0 : i32
      %dma_wait3A_164 = tpu.memref_slice %arg7[%add3A_12, %dma_wait3A_163] : memref<10240x128xf32, #tpu.memory_space<vmem_shared>> -> memref<16x128xf32, #tpu.memory_space<vmem_shared>>
      tpu.wait_dma2 semaphore(%run_scoped3A_157 : memref<!tpu.dma_semaphore, #tpu.memory_space<semaphore_mem>>) src(%arg11 : memref<16x128xf32, #tpu.memory_space<vmem>>) dst(%dma_wait3A_164 : memref<16x128xf32, #tpu.memory_space<vmem_shared>>)
      tpu.yield
    }) : () -> ()
    %add3A_13 = arith.constant 16 : i32
    %add3A_14 = arith.addi %mul3A_2, %add3A_13 : i32
    "tpu.region"() ({
      %run_scoped3A_157 = tpu.sem_alloc : memref<!tpu.dma_semaphore, #tpu.memory_space<semaphore_mem>>
      %dma_start3A_158 = arith.constant 0 : i32
      %dma_start3A_159 = tpu.memref_slice %arg7[%add3A_14, %dma_start3A_158] : memref<10240x128xf32, #tpu.memory_space<vmem_shared>> -> memref<16x128xf32, #tpu.memory_space<vmem_shared>>
      %dma_start3A_160 = arith.constant 0 : i32
      %dma_start3A_161 = tpu.memref_slice %arg7[%add3A_14, %dma_start3A_160] : memref<10240x128xf32, #tpu.memory_space<vmem_shared>> -> memref<16x128xf32, #tpu.memory_space<vmem_shared>>
      tpu.enqueue_dma source(%arg11 : memref<16x128xf32, #tpu.memory_space<vmem>>) target(%dma_start3A_161 : memref<16x128xf32, #tpu.memory_space<vmem_shared>>) target_semaphore(%run_scoped3A_157 : memref<!tpu.dma_semaphore, #tpu.memory_space<semaphore_mem>>)
      %dma_wait3A = arith.constant 0 : i32
      %dma_wait3A_162 = tpu.memref_slice %arg7[%add3A_14, %dma_wait3A] : memref<10240x128xf32, #tpu.memory_space<vmem_shared>> -> memref<16x128xf32, #tpu.memory_space<vmem_shared>>
      %dma_wait3A_163 = arith.constant 0 : i32
      %dma_wait3A_164 = tpu.memref_slice %arg7[%add3A_14, %dma_wait3A_163] : memref<10240x128xf32, #tpu.memory_space<vmem_shared>> -> memref<16x128xf32, #tpu.memory_space<vmem_shared>>
      tpu.wait_dma2 semaphore(%run_scoped3A_157 : memref<!tpu.dma_semaphore, #tpu.memory_space<semaphore_mem>>) src(%arg11 : memref<16x128xf32, #tpu.memory_space<vmem>>) dst(%dma_wait3A_164 : memref<16x128xf32, #tpu.memory_space<vmem_shared>>)
      tpu.yield
    }) : () -> ()
    %add3A_15 = arith.constant 32 : i32
    %add3A_16 = arith.addi %mul3A_2, %add3A_15 : i32
    "tpu.region"() ({
      %run_scoped3A_157 = tpu.sem_alloc : memref<!tpu.dma_semaphore, #tpu.memory_space<semaphore_mem>>
      %dma_start3A_158 = arith.constant 0 : i32
      %dma_start3A_159 = tpu.memref_slice %arg7[%add3A_16, %dma_start3A_158] : memref<10240x128xf32, #tpu.memory_space<vmem_shared>> -> memref<16x128xf32, #tpu.memory_space<vmem_shared>>
      %dma_start3A_160 = arith.constant 0 : i32
      %dma_start3A_161 = tpu.memref_slice %arg7[%add3A_16, %dma_start3A_160] : memref<10240x128xf32, #tpu.memory_space<vmem_shared>> -> memref<16x128xf32, #tpu.memory_space<vmem_shared>>
      tpu.enqueue_dma source(%arg11 : memref<16x128xf32, #tpu.memory_space<vmem>>) target(%dma_start3A_161 : memref<16x128xf32, #tpu.memory_space<vmem_shared>>) target_semaphore(%run_scoped3A_157 : memref<!tpu.dma_semaphore, #tpu.memory_space<semaphore_mem>>)
      %dma_wait3A = arith.constant 0 : i32
      %dma_wait3A_162 = tpu.memref_slice %arg7[%add3A_16, %dma_wait3A] : memref<10240x128xf32, #tpu.memory_space<vmem_shared>> -> memref<16x128xf32, #tpu.memory_space<vmem_shared>>
      %dma_wait3A_163 = arith.constant 0 : i32
      %dma_wait3A_164 = tpu.memref_slice %arg7[%add3A_16, %dma_wait3A_163] : memref<10240x128xf32, #tpu.memory_space<vmem_shared>> -> memref<16x128xf32, #tpu.memory_space<vmem_shared>>
      tpu.wait_dma2 semaphore(%run_scoped3A_157 : memref<!tpu.dma_semaphore, #tpu.memory_space<semaphore_mem>>) src(%arg11 : memref<16x128xf32, #tpu.memory_space<vmem>>) dst(%dma_wait3A_164 : memref<16x128xf32, #tpu.memory_space<vmem_shared>>)
      tpu.yield
    }) : () -> ()
    %add3A_17 = arith.constant 48 : i32
    %add3A_18 = arith.addi %mul3A_2, %add3A_17 : i32
    "tpu.region"() ({
      %run_scoped3A_157 = tpu.sem_alloc : memref<!tpu.dma_semaphore, #tpu.memory_space<semaphore_mem>>
      %dma_start3A_158 = arith.constant 0 : i32
      %dma_start3A_159 = tpu.memref_slice %arg7[%add3A_18, %dma_start3A_158] : memref<10240x128xf32, #tpu.memory_space<vmem_shared>> -> memref<16x128xf32, #tpu.memory_space<vmem_shared>>
      %dma_start3A_160 = arith.constant 0 : i32
      %dma_start3A_161 = tpu.memref_slice %arg7[%add3A_18, %dma_start3A_160] : memref<10240x128xf32, #tpu.memory_space<vmem_shared>> -> memref<16x128xf32, #tpu.memory_space<vmem_shared>>
      tpu.enqueue_dma source(%arg11 : memref<16x128xf32, #tpu.memory_space<vmem>>) target(%dma_start3A_161 : memref<16x128xf32, #tpu.memory_space<vmem_shared>>) target_semaphore(%run_scoped3A_157 : memref<!tpu.dma_semaphore, #tpu.memory_space<semaphore_mem>>)
      %dma_wait3A = arith.constant 0 : i32
      %dma_wait3A_162 = tpu.memref_slice %arg7[%add3A_18, %dma_wait3A] : memref<10240x128xf32, #tpu.memory_space<vmem_shared>> -> memref<16x128xf32, #tpu.memory_space<vmem_shared>>
      %dma_wait3A_163 = arith.constant 0 : i32
      %dma_wait3A_164 = tpu.memref_slice %arg7[%add3A_18, %dma_wait3A_163] : memref<10240x128xf32, #tpu.memory_space<vmem_shared>> -> memref<16x128xf32, #tpu.memory_space<vmem_shared>>
      tpu.wait_dma2 semaphore(%run_scoped3A_157 : memref<!tpu.dma_semaphore, #tpu.memory_space<semaphore_mem>>) src(%arg11 : memref<16x128xf32, #tpu.memory_space<vmem>>) dst(%dma_wait3A_164 : memref<16x128xf32, #tpu.memory_space<vmem_shared>>)
      tpu.yield
    }) : () -> ()
    %add3A_19 = arith.constant 64 : i32
    %add3A_20 = arith.addi %mul3A_2, %add3A_19 : i32
    "tpu.region"() ({
      %run_scoped3A_157 = tpu.sem_alloc : memref<!tpu.dma_semaphore, #tpu.memory_space<semaphore_mem>>
      %dma_start3A_158 = arith.constant 0 : i32
      %dma_start3A_159 = tpu.memref_slice %arg7[%add3A_20, %dma_start3A_158] : memref<10240x128xf32, #tpu.memory_space<vmem_shared>> -> memref<16x128xf32, #tpu.memory_space<vmem_shared>>
      %dma_start3A_160 = arith.constant 0 : i32
      %dma_start3A_161 = tpu.memref_slice %arg7[%add3A_20, %dma_start3A_160] : memref<10240x128xf32, #tpu.memory_space<vmem_shared>> -> memref<16x128xf32, #tpu.memory_space<vmem_shared>>
      tpu.enqueue_dma source(%arg11 : memref<16x128xf32, #tpu.memory_space<vmem>>) target(%dma_start3A_161 : memref<16x128xf32, #tpu.memory_space<vmem_shared>>) target_semaphore(%run_scoped3A_157 : memref<!tpu.dma_semaphore, #tpu.memory_space<semaphore_mem>>)
      %dma_wait3A = arith.constant 0 : i32
      %dma_wait3A_162 = tpu.memref_slice %arg7[%add3A_20, %dma_wait3A] : memref<10240x128xf32, #tpu.memory_space<vmem_shared>> -> memref<16x128xf32, #tpu.memory_space<vmem_shared>>
      %dma_wait3A_163 = arith.constant 0 : i32
      %dma_wait3A_164 = tpu.memref_slice %arg7[%add3A_20, %dma_wait3A_163] : memref<10240x128xf32, #tpu.memory_space<vmem_shared>> -> memref<16x128xf32, #tpu.memory_space<vmem_shared>>
      tpu.wait_dma2 semaphore(%run_scoped3A_157 : memref<!tpu.dma_semaphore, #tpu.memory_space<semaphore_mem>>) src(%arg11 : memref<16x128xf32, #tpu.memory_space<vmem>>) dst(%dma_wait3A_164 : memref<16x128xf32, #tpu.memory_space<vmem_shared>>)
      tpu.yield
    }) : () -> ()
    %add3A_21 = arith.constant 80 : i32
    %add3A_22 = arith.addi %mul3A_2, %add3A_21 : i32
    "tpu.region"() ({
      %run_scoped3A_157 = tpu.sem_alloc : memref<!tpu.dma_semaphore, #tpu.memory_space<semaphore_mem>>
      %dma_start3A_158 = arith.constant 0 : i32
      %dma_start3A_159 = tpu.memref_slice %arg7[%add3A_22, %dma_start3A_158] : memref<10240x128xf32, #tpu.memory_space<vmem_shared>> -> memref<16x128xf32, #tpu.memory_space<vmem_shared>>
      %dma_start3A_160 = arith.constant 0 : i32
      %dma_start3A_161 = tpu.memref_slice %arg7[%add3A_22, %dma_start3A_160] : memref<10240x128xf32, #tpu.memory_space<vmem_shared>> -> memref<16x128xf32, #tpu.memory_space<vmem_shared>>
      tpu.enqueue_dma source(%arg11 : memref<16x128xf32, #tpu.memory_space<vmem>>) target(%dma_start3A_161 : memref<16x128xf32, #tpu.memory_space<vmem_shared>>) target_semaphore(%run_scoped3A_157 : memref<!tpu.dma_semaphore, #tpu.memory_space<semaphore_mem>>)
      %dma_wait3A = arith.constant 0 : i32
      %dma_wait3A_162 = tpu.memref_slice %arg7[%add3A_22, %dma_wait3A] : memref<10240x128xf32, #tpu.memory_space<vmem_shared>> -> memref<16x128xf32, #tpu.memory_space<vmem_shared>>
      %dma_wait3A_163 = arith.constant 0 : i32
      %dma_wait3A_164 = tpu.memref_slice %arg7[%add3A_22, %dma_wait3A_163] : memref<10240x128xf32, #tpu.memory_space<vmem_shared>> -> memref<16x128xf32, #tpu.memory_space<vmem_shared>>
      tpu.wait_dma2 semaphore(%run_scoped3A_157 : memref<!tpu.dma_semaphore, #tpu.memory_space<semaphore_mem>>) src(%arg11 : memref<16x128xf32, #tpu.memory_space<vmem>>) dst(%dma_wait3A_164 : memref<16x128xf32, #tpu.memory_space<vmem_shared>>)
      tpu.yield
    }) : () -> ()
    %add3A_23 = arith.constant 96 : i32
    %add3A_24 = arith.addi %mul3A_2, %add3A_23 : i32
    "tpu.region"() ({
      %run_scoped3A_157 = tpu.sem_alloc : memref<!tpu.dma_semaphore, #tpu.memory_space<semaphore_mem>>
      %dma_start3A_158 = arith.constant 0 : i32
      %dma_start3A_159 = tpu.memref_slice %arg7[%add3A_24, %dma_start3A_158] : memref<10240x128xf32, #tpu.memory_space<vmem_shared>> -> memref<16x128xf32, #tpu.memory_space<vmem_shared>>
      %dma_start3A_160 = arith.constant 0 : i32
      %dma_start3A_161 = tpu.memref_slice %arg7[%add3A_24, %dma_start3A_160] : memref<10240x128xf32, #tpu.memory_space<vmem_shared>> -> memref<16x128xf32, #tpu.memory_space<vmem_shared>>
      tpu.enqueue_dma source(%arg11 : memref<16x128xf32, #tpu.memory_space<vmem>>) target(%dma_start3A_161 : memref<16x128xf32, #tpu.memory_space<vmem_shared>>) target_semaphore(%run_scoped3A_157 : memref<!tpu.dma_semaphore, #tpu.memory_space<semaphore_mem>>)
      %dma_wait3A = arith.constant 0 : i32
      %dma_wait3A_162 = tpu.memref_slice %arg7[%add3A_24, %dma_wait3A] : memref<10240x128xf32, #tpu.memory_space<vmem_shared>> -> memref<16x128xf32, #tpu.memory_space<vmem_shared>>
      %dma_wait3A_163 = arith.constant 0 : i32
      %dma_wait3A_164 = tpu.memref_slice %arg7[%add3A_24, %dma_wait3A_163] : memref<10240x128xf32, #tpu.memory_space<vmem_shared>> -> memref<16x128xf32, #tpu.memory_space<vmem_shared>>
      tpu.wait_dma2 semaphore(%run_scoped3A_157 : memref<!tpu.dma_semaphore, #tpu.memory_space<semaphore_mem>>) src(%arg11 : memref<16x128xf32, #tpu.memory_space<vmem>>) dst(%dma_wait3A_164 : memref<16x128xf32, #tpu.memory_space<vmem_shared>>)
      tpu.yield
    }) : () -> ()
    %add3A_25 = arith.constant 112 : i32
    %add3A_26 = arith.addi %mul3A_2, %add3A_25 : i32
    "tpu.region"() ({
      %run_scoped3A_157 = tpu.sem_alloc : memref<!tpu.dma_semaphore, #tpu.memory_space<semaphore_mem>>
      %dma_start3A_158 = arith.constant 0 : i32
      %dma_start3A_159 = tpu.memref_slice %arg7[%add3A_26, %dma_start3A_158] : memref<10240x128xf32, #tpu.memory_space<vmem_shared>> -> memref<16x128xf32, #tpu.memory_space<vmem_shared>>
      %dma_start3A_160 = arith.constant 0 : i32
      %dma_start3A_161 = tpu.memref_slice %arg7[%add3A_26, %dma_start3A_160] : memref<10240x128xf32, #tpu.memory_space<vmem_shared>> -> memref<16x128xf32, #tpu.memory_space<vmem_shared>>
      tpu.enqueue_dma source(%arg11 : memref<16x128xf32, #tpu.memory_space<vmem>>) target(%dma_start3A_161 : memref<16x128xf32, #tpu.memory_space<vmem_shared>>) target_semaphore(%run_scoped3A_157 : memref<!tpu.dma_semaphore, #tpu.memory_space<semaphore_mem>>)
      %dma_wait3A = arith.constant 0 : i32
      %dma_wait3A_162 = tpu.memref_slice %arg7[%add3A_26, %dma_wait3A] : memref<10240x128xf32, #tpu.memory_space<vmem_shared>> -> memref<16x128xf32, #tpu.memory_space<vmem_shared>>
      %dma_wait3A_163 = arith.constant 0 : i32
      %dma_wait3A_164 = tpu.memref_slice %arg7[%add3A_26, %dma_wait3A_163] : memref<10240x128xf32, #tpu.memory_space<vmem_shared>> -> memref<16x128xf32, #tpu.memory_space<vmem_shared>>
      tpu.wait_dma2 semaphore(%run_scoped3A_157 : memref<!tpu.dma_semaphore, #tpu.memory_space<semaphore_mem>>) src(%arg11 : memref<16x128xf32, #tpu.memory_space<vmem>>) dst(%dma_wait3A_164 : memref<16x128xf32, #tpu.memory_space<vmem_shared>>)
      tpu.yield
    }) : () -> ()
    %add3A_27 = arith.constant 128 : i32
    %add3A_28 = arith.addi %mul3A_2, %add3A_27 : i32
    "tpu.region"() ({
      %run_scoped3A_157 = tpu.sem_alloc : memref<!tpu.dma_semaphore, #tpu.memory_space<semaphore_mem>>
      %dma_start3A_158 = arith.constant 0 : i32
      %dma_start3A_159 = tpu.memref_slice %arg7[%add3A_28, %dma_start3A_158] : memref<10240x128xf32, #tpu.memory_space<vmem_shared>> -> memref<16x128xf32, #tpu.memory_space<vmem_shared>>
      %dma_start3A_160 = arith.constant 0 : i32
      %dma_start3A_161 = tpu.memref_slice %arg7[%add3A_28, %dma_start3A_160] : memref<10240x128xf32, #tpu.memory_space<vmem_shared>> -> memref<16x128xf32, #tpu.memory_space<vmem_shared>>
      tpu.enqueue_dma source(%arg11 : memref<16x128xf32, #tpu.memory_space<vmem>>) target(%dma_start3A_161 : memref<16x128xf32, #tpu.memory_space<vmem_shared>>) target_semaphore(%run_scoped3A_157 : memref<!tpu.dma_semaphore, #tpu.memory_space<semaphore_mem>>)
      %dma_wait3A = arith.constant 0 : i32
      %dma_wait3A_162 = tpu.memref_slice %arg7[%add3A_28, %dma_wait3A] : memref<10240x128xf32, #tpu.memory_space<vmem_shared>> -> memref<16x128xf32, #tpu.memory_space<vmem_shared>>
      %dma_wait3A_163 = arith.constant 0 : i32
      %dma_wait3A_164 = tpu.memref_slice %arg7[%add3A_28, %dma_wait3A_163] : memref<10240x128xf32, #tpu.memory_space<vmem_shared>> -> memref<16x128xf32, #tpu.memory_space<vmem_shared>>
      tpu.wait_dma2 semaphore(%run_scoped3A_157 : memref<!tpu.dma_semaphore, #tpu.memory_space<semaphore_mem>>) src(%arg11 : memref<16x128xf32, #tpu.memory_space<vmem>>) dst(%dma_wait3A_164 : memref<16x128xf32, #tpu.memory_space<vmem_shared>>)
      tpu.yield
    }) : () -> ()
    %add3A_29 = arith.constant 144 : i32
    %add3A_30 = arith.addi %mul3A_2, %add3A_29 : i32
    "tpu.region"() ({
      %run_scoped3A_157 = tpu.sem_alloc : memref<!tpu.dma_semaphore, #tpu.memory_space<semaphore_mem>>
      %dma_start3A_158 = arith.constant 0 : i32
      %dma_start3A_159 = tpu.memref_slice %arg7[%add3A_30, %dma_start3A_158] : memref<10240x128xf32, #tpu.memory_space<vmem_shared>> -> memref<16x128xf32, #tpu.memory_space<vmem_shared>>
      %dma_start3A_160 = arith.constant 0 : i32
      %dma_start3A_161 = tpu.memref_slice %arg7[%add3A_30, %dma_start3A_160] : memref<10240x128xf32, #tpu.memory_space<vmem_shared>> -> memref<16x128xf32, #tpu.memory_space<vmem_shared>>
      tpu.enqueue_dma source(%arg11 : memref<16x128xf32, #tpu.memory_space<vmem>>) target(%dma_start3A_161 : memref<16x128xf32, #tpu.memory_space<vmem_shared>>) target_semaphore(%run_scoped3A_157 : memref<!tpu.dma_semaphore, #tpu.memory_space<semaphore_mem>>)
      %dma_wait3A = arith.constant 0 : i32
      %dma_wait3A_162 = tpu.memref_slice %arg7[%add3A_30, %dma_wait3A] : memref<10240x128xf32, #tpu.memory_space<vmem_shared>> -> memref<16x128xf32, #tpu.memory_space<vmem_shared>>
      %dma_wait3A_163 = arith.constant 0 : i32
      %dma_wait3A_164 = tpu.memref_slice %arg7[%add3A_30, %dma_wait3A_163] : memref<10240x128xf32, #tpu.memory_space<vmem_shared>> -> memref<16x128xf32, #tpu.memory_space<vmem_shared>>
      tpu.wait_dma2 semaphore(%run_scoped3A_157 : memref<!tpu.dma_semaphore, #tpu.memory_space<semaphore_mem>>) src(%arg11 : memref<16x128xf32, #tpu.memory_space<vmem>>) dst(%dma_wait3A_164 : memref<16x128xf32, #tpu.memory_space<vmem_shared>>)
      tpu.yield
    }) : () -> ()
    %add3A_31 = arith.constant 160 : i32
    %add3A_32 = arith.addi %mul3A_2, %add3A_31 : i32
    "tpu.region"() ({
      %run_scoped3A_157 = tpu.sem_alloc : memref<!tpu.dma_semaphore, #tpu.memory_space<semaphore_mem>>
      %dma_start3A_158 = arith.constant 0 : i32
      %dma_start3A_159 = tpu.memref_slice %arg7[%add3A_32, %dma_start3A_158] : memref<10240x128xf32, #tpu.memory_space<vmem_shared>> -> memref<16x128xf32, #tpu.memory_space<vmem_shared>>
      %dma_start3A_160 = arith.constant 0 : i32
      %dma_start3A_161 = tpu.memref_slice %arg7[%add3A_32, %dma_start3A_160] : memref<10240x128xf32, #tpu.memory_space<vmem_shared>> -> memref<16x128xf32, #tpu.memory_space<vmem_shared>>
      tpu.enqueue_dma source(%arg11 : memref<16x128xf32, #tpu.memory_space<vmem>>) target(%dma_start3A_161 : memref<16x128xf32, #tpu.memory_space<vmem_shared>>) target_semaphore(%run_scoped3A_157 : memref<!tpu.dma_semaphore, #tpu.memory_space<semaphore_mem>>)
      %dma_wait3A = arith.constant 0 : i32
      %dma_wait3A_162 = tpu.memref_slice %arg7[%add3A_32, %dma_wait3A] : memref<10240x128xf32, #tpu.memory_space<vmem_shared>> -> memref<16x128xf32, #tpu.memory_space<vmem_shared>>
      %dma_wait3A_163 = arith.constant 0 : i32
      %dma_wait3A_164 = tpu.memref_slice %arg7[%add3A_32, %dma_wait3A_163] : memref<10240x128xf32, #tpu.memory_space<vmem_shared>> -> memref<16x128xf32, #tpu.memory_space<vmem_shared>>
      tpu.wait_dma2 semaphore(%run_scoped3A_157 : memref<!tpu.dma_semaphore, #tpu.memory_space<semaphore_mem>>) src(%arg11 : memref<16x128xf32, #tpu.memory_space<vmem>>) dst(%dma_wait3A_164 : memref<16x128xf32, #tpu.memory_space<vmem_shared>>)
      tpu.yield
    }) : () -> ()
    %add3A_33 = arith.constant 176 : i32
    %add3A_34 = arith.addi %mul3A_2, %add3A_33 : i32
    "tpu.region"() ({
      %run_scoped3A_157 = tpu.sem_alloc : memref<!tpu.dma_semaphore, #tpu.memory_space<semaphore_mem>>
      %dma_start3A_158 = arith.constant 0 : i32
      %dma_start3A_159 = tpu.memref_slice %arg7[%add3A_34, %dma_start3A_158] : memref<10240x128xf32, #tpu.memory_space<vmem_shared>> -> memref<16x128xf32, #tpu.memory_space<vmem_shared>>
      %dma_start3A_160 = arith.constant 0 : i32
      %dma_start3A_161 = tpu.memref_slice %arg7[%add3A_34, %dma_start3A_160] : memref<10240x128xf32, #tpu.memory_space<vmem_shared>> -> memref<16x128xf32, #tpu.memory_space<vmem_shared>>
      tpu.enqueue_dma source(%arg11 : memref<16x128xf32, #tpu.memory_space<vmem>>) target(%dma_start3A_161 : memref<16x128xf32, #tpu.memory_space<vmem_shared>>) target_semaphore(%run_scoped3A_157 : memref<!tpu.dma_semaphore, #tpu.memory_space<semaphore_mem>>)
      %dma_wait3A = arith.constant 0 : i32
      %dma_wait3A_162 = tpu.memref_slice %arg7[%add3A_34, %dma_wait3A] : memref<10240x128xf32, #tpu.memory_space<vmem_shared>> -> memref<16x128xf32, #tpu.memory_space<vmem_shared>>
      %dma_wait3A_163 = arith.constant 0 : i32
      %dma_wait3A_164 = tpu.memref_slice %arg7[%add3A_34, %dma_wait3A_163] : memref<10240x128xf32, #tpu.memory_space<vmem_shared>> -> memref<16x128xf32, #tpu.memory_space<vmem_shared>>
      tpu.wait_dma2 semaphore(%run_scoped3A_157 : memref<!tpu.dma_semaphore, #tpu.memory_space<semaphore_mem>>) src(%arg11 : memref<16x128xf32, #tpu.memory_space<vmem>>) dst(%dma_wait3A_164 : memref<16x128xf32, #tpu.memory_space<vmem_shared>>)
      tpu.yield
    }) : () -> ()
    %add3A_35 = arith.constant 192 : i32
    %add3A_36 = arith.addi %mul3A_2, %add3A_35 : i32
    "tpu.region"() ({
      %run_scoped3A_157 = tpu.sem_alloc : memref<!tpu.dma_semaphore, #tpu.memory_space<semaphore_mem>>
      %dma_start3A_158 = arith.constant 0 : i32
      %dma_start3A_159 = tpu.memref_slice %arg7[%add3A_36, %dma_start3A_158] : memref<10240x128xf32, #tpu.memory_space<vmem_shared>> -> memref<16x128xf32, #tpu.memory_space<vmem_shared>>
      %dma_start3A_160 = arith.constant 0 : i32
      %dma_start3A_161 = tpu.memref_slice %arg7[%add3A_36, %dma_start3A_160] : memref<10240x128xf32, #tpu.memory_space<vmem_shared>> -> memref<16x128xf32, #tpu.memory_space<vmem_shared>>
      tpu.enqueue_dma source(%arg11 : memref<16x128xf32, #tpu.memory_space<vmem>>) target(%dma_start3A_161 : memref<16x128xf32, #tpu.memory_space<vmem_shared>>) target_semaphore(%run_scoped3A_157 : memref<!tpu.dma_semaphore, #tpu.memory_space<semaphore_mem>>)
      %dma_wait3A = arith.constant 0 : i32
      %dma_wait3A_162 = tpu.memref_slice %arg7[%add3A_36, %dma_wait3A] : memref<10240x128xf32, #tpu.memory_space<vmem_shared>> -> memref<16x128xf32, #tpu.memory_space<vmem_shared>>
      %dma_wait3A_163 = arith.constant 0 : i32
      %dma_wait3A_164 = tpu.memref_slice %arg7[%add3A_36, %dma_wait3A_163] : memref<10240x128xf32, #tpu.memory_space<vmem_shared>> -> memref<16x128xf32, #tpu.memory_space<vmem_shared>>
      tpu.wait_dma2 semaphore(%run_scoped3A_157 : memref<!tpu.dma_semaphore, #tpu.memory_space<semaphore_mem>>) src(%arg11 : memref<16x128xf32, #tpu.memory_space<vmem>>) dst(%dma_wait3A_164 : memref<16x128xf32, #tpu.memory_space<vmem_shared>>)
      tpu.yield
    }) : () -> ()
    %add3A_37 = arith.constant 208 : i32
    %add3A_38 = arith.addi %mul3A_2, %add3A_37 : i32
    "tpu.region"() ({
      %run_scoped3A_157 = tpu.sem_alloc : memref<!tpu.dma_semaphore, #tpu.memory_space<semaphore_mem>>
      %dma_start3A_158 = arith.constant 0 : i32
      %dma_start3A_159 = tpu.memref_slice %arg7[%add3A_38, %dma_start3A_158] : memref<10240x128xf32, #tpu.memory_space<vmem_shared>> -> memref<16x128xf32, #tpu.memory_space<vmem_shared>>
      %dma_start3A_160 = arith.constant 0 : i32
      %dma_start3A_161 = tpu.memref_slice %arg7[%add3A_38, %dma_start3A_160] : memref<10240x128xf32, #tpu.memory_space<vmem_shared>> -> memref<16x128xf32, #tpu.memory_space<vmem_shared>>
      tpu.enqueue_dma source(%arg11 : memref<16x128xf32, #tpu.memory_space<vmem>>) target(%dma_start3A_161 : memref<16x128xf32, #tpu.memory_space<vmem_shared>>) target_semaphore(%run_scoped3A_157 : memref<!tpu.dma_semaphore, #tpu.memory_space<semaphore_mem>>)
      %dma_wait3A = arith.constant 0 : i32
      %dma_wait3A_162 = tpu.memref_slice %arg7[%add3A_38, %dma_wait3A] : memref<10240x128xf32, #tpu.memory_space<vmem_shared>> -> memref<16x128xf32, #tpu.memory_space<vmem_shared>>
      %dma_wait3A_163 = arith.constant 0 : i32
      %dma_wait3A_164 = tpu.memref_slice %arg7[%add3A_38, %dma_wait3A_163] : memref<10240x128xf32, #tpu.memory_space<vmem_shared>> -> memref<16x128xf32, #tpu.memory_space<vmem_shared>>
      tpu.wait_dma2 semaphore(%run_scoped3A_157 : memref<!tpu.dma_semaphore, #tpu.memory_space<semaphore_mem>>) src(%arg11 : memref<16x128xf32, #tpu.memory_space<vmem>>) dst(%dma_wait3A_164 : memref<16x128xf32, #tpu.memory_space<vmem_shared>>)
      tpu.yield
    }) : () -> ()
    %add3A_39 = arith.constant 224 : i32
    %add3A_40 = arith.addi %mul3A_2, %add3A_39 : i32
    "tpu.region"() ({
      %run_scoped3A_157 = tpu.sem_alloc : memref<!tpu.dma_semaphore, #tpu.memory_space<semaphore_mem>>
      %dma_start3A_158 = arith.constant 0 : i32
      %dma_start3A_159 = tpu.memref_slice %arg7[%add3A_40, %dma_start3A_158] : memref<10240x128xf32, #tpu.memory_space<vmem_shared>> -> memref<16x128xf32, #tpu.memory_space<vmem_shared>>
      %dma_start3A_160 = arith.constant 0 : i32
      %dma_start3A_161 = tpu.memref_slice %arg7[%add3A_40, %dma_start3A_160] : memref<10240x128xf32, #tpu.memory_space<vmem_shared>> -> memref<16x128xf32, #tpu.memory_space<vmem_shared>>
      tpu.enqueue_dma source(%arg11 : memref<16x128xf32, #tpu.memory_space<vmem>>) target(%dma_start3A_161 : memref<16x128xf32, #tpu.memory_space<vmem_shared>>) target_semaphore(%run_scoped3A_157 : memref<!tpu.dma_semaphore, #tpu.memory_space<semaphore_mem>>)
      %dma_wait3A = arith.constant 0 : i32
      %dma_wait3A_162 = tpu.memref_slice %arg7[%add3A_40, %dma_wait3A] : memref<10240x128xf32, #tpu.memory_space<vmem_shared>> -> memref<16x128xf32, #tpu.memory_space<vmem_shared>>
      %dma_wait3A_163 = arith.constant 0 : i32
      %dma_wait3A_164 = tpu.memref_slice %arg7[%add3A_40, %dma_wait3A_163] : memref<10240x128xf32, #tpu.memory_space<vmem_shared>> -> memref<16x128xf32, #tpu.memory_space<vmem_shared>>
      tpu.wait_dma2 semaphore(%run_scoped3A_157 : memref<!tpu.dma_semaphore, #tpu.memory_space<semaphore_mem>>) src(%arg11 : memref<16x128xf32, #tpu.memory_space<vmem>>) dst(%dma_wait3A_164 : memref<16x128xf32, #tpu.memory_space<vmem_shared>>)
      tpu.yield
    }) : () -> ()
    %add3A_41 = arith.constant 240 : i32
    %add3A_42 = arith.addi %mul3A_2, %add3A_41 : i32
    "tpu.region"() ({
      %run_scoped3A_157 = tpu.sem_alloc : memref<!tpu.dma_semaphore, #tpu.memory_space<semaphore_mem>>
      %dma_start3A_158 = arith.constant 0 : i32
      %dma_start3A_159 = tpu.memref_slice %arg7[%add3A_42, %dma_start3A_158] : memref<10240x128xf32, #tpu.memory_space<vmem_shared>> -> memref<16x128xf32, #tpu.memory_space<vmem_shared>>
      %dma_start3A_160 = arith.constant 0 : i32
      %dma_start3A_161 = tpu.memref_slice %arg7[%add3A_42, %dma_start3A_160] : memref<10240x128xf32, #tpu.memory_space<vmem_shared>> -> memref<16x128xf32, #tpu.memory_space<vmem_shared>>
      tpu.enqueue_dma source(%arg11 : memref<16x128xf32, #tpu.memory_space<vmem>>) target(%dma_start3A_161 : memref<16x128xf32, #tpu.memory_space<vmem_shared>>) target_semaphore(%run_scoped3A_157 : memref<!tpu.dma_semaphore, #tpu.memory_space<semaphore_mem>>)
      %dma_wait3A = arith.constant 0 : i32
      %dma_wait3A_162 = tpu.memref_slice %arg7[%add3A_42, %dma_wait3A] : memref<10240x128xf32, #tpu.memory_space<vmem_shared>> -> memref<16x128xf32, #tpu.memory_space<vmem_shared>>
      %dma_wait3A_163 = arith.constant 0 : i32
      %dma_wait3A_164 = tpu.memref_slice %arg7[%add3A_42, %dma_wait3A_163] : memref<10240x128xf32, #tpu.memory_space<vmem_shared>> -> memref<16x128xf32, #tpu.memory_space<vmem_shared>>
      tpu.wait_dma2 semaphore(%run_scoped3A_157 : memref<!tpu.dma_semaphore, #tpu.memory_space<semaphore_mem>>) src(%arg11 : memref<16x128xf32, #tpu.memory_space<vmem>>) dst(%dma_wait3A_164 : memref<16x128xf32, #tpu.memory_space<vmem_shared>>)
      tpu.yield
    }) : () -> ()
    %add3A_43 = arith.constant 256 : i32
    %add3A_44 = arith.addi %mul3A_2, %add3A_43 : i32
    "tpu.region"() ({
      %run_scoped3A_157 = tpu.sem_alloc : memref<!tpu.dma_semaphore, #tpu.memory_space<semaphore_mem>>
      %dma_start3A_158 = arith.constant 0 : i32
      %dma_start3A_159 = tpu.memref_slice %arg7[%add3A_44, %dma_start3A_158] : memref<10240x128xf32, #tpu.memory_space<vmem_shared>> -> memref<16x128xf32, #tpu.memory_space<vmem_shared>>
      %dma_start3A_160 = arith.constant 0 : i32
      %dma_start3A_161 = tpu.memref_slice %arg7[%add3A_44, %dma_start3A_160] : memref<10240x128xf32, #tpu.memory_space<vmem_shared>> -> memref<16x128xf32, #tpu.memory_space<vmem_shared>>
      tpu.enqueue_dma source(%arg11 : memref<16x128xf32, #tpu.memory_space<vmem>>) target(%dma_start3A_161 : memref<16x128xf32, #tpu.memory_space<vmem_shared>>) target_semaphore(%run_scoped3A_157 : memref<!tpu.dma_semaphore, #tpu.memory_space<semaphore_mem>>)
      %dma_wait3A = arith.constant 0 : i32
      %dma_wait3A_162 = tpu.memref_slice %arg7[%add3A_44, %dma_wait3A] : memref<10240x128xf32, #tpu.memory_space<vmem_shared>> -> memref<16x128xf32, #tpu.memory_space<vmem_shared>>
      %dma_wait3A_163 = arith.constant 0 : i32
      %dma_wait3A_164 = tpu.memref_slice %arg7[%add3A_44, %dma_wait3A_163] : memref<10240x128xf32, #tpu.memory_space<vmem_shared>> -> memref<16x128xf32, #tpu.memory_space<vmem_shared>>
      tpu.wait_dma2 semaphore(%run_scoped3A_157 : memref<!tpu.dma_semaphore, #tpu.memory_space<semaphore_mem>>) src(%arg11 : memref<16x128xf32, #tpu.memory_space<vmem>>) dst(%dma_wait3A_164 : memref<16x128xf32, #tpu.memory_space<vmem_shared>>)
      tpu.yield
    }) : () -> ()
    %add3A_45 = arith.constant 272 : i32
    %add3A_46 = arith.addi %mul3A_2, %add3A_45 : i32
    "tpu.region"() ({
      %run_scoped3A_157 = tpu.sem_alloc : memref<!tpu.dma_semaphore, #tpu.memory_space<semaphore_mem>>
      %dma_start3A_158 = arith.constant 0 : i32
      %dma_start3A_159 = tpu.memref_slice %arg7[%add3A_46, %dma_start3A_158] : memref<10240x128xf32, #tpu.memory_space<vmem_shared>> -> memref<16x128xf32, #tpu.memory_space<vmem_shared>>
      %dma_start3A_160 = arith.constant 0 : i32
      %dma_start3A_161 = tpu.memref_slice %arg7[%add3A_46, %dma_start3A_160] : memref<10240x128xf32, #tpu.memory_space<vmem_shared>> -> memref<16x128xf32, #tpu.memory_space<vmem_shared>>
      tpu.enqueue_dma source(%arg11 : memref<16x128xf32, #tpu.memory_space<vmem>>) target(%dma_start3A_161 : memref<16x128xf32, #tpu.memory_space<vmem_shared>>) target_semaphore(%run_scoped3A_157 : memref<!tpu.dma_semaphore, #tpu.memory_space<semaphore_mem>>)
      %dma_wait3A = arith.constant 0 : i32
      %dma_wait3A_162 = tpu.memref_slice %arg7[%add3A_46, %dma_wait3A] : memref<10240x128xf32, #tpu.memory_space<vmem_shared>> -> memref<16x128xf32, #tpu.memory_space<vmem_shared>>
      %dma_wait3A_163 = arith.constant 0 : i32
      %dma_wait3A_164 = tpu.memref_slice %arg7[%add3A_46, %dma_wait3A_163] : memref<10240x128xf32, #tpu.memory_space<vmem_shared>> -> memref<16x128xf32, #tpu.memory_space<vmem_shared>>
      tpu.wait_dma2 semaphore(%run_scoped3A_157 : memref<!tpu.dma_semaphore, #tpu.memory_space<semaphore_mem>>) src(%arg11 : memref<16x128xf32, #tpu.memory_space<vmem>>) dst(%dma_wait3A_164 : memref<16x128xf32, #tpu.memory_space<vmem_shared>>)
      tpu.yield
    }) : () -> ()
    %add3A_47 = arith.constant 288 : i32
    %add3A_48 = arith.addi %mul3A_2, %add3A_47 : i32
    "tpu.region"() ({
      %run_scoped3A_157 = tpu.sem_alloc : memref<!tpu.dma_semaphore, #tpu.memory_space<semaphore_mem>>
      %dma_start3A_158 = arith.constant 0 : i32
      %dma_start3A_159 = tpu.memref_slice %arg7[%add3A_48, %dma_start3A_158] : memref<10240x128xf32, #tpu.memory_space<vmem_shared>> -> memref<16x128xf32, #tpu.memory_space<vmem_shared>>
      %dma_start3A_160 = arith.constant 0 : i32
      %dma_start3A_161 = tpu.memref_slice %arg7[%add3A_48, %dma_start3A_160] : memref<10240x128xf32, #tpu.memory_space<vmem_shared>> -> memref<16x128xf32, #tpu.memory_space<vmem_shared>>
      tpu.enqueue_dma source(%arg11 : memref<16x128xf32, #tpu.memory_space<vmem>>) target(%dma_start3A_161 : memref<16x128xf32, #tpu.memory_space<vmem_shared>>) target_semaphore(%run_scoped3A_157 : memref<!tpu.dma_semaphore, #tpu.memory_space<semaphore_mem>>)
      %dma_wait3A = arith.constant 0 : i32
      %dma_wait3A_162 = tpu.memref_slice %arg7[%add3A_48, %dma_wait3A] : memref<10240x128xf32, #tpu.memory_space<vmem_shared>> -> memref<16x128xf32, #tpu.memory_space<vmem_shared>>
      %dma_wait3A_163 = arith.constant 0 : i32
      %dma_wait3A_164 = tpu.memref_slice %arg7[%add3A_48, %dma_wait3A_163] : memref<10240x128xf32, #tpu.memory_space<vmem_shared>> -> memref<16x128xf32, #tpu.memory_space<vmem_shared>>
      tpu.wait_dma2 semaphore(%run_scoped3A_157 : memref<!tpu.dma_semaphore, #tpu.memory_space<semaphore_mem>>) src(%arg11 : memref<16x128xf32, #tpu.memory_space<vmem>>) dst(%dma_wait3A_164 : memref<16x128xf32, #tpu.memory_space<vmem_shared>>)
      tpu.yield
    }) : () -> ()
    %add3A_49 = arith.constant 304 : i32
    %add3A_50 = arith.addi %mul3A_2, %add3A_49 : i32
    "tpu.region"() ({
      %run_scoped3A_157 = tpu.sem_alloc : memref<!tpu.dma_semaphore, #tpu.memory_space<semaphore_mem>>
      %dma_start3A_158 = arith.constant 0 : i32
      %dma_start3A_159 = tpu.memref_slice %arg7[%add3A_50, %dma_start3A_158] : memref<10240x128xf32, #tpu.memory_space<vmem_shared>> -> memref<16x128xf32, #tpu.memory_space<vmem_shared>>
      %dma_start3A_160 = arith.constant 0 : i32
      %dma_start3A_161 = tpu.memref_slice %arg7[%add3A_50, %dma_start3A_160] : memref<10240x128xf32, #tpu.memory_space<vmem_shared>> -> memref<16x128xf32, #tpu.memory_space<vmem_shared>>
      tpu.enqueue_dma source(%arg11 : memref<16x128xf32, #tpu.memory_space<vmem>>) target(%dma_start3A_161 : memref<16x128xf32, #tpu.memory_space<vmem_shared>>) target_semaphore(%run_scoped3A_157 : memref<!tpu.dma_semaphore, #tpu.memory_space<semaphore_mem>>)
      %dma_wait3A = arith.constant 0 : i32
      %dma_wait3A_162 = tpu.memref_slice %arg7[%add3A_50, %dma_wait3A] : memref<10240x128xf32, #tpu.memory_space<vmem_shared>> -> memref<16x128xf32, #tpu.memory_space<vmem_shared>>
      %dma_wait3A_163 = arith.constant 0 : i32
      %dma_wait3A_164 = tpu.memref_slice %arg7[%add3A_50, %dma_wait3A_163] : memref<10240x128xf32, #tpu.memory_space<vmem_shared>> -> memref<16x128xf32, #tpu.memory_space<vmem_shared>>
      tpu.wait_dma2 semaphore(%run_scoped3A_157 : memref<!tpu.dma_semaphore, #tpu.memory_space<semaphore_mem>>) src(%arg11 : memref<16x128xf32, #tpu.memory_space<vmem>>) dst(%dma_wait3A_164 : memref<16x128xf32, #tpu.memory_space<vmem_shared>>)
      tpu.yield
    }) : () -> ()
    %add3A_51 = arith.constant 320 : i32
    %add3A_52 = arith.addi %mul3A_2, %add3A_51 : i32
    "tpu.region"() ({
      %run_scoped3A_157 = tpu.sem_alloc : memref<!tpu.dma_semaphore, #tpu.memory_space<semaphore_mem>>
      %dma_start3A_158 = arith.constant 0 : i32
      %dma_start3A_159 = tpu.memref_slice %arg7[%add3A_52, %dma_start3A_158] : memref<10240x128xf32, #tpu.memory_space<vmem_shared>> -> memref<16x128xf32, #tpu.memory_space<vmem_shared>>
      %dma_start3A_160 = arith.constant 0 : i32
      %dma_start3A_161 = tpu.memref_slice %arg7[%add3A_52, %dma_start3A_160] : memref<10240x128xf32, #tpu.memory_space<vmem_shared>> -> memref<16x128xf32, #tpu.memory_space<vmem_shared>>
      tpu.enqueue_dma source(%arg11 : memref<16x128xf32, #tpu.memory_space<vmem>>) target(%dma_start3A_161 : memref<16x128xf32, #tpu.memory_space<vmem_shared>>) target_semaphore(%run_scoped3A_157 : memref<!tpu.dma_semaphore, #tpu.memory_space<semaphore_mem>>)
      %dma_wait3A = arith.constant 0 : i32
      %dma_wait3A_162 = tpu.memref_slice %arg7[%add3A_52, %dma_wait3A] : memref<10240x128xf32, #tpu.memory_space<vmem_shared>> -> memref<16x128xf32, #tpu.memory_space<vmem_shared>>
      %dma_wait3A_163 = arith.constant 0 : i32
      %dma_wait3A_164 = tpu.memref_slice %arg7[%add3A_52, %dma_wait3A_163] : memref<10240x128xf32, #tpu.memory_space<vmem_shared>> -> memref<16x128xf32, #tpu.memory_space<vmem_shared>>
      tpu.wait_dma2 semaphore(%run_scoped3A_157 : memref<!tpu.dma_semaphore, #tpu.memory_space<semaphore_mem>>) src(%arg11 : memref<16x128xf32, #tpu.memory_space<vmem>>) dst(%dma_wait3A_164 : memref<16x128xf32, #tpu.memory_space<vmem_shared>>)
      tpu.yield
    }) : () -> ()
    %add3A_53 = arith.constant 336 : i32
    %add3A_54 = arith.addi %mul3A_2, %add3A_53 : i32
    "tpu.region"() ({
      %run_scoped3A_157 = tpu.sem_alloc : memref<!tpu.dma_semaphore, #tpu.memory_space<semaphore_mem>>
      %dma_start3A_158 = arith.constant 0 : i32
      %dma_start3A_159 = tpu.memref_slice %arg7[%add3A_54, %dma_start3A_158] : memref<10240x128xf32, #tpu.memory_space<vmem_shared>> -> memref<16x128xf32, #tpu.memory_space<vmem_shared>>
      %dma_start3A_160 = arith.constant 0 : i32
      %dma_start3A_161 = tpu.memref_slice %arg7[%add3A_54, %dma_start3A_160] : memref<10240x128xf32, #tpu.memory_space<vmem_shared>> -> memref<16x128xf32, #tpu.memory_space<vmem_shared>>
      tpu.enqueue_dma source(%arg11 : memref<16x128xf32, #tpu.memory_space<vmem>>) target(%dma_start3A_161 : memref<16x128xf32, #tpu.memory_space<vmem_shared>>) target_semaphore(%run_scoped3A_157 : memref<!tpu.dma_semaphore, #tpu.memory_space<semaphore_mem>>)
      %dma_wait3A = arith.constant 0 : i32
      %dma_wait3A_162 = tpu.memref_slice %arg7[%add3A_54, %dma_wait3A] : memref<10240x128xf32, #tpu.memory_space<vmem_shared>> -> memref<16x128xf32, #tpu.memory_space<vmem_shared>>
      %dma_wait3A_163 = arith.constant 0 : i32
      %dma_wait3A_164 = tpu.memref_slice %arg7[%add3A_54, %dma_wait3A_163] : memref<10240x128xf32, #tpu.memory_space<vmem_shared>> -> memref<16x128xf32, #tpu.memory_space<vmem_shared>>
      tpu.wait_dma2 semaphore(%run_scoped3A_157 : memref<!tpu.dma_semaphore, #tpu.memory_space<semaphore_mem>>) src(%arg11 : memref<16x128xf32, #tpu.memory_space<vmem>>) dst(%dma_wait3A_164 : memref<16x128xf32, #tpu.memory_space<vmem_shared>>)
      tpu.yield
    }) : () -> ()
    %add3A_55 = arith.constant 352 : i32
    %add3A_56 = arith.addi %mul3A_2, %add3A_55 : i32
    "tpu.region"() ({
      %run_scoped3A_157 = tpu.sem_alloc : memref<!tpu.dma_semaphore, #tpu.memory_space<semaphore_mem>>
      %dma_start3A_158 = arith.constant 0 : i32
      %dma_start3A_159 = tpu.memref_slice %arg7[%add3A_56, %dma_start3A_158] : memref<10240x128xf32, #tpu.memory_space<vmem_shared>> -> memref<16x128xf32, #tpu.memory_space<vmem_shared>>
      %dma_start3A_160 = arith.constant 0 : i32
      %dma_start3A_161 = tpu.memref_slice %arg7[%add3A_56, %dma_start3A_160] : memref<10240x128xf32, #tpu.memory_space<vmem_shared>> -> memref<16x128xf32, #tpu.memory_space<vmem_shared>>
      tpu.enqueue_dma source(%arg11 : memref<16x128xf32, #tpu.memory_space<vmem>>) target(%dma_start3A_161 : memref<16x128xf32, #tpu.memory_space<vmem_shared>>) target_semaphore(%run_scoped3A_157 : memref<!tpu.dma_semaphore, #tpu.memory_space<semaphore_mem>>)
      %dma_wait3A = arith.constant 0 : i32
      %dma_wait3A_162 = tpu.memref_slice %arg7[%add3A_56, %dma_wait3A] : memref<10240x128xf32, #tpu.memory_space<vmem_shared>> -> memref<16x128xf32, #tpu.memory_space<vmem_shared>>
      %dma_wait3A_163 = arith.constant 0 : i32
      %dma_wait3A_164 = tpu.memref_slice %arg7[%add3A_56, %dma_wait3A_163] : memref<10240x128xf32, #tpu.memory_space<vmem_shared>> -> memref<16x128xf32, #tpu.memory_space<vmem_shared>>
      tpu.wait_dma2 semaphore(%run_scoped3A_157 : memref<!tpu.dma_semaphore, #tpu.memory_space<semaphore_mem>>) src(%arg11 : memref<16x128xf32, #tpu.memory_space<vmem>>) dst(%dma_wait3A_164 : memref<16x128xf32, #tpu.memory_space<vmem_shared>>)
      tpu.yield
    }) : () -> ()
    %add3A_57 = arith.constant 368 : i32
    %add3A_58 = arith.addi %mul3A_2, %add3A_57 : i32
    "tpu.region"() ({
      %run_scoped3A_157 = tpu.sem_alloc : memref<!tpu.dma_semaphore, #tpu.memory_space<semaphore_mem>>
      %dma_start3A_158 = arith.constant 0 : i32
      %dma_start3A_159 = tpu.memref_slice %arg7[%add3A_58, %dma_start3A_158] : memref<10240x128xf32, #tpu.memory_space<vmem_shared>> -> memref<16x128xf32, #tpu.memory_space<vmem_shared>>
      %dma_start3A_160 = arith.constant 0 : i32
      %dma_start3A_161 = tpu.memref_slice %arg7[%add3A_58, %dma_start3A_160] : memref<10240x128xf32, #tpu.memory_space<vmem_shared>> -> memref<16x128xf32, #tpu.memory_space<vmem_shared>>
      tpu.enqueue_dma source(%arg11 : memref<16x128xf32, #tpu.memory_space<vmem>>) target(%dma_start3A_161 : memref<16x128xf32, #tpu.memory_space<vmem_shared>>) target_semaphore(%run_scoped3A_157 : memref<!tpu.dma_semaphore, #tpu.memory_space<semaphore_mem>>)
      %dma_wait3A = arith.constant 0 : i32
      %dma_wait3A_162 = tpu.memref_slice %arg7[%add3A_58, %dma_wait3A] : memref<10240x128xf32, #tpu.memory_space<vmem_shared>> -> memref<16x128xf32, #tpu.memory_space<vmem_shared>>
      %dma_wait3A_163 = arith.constant 0 : i32
      %dma_wait3A_164 = tpu.memref_slice %arg7[%add3A_58, %dma_wait3A_163] : memref<10240x128xf32, #tpu.memory_space<vmem_shared>> -> memref<16x128xf32, #tpu.memory_space<vmem_shared>>
      tpu.wait_dma2 semaphore(%run_scoped3A_157 : memref<!tpu.dma_semaphore, #tpu.memory_space<semaphore_mem>>) src(%arg11 : memref<16x128xf32, #tpu.memory_space<vmem>>) dst(%dma_wait3A_164 : memref<16x128xf32, #tpu.memory_space<vmem_shared>>)
      tpu.yield
    }) : () -> ()
    %add3A_59 = arith.constant 384 : i32
    %add3A_60 = arith.addi %mul3A_2, %add3A_59 : i32
    "tpu.region"() ({
      %run_scoped3A_157 = tpu.sem_alloc : memref<!tpu.dma_semaphore, #tpu.memory_space<semaphore_mem>>
      %dma_start3A_158 = arith.constant 0 : i32
      %dma_start3A_159 = tpu.memref_slice %arg7[%add3A_60, %dma_start3A_158] : memref<10240x128xf32, #tpu.memory_space<vmem_shared>> -> memref<16x128xf32, #tpu.memory_space<vmem_shared>>
      %dma_start3A_160 = arith.constant 0 : i32
      %dma_start3A_161 = tpu.memref_slice %arg7[%add3A_60, %dma_start3A_160] : memref<10240x128xf32, #tpu.memory_space<vmem_shared>> -> memref<16x128xf32, #tpu.memory_space<vmem_shared>>
      tpu.enqueue_dma source(%arg11 : memref<16x128xf32, #tpu.memory_space<vmem>>) target(%dma_start3A_161 : memref<16x128xf32, #tpu.memory_space<vmem_shared>>) target_semaphore(%run_scoped3A_157 : memref<!tpu.dma_semaphore, #tpu.memory_space<semaphore_mem>>)
      %dma_wait3A = arith.constant 0 : i32
      %dma_wait3A_162 = tpu.memref_slice %arg7[%add3A_60, %dma_wait3A] : memref<10240x128xf32, #tpu.memory_space<vmem_shared>> -> memref<16x128xf32, #tpu.memory_space<vmem_shared>>
      %dma_wait3A_163 = arith.constant 0 : i32
      %dma_wait3A_164 = tpu.memref_slice %arg7[%add3A_60, %dma_wait3A_163] : memref<10240x128xf32, #tpu.memory_space<vmem_shared>> -> memref<16x128xf32, #tpu.memory_space<vmem_shared>>
      tpu.wait_dma2 semaphore(%run_scoped3A_157 : memref<!tpu.dma_semaphore, #tpu.memory_space<semaphore_mem>>) src(%arg11 : memref<16x128xf32, #tpu.memory_space<vmem>>) dst(%dma_wait3A_164 : memref<16x128xf32, #tpu.memory_space<vmem_shared>>)
      tpu.yield
    }) : () -> ()
    %add3A_61 = arith.constant 400 : i32
    %add3A_62 = arith.addi %mul3A_2, %add3A_61 : i32
    "tpu.region"() ({
      %run_scoped3A_157 = tpu.sem_alloc : memref<!tpu.dma_semaphore, #tpu.memory_space<semaphore_mem>>
      %dma_start3A_158 = arith.constant 0 : i32
      %dma_start3A_159 = tpu.memref_slice %arg7[%add3A_62, %dma_start3A_158] : memref<10240x128xf32, #tpu.memory_space<vmem_shared>> -> memref<16x128xf32, #tpu.memory_space<vmem_shared>>
      %dma_start3A_160 = arith.constant 0 : i32
      %dma_start3A_161 = tpu.memref_slice %arg7[%add3A_62, %dma_start3A_160] : memref<10240x128xf32, #tpu.memory_space<vmem_shared>> -> memref<16x128xf32, #tpu.memory_space<vmem_shared>>
      tpu.enqueue_dma source(%arg11 : memref<16x128xf32, #tpu.memory_space<vmem>>) target(%dma_start3A_161 : memref<16x128xf32, #tpu.memory_space<vmem_shared>>) target_semaphore(%run_scoped3A_157 : memref<!tpu.dma_semaphore, #tpu.memory_space<semaphore_mem>>)
      %dma_wait3A = arith.constant 0 : i32
      %dma_wait3A_162 = tpu.memref_slice %arg7[%add3A_62, %dma_wait3A] : memref<10240x128xf32, #tpu.memory_space<vmem_shared>> -> memref<16x128xf32, #tpu.memory_space<vmem_shared>>
      %dma_wait3A_163 = arith.constant 0 : i32
      %dma_wait3A_164 = tpu.memref_slice %arg7[%add3A_62, %dma_wait3A_163] : memref<10240x128xf32, #tpu.memory_space<vmem_shared>> -> memref<16x128xf32, #tpu.memory_space<vmem_shared>>
      tpu.wait_dma2 semaphore(%run_scoped3A_157 : memref<!tpu.dma_semaphore, #tpu.memory_space<semaphore_mem>>) src(%arg11 : memref<16x128xf32, #tpu.memory_space<vmem>>) dst(%dma_wait3A_164 : memref<16x128xf32, #tpu.memory_space<vmem_shared>>)
      tpu.yield
    }) : () -> ()
    %add3A_63 = arith.constant 416 : i32
    %add3A_64 = arith.addi %mul3A_2, %add3A_63 : i32
    "tpu.region"() ({
      %run_scoped3A_157 = tpu.sem_alloc : memref<!tpu.dma_semaphore, #tpu.memory_space<semaphore_mem>>
      %dma_start3A_158 = arith.constant 0 : i32
      %dma_start3A_159 = tpu.memref_slice %arg7[%add3A_64, %dma_start3A_158] : memref<10240x128xf32, #tpu.memory_space<vmem_shared>> -> memref<16x128xf32, #tpu.memory_space<vmem_shared>>
      %dma_start3A_160 = arith.constant 0 : i32
      %dma_start3A_161 = tpu.memref_slice %arg7[%add3A_64, %dma_start3A_160] : memref<10240x128xf32, #tpu.memory_space<vmem_shared>> -> memref<16x128xf32, #tpu.memory_space<vmem_shared>>
      tpu.enqueue_dma source(%arg11 : memref<16x128xf32, #tpu.memory_space<vmem>>) target(%dma_start3A_161 : memref<16x128xf32, #tpu.memory_space<vmem_shared>>) target_semaphore(%run_scoped3A_157 : memref<!tpu.dma_semaphore, #tpu.memory_space<semaphore_mem>>)
      %dma_wait3A = arith.constant 0 : i32
      %dma_wait3A_162 = tpu.memref_slice %arg7[%add3A_64, %dma_wait3A] : memref<10240x128xf32, #tpu.memory_space<vmem_shared>> -> memref<16x128xf32, #tpu.memory_space<vmem_shared>>
      %dma_wait3A_163 = arith.constant 0 : i32
      %dma_wait3A_164 = tpu.memref_slice %arg7[%add3A_64, %dma_wait3A_163] : memref<10240x128xf32, #tpu.memory_space<vmem_shared>> -> memref<16x128xf32, #tpu.memory_space<vmem_shared>>
      tpu.wait_dma2 semaphore(%run_scoped3A_157 : memref<!tpu.dma_semaphore, #tpu.memory_space<semaphore_mem>>) src(%arg11 : memref<16x128xf32, #tpu.memory_space<vmem>>) dst(%dma_wait3A_164 : memref<16x128xf32, #tpu.memory_space<vmem_shared>>)
      tpu.yield
    }) : () -> ()
    %add3A_65 = arith.constant 432 : i32
    %add3A_66 = arith.addi %mul3A_2, %add3A_65 : i32
    "tpu.region"() ({
      %run_scoped3A_157 = tpu.sem_alloc : memref<!tpu.dma_semaphore, #tpu.memory_space<semaphore_mem>>
      %dma_start3A_158 = arith.constant 0 : i32
      %dma_start3A_159 = tpu.memref_slice %arg7[%add3A_66, %dma_start3A_158] : memref<10240x128xf32, #tpu.memory_space<vmem_shared>> -> memref<16x128xf32, #tpu.memory_space<vmem_shared>>
      %dma_start3A_160 = arith.constant 0 : i32
      %dma_start3A_161 = tpu.memref_slice %arg7[%add3A_66, %dma_start3A_160] : memref<10240x128xf32, #tpu.memory_space<vmem_shared>> -> memref<16x128xf32, #tpu.memory_space<vmem_shared>>
      tpu.enqueue_dma source(%arg11 : memref<16x128xf32, #tpu.memory_space<vmem>>) target(%dma_start3A_161 : memref<16x128xf32, #tpu.memory_space<vmem_shared>>) target_semaphore(%run_scoped3A_157 : memref<!tpu.dma_semaphore, #tpu.memory_space<semaphore_mem>>)
      %dma_wait3A = arith.constant 0 : i32
      %dma_wait3A_162 = tpu.memref_slice %arg7[%add3A_66, %dma_wait3A] : memref<10240x128xf32, #tpu.memory_space<vmem_shared>> -> memref<16x128xf32, #tpu.memory_space<vmem_shared>>
      %dma_wait3A_163 = arith.constant 0 : i32
      %dma_wait3A_164 = tpu.memref_slice %arg7[%add3A_66, %dma_wait3A_163] : memref<10240x128xf32, #tpu.memory_space<vmem_shared>> -> memref<16x128xf32, #tpu.memory_space<vmem_shared>>
      tpu.wait_dma2 semaphore(%run_scoped3A_157 : memref<!tpu.dma_semaphore, #tpu.memory_space<semaphore_mem>>) src(%arg11 : memref<16x128xf32, #tpu.memory_space<vmem>>) dst(%dma_wait3A_164 : memref<16x128xf32, #tpu.memory_space<vmem_shared>>)
      tpu.yield
    }) : () -> ()
    %add3A_67 = arith.constant 448 : i32
    %add3A_68 = arith.addi %mul3A_2, %add3A_67 : i32
    "tpu.region"() ({
      %run_scoped3A_157 = tpu.sem_alloc : memref<!tpu.dma_semaphore, #tpu.memory_space<semaphore_mem>>
      %dma_start3A_158 = arith.constant 0 : i32
      %dma_start3A_159 = tpu.memref_slice %arg7[%add3A_68, %dma_start3A_158] : memref<10240x128xf32, #tpu.memory_space<vmem_shared>> -> memref<16x128xf32, #tpu.memory_space<vmem_shared>>
      %dma_start3A_160 = arith.constant 0 : i32
      %dma_start3A_161 = tpu.memref_slice %arg7[%add3A_68, %dma_start3A_160] : memref<10240x128xf32, #tpu.memory_space<vmem_shared>> -> memref<16x128xf32, #tpu.memory_space<vmem_shared>>
      tpu.enqueue_dma source(%arg11 : memref<16x128xf32, #tpu.memory_space<vmem>>) target(%dma_start3A_161 : memref<16x128xf32, #tpu.memory_space<vmem_shared>>) target_semaphore(%run_scoped3A_157 : memref<!tpu.dma_semaphore, #tpu.memory_space<semaphore_mem>>)
      %dma_wait3A = arith.constant 0 : i32
      %dma_wait3A_162 = tpu.memref_slice %arg7[%add3A_68, %dma_wait3A] : memref<10240x128xf32, #tpu.memory_space<vmem_shared>> -> memref<16x128xf32, #tpu.memory_space<vmem_shared>>
      %dma_wait3A_163 = arith.constant 0 : i32
      %dma_wait3A_164 = tpu.memref_slice %arg7[%add3A_68, %dma_wait3A_163] : memref<10240x128xf32, #tpu.memory_space<vmem_shared>> -> memref<16x128xf32, #tpu.memory_space<vmem_shared>>
      tpu.wait_dma2 semaphore(%run_scoped3A_157 : memref<!tpu.dma_semaphore, #tpu.memory_space<semaphore_mem>>) src(%arg11 : memref<16x128xf32, #tpu.memory_space<vmem>>) dst(%dma_wait3A_164 : memref<16x128xf32, #tpu.memory_space<vmem_shared>>)
      tpu.yield
    }) : () -> ()
    %add3A_69 = arith.constant 464 : i32
    %add3A_70 = arith.addi %mul3A_2, %add3A_69 : i32
    "tpu.region"() ({
      %run_scoped3A_157 = tpu.sem_alloc : memref<!tpu.dma_semaphore, #tpu.memory_space<semaphore_mem>>
      %dma_start3A_158 = arith.constant 0 : i32
      %dma_start3A_159 = tpu.memref_slice %arg7[%add3A_70, %dma_start3A_158] : memref<10240x128xf32, #tpu.memory_space<vmem_shared>> -> memref<16x128xf32, #tpu.memory_space<vmem_shared>>
      %dma_start3A_160 = arith.constant 0 : i32
      %dma_start3A_161 = tpu.memref_slice %arg7[%add3A_70, %dma_start3A_160] : memref<10240x128xf32, #tpu.memory_space<vmem_shared>> -> memref<16x128xf32, #tpu.memory_space<vmem_shared>>
      tpu.enqueue_dma source(%arg11 : memref<16x128xf32, #tpu.memory_space<vmem>>) target(%dma_start3A_161 : memref<16x128xf32, #tpu.memory_space<vmem_shared>>) target_semaphore(%run_scoped3A_157 : memref<!tpu.dma_semaphore, #tpu.memory_space<semaphore_mem>>)
      %dma_wait3A = arith.constant 0 : i32
      %dma_wait3A_162 = tpu.memref_slice %arg7[%add3A_70, %dma_wait3A] : memref<10240x128xf32, #tpu.memory_space<vmem_shared>> -> memref<16x128xf32, #tpu.memory_space<vmem_shared>>
      %dma_wait3A_163 = arith.constant 0 : i32
      %dma_wait3A_164 = tpu.memref_slice %arg7[%add3A_70, %dma_wait3A_163] : memref<10240x128xf32, #tpu.memory_space<vmem_shared>> -> memref<16x128xf32, #tpu.memory_space<vmem_shared>>
      tpu.wait_dma2 semaphore(%run_scoped3A_157 : memref<!tpu.dma_semaphore, #tpu.memory_space<semaphore_mem>>) src(%arg11 : memref<16x128xf32, #tpu.memory_space<vmem>>) dst(%dma_wait3A_164 : memref<16x128xf32, #tpu.memory_space<vmem_shared>>)
      tpu.yield
    }) : () -> ()
    %add3A_71 = arith.constant 480 : i32
    %add3A_72 = arith.addi %mul3A_2, %add3A_71 : i32
    "tpu.region"() ({
      %run_scoped3A_157 = tpu.sem_alloc : memref<!tpu.dma_semaphore, #tpu.memory_space<semaphore_mem>>
      %dma_start3A_158 = arith.constant 0 : i32
      %dma_start3A_159 = tpu.memref_slice %arg7[%add3A_72, %dma_start3A_158] : memref<10240x128xf32, #tpu.memory_space<vmem_shared>> -> memref<16x128xf32, #tpu.memory_space<vmem_shared>>
      %dma_start3A_160 = arith.constant 0 : i32
      %dma_start3A_161 = tpu.memref_slice %arg7[%add3A_72, %dma_start3A_160] : memref<10240x128xf32, #tpu.memory_space<vmem_shared>> -> memref<16x128xf32, #tpu.memory_space<vmem_shared>>
      tpu.enqueue_dma source(%arg11 : memref<16x128xf32, #tpu.memory_space<vmem>>) target(%dma_start3A_161 : memref<16x128xf32, #tpu.memory_space<vmem_shared>>) target_semaphore(%run_scoped3A_157 : memref<!tpu.dma_semaphore, #tpu.memory_space<semaphore_mem>>)
      %dma_wait3A = arith.constant 0 : i32
      %dma_wait3A_162 = tpu.memref_slice %arg7[%add3A_72, %dma_wait3A] : memref<10240x128xf32, #tpu.memory_space<vmem_shared>> -> memref<16x128xf32, #tpu.memory_space<vmem_shared>>
      %dma_wait3A_163 = arith.constant 0 : i32
      %dma_wait3A_164 = tpu.memref_slice %arg7[%add3A_72, %dma_wait3A_163] : memref<10240x128xf32, #tpu.memory_space<vmem_shared>> -> memref<16x128xf32, #tpu.memory_space<vmem_shared>>
      tpu.wait_dma2 semaphore(%run_scoped3A_157 : memref<!tpu.dma_semaphore, #tpu.memory_space<semaphore_mem>>) src(%arg11 : memref<16x128xf32, #tpu.memory_space<vmem>>) dst(%dma_wait3A_164 : memref<16x128xf32, #tpu.memory_space<vmem_shared>>)
      tpu.yield
    }) : () -> ()
    %add3A_73 = arith.constant 496 : i32
    %add3A_74 = arith.addi %mul3A_2, %add3A_73 : i32
    "tpu.region"() ({
      %run_scoped3A_157 = tpu.sem_alloc : memref<!tpu.dma_semaphore, #tpu.memory_space<semaphore_mem>>
      %dma_start3A_158 = arith.constant 0 : i32
      %dma_start3A_159 = tpu.memref_slice %arg7[%add3A_74, %dma_start3A_158] : memref<10240x128xf32, #tpu.memory_space<vmem_shared>> -> memref<16x128xf32, #tpu.memory_space<vmem_shared>>
      %dma_start3A_160 = arith.constant 0 : i32
      %dma_start3A_161 = tpu.memref_slice %arg7[%add3A_74, %dma_start3A_160] : memref<10240x128xf32, #tpu.memory_space<vmem_shared>> -> memref<16x128xf32, #tpu.memory_space<vmem_shared>>
      tpu.enqueue_dma source(%arg11 : memref<16x128xf32, #tpu.memory_space<vmem>>) target(%dma_start3A_161 : memref<16x128xf32, #tpu.memory_space<vmem_shared>>) target_semaphore(%run_scoped3A_157 : memref<!tpu.dma_semaphore, #tpu.memory_space<semaphore_mem>>)
      %dma_wait3A = arith.constant 0 : i32
      %dma_wait3A_162 = tpu.memref_slice %arg7[%add3A_74, %dma_wait3A] : memref<10240x128xf32, #tpu.memory_space<vmem_shared>> -> memref<16x128xf32, #tpu.memory_space<vmem_shared>>
      %dma_wait3A_163 = arith.constant 0 : i32
      %dma_wait3A_164 = tpu.memref_slice %arg7[%add3A_74, %dma_wait3A_163] : memref<10240x128xf32, #tpu.memory_space<vmem_shared>> -> memref<16x128xf32, #tpu.memory_space<vmem_shared>>
      tpu.wait_dma2 semaphore(%run_scoped3A_157 : memref<!tpu.dma_semaphore, #tpu.memory_space<semaphore_mem>>) src(%arg11 : memref<16x128xf32, #tpu.memory_space<vmem>>) dst(%dma_wait3A_164 : memref<16x128xf32, #tpu.memory_space<vmem_shared>>)
      tpu.yield
    }) : () -> ()
    %add3A_75 = arith.constant 512 : i32
    %add3A_76 = arith.addi %mul3A_2, %add3A_75 : i32
    "tpu.region"() ({
      %run_scoped3A_157 = tpu.sem_alloc : memref<!tpu.dma_semaphore, #tpu.memory_space<semaphore_mem>>
      %dma_start3A_158 = arith.constant 0 : i32
      %dma_start3A_159 = tpu.memref_slice %arg7[%add3A_76, %dma_start3A_158] : memref<10240x128xf32, #tpu.memory_space<vmem_shared>> -> memref<16x128xf32, #tpu.memory_space<vmem_shared>>
      %dma_start3A_160 = arith.constant 0 : i32
      %dma_start3A_161 = tpu.memref_slice %arg7[%add3A_76, %dma_start3A_160] : memref<10240x128xf32, #tpu.memory_space<vmem_shared>> -> memref<16x128xf32, #tpu.memory_space<vmem_shared>>
      tpu.enqueue_dma source(%arg11 : memref<16x128xf32, #tpu.memory_space<vmem>>) target(%dma_start3A_161 : memref<16x128xf32, #tpu.memory_space<vmem_shared>>) target_semaphore(%run_scoped3A_157 : memref<!tpu.dma_semaphore, #tpu.memory_space<semaphore_mem>>)
      %dma_wait3A = arith.constant 0 : i32
      %dma_wait3A_162 = tpu.memref_slice %arg7[%add3A_76, %dma_wait3A] : memref<10240x128xf32, #tpu.memory_space<vmem_shared>> -> memref<16x128xf32, #tpu.memory_space<vmem_shared>>
      %dma_wait3A_163 = arith.constant 0 : i32
      %dma_wait3A_164 = tpu.memref_slice %arg7[%add3A_76, %dma_wait3A_163] : memref<10240x128xf32, #tpu.memory_space<vmem_shared>> -> memref<16x128xf32, #tpu.memory_space<vmem_shared>>
      tpu.wait_dma2 semaphore(%run_scoped3A_157 : memref<!tpu.dma_semaphore, #tpu.memory_space<semaphore_mem>>) src(%arg11 : memref<16x128xf32, #tpu.memory_space<vmem>>) dst(%dma_wait3A_164 : memref<16x128xf32, #tpu.memory_space<vmem_shared>>)
      tpu.yield
    }) : () -> ()
    %add3A_77 = arith.constant 528 : i32
    %add3A_78 = arith.addi %mul3A_2, %add3A_77 : i32
    "tpu.region"() ({
      %run_scoped3A_157 = tpu.sem_alloc : memref<!tpu.dma_semaphore, #tpu.memory_space<semaphore_mem>>
      %dma_start3A_158 = arith.constant 0 : i32
      %dma_start3A_159 = tpu.memref_slice %arg7[%add3A_78, %dma_start3A_158] : memref<10240x128xf32, #tpu.memory_space<vmem_shared>> -> memref<16x128xf32, #tpu.memory_space<vmem_shared>>
      %dma_start3A_160 = arith.constant 0 : i32
      %dma_start3A_161 = tpu.memref_slice %arg7[%add3A_78, %dma_start3A_160] : memref<10240x128xf32, #tpu.memory_space<vmem_shared>> -> memref<16x128xf32, #tpu.memory_space<vmem_shared>>
      tpu.enqueue_dma source(%arg11 : memref<16x128xf32, #tpu.memory_space<vmem>>) target(%dma_start3A_161 : memref<16x128xf32, #tpu.memory_space<vmem_shared>>) target_semaphore(%run_scoped3A_157 : memref<!tpu.dma_semaphore, #tpu.memory_space<semaphore_mem>>)
      %dma_wait3A = arith.constant 0 : i32
      %dma_wait3A_162 = tpu.memref_slice %arg7[%add3A_78, %dma_wait3A] : memref<10240x128xf32, #tpu.memory_space<vmem_shared>> -> memref<16x128xf32, #tpu.memory_space<vmem_shared>>
      %dma_wait3A_163 = arith.constant 0 : i32
      %dma_wait3A_164 = tpu.memref_slice %arg7[%add3A_78, %dma_wait3A_163] : memref<10240x128xf32, #tpu.memory_space<vmem_shared>> -> memref<16x128xf32, #tpu.memory_space<vmem_shared>>
      tpu.wait_dma2 semaphore(%run_scoped3A_157 : memref<!tpu.dma_semaphore, #tpu.memory_space<semaphore_mem>>) src(%arg11 : memref<16x128xf32, #tpu.memory_space<vmem>>) dst(%dma_wait3A_164 : memref<16x128xf32, #tpu.memory_space<vmem_shared>>)
      tpu.yield
    }) : () -> ()
    %add3A_79 = arith.constant 544 : i32
    %add3A_80 = arith.addi %mul3A_2, %add3A_79 : i32
    "tpu.region"() ({
      %run_scoped3A_157 = tpu.sem_alloc : memref<!tpu.dma_semaphore, #tpu.memory_space<semaphore_mem>>
      %dma_start3A_158 = arith.constant 0 : i32
      %dma_start3A_159 = tpu.memref_slice %arg7[%add3A_80, %dma_start3A_158] : memref<10240x128xf32, #tpu.memory_space<vmem_shared>> -> memref<16x128xf32, #tpu.memory_space<vmem_shared>>
      %dma_start3A_160 = arith.constant 0 : i32
      %dma_start3A_161 = tpu.memref_slice %arg7[%add3A_80, %dma_start3A_160] : memref<10240x128xf32, #tpu.memory_space<vmem_shared>> -> memref<16x128xf32, #tpu.memory_space<vmem_shared>>
      tpu.enqueue_dma source(%arg11 : memref<16x128xf32, #tpu.memory_space<vmem>>) target(%dma_start3A_161 : memref<16x128xf32, #tpu.memory_space<vmem_shared>>) target_semaphore(%run_scoped3A_157 : memref<!tpu.dma_semaphore, #tpu.memory_space<semaphore_mem>>)
      %dma_wait3A = arith.constant 0 : i32
      %dma_wait3A_162 = tpu.memref_slice %arg7[%add3A_80, %dma_wait3A] : memref<10240x128xf32, #tpu.memory_space<vmem_shared>> -> memref<16x128xf32, #tpu.memory_space<vmem_shared>>
      %dma_wait3A_163 = arith.constant 0 : i32
      %dma_wait3A_164 = tpu.memref_slice %arg7[%add3A_80, %dma_wait3A_163] : memref<10240x128xf32, #tpu.memory_space<vmem_shared>> -> memref<16x128xf32, #tpu.memory_space<vmem_shared>>
      tpu.wait_dma2 semaphore(%run_scoped3A_157 : memref<!tpu.dma_semaphore, #tpu.memory_space<semaphore_mem>>) src(%arg11 : memref<16x128xf32, #tpu.memory_space<vmem>>) dst(%dma_wait3A_164 : memref<16x128xf32, #tpu.memory_space<vmem_shared>>)
      tpu.yield
    }) : () -> ()
    %add3A_81 = arith.constant 560 : i32
    %add3A_82 = arith.addi %mul3A_2, %add3A_81 : i32
    "tpu.region"() ({
      %run_scoped3A_157 = tpu.sem_alloc : memref<!tpu.dma_semaphore, #tpu.memory_space<semaphore_mem>>
      %dma_start3A_158 = arith.constant 0 : i32
      %dma_start3A_159 = tpu.memref_slice %arg7[%add3A_82, %dma_start3A_158] : memref<10240x128xf32, #tpu.memory_space<vmem_shared>> -> memref<16x128xf32, #tpu.memory_space<vmem_shared>>
      %dma_start3A_160 = arith.constant 0 : i32
      %dma_start3A_161 = tpu.memref_slice %arg7[%add3A_82, %dma_start3A_160] : memref<10240x128xf32, #tpu.memory_space<vmem_shared>> -> memref<16x128xf32, #tpu.memory_space<vmem_shared>>
      tpu.enqueue_dma source(%arg11 : memref<16x128xf32, #tpu.memory_space<vmem>>) target(%dma_start3A_161 : memref<16x128xf32, #tpu.memory_space<vmem_shared>>) target_semaphore(%run_scoped3A_157 : memref<!tpu.dma_semaphore, #tpu.memory_space<semaphore_mem>>)
      %dma_wait3A = arith.constant 0 : i32
      %dma_wait3A_162 = tpu.memref_slice %arg7[%add3A_82, %dma_wait3A] : memref<10240x128xf32, #tpu.memory_space<vmem_shared>> -> memref<16x128xf32, #tpu.memory_space<vmem_shared>>
      %dma_wait3A_163 = arith.constant 0 : i32
      %dma_wait3A_164 = tpu.memref_slice %arg7[%add3A_82, %dma_wait3A_163] : memref<10240x128xf32, #tpu.memory_space<vmem_shared>> -> memref<16x128xf32, #tpu.memory_space<vmem_shared>>
      tpu.wait_dma2 semaphore(%run_scoped3A_157 : memref<!tpu.dma_semaphore, #tpu.memory_space<semaphore_mem>>) src(%arg11 : memref<16x128xf32, #tpu.memory_space<vmem>>) dst(%dma_wait3A_164 : memref<16x128xf32, #tpu.memory_space<vmem_shared>>)
      tpu.yield
    }) : () -> ()
    %add3A_83 = arith.constant 576 : i32
    %add3A_84 = arith.addi %mul3A_2, %add3A_83 : i32
    "tpu.region"() ({
      %run_scoped3A_157 = tpu.sem_alloc : memref<!tpu.dma_semaphore, #tpu.memory_space<semaphore_mem>>
      %dma_start3A_158 = arith.constant 0 : i32
      %dma_start3A_159 = tpu.memref_slice %arg7[%add3A_84, %dma_start3A_158] : memref<10240x128xf32, #tpu.memory_space<vmem_shared>> -> memref<16x128xf32, #tpu.memory_space<vmem_shared>>
      %dma_start3A_160 = arith.constant 0 : i32
      %dma_start3A_161 = tpu.memref_slice %arg7[%add3A_84, %dma_start3A_160] : memref<10240x128xf32, #tpu.memory_space<vmem_shared>> -> memref<16x128xf32, #tpu.memory_space<vmem_shared>>
      tpu.enqueue_dma source(%arg11 : memref<16x128xf32, #tpu.memory_space<vmem>>) target(%dma_start3A_161 : memref<16x128xf32, #tpu.memory_space<vmem_shared>>) target_semaphore(%run_scoped3A_157 : memref<!tpu.dma_semaphore, #tpu.memory_space<semaphore_mem>>)
      %dma_wait3A = arith.constant 0 : i32
      %dma_wait3A_162 = tpu.memref_slice %arg7[%add3A_84, %dma_wait3A] : memref<10240x128xf32, #tpu.memory_space<vmem_shared>> -> memref<16x128xf32, #tpu.memory_space<vmem_shared>>
      %dma_wait3A_163 = arith.constant 0 : i32
      %dma_wait3A_164 = tpu.memref_slice %arg7[%add3A_84, %dma_wait3A_163] : memref<10240x128xf32, #tpu.memory_space<vmem_shared>> -> memref<16x128xf32, #tpu.memory_space<vmem_shared>>
      tpu.wait_dma2 semaphore(%run_scoped3A_157 : memref<!tpu.dma_semaphore, #tpu.memory_space<semaphore_mem>>) src(%arg11 : memref<16x128xf32, #tpu.memory_space<vmem>>) dst(%dma_wait3A_164 : memref<16x128xf32, #tpu.memory_space<vmem_shared>>)
      tpu.yield
    }) : () -> ()
    %add3A_85 = arith.constant 592 : i32
    %add3A_86 = arith.addi %mul3A_2, %add3A_85 : i32
    "tpu.region"() ({
      %run_scoped3A_157 = tpu.sem_alloc : memref<!tpu.dma_semaphore, #tpu.memory_space<semaphore_mem>>
      %dma_start3A_158 = arith.constant 0 : i32
      %dma_start3A_159 = tpu.memref_slice %arg7[%add3A_86, %dma_start3A_158] : memref<10240x128xf32, #tpu.memory_space<vmem_shared>> -> memref<16x128xf32, #tpu.memory_space<vmem_shared>>
      %dma_start3A_160 = arith.constant 0 : i32
      %dma_start3A_161 = tpu.memref_slice %arg7[%add3A_86, %dma_start3A_160] : memref<10240x128xf32, #tpu.memory_space<vmem_shared>> -> memref<16x128xf32, #tpu.memory_space<vmem_shared>>
      tpu.enqueue_dma source(%arg11 : memref<16x128xf32, #tpu.memory_space<vmem>>) target(%dma_start3A_161 : memref<16x128xf32, #tpu.memory_space<vmem_shared>>) target_semaphore(%run_scoped3A_157 : memref<!tpu.dma_semaphore, #tpu.memory_space<semaphore_mem>>)
      %dma_wait3A = arith.constant 0 : i32
      %dma_wait3A_162 = tpu.memref_slice %arg7[%add3A_86, %dma_wait3A] : memref<10240x128xf32, #tpu.memory_space<vmem_shared>> -> memref<16x128xf32, #tpu.memory_space<vmem_shared>>
      %dma_wait3A_163 = arith.constant 0 : i32
      %dma_wait3A_164 = tpu.memref_slice %arg7[%add3A_86, %dma_wait3A_163] : memref<10240x128xf32, #tpu.memory_space<vmem_shared>> -> memref<16x128xf32, #tpu.memory_space<vmem_shared>>
      tpu.wait_dma2 semaphore(%run_scoped3A_157 : memref<!tpu.dma_semaphore, #tpu.memory_space<semaphore_mem>>) src(%arg11 : memref<16x128xf32, #tpu.memory_space<vmem>>) dst(%dma_wait3A_164 : memref<16x128xf32, #tpu.memory_space<vmem_shared>>)
      tpu.yield
    }) : () -> ()
    %add3A_87 = arith.constant 608 : i32
    %add3A_88 = arith.addi %mul3A_2, %add3A_87 : i32
    "tpu.region"() ({
      %run_scoped3A_157 = tpu.sem_alloc : memref<!tpu.dma_semaphore, #tpu.memory_space<semaphore_mem>>
      %dma_start3A_158 = arith.constant 0 : i32
      %dma_start3A_159 = tpu.memref_slice %arg7[%add3A_88, %dma_start3A_158] : memref<10240x128xf32, #tpu.memory_space<vmem_shared>> -> memref<16x128xf32, #tpu.memory_space<vmem_shared>>
      %dma_start3A_160 = arith.constant 0 : i32
      %dma_start3A_161 = tpu.memref_slice %arg7[%add3A_88, %dma_start3A_160] : memref<10240x128xf32, #tpu.memory_space<vmem_shared>> -> memref<16x128xf32, #tpu.memory_space<vmem_shared>>
      tpu.enqueue_dma source(%arg11 : memref<16x128xf32, #tpu.memory_space<vmem>>) target(%dma_start3A_161 : memref<16x128xf32, #tpu.memory_space<vmem_shared>>) target_semaphore(%run_scoped3A_157 : memref<!tpu.dma_semaphore, #tpu.memory_space<semaphore_mem>>)
      %dma_wait3A = arith.constant 0 : i32
      %dma_wait3A_162 = tpu.memref_slice %arg7[%add3A_88, %dma_wait3A] : memref<10240x128xf32, #tpu.memory_space<vmem_shared>> -> memref<16x128xf32, #tpu.memory_space<vmem_shared>>
      %dma_wait3A_163 = arith.constant 0 : i32
      %dma_wait3A_164 = tpu.memref_slice %arg7[%add3A_88, %dma_wait3A_163] : memref<10240x128xf32, #tpu.memory_space<vmem_shared>> -> memref<16x128xf32, #tpu.memory_space<vmem_shared>>
      tpu.wait_dma2 semaphore(%run_scoped3A_157 : memref<!tpu.dma_semaphore, #tpu.memory_space<semaphore_mem>>) src(%arg11 : memref<16x128xf32, #tpu.memory_space<vmem>>) dst(%dma_wait3A_164 : memref<16x128xf32, #tpu.memory_space<vmem_shared>>)
      tpu.yield
    }) : () -> ()
    %add3A_89 = arith.constant 624 : i32
    %add3A_90 = arith.addi %mul3A_2, %add3A_89 : i32
    "tpu.region"() ({
      %run_scoped3A_157 = tpu.sem_alloc : memref<!tpu.dma_semaphore, #tpu.memory_space<semaphore_mem>>
      %dma_start3A_158 = arith.constant 0 : i32
      %dma_start3A_159 = tpu.memref_slice %arg7[%add3A_90, %dma_start3A_158] : memref<10240x128xf32, #tpu.memory_space<vmem_shared>> -> memref<16x128xf32, #tpu.memory_space<vmem_shared>>
      %dma_start3A_160 = arith.constant 0 : i32
      %dma_start3A_161 = tpu.memref_slice %arg7[%add3A_90, %dma_start3A_160] : memref<10240x128xf32, #tpu.memory_space<vmem_shared>> -> memref<16x128xf32, #tpu.memory_space<vmem_shared>>
      tpu.enqueue_dma source(%arg11 : memref<16x128xf32, #tpu.memory_space<vmem>>) target(%dma_start3A_161 : memref<16x128xf32, #tpu.memory_space<vmem_shared>>) target_semaphore(%run_scoped3A_157 : memref<!tpu.dma_semaphore, #tpu.memory_space<semaphore_mem>>)
      %dma_wait3A = arith.constant 0 : i32
      %dma_wait3A_162 = tpu.memref_slice %arg7[%add3A_90, %dma_wait3A] : memref<10240x128xf32, #tpu.memory_space<vmem_shared>> -> memref<16x128xf32, #tpu.memory_space<vmem_shared>>
      %dma_wait3A_163 = arith.constant 0 : i32
      %dma_wait3A_164 = tpu.memref_slice %arg7[%add3A_90, %dma_wait3A_163] : memref<10240x128xf32, #tpu.memory_space<vmem_shared>> -> memref<16x128xf32, #tpu.memory_space<vmem_shared>>
      tpu.wait_dma2 semaphore(%run_scoped3A_157 : memref<!tpu.dma_semaphore, #tpu.memory_space<semaphore_mem>>) src(%arg11 : memref<16x128xf32, #tpu.memory_space<vmem>>) dst(%dma_wait3A_164 : memref<16x128xf32, #tpu.memory_space<vmem_shared>>)
      tpu.yield
    }) : () -> ()
    %broadcast_in_dim3A_91 = arith.constant 1.000000e+00 : f32
    %broadcast_in_dim3A_92 = vector.broadcast %broadcast_in_dim3A_91 : f32 to vector<16xf32>
    %swap3A = arith.constant 0 : index
    %swap3A_93 = tpu.vector_load %arg14[%swap3A] {strides = array<i32>} : memref<128xf32, #tpu.memory_space<vmem>>, vector<16xf32>,
    %swap3A_94 = vector.shape_cast %swap3A_93 : vector<16xf32> to vector<16xf32>
    %swap3A_95 = vector.shape_cast %broadcast_in_dim3A_92 : vector<16xf32> to vector<16xf32>
    tpu.vector_store %arg14[%swap3A], %swap3A_95 {strides = array<i32>} : memref<128xf32, #tpu.memory_space<vmem>>, vector<16xf32>,
    %swap3A_96 = arith.constant 16 : index
    %swap3A_97 = tpu.vector_load %arg14[%swap3A_96] {strides = array<i32>} : memref<128xf32, #tpu.memory_space<vmem>>, vector<16xf32>,
    %swap3A_98 = vector.shape_cast %swap3A_97 : vector<16xf32> to vector<16xf32>
    %swap3A_99 = vector.shape_cast %broadcast_in_dim3A_92 : vector<16xf32> to vector<16xf32>
    tpu.vector_store %arg14[%swap3A_96], %swap3A_99 {strides = array<i32>} : memref<128xf32, #tpu.memory_space<vmem>>, vector<16xf32>,
    %swap3A_100 = arith.constant 32 : index
    %swap3A_101 = tpu.vector_load %arg14[%swap3A_100] {strides = array<i32>} : memref<128xf32, #tpu.memory_space<vmem>>, vector<16xf32>,
    %swap3A_102 = vector.shape_cast %swap3A_101 : vector<16xf32> to vector<16xf32>
    %swap3A_103 = vector.shape_cast %broadcast_in_dim3A_92 : vector<16xf32> to vector<16xf32>
    tpu.vector_store %arg14[%swap3A_100], %swap3A_103 {strides = array<i32>} : memref<128xf32, #tpu.memory_space<vmem>>, vector<16xf32>,
    %swap3A_104 = arith.constant 48 : index
    %swap3A_105 = tpu.vector_load %arg14[%swap3A_104] {strides = array<i32>} : memref<128xf32, #tpu.memory_space<vmem>>, vector<16xf32>,
    %swap3A_106 = vector.shape_cast %swap3A_105 : vector<16xf32> to vector<16xf32>
    %swap3A_107 = vector.shape_cast %broadcast_in_dim3A_92 : vector<16xf32> to vector<16xf32>
    tpu.vector_store %arg14[%swap3A_104], %swap3A_107 {strides = array<i32>} : memref<128xf32, #tpu.memory_space<vmem>>, vector<16xf32>,
    %swap3A_108 = arith.constant 64 : index
    %swap3A_109 = tpu.vector_load %arg14[%swap3A_108] {strides = array<i32>} : memref<128xf32, #tpu.memory_space<vmem>>, vector<16xf32>,
    %swap3A_110 = vector.shape_cast %swap3A_109 : vector<16xf32> to vector<16xf32>
    %swap3A_111 = vector.shape_cast %broadcast_in_dim3A_92 : vector<16xf32> to vector<16xf32>
    tpu.vector_store %arg14[%swap3A_108], %swap3A_111 {strides = array<i32>} : memref<128xf32, #tpu.memory_space<vmem>>, vector<16xf32>,
    %swap3A_112 = arith.constant 80 : index
    %swap3A_113 = tpu.vector_load %arg14[%swap3A_112] {strides = array<i32>} : memref<128xf32, #tpu.memory_space<vmem>>, vector<16xf32>,
    %swap3A_114 = vector.shape_cast %swap3A_113 : vector<16xf32> to vector<16xf32>
    %swap3A_115 = vector.shape_cast %broadcast_in_dim3A_92 : vector<16xf32> to vector<16xf32>
    tpu.vector_store %arg14[%swap3A_112], %swap3A_115 {strides = array<i32>} : memref<128xf32, #tpu.memory_space<vmem>>, vector<16xf32>,
    %swap3A_116 = arith.constant 96 : index
    %swap3A_117 = tpu.vector_load %arg14[%swap3A_116] {strides = array<i32>} : memref<128xf32, #tpu.memory_space<vmem>>, vector<16xf32>,
    %swap3A_118 = vector.shape_cast %swap3A_117 : vector<16xf32> to vector<16xf32>
    %swap3A_119 = vector.shape_cast %broadcast_in_dim3A_92 : vector<16xf32> to vector<16xf32>
    tpu.vector_store %arg14[%swap3A_116], %swap3A_119 {strides = array<i32>} : memref<128xf32, #tpu.memory_space<vmem>>, vector<16xf32>,
    %swap3A_120 = arith.constant 112 : index
    %swap3A_121 = tpu.vector_load %arg14[%swap3A_120] {strides = array<i32>} : memref<128xf32, #tpu.memory_space<vmem>>, vector<16xf32>,
    %swap3A_122 = vector.shape_cast %swap3A_121 : vector<16xf32> to vector<16xf32>
    %swap3A_123 = vector.shape_cast %broadcast_in_dim3A_92 : vector<16xf32> to vector<16xf32>
    tpu.vector_store %arg14[%swap3A_120], %swap3A_123 {strides = array<i32>} : memref<128xf32, #tpu.memory_space<vmem>>, vector<16xf32>,
    %add3A_124 = arith.constant 0 : i32
    %add3A_125 = arith.addi %mul3A_2, %add3A_124 : i32
    %run_scoped3A = arith.constant 0 : i32
    "tpu.region"() ({
      %run_scoped3A_157 = tpu.sem_alloc : memref<!tpu.dma_semaphore, #tpu.memory_space<semaphore_mem>>
      %dma_start3A_158 = arith.constant 0 : i32
      %dma_start3A_159 = tpu.memref_slice %arg11[%run_scoped3A, %dma_start3A_158] : memref<16x128xf32, #tpu.memory_space<vmem>> -> memref<1x128xf32, #tpu.memory_space<vmem>>
      %dma_start3A_160 = tpu.memref_squeeze %dma_start3A_159 : memref<1x128xf32, #tpu.memory_space<vmem>> -> memref<128xf32, #tpu.memory_space<vmem>>
      %dma_start3A_161 = tpu.memref_slice %arg13[%add3A_125] : memref<10240xf32, #tpu.memory_space<vmem_shared>> -> memref<128xf32, #tpu.memory_space<vmem_shared>>
      %dma_start3A_162 = tpu.memref_slice %arg13[%add3A_125] : memref<10240xf32, #tpu.memory_space<vmem_shared>> -> memref<128xf32, #tpu.memory_space<vmem_shared>>
      %dma_start3A_163 = arith.constant 0 : i32
      %dma_start3A_164 = tpu.memref_slice %arg11[%run_scoped3A, %dma_start3A_163] : memref<16x128xf32, #tpu.memory_space<vmem>> -> memref<1x128xf32, #tpu.memory_space<vmem>>
      %dma_start3A_165 = tpu.memref_squeeze %dma_start3A_164 : memref<1x128xf32, #tpu.memory_space<vmem>> -> memref<128xf32, #tpu.memory_space<vmem>>
      tpu.enqueue_dma source(%dma_start3A_165 : memref<128xf32, #tpu.memory_space<vmem>>) target(%dma_start3A_162 : memref<128xf32, #tpu.memory_space<vmem_shared>>) target_semaphore(%run_scoped3A_157 : memref<!tpu.dma_semaphore, #tpu.memory_space<semaphore_mem>>)
      %dma_wait3A = arith.constant 0 : i32
      %dma_wait3A_166 = tpu.memref_slice %arg11[%run_scoped3A, %dma_wait3A] : memref<16x128xf32, #tpu.memory_space<vmem>> -> memref<1x128xf32, #tpu.memory_space<vmem>>
      %dma_wait3A_167 = tpu.memref_squeeze %dma_wait3A_166 : memref<1x128xf32, #tpu.memory_space<vmem>> -> memref<128xf32, #tpu.memory_space<vmem>>
      %dma_wait3A_168 = tpu.memref_slice %arg13[%add3A_125] : memref<10240xf32, #tpu.memory_space<vmem_shared>> -> memref<128xf32, #tpu.memory_space<vmem_shared>>
      %dma_wait3A_169 = tpu.memref_slice %arg13[%add3A_125] : memref<10240xf32, #tpu.memory_space<vmem_shared>> -> memref<128xf32, #tpu.memory_space<vmem_shared>>
      %dma_wait3A_170 = arith.constant 0 : i32
      %dma_wait3A_171 = tpu.memref_slice %arg11[%run_scoped3A, %dma_wait3A_170] : memref<16x128xf32, #tpu.memory_space<vmem>> -> memref<1x128xf32, #tpu.memory_space<vmem>>
      %dma_wait3A_172 = tpu.memref_squeeze %dma_wait3A_171 : memref<1x128xf32, #tpu.memory_space<vmem>> -> memref<128xf32, #tpu.memory_space<vmem>>
      tpu.wait_dma2 semaphore(%run_scoped3A_157 : memref<!tpu.dma_semaphore, #tpu.memory_space<semaphore_mem>>) src(%dma_wait3A_172 : memref<128xf32, #tpu.memory_space<vmem>>) dst(%dma_wait3A_169 : memref<128xf32, #tpu.memory_space<vmem_shared>>)
      tpu.yield
    }) : () -> ()
    %add3A_126 = arith.constant 128 : i32
    %add3A_127 = arith.addi %mul3A_2, %add3A_126 : i32
    %run_scoped3A_128 = arith.constant 0 : i32
    "tpu.region"() ({
      %run_scoped3A_157 = tpu.sem_alloc : memref<!tpu.dma_semaphore, #tpu.memory_space<semaphore_mem>>
      %dma_start3A_158 = arith.constant 0 : i32
      %dma_start3A_159 = tpu.memref_slice %arg11[%run_scoped3A_128, %dma_start3A_158] : memref<16x128xf32, #tpu.memory_space<vmem>> -> memref<1x128xf32, #tpu.memory_space<vmem>>
      %dma_start3A_160 = tpu.memref_squeeze %dma_start3A_159 : memref<1x128xf32, #tpu.memory_space<vmem>> -> memref<128xf32, #tpu.memory_space<vmem>>
      %dma_start3A_161 = tpu.memref_slice %arg13[%add3A_127] : memref<10240xf32, #tpu.memory_space<vmem_shared>> -> memref<128xf32, #tpu.memory_space<vmem_shared>>
      %dma_start3A_162 = tpu.memref_slice %arg13[%add3A_127] : memref<10240xf32, #tpu.memory_space<vmem_shared>> -> memref<128xf32, #tpu.memory_space<vmem_shared>>
      %dma_start3A_163 = arith.constant 0 : i32
      %dma_start3A_164 = tpu.memref_slice %arg11[%run_scoped3A_128, %dma_start3A_163] : memref<16x128xf32, #tpu.memory_space<vmem>> -> memref<1x128xf32, #tpu.memory_space<vmem>>
      %dma_start3A_165 = tpu.memref_squeeze %dma_start3A_164 : memref<1x128xf32, #tpu.memory_space<vmem>> -> memref<128xf32, #tpu.memory_space<vmem>>
      tpu.enqueue_dma source(%dma_start3A_165 : memref<128xf32, #tpu.memory_space<vmem>>) target(%dma_start3A_162 : memref<128xf32, #tpu.memory_space<vmem_shared>>) target_semaphore(%run_scoped3A_157 : memref<!tpu.dma_semaphore, #tpu.memory_space<semaphore_mem>>)
      %dma_wait3A = arith.constant 0 : i32
      %dma_wait3A_166 = tpu.memref_slice %arg11[%run_scoped3A_128, %dma_wait3A] : memref<16x128xf32, #tpu.memory_space<vmem>> -> memref<1x128xf32, #tpu.memory_space<vmem>>
      %dma_wait3A_167 = tpu.memref_squeeze %dma_wait3A_166 : memref<1x128xf32, #tpu.memory_space<vmem>> -> memref<128xf32, #tpu.memory_space<vmem>>
      %dma_wait3A_168 = tpu.memref_slice %arg13[%add3A_127] : memref<10240xf32, #tpu.memory_space<vmem_shared>> -> memref<128xf32, #tpu.memory_space<vmem_shared>>
      %dma_wait3A_169 = tpu.memref_slice %arg13[%add3A_127] : memref<10240xf32, #tpu.memory_space<vmem_shared>> -> memref<128xf32, #tpu.memory_space<vmem_shared>>
      %dma_wait3A_170 = arith.constant 0 : i32
      %dma_wait3A_171 = tpu.memref_slice %arg11[%run_scoped3A_128, %dma_wait3A_170] : memref<16x128xf32, #tpu.memory_space<vmem>> -> memref<1x128xf32, #tpu.memory_space<vmem>>
      %dma_wait3A_172 = tpu.memref_squeeze %dma_wait3A_171 : memref<1x128xf32, #tpu.memory_space<vmem>> -> memref<128xf32, #tpu.memory_space<vmem>>
      tpu.wait_dma2 semaphore(%run_scoped3A_157 : memref<!tpu.dma_semaphore, #tpu.memory_space<semaphore_mem>>) src(%dma_wait3A_172 : memref<128xf32, #tpu.memory_space<vmem>>) dst(%dma_wait3A_169 : memref<128xf32, #tpu.memory_space<vmem_shared>>)
      tpu.yield
    }) : () -> ()
    %add3A_129 = arith.constant 256 : i32
    %add3A_130 = arith.addi %mul3A_2, %add3A_129 : i32
    %run_scoped3A_131 = arith.constant 0 : i32
    "tpu.region"() ({
      %run_scoped3A_157 = tpu.sem_alloc : memref<!tpu.dma_semaphore, #tpu.memory_space<semaphore_mem>>
      %dma_start3A_158 = arith.constant 0 : i32
      %dma_start3A_159 = tpu.memref_slice %arg11[%run_scoped3A_131, %dma_start3A_158] : memref<16x128xf32, #tpu.memory_space<vmem>> -> memref<1x128xf32, #tpu.memory_space<vmem>>
      %dma_start3A_160 = tpu.memref_squeeze %dma_start3A_159 : memref<1x128xf32, #tpu.memory_space<vmem>> -> memref<128xf32, #tpu.memory_space<vmem>>
      %dma_start3A_161 = tpu.memref_slice %arg13[%add3A_130] : memref<10240xf32, #tpu.memory_space<vmem_shared>> -> memref<128xf32, #tpu.memory_space<vmem_shared>>
      %dma_start3A_162 = tpu.memref_slice %arg13[%add3A_130] : memref<10240xf32, #tpu.memory_space<vmem_shared>> -> memref<128xf32, #tpu.memory_space<vmem_shared>>
      %dma_start3A_163 = arith.constant 0 : i32
      %dma_start3A_164 = tpu.memref_slice %arg11[%run_scoped3A_131, %dma_start3A_163] : memref<16x128xf32, #tpu.memory_space<vmem>> -> memref<1x128xf32, #tpu.memory_space<vmem>>
      %dma_start3A_165 = tpu.memref_squeeze %dma_start3A_164 : memref<1x128xf32, #tpu.memory_space<vmem>> -> memref<128xf32, #tpu.memory_space<vmem>>
      tpu.enqueue_dma source(%dma_start3A_165 : memref<128xf32, #tpu.memory_space<vmem>>) target(%dma_start3A_162 : memref<128xf32, #tpu.memory_space<vmem_shared>>) target_semaphore(%run_scoped3A_157 : memref<!tpu.dma_semaphore, #tpu.memory_space<semaphore_mem>>)
      %dma_wait3A = arith.constant 0 : i32
      %dma_wait3A_166 = tpu.memref_slice %arg11[%run_scoped3A_131, %dma_wait3A] : memref<16x128xf32, #tpu.memory_space<vmem>> -> memref<1x128xf32, #tpu.memory_space<vmem>>
      %dma_wait3A_167 = tpu.memref_squeeze %dma_wait3A_166 : memref<1x128xf32, #tpu.memory_space<vmem>> -> memref<128xf32, #tpu.memory_space<vmem>>
      %dma_wait3A_168 = tpu.memref_slice %arg13[%add3A_130] : memref<10240xf32, #tpu.memory_space<vmem_shared>> -> memref<128xf32, #tpu.memory_space<vmem_shared>>
      %dma_wait3A_169 = tpu.memref_slice %arg13[%add3A_130] : memref<10240xf32, #tpu.memory_space<vmem_shared>> -> memref<128xf32, #tpu.memory_space<vmem_shared>>
      %dma_wait3A_170 = arith.constant 0 : i32
      %dma_wait3A_171 = tpu.memref_slice %arg11[%run_scoped3A_131, %dma_wait3A_170] : memref<16x128xf32, #tpu.memory_space<vmem>> -> memref<1x128xf32, #tpu.memory_space<vmem>>
      %dma_wait3A_172 = tpu.memref_squeeze %dma_wait3A_171 : memref<1x128xf32, #tpu.memory_space<vmem>> -> memref<128xf32, #tpu.memory_space<vmem>>
      tpu.wait_dma2 semaphore(%run_scoped3A_157 : memref<!tpu.dma_semaphore, #tpu.memory_space<semaphore_mem>>) src(%dma_wait3A_172 : memref<128xf32, #tpu.memory_space<vmem>>) dst(%dma_wait3A_169 : memref<128xf32, #tpu.memory_space<vmem_shared>>)
      tpu.yield
    }) : () -> ()
    %add3A_132 = arith.constant 384 : i32
    %add3A_133 = arith.addi %mul3A_2, %add3A_132 : i32
    %run_scoped3A_134 = arith.constant 0 : i32
    "tpu.region"() ({
      %run_scoped3A_157 = tpu.sem_alloc : memref<!tpu.dma_semaphore, #tpu.memory_space<semaphore_mem>>
      %dma_start3A_158 = arith.constant 0 : i32
      %dma_start3A_159 = tpu.memref_slice %arg11[%run_scoped3A_134, %dma_start3A_158] : memref<16x128xf32, #tpu.memory_space<vmem>> -> memref<1x128xf32, #tpu.memory_space<vmem>>
      %dma_start3A_160 = tpu.memref_squeeze %dma_start3A_159 : memref<1x128xf32, #tpu.memory_space<vmem>> -> memref<128xf32, #tpu.memory_space<vmem>>
      %dma_start3A_161 = tpu.memref_slice %arg13[%add3A_133] : memref<10240xf32, #tpu.memory_space<vmem_shared>> -> memref<128xf32, #tpu.memory_space<vmem_shared>>
      %dma_start3A_162 = tpu.memref_slice %arg13[%add3A_133] : memref<10240xf32, #tpu.memory_space<vmem_shared>> -> memref<128xf32, #tpu.memory_space<vmem_shared>>
      %dma_start3A_163 = arith.constant 0 : i32
      %dma_start3A_164 = tpu.memref_slice %arg11[%run_scoped3A_134, %dma_start3A_163] : memref<16x128xf32, #tpu.memory_space<vmem>> -> memref<1x128xf32, #tpu.memory_space<vmem>>
      %dma_start3A_165 = tpu.memref_squeeze %dma_start3A_164 : memref<1x128xf32, #tpu.memory_space<vmem>> -> memref<128xf32, #tpu.memory_space<vmem>>
      tpu.enqueue_dma source(%dma_start3A_165 : memref<128xf32, #tpu.memory_space<vmem>>) target(%dma_start3A_162 : memref<128xf32, #tpu.memory_space<vmem_shared>>) target_semaphore(%run_scoped3A_157 : memref<!tpu.dma_semaphore, #tpu.memory_space<semaphore_mem>>)
      %dma_wait3A = arith.constant 0 : i32
      %dma_wait3A_166 = tpu.memref_slice %arg11[%run_scoped3A_134, %dma_wait3A] : memref<16x128xf32, #tpu.memory_space<vmem>> -> memref<1x128xf32, #tpu.memory_space<vmem>>
      %dma_wait3A_167 = tpu.memref_squeeze %dma_wait3A_166 : memref<1x128xf32, #tpu.memory_space<vmem>> -> memref<128xf32, #tpu.memory_space<vmem>>
      %dma_wait3A_168 = tpu.memref_slice %arg13[%add3A_133] : memref<10240xf32, #tpu.memory_space<vmem_shared>> -> memref<128xf32, #tpu.memory_space<vmem_shared>>
      %dma_wait3A_169 = tpu.memref_slice %arg13[%add3A_133] : memref<10240xf32, #tpu.memory_space<vmem_shared>> -> memref<128xf32, #tpu.memory_space<vmem_shared>>
      %dma_wait3A_170 = arith.constant 0 : i32
      %dma_wait3A_171 = tpu.memref_slice %arg11[%run_scoped3A_134, %dma_wait3A_170] : memref<16x128xf32, #tpu.memory_space<vmem>> -> memref<1x128xf32, #tpu.memory_space<vmem>>
      %dma_wait3A_172 = tpu.memref_squeeze %dma_wait3A_171 : memref<1x128xf32, #tpu.memory_space<vmem>> -> memref<128xf32, #tpu.memory_space<vmem>>
      tpu.wait_dma2 semaphore(%run_scoped3A_157 : memref<!tpu.dma_semaphore, #tpu.memory_space<semaphore_mem>>) src(%dma_wait3A_172 : memref<128xf32, #tpu.memory_space<vmem>>) dst(%dma_wait3A_169 : memref<128xf32, #tpu.memory_space<vmem_shared>>)
      tpu.yield
    }) : () -> ()
    %add3A_135 = arith.constant 512 : i32
    %add3A_136 = arith.addi %mul3A_2, %add3A_135 : i32
    %run_scoped3A_137 = arith.constant 0 : i32
    "tpu.region"() ({
      %run_scoped3A_157 = tpu.sem_alloc : memref<!tpu.dma_semaphore, #tpu.memory_space<semaphore_mem>>
      %dma_start3A_158 = arith.constant 0 : i32
      %dma_start3A_159 = tpu.memref_slice %arg11[%run_scoped3A_137, %dma_start3A_158] : memref<16x128xf32, #tpu.memory_space<vmem>> -> memref<1x128xf32, #tpu.memory_space<vmem>>
      %dma_start3A_160 = tpu.memref_squeeze %dma_start3A_159 : memref<1x128xf32, #tpu.memory_space<vmem>> -> memref<128xf32, #tpu.memory_space<vmem>>
      %dma_start3A_161 = tpu.memref_slice %arg13[%add3A_136] : memref<10240xf32, #tpu.memory_space<vmem_shared>> -> memref<128xf32, #tpu.memory_space<vmem_shared>>
      %dma_start3A_162 = tpu.memref_slice %arg13[%add3A_136] : memref<10240xf32, #tpu.memory_space<vmem_shared>> -> memref<128xf32, #tpu.memory_space<vmem_shared>>
      %dma_start3A_163 = arith.constant 0 : i32
      %dma_start3A_164 = tpu.memref_slice %arg11[%run_scoped3A_137, %dma_start3A_163] : memref<16x128xf32, #tpu.memory_space<vmem>> -> memref<1x128xf32, #tpu.memory_space<vmem>>
      %dma_start3A_165 = tpu.memref_squeeze %dma_start3A_164 : memref<1x128xf32, #tpu.memory_space<vmem>> -> memref<128xf32, #tpu.memory_space<vmem>>
      tpu.enqueue_dma source(%dma_start3A_165 : memref<128xf32, #tpu.memory_space<vmem>>) target(%dma_start3A_162 : memref<128xf32, #tpu.memory_space<vmem_shared>>) target_semaphore(%run_scoped3A_157 : memref<!tpu.dma_semaphore, #tpu.memory_space<semaphore_mem>>)
      %dma_wait3A = arith.constant 0 : i32
      %dma_wait3A_166 = tpu.memref_slice %arg11[%run_scoped3A_137, %dma_wait3A] : memref<16x128xf32, #tpu.memory_space<vmem>> -> memref<1x128xf32, #tpu.memory_space<vmem>>
      %dma_wait3A_167 = tpu.memref_squeeze %dma_wait3A_166 : memref<1x128xf32, #tpu.memory_space<vmem>> -> memref<128xf32, #tpu.memory_space<vmem>>
      %dma_wait3A_168 = tpu.memref_slice %arg13[%add3A_136] : memref<10240xf32, #tpu.memory_space<vmem_shared>> -> memref<128xf32, #tpu.memory_space<vmem_shared>>
      %dma_wait3A_169 = tpu.memref_slice %arg13[%add3A_136] : memref<10240xf32, #tpu.memory_space<vmem_shared>> -> memref<128xf32, #tpu.memory_space<vmem_shared>>
      %dma_wait3A_170 = arith.constant 0 : i32
      %dma_wait3A_171 = tpu.memref_slice %arg11[%run_scoped3A_137, %dma_wait3A_170] : memref<16x128xf32, #tpu.memory_space<vmem>> -> memref<1x128xf32, #tpu.memory_space<vmem>>
      %dma_wait3A_172 = tpu.memref_squeeze %dma_wait3A_171 : memref<1x128xf32, #tpu.memory_space<vmem>> -> memref<128xf32, #tpu.memory_space<vmem>>
      tpu.wait_dma2 semaphore(%run_scoped3A_157 : memref<!tpu.dma_semaphore, #tpu.memory_space<semaphore_mem>>) src(%dma_wait3A_172 : memref<128xf32, #tpu.memory_space<vmem>>) dst(%dma_wait3A_169 : memref<128xf32, #tpu.memory_space<vmem_shared>>)
      tpu.yield
    }) : () -> ()
    "tpu.trace_stop"() : () -> ()
    %barrier3A = arith.constant 0 : index
    tpu.barrier barrier_id(%barrier3A)
    "tpu.trace_start"() <{level = 10 : i32, message = "edges"}> : () -> ()
    "tpu.region"() ({
      %run_scoped3A_157 = tpu.sem_alloc : memref<!tpu.dma_semaphore, #tpu.memory_space<semaphore_mem>>
      %dma_start3A_158 = arith.constant 0 : i32
      %dma_start3A_159 = arith.constant 0 : i32
      %dma_start3A_160 = tpu.memref_slice %arg3[%add3A, %dma_start3A_158, %dma_start3A_159] : memref<32x104x128xi32, #tpu.memory_space<hbm>> -> memref<1x104x128xi32, #tpu.memory_space<hbm>>
      %dma_start3A_161 = tpu.memref_squeeze %dma_start3A_160 : memref<1x104x128xi32, #tpu.memory_space<hbm>> -> memref<104x128xi32, #tpu.memory_space<hbm>>
      %dma_start3A_162 = arith.constant 0 : i32
      %dma_start3A_163 = arith.constant 0 : i32
      %dma_start3A_164 = tpu.memref_slice %arg3[%add3A, %dma_start3A_162, %dma_start3A_163] : memref<32x104x128xi32, #tpu.memory_space<hbm>> -> memref<1x104x128xi32, #tpu.memory_space<hbm>>
      %dma_start3A_165 = tpu.memref_squeeze %dma_start3A_164 : memref<1x104x128xi32, #tpu.memory_space<hbm>> -> memref<104x128xi32, #tpu.memory_space<hbm>>
      tpu.enqueue_dma source(%dma_start3A_165 : memref<104x128xi32, #tpu.memory_space<hbm>>) target(%arg8 : memref<104x128xi32, #tpu.memory_space<vmem>>) target_semaphore(%run_scoped3A_157 : memref<!tpu.dma_semaphore, #tpu.memory_space<semaphore_mem>>)
      %dma_wait3A = arith.constant 0 : i32
      %dma_wait3A_166 = arith.constant 0 : i32
      %dma_wait3A_167 = tpu.memref_slice %arg3[%add3A, %dma_wait3A, %dma_wait3A_166] : memref<32x104x128xi32, #tpu.memory_space<hbm>> -> memref<1x104x128xi32, #tpu.memory_space<hbm>>
      %dma_wait3A_168 = tpu.memref_squeeze %dma_wait3A_167 : memref<1x104x128xi32, #tpu.memory_space<hbm>> -> memref<104x128xi32, #tpu.memory_space<hbm>>
      %dma_wait3A_169 = arith.constant 0 : i32
      %dma_wait3A_170 = arith.constant 0 : i32
      %dma_wait3A_171 = tpu.memref_slice %arg3[%add3A, %dma_wait3A_169, %dma_wait3A_170] : memref<32x104x128xi32, #tpu.memory_space<hbm>> -> memref<1x104x128xi32, #tpu.memory_space<hbm>>
      %dma_wait3A_172 = tpu.memref_squeeze %dma_wait3A_171 : memref<1x104x128xi32, #tpu.memory_space<hbm>> -> memref<104x128xi32, #tpu.memory_space<hbm>>
      tpu.wait_dma2 semaphore(%run_scoped3A_157 : memref<!tpu.dma_semaphore, #tpu.memory_space<semaphore_mem>>) src(%dma_wait3A_172 : memref<104x128xi32, #tpu.memory_space<hbm>>) dst(%arg8 : memref<104x128xi32, #tpu.memory_space<vmem>>)
      tpu.yield
    }) : () -> ()
    "tpu.region"() ({
      %run_scoped3A_157 = tpu.sem_alloc : memref<!tpu.dma_semaphore, #tpu.memory_space<semaphore_mem>>
      %dma_start3A_158 = arith.constant 0 : i32
      %dma_start3A_159 = arith.constant 0 : i32
      %dma_start3A_160 = tpu.memref_slice %arg4[%add3A, %dma_start3A_158, %dma_start3A_159] : memref<32x104x128xi32, #tpu.memory_space<hbm>> -> memref<1x104x128xi32, #tpu.memory_space<hbm>>
      %dma_start3A_161 = tpu.memref_squeeze %dma_start3A_160 : memref<1x104x128xi32, #tpu.memory_space<hbm>> -> memref<104x128xi32, #tpu.memory_space<hbm>>
      %dma_start3A_162 = arith.constant 0 : i32
      %dma_start3A_163 = arith.constant 0 : i32
      %dma_start3A_164 = tpu.memref_slice %arg4[%add3A, %dma_start3A_162, %dma_start3A_163] : memref<32x104x128xi32, #tpu.memory_space<hbm>> -> memref<1x104x128xi32, #tpu.memory_space<hbm>>
      %dma_start3A_165 = tpu.memref_squeeze %dma_start3A_164 : memref<1x104x128xi32, #tpu.memory_space<hbm>> -> memref<104x128xi32, #tpu.memory_space<hbm>>
      tpu.enqueue_dma source(%dma_start3A_165 : memref<104x128xi32, #tpu.memory_space<hbm>>) target(%arg9 : memref<104x128xi32, #tpu.memory_space<vmem>>) target_semaphore(%run_scoped3A_157 : memref<!tpu.dma_semaphore, #tpu.memory_space<semaphore_mem>>)
      %dma_wait3A = arith.constant 0 : i32
      %dma_wait3A_166 = arith.constant 0 : i32
      %dma_wait3A_167 = tpu.memref_slice %arg4[%add3A, %dma_wait3A, %dma_wait3A_166] : memref<32x104x128xi32, #tpu.memory_space<hbm>> -> memref<1x104x128xi32, #tpu.memory_space<hbm>>
      %dma_wait3A_168 = tpu.memref_squeeze %dma_wait3A_167 : memref<1x104x128xi32, #tpu.memory_space<hbm>> -> memref<104x128xi32, #tpu.memory_space<hbm>>
      %dma_wait3A_169 = arith.constant 0 : i32
      %dma_wait3A_170 = arith.constant 0 : i32
      %dma_wait3A_171 = tpu.memref_slice %arg4[%add3A, %dma_wait3A_169, %dma_wait3A_170] : memref<32x104x128xi32, #tpu.memory_space<hbm>> -> memref<1x104x128xi32, #tpu.memory_space<hbm>>
      %dma_wait3A_172 = tpu.memref_squeeze %dma_wait3A_171 : memref<1x104x128xi32, #tpu.memory_space<hbm>> -> memref<104x128xi32, #tpu.memory_space<hbm>>
      tpu.wait_dma2 semaphore(%run_scoped3A_157 : memref<!tpu.dma_semaphore, #tpu.memory_space<semaphore_mem>>) src(%dma_wait3A_172 : memref<104x128xi32, #tpu.memory_space<hbm>>) dst(%arg9 : memref<104x128xi32, #tpu.memory_space<vmem>>)
      tpu.yield
    }) : () -> ()
    %dma_start3A = arith.constant 0 : i32
    %dma_start3A_138 = arith.constant 0 : i32
    %dma_start3A_139 = tpu.memref_slice %arg8[%dma_start3A, %dma_start3A_138] : memref<104x128xi32, #tpu.memory_space<vmem>> -> memref<1x128xi32, #tpu.memory_space<vmem>>
    %dma_start3A_140 = tpu.memref_squeeze %dma_start3A_139 : memref<1x128xi32, #tpu.memory_space<vmem>> -> memref<128xi32, #tpu.memory_space<vmem>>
    %dma_start3A_141 = arith.constant 0 : i32
    %dma_start3A_142 = arith.constant 0 : i32
    %dma_start3A_143 = tpu.memref_slice %arg2[%dma_start3A_141, %dma_start3A_142] : memref<10240x128xf32, #tpu.memory_space<hbm>> -> memref<10240x128xf32, #tpu.memory_space<hbm>>
    tpu.enqueue_indirect_dma source(%dma_start3A_143 : memref<10240x128xf32, #tpu.memory_space<hbm>>) target(%arg10 : memref<128x128xf32, #tpu.memory_space<vmem>>) offsets(%dma_start3A_140 : memref<128xi32, #tpu.memory_space<vmem>>) semaphore(%arg12 : memref<!tpu.dma_semaphore, #tpu.memory_space<semaphore_mem>>)
    %while3A = arith.constant 0 : i32
    %while3A_144 = arith.constant 0 : i32
    %while3A_145 = arith.subi %select_n3A, %while3A_144 : i32
    %while3A_146 = arith.addi %while3A_144, %while3A_145 : i32
    %while3A_147 = arith.constant 1 : i32
    %while3A_148 = arith.divsi %while3A_145, %while3A_147 : i32
    %while3A_149 = arith.muli %while3A_148, %while3A_147 : i32
    %while3A_150 = arith.addi %while3A_144, %while3A_149 : i32
    %while3A_151 = arith.constant 1 : i32
    scf.for %while3A_157 = %while3A_144 to %while3A_150 step %while3A_151  : i32 {
      %dma_wait3A = arith.constant 0 : i32
      %dma_wait3A_158 = tpu.memref_slice %arg8[%while3A_157, %dma_wait3A] : memref<104x128xi32, #tpu.memory_space<vmem>> -> memref<1x128xi32, #tpu.memory_space<vmem>>
      %dma_wait3A_159 = tpu.memref_squeeze %dma_wait3A_158 : memref<1x128xi32, #tpu.memory_space<vmem>> -> memref<128xi32, #tpu.memory_space<vmem>>
      %dma_wait3A_160 = arith.constant 0 : i32
      %dma_wait3A_161 = arith.constant 0 : i32
      %dma_wait3A_162 = tpu.memref_slice %arg2[%dma_wait3A_160, %dma_wait3A_161] : memref<10240x128xf32, #tpu.memory_space<hbm>> -> memref<10240x128xf32, #tpu.memory_space<hbm>>
      tpu.wait_indirect_dma semaphore(%arg12 : memref<!tpu.dma_semaphore, #tpu.memory_space<semaphore_mem>>) src(%dma_wait3A_162 : memref<10240x128xf32, #tpu.memory_space<hbm>>) dst(%arg10 : memref<128x128xf32, #tpu.memory_space<vmem>>)
      "tpu.region"() ({
        %run_scoped3A_166 = tpu.sem_alloc : memref<!tpu.dma_semaphore, #tpu.memory_space<semaphore_mem>>
        %dma_start3A_167 = arith.constant 0 : i32
        %dma_start3A_168 = tpu.memref_slice %arg9[%while3A_157, %dma_start3A_167] : memref<104x128xi32, #tpu.memory_space<vmem>> -> memref<1x128xi32, #tpu.memory_space<vmem>>
        %dma_start3A_169 = tpu.memref_squeeze %dma_start3A_168 : memref<1x128xi32, #tpu.memory_space<vmem>> -> memref<128xi32, #tpu.memory_space<vmem>>
        %dma_start3A_170 = arith.constant 0 : i32
        %dma_start3A_171 = arith.constant 0 : i32
        %dma_start3A_172 = tpu.memref_slice %arg7[%dma_start3A_170, %dma_start3A_171] : memref<10240x128xf32, #tpu.memory_space<vmem_shared>> -> memref<10240x128xf32, #tpu.memory_space<vmem_shared>>
        tpu.enqueue_indirect_dma source(%arg10 : memref<128x128xf32, #tpu.memory_space<vmem>>) target(%dma_start3A_172 : memref<10240x128xf32, #tpu.memory_space<vmem_shared>>) offsets(%dma_start3A_169 : memref<128xi32, #tpu.memory_space<vmem>>) semaphore(%run_scoped3A_166 : memref<!tpu.dma_semaphore, #tpu.memory_space<semaphore_mem>>) {add = true}
        %dma_wait3A_173 = arith.constant 0 : i32
        %dma_wait3A_174 = tpu.memref_slice %arg9[%while3A_157, %dma_wait3A_173] : memref<104x128xi32, #tpu.memory_space<vmem>> -> memref<1x128xi32, #tpu.memory_space<vmem>>
        %dma_wait3A_175 = tpu.memref_squeeze %dma_wait3A_174 : memref<1x128xi32, #tpu.memory_space<vmem>> -> memref<128xi32, #tpu.memory_space<vmem>>
        %dma_wait3A_176 = arith.constant 0 : i32
        %dma_wait3A_177 = arith.constant 0 : i32
        %dma_wait3A_178 = tpu.memref_slice %arg7[%dma_wait3A_176, %dma_wait3A_177] : memref<10240x128xf32, #tpu.memory_space<vmem_shared>> -> memref<10240x128xf32, #tpu.memory_space<vmem_shared>>
        tpu.wait_indirect_dma semaphore(%run_scoped3A_166 : memref<!tpu.dma_semaphore, #tpu.memory_space<semaphore_mem>>) src(%arg10 : memref<128x128xf32, #tpu.memory_space<vmem>>) dst(%dma_wait3A_178 : memref<10240x128xf32, #tpu.memory_space<vmem_shared>>)
        tpu.yield
      }) : () -> ()
      %add3A_163 = arith.constant 1 : i32
      %add3A_164 = arith.addi %while3A_157, %add3A_163 : i32
      %lt3A = arith.cmpi slt, %add3A_164, %select_n3A : i32
      %convert_element_type3A = arith.extui %lt3A : i1 to i32
      %cond3A = arith.constant 0 : i32
      %cond3A_165 = arith.cmpi ne, %convert_element_type3A, %cond3A : i32
      scf.if %cond3A_165 {
        %add3A_166 = arith.constant 1 : i32
        %add3A_167 = arith.addi %while3A_157, %add3A_166 : i32
        %dma_start3A_168 = arith.constant 0 : i32
        %dma_start3A_169 = tpu.memref_slice %arg8[%add3A_167, %dma_start3A_168] : memref<104x128xi32, #tpu.memory_space<vmem>> -> memref<1x128xi32, #tpu.memory_space<vmem>>
        %dma_start3A_170 = tpu.memref_squeeze %dma_start3A_169 : memref<1x128xi32, #tpu.memory_space<vmem>> -> memref<128xi32, #tpu.memory_space<vmem>>
        %dma_start3A_171 = arith.constant 0 : i32
        %dma_start3A_172 = arith.constant 0 : i32
        %dma_start3A_173 = tpu.memref_slice %arg2[%dma_start3A_171, %dma_start3A_172] : memref<10240x128xf32, #tpu.memory_space<hbm>> -> memref<10240x128xf32, #tpu.memory_space<hbm>>
        tpu.enqueue_indirect_dma source(%dma_start3A_173 : memref<10240x128xf32, #tpu.memory_space<hbm>>) target(%arg10 : memref<128x128xf32, #tpu.memory_space<vmem>>) offsets(%dma_start3A_170 : memref<128xi32, #tpu.memory_space<vmem>>) semaphore(%arg12 : memref<!tpu.dma_semaphore, #tpu.memory_space<semaphore_mem>>)
      } else {
      }
      "tpu.region"() ({
        %run_scoped3A_166 = tpu.sem_alloc : memref<!tpu.dma_semaphore, #tpu.memory_space<semaphore_mem>>
        %dma_start3A_167 = arith.constant 0 : i32
        %dma_start3A_168 = tpu.memref_slice %arg9[%while3A_157, %dma_start3A_167] : memref<104x128xi32, #tpu.memory_space<vmem>> -> memref<1x128xi32, #tpu.memory_space<vmem>>
        %dma_start3A_169 = tpu.memref_squeeze %dma_start3A_168 : memref<1x128xi32, #tpu.memory_space<vmem>> -> memref<128xi32, #tpu.memory_space<vmem>>
        %dma_start3A_170 = arith.constant 0 : i32
        %dma_start3A_171 = tpu.memref_slice %arg13[%dma_start3A_170] : memref<10240xf32, #tpu.memory_space<vmem_shared>> -> memref<10240xf32, #tpu.memory_space<vmem_shared>>
        tpu.enqueue_indirect_dma source(%arg14 : memref<128xf32, #tpu.memory_space<vmem>>) target(%dma_start3A_171 : memref<10240xf32, #tpu.memory_space<vmem_shared>>) offsets(%dma_start3A_169 : memref<128xi32, #tpu.memory_space<vmem>>) semaphore(%run_scoped3A_166 : memref<!tpu.dma_semaphore, #tpu.memory_space<semaphore_mem>>) {add = true}
        %dma_wait3A_172 = arith.constant 0 : i32
        %dma_wait3A_173 = tpu.memref_slice %arg9[%while3A_157, %dma_wait3A_172] : memref<104x128xi32, #tpu.memory_space<vmem>> -> memref<1x128xi32, #tpu.memory_space<vmem>>
        %dma_wait3A_174 = tpu.memref_squeeze %dma_wait3A_173 : memref<1x128xi32, #tpu.memory_space<vmem>> -> memref<128xi32, #tpu.memory_space<vmem>>
        %dma_wait3A_175 = arith.constant 0 : i32
        %dma_wait3A_176 = tpu.memref_slice %arg13[%dma_wait3A_175] : memref<10240xf32, #tpu.memory_space<vmem_shared>> -> memref<10240xf32, #tpu.memory_space<vmem_shared>>
        tpu.wait_indirect_dma semaphore(%run_scoped3A_166 : memref<!tpu.dma_semaphore, #tpu.memory_space<semaphore_mem>>) src(%arg14 : memref<128xf32, #tpu.memory_space<vmem>>) dst(%dma_wait3A_176 : memref<10240xf32, #tpu.memory_space<vmem_shared>>)
        tpu.yield
      }) : () -> ()
    }
    %while3A_152 = arith.constant 1 : i32
    scf.for %while3A_157 = %while3A_150 to %while3A_146 step %while3A_152  : i32 {
      %dma_wait3A = arith.constant 0 : i32
      %dma_wait3A_158 = tpu.memref_slice %arg8[%while3A_157, %dma_wait3A] : memref<104x128xi32, #tpu.memory_space<vmem>> -> memref<1x128xi32, #tpu.memory_space<vmem>>
      %dma_wait3A_159 = tpu.memref_squeeze %dma_wait3A_158 : memref<1x128xi32, #tpu.memory_space<vmem>> -> memref<128xi32, #tpu.memory_space<vmem>>
      %dma_wait3A_160 = arith.constant 0 : i32
      %dma_wait3A_161 = arith.constant 0 : i32
      %dma_wait3A_162 = tpu.memref_slice %arg2[%dma_wait3A_160, %dma_wait3A_161] : memref<10240x128xf32, #tpu.memory_space<hbm>> -> memref<10240x128xf32, #tpu.memory_space<hbm>>
      tpu.wait_indirect_dma semaphore(%arg12 : memref<!tpu.dma_semaphore, #tpu.memory_space<semaphore_mem>>) src(%dma_wait3A_162 : memref<10240x128xf32, #tpu.memory_space<hbm>>) dst(%arg10 : memref<128x128xf32, #tpu.memory_space<vmem>>)
      "tpu.region"() ({
        %run_scoped3A_166 = tpu.sem_alloc : memref<!tpu.dma_semaphore, #tpu.memory_space<semaphore_mem>>
        %dma_start3A_167 = arith.constant 0 : i32
        %dma_start3A_168 = tpu.memref_slice %arg9[%while3A_157, %dma_start3A_167] : memref<104x128xi32, #tpu.memory_space<vmem>> -> memref<1x128xi32, #tpu.memory_space<vmem>>
        %dma_start3A_169 = tpu.memref_squeeze %dma_start3A_168 : memref<1x128xi32, #tpu.memory_space<vmem>> -> memref<128xi32, #tpu.memory_space<vmem>>
        %dma_start3A_170 = arith.constant 0 : i32
        %dma_start3A_171 = arith.constant 0 : i32
        %dma_start3A_172 = tpu.memref_slice %arg7[%dma_start3A_170, %dma_start3A_171] : memref<10240x128xf32, #tpu.memory_space<vmem_shared>> -> memref<10240x128xf32, #tpu.memory_space<vmem_shared>>
        tpu.enqueue_indirect_dma source(%arg10 : memref<128x128xf32, #tpu.memory_space<vmem>>) target(%dma_start3A_172 : memref<10240x128xf32, #tpu.memory_space<vmem_shared>>) offsets(%dma_start3A_169 : memref<128xi32, #tpu.memory_space<vmem>>) semaphore(%run_scoped3A_166 : memref<!tpu.dma_semaphore, #tpu.memory_space<semaphore_mem>>) {add = true}
        %dma_wait3A_173 = arith.constant 0 : i32
        %dma_wait3A_174 = tpu.memref_slice %arg9[%while3A_157, %dma_wait3A_173] : memref<104x128xi32, #tpu.memory_space<vmem>> -> memref<1x128xi32, #tpu.memory_space<vmem>>
        %dma_wait3A_175 = tpu.memref_squeeze %dma_wait3A_174 : memref<1x128xi32, #tpu.memory_space<vmem>> -> memref<128xi32, #tpu.memory_space<vmem>>
        %dma_wait3A_176 = arith.constant 0 : i32
        %dma_wait3A_177 = arith.constant 0 : i32
        %dma_wait3A_178 = tpu.memref_slice %arg7[%dma_wait3A_176, %dma_wait3A_177] : memref<10240x128xf32, #tpu.memory_space<vmem_shared>> -> memref<10240x128xf32, #tpu.memory_space<vmem_shared>>
        tpu.wait_indirect_dma semaphore(%run_scoped3A_166 : memref<!tpu.dma_semaphore, #tpu.memory_space<semaphore_mem>>) src(%arg10 : memref<128x128xf32, #tpu.memory_space<vmem>>) dst(%dma_wait3A_178 : memref<10240x128xf32, #tpu.memory_space<vmem_shared>>)
        tpu.yield
      }) : () -> ()
      %add3A_163 = arith.constant 1 : i32
      %add3A_164 = arith.addi %while3A_157, %add3A_163 : i32
      %lt3A = arith.cmpi slt, %add3A_164, %select_n3A : i32
      %convert_element_type3A = arith.extui %lt3A : i1 to i32
      %cond3A = arith.constant 0 : i32
      %cond3A_165 = arith.cmpi ne, %convert_element_type3A, %cond3A : i32
      scf.if %cond3A_165 {
        %add3A_166 = arith.constant 1 : i32
        %add3A_167 = arith.addi %while3A_157, %add3A_166 : i32
        %dma_start3A_168 = arith.constant 0 : i32
        %dma_start3A_169 = tpu.memref_slice %arg8[%add3A_167, %dma_start3A_168] : memref<104x128xi32, #tpu.memory_space<vmem>> -> memref<1x128xi32, #tpu.memory_space<vmem>>
        %dma_start3A_170 = tpu.memref_squeeze %dma_start3A_169 : memref<1x128xi32, #tpu.memory_space<vmem>> -> memref<128xi32, #tpu.memory_space<vmem>>
        %dma_start3A_171 = arith.constant 0 : i32
        %dma_start3A_172 = arith.constant 0 : i32
        %dma_start3A_173 = tpu.memref_slice %arg2[%dma_start3A_171, %dma_start3A_172] : memref<10240x128xf32, #tpu.memory_space<hbm>> -> memref<10240x128xf32, #tpu.memory_space<hbm>>
        tpu.enqueue_indirect_dma source(%dma_start3A_173 : memref<10240x128xf32, #tpu.memory_space<hbm>>) target(%arg10 : memref<128x128xf32, #tpu.memory_space<vmem>>) offsets(%dma_start3A_170 : memref<128xi32, #tpu.memory_space<vmem>>) semaphore(%arg12 : memref<!tpu.dma_semaphore, #tpu.memory_space<semaphore_mem>>)
      } else {
      }
      "tpu.region"() ({
        %run_scoped3A_166 = tpu.sem_alloc : memref<!tpu.dma_semaphore, #tpu.memory_space<semaphore_mem>>
        %dma_start3A_167 = arith.constant 0 : i32
        %dma_start3A_168 = tpu.memref_slice %arg9[%while3A_157, %dma_start3A_167] : memref<104x128xi32, #tpu.memory_space<vmem>> -> memref<1x128xi32, #tpu.memory_space<vmem>>
        %dma_start3A_169 = tpu.memref_squeeze %dma_start3A_168 : memref<1x128xi32, #tpu.memory_space<vmem>> -> memref<128xi32, #tpu.memory_space<vmem>>
        %dma_start3A_170 = arith.constant 0 : i32
        %dma_start3A_171 = tpu.memref_slice %arg13[%dma_start3A_170] : memref<10240xf32, #tpu.memory_space<vmem_shared>> -> memref<10240xf32, #tpu.memory_space<vmem_shared>>
        tpu.enqueue_indirect_dma source(%arg14 : memref<128xf32, #tpu.memory_space<vmem>>) target(%dma_start3A_171 : memref<10240xf32, #tpu.memory_space<vmem_shared>>) offsets(%dma_start3A_169 : memref<128xi32, #tpu.memory_space<vmem>>) semaphore(%run_scoped3A_166 : memref<!tpu.dma_semaphore, #tpu.memory_space<semaphore_mem>>) {add = true}
        %dma_wait3A_172 = arith.constant 0 : i32
        %dma_wait3A_173 = tpu.memref_slice %arg9[%while3A_157, %dma_wait3A_172] : memref<104x128xi32, #tpu.memory_space<vmem>> -> memref<1x128xi32, #tpu.memory_space<vmem>>
        %dma_wait3A_174 = tpu.memref_squeeze %dma_wait3A_173 : memref<1x128xi32, #tpu.memory_space<vmem>> -> memref<128xi32, #tpu.memory_space<vmem>>
        %dma_wait3A_175 = arith.constant 0 : i32
        %dma_wait3A_176 = tpu.memref_slice %arg13[%dma_wait3A_175] : memref<10240xf32, #tpu.memory_space<vmem_shared>> -> memref<10240xf32, #tpu.memory_space<vmem_shared>>
        tpu.wait_indirect_dma semaphore(%run_scoped3A_166 : memref<!tpu.dma_semaphore, #tpu.memory_space<semaphore_mem>>) src(%arg14 : memref<128xf32, #tpu.memory_space<vmem>>) dst(%dma_wait3A_176 : memref<10240xf32, #tpu.memory_space<vmem_shared>>)
        tpu.yield
      }) : () -> ()
    }
    "tpu.trace_stop"() : () -> ()
    %barrier3A_153 = arith.constant 0 : index
    tpu.barrier barrier_id(%barrier3A_153)
    "tpu.trace_start"() <{level = 10 : i32, message = "writeout"}> : () -> ()
    "tpu.region"() ({
      %run_scoped3A_157 = tpu.sem_alloc : memref<!tpu.dma_semaphore, #tpu.memory_space<semaphore_mem>>
      %dma_start3A_158 = arith.constant 0 : i32
      %dma_start3A_159 = tpu.memref_slice %arg5[%arg0, %mul3A_2, %dma_start3A_158] : memref<2x10240x128xf32, #tpu.memory_space<hbm>> -> memref<1x640x128xf32, #tpu.memory_space<hbm>>
      %dma_start3A_160 = tpu.memref_squeeze %dma_start3A_159 : memref<1x640x128xf32, #tpu.memory_space<hbm>> -> memref<640x128xf32, #tpu.memory_space<hbm>>
      %dma_start3A_161 = arith.constant 0 : i32
      %dma_start3A_162 = tpu.memref_slice %arg7[%mul3A_2, %dma_start3A_161] : memref<10240x128xf32, #tpu.memory_space<vmem_shared>> -> memref<640x128xf32, #tpu.memory_space<vmem_shared>>
      tpu.enqueue_dma source(%dma_start3A_162 : memref<640x128xf32, #tpu.memory_space<vmem_shared>>) target(%dma_start3A_160 : memref<640x128xf32, #tpu.memory_space<hbm>>) target_semaphore(%run_scoped3A_157 : memref<!tpu.dma_semaphore, #tpu.memory_space<semaphore_mem>>)
      %dma_wait3A = arith.constant 0 : i32
      %dma_wait3A_163 = tpu.memref_slice %arg5[%arg0, %mul3A_2, %dma_wait3A] : memref<2x10240x128xf32, #tpu.memory_space<hbm>> -> memref<1x640x128xf32, #tpu.memory_space<hbm>>
      %dma_wait3A_164 = tpu.memref_squeeze %dma_wait3A_163 : memref<1x640x128xf32, #tpu.memory_space<hbm>> -> memref<640x128xf32, #tpu.memory_space<hbm>>
      %dma_wait3A_165 = arith.constant 0 : i32
      %dma_wait3A_166 = tpu.memref_slice %arg7[%mul3A_2, %dma_wait3A_165] : memref<10240x128xf32, #tpu.memory_space<vmem_shared>> -> memref<640x128xf32, #tpu.memory_space<vmem_shared>>
      tpu.wait_dma2 semaphore(%run_scoped3A_157 : memref<!tpu.dma_semaphore, #tpu.memory_space<semaphore_mem>>) src(%dma_wait3A_166 : memref<640x128xf32, #tpu.memory_space<vmem_shared>>) dst(%dma_wait3A_164 : memref<640x128xf32, #tpu.memory_space<hbm>>)
      tpu.yield
    }) : () -> ()
    %mul3A_154 = arith.constant 10240 : i32
    %mul3A_155 = arith.muli %arg0, %mul3A_154 : i32
    %add3A_156 = arith.addi %mul3A_155, %mul3A_2 : i32
    "tpu.region"() ({
      %run_scoped3A_157 = tpu.sem_alloc : memref<!tpu.dma_semaphore, #tpu.memory_space<semaphore_mem>>
      %dma_start3A_158 = tpu.memref_slice %arg6[%add3A_156] : memref<20480xf32, #tpu.memory_space<hbm>> -> memref<640xf32, #tpu.memory_space<hbm>>
      %dma_start3A_159 = tpu.memref_slice %arg13[%mul3A_2] : memref<10240xf32, #tpu.memory_space<vmem_shared>> -> memref<640xf32, #tpu.memory_space<vmem_shared>>
      tpu.enqueue_dma source(%dma_start3A_159 : memref<640xf32, #tpu.memory_space<vmem_shared>>) target(%dma_start3A_158 : memref<640xf32, #tpu.memory_space<hbm>>) target_semaphore(%run_scoped3A_157 : memref<!tpu.dma_semaphore, #tpu.memory_space<semaphore_mem>>)
      %dma_wait3A = tpu.memref_slice %arg6[%add3A_156] : memref<20480xf32, #tpu.memory_space<hbm>> -> memref<640xf32, #tpu.memory_space<hbm>>
      %dma_wait3A_160 = tpu.memref_slice %arg13[%mul3A_2] : memref<10240xf32, #tpu.memory_space<vmem_shared>> -> memref<640xf32, #tpu.memory_space<vmem_shared>>
      tpu.wait_dma2 semaphore(%run_scoped3A_157 : memref<!tpu.dma_semaphore, #tpu.memory_space<semaphore_mem>>) src(%dma_wait3A_160 : memref<640xf32, #tpu.memory_space<vmem_shared>>) dst(%dma_wait3A : memref<640xf32, #tpu.memory_space<hbm>>)
      tpu.yield
    }) : () -> ()
    "tpu.trace_stop"() : () -> ()
    return
  }
}

#map = affine_map<(d0, d1) -> (0, 0)>
#map1 = affine_map<(d0, d1) -> (0, 0, 0)>
module attributes {stable_mosaic.version = 14 : i64} {
  func.func @body(%arg0: i32, %arg1: i32, %arg2: memref<10240x128xf32, #tpu.memory_space<hbm>>, %arg3: memref<32x104x128xi32, #tpu.memory_space<hbm>>, %arg4: memref<32x104x128xi32, #tpu.memory_space<hbm>>, %arg5: memref<2x10240x128xf32, #tpu.memory_space<hbm>>, %arg6: memref<10240x128xf32, #tpu.memory_space<vmem_shared>>, %arg7: memref<104x128xi32, #tpu.memory_space<vmem>>, %arg8: memref<104x128xi32, #tpu.memory_space<vmem>>, %arg9: memref<128x128xf32, #tpu.memory_space<vmem>>, %arg10: memref<16x128xf32, #tpu.memory_space<vmem>>, %arg11: memref<!tpu.dma_semaphore, #tpu.memory_space<semaphore_mem>>) attributes {dimension_semantics = [#tpu.dimension_semantics<core_parallel>, #tpu.dimension_semantics<subcore_parallel>], iteration_bounds = array<i64: 2, 16>, scalar_prefetch = 0 : i64, scratch_operands = 6 : i64, tpu.core_type = #tpu.core_type<sc_vector_subcore>, window_params = [{transform_indices = #map}, {transform_indices = #map1}, {transform_indices = #map1}, {transform_indices = #map1}]} {
    %mul3A = arith.constant 16 : i32
    %mul3A_0 = arith.muli %arg0, %mul3A : i32
    %add3A = arith.addi %mul3A_0, %arg1 : i32
    %mul3A_1 = arith.constant 640 : i32
    %mul3A_2 = arith.muli %arg1, %mul3A_1 : i32
    %eq3A = arith.constant 0 : i32
    %eq3A_3 = arith.cmpi eq, %arg0, %eq3A : i32
    %jit3A = arith.constant 53 : i32
    %jit3A_4 = arith.constant 104 : i32
    %select_n3A = arith.select %eq3A_3, %jit3A, %jit3A_4 : i32
    %broadcast_in_dim3A = arith.constant 0.000000e+00 : f32
    "tpu.trace_start"() <{level = 10 : i32, message = "zero"}> : () -> ()
    %broadcast_in_dim3A_5 = vector.broadcast %broadcast_in_dim3A : f32 to vector<16xf32>
    %scan3A = arith.constant 0 : i32
    %scan3A_6 = arith.constant 0 : i32
    %scan3A_7 = arith.constant 16 : i32
    %scan3A_8 = arith.addi %scan3A_6, %scan3A_7 : i32
    %scan3A_9 = arith.constant 1 : i32
    scf.for %scan3A_107 = %scan3A_6 to %scan3A_8 step %scan3A_9  : i32 {
      %swap3A = arith.index_cast %scan3A_107 : i32 to index
      %swap3A_108 = arith.constant 0 : index
      %swap3A_109 = tpu.vector_load %arg10[%swap3A, %swap3A_108] {strides = array<i32>} : memref<16x128xf32, #tpu.memory_space<vmem>>, vector<1x16xf32>,
      %swap3A_110 = vector.shape_cast %swap3A_109 : vector<1x16xf32> to vector<16xf32>
      %swap3A_111 = vector.shape_cast %broadcast_in_dim3A_5 : vector<16xf32> to vector<1x16xf32>
      tpu.vector_store %arg10[%swap3A, %swap3A_108], %swap3A_111 {strides = array<i32>} : memref<16x128xf32, #tpu.memory_space<vmem>>, vector<1x16xf32>,
      %swap3A_112 = arith.index_cast %scan3A_107 : i32 to index
      %swap3A_113 = arith.constant 16 : index
      %swap3A_114 = tpu.vector_load %arg10[%swap3A_112, %swap3A_113] {strides = array<i32>} : memref<16x128xf32, #tpu.memory_space<vmem>>, vector<1x16xf32>,
      %swap3A_115 = vector.shape_cast %swap3A_114 : vector<1x16xf32> to vector<16xf32>
      %swap3A_116 = vector.shape_cast %broadcast_in_dim3A_5 : vector<16xf32> to vector<1x16xf32>
      tpu.vector_store %arg10[%swap3A_112, %swap3A_113], %swap3A_116 {strides = array<i32>} : memref<16x128xf32, #tpu.memory_space<vmem>>, vector<1x16xf32>,
      %swap3A_117 = arith.index_cast %scan3A_107 : i32 to index
      %swap3A_118 = arith.constant 32 : index
      %swap3A_119 = tpu.vector_load %arg10[%swap3A_117, %swap3A_118] {strides = array<i32>} : memref<16x128xf32, #tpu.memory_space<vmem>>, vector<1x16xf32>,
      %swap3A_120 = vector.shape_cast %swap3A_119 : vector<1x16xf32> to vector<16xf32>
      %swap3A_121 = vector.shape_cast %broadcast_in_dim3A_5 : vector<16xf32> to vector<1x16xf32>
      tpu.vector_store %arg10[%swap3A_117, %swap3A_118], %swap3A_121 {strides = array<i32>} : memref<16x128xf32, #tpu.memory_space<vmem>>, vector<1x16xf32>,
      %swap3A_122 = arith.index_cast %scan3A_107 : i32 to index
      %swap3A_123 = arith.constant 48 : index
      %swap3A_124 = tpu.vector_load %arg10[%swap3A_122, %swap3A_123] {strides = array<i32>} : memref<16x128xf32, #tpu.memory_space<vmem>>, vector<1x16xf32>,
      %swap3A_125 = vector.shape_cast %swap3A_124 : vector<1x16xf32> to vector<16xf32>
      %swap3A_126 = vector.shape_cast %broadcast_in_dim3A_5 : vector<16xf32> to vector<1x16xf32>
      tpu.vector_store %arg10[%swap3A_122, %swap3A_123], %swap3A_126 {strides = array<i32>} : memref<16x128xf32, #tpu.memory_space<vmem>>, vector<1x16xf32>,
      %swap3A_127 = arith.index_cast %scan3A_107 : i32 to index
      %swap3A_128 = arith.constant 64 : index
      %swap3A_129 = tpu.vector_load %arg10[%swap3A_127, %swap3A_128] {strides = array<i32>} : memref<16x128xf32, #tpu.memory_space<vmem>>, vector<1x16xf32>,
      %swap3A_130 = vector.shape_cast %swap3A_129 : vector<1x16xf32> to vector<16xf32>
      %swap3A_131 = vector.shape_cast %broadcast_in_dim3A_5 : vector<16xf32> to vector<1x16xf32>
      tpu.vector_store %arg10[%swap3A_127, %swap3A_128], %swap3A_131 {strides = array<i32>} : memref<16x128xf32, #tpu.memory_space<vmem>>, vector<1x16xf32>,
      %swap3A_132 = arith.index_cast %scan3A_107 : i32 to index
      %swap3A_133 = arith.constant 80 : index
      %swap3A_134 = tpu.vector_load %arg10[%swap3A_132, %swap3A_133] {strides = array<i32>} : memref<16x128xf32, #tpu.memory_space<vmem>>, vector<1x16xf32>,
      %swap3A_135 = vector.shape_cast %swap3A_134 : vector<1x16xf32> to vector<16xf32>
      %swap3A_136 = vector.shape_cast %broadcast_in_dim3A_5 : vector<16xf32> to vector<1x16xf32>
      tpu.vector_store %arg10[%swap3A_132, %swap3A_133], %swap3A_136 {strides = array<i32>} : memref<16x128xf32, #tpu.memory_space<vmem>>, vector<1x16xf32>,
      %swap3A_137 = arith.index_cast %scan3A_107 : i32 to index
      %swap3A_138 = arith.constant 96 : index
      %swap3A_139 = tpu.vector_load %arg10[%swap3A_137, %swap3A_138] {strides = array<i32>} : memref<16x128xf32, #tpu.memory_space<vmem>>, vector<1x16xf32>,
      %swap3A_140 = vector.shape_cast %swap3A_139 : vector<1x16xf32> to vector<16xf32>
      %swap3A_141 = vector.shape_cast %broadcast_in_dim3A_5 : vector<16xf32> to vector<1x16xf32>
      tpu.vector_store %arg10[%swap3A_137, %swap3A_138], %swap3A_141 {strides = array<i32>} : memref<16x128xf32, #tpu.memory_space<vmem>>, vector<1x16xf32>,
      %swap3A_142 = arith.index_cast %scan3A_107 : i32 to index
      %swap3A_143 = arith.constant 112 : index
      %swap3A_144 = tpu.vector_load %arg10[%swap3A_142, %swap3A_143] {strides = array<i32>} : memref<16x128xf32, #tpu.memory_space<vmem>>, vector<1x16xf32>,
      %swap3A_145 = vector.shape_cast %swap3A_144 : vector<1x16xf32> to vector<16xf32>
      %swap3A_146 = vector.shape_cast %broadcast_in_dim3A_5 : vector<16xf32> to vector<1x16xf32>
      tpu.vector_store %arg10[%swap3A_142, %swap3A_143], %swap3A_146 {strides = array<i32>} : memref<16x128xf32, #tpu.memory_space<vmem>>, vector<1x16xf32>,
    }
    %scan3A_10 = arith.constant 16 : i32
    %add3A_11 = arith.constant 0 : i32
    %add3A_12 = arith.addi %mul3A_2, %add3A_11 : i32
    "tpu.region"() ({
      %run_scoped3A = tpu.sem_alloc : memref<!tpu.dma_semaphore, #tpu.memory_space<semaphore_mem>>
      %dma_start3A_107 = arith.constant 0 : i32
      %dma_start3A_108 = tpu.memref_slice %arg6[%add3A_12, %dma_start3A_107] : memref<10240x128xf32, #tpu.memory_space<vmem_shared>> -> memref<16x128xf32, #tpu.memory_space<vmem_shared>>
      %dma_start3A_109 = arith.constant 0 : i32
      %dma_start3A_110 = tpu.memref_slice %arg6[%add3A_12, %dma_start3A_109] : memref<10240x128xf32, #tpu.memory_space<vmem_shared>> -> memref<16x128xf32, #tpu.memory_space<vmem_shared>>
      tpu.enqueue_dma source(%arg10 : memref<16x128xf32, #tpu.memory_space<vmem>>) target(%dma_start3A_110 : memref<16x128xf32, #tpu.memory_space<vmem_shared>>) target_semaphore(%run_scoped3A : memref<!tpu.dma_semaphore, #tpu.memory_space<semaphore_mem>>)
      %dma_wait3A = arith.constant 0 : i32
      %dma_wait3A_111 = tpu.memref_slice %arg6[%add3A_12, %dma_wait3A] : memref<10240x128xf32, #tpu.memory_space<vmem_shared>> -> memref<16x128xf32, #tpu.memory_space<vmem_shared>>
      %dma_wait3A_112 = arith.constant 0 : i32
      %dma_wait3A_113 = tpu.memref_slice %arg6[%add3A_12, %dma_wait3A_112] : memref<10240x128xf32, #tpu.memory_space<vmem_shared>> -> memref<16x128xf32, #tpu.memory_space<vmem_shared>>
      tpu.wait_dma2 semaphore(%run_scoped3A : memref<!tpu.dma_semaphore, #tpu.memory_space<semaphore_mem>>) src(%arg10 : memref<16x128xf32, #tpu.memory_space<vmem>>) dst(%dma_wait3A_113 : memref<16x128xf32, #tpu.memory_space<vmem_shared>>)
      tpu.yield
    }) : () -> ()
    %add3A_13 = arith.constant 16 : i32
    %add3A_14 = arith.addi %mul3A_2, %add3A_13 : i32
    "tpu.region"() ({
      %run_scoped3A = tpu.sem_alloc : memref<!tpu.dma_semaphore, #tpu.memory_space<semaphore_mem>>
      %dma_start3A_107 = arith.constant 0 : i32
      %dma_start3A_108 = tpu.memref_slice %arg6[%add3A_14, %dma_start3A_107] : memref<10240x128xf32, #tpu.memory_space<vmem_shared>> -> memref<16x128xf32, #tpu.memory_space<vmem_shared>>
      %dma_start3A_109 = arith.constant 0 : i32
      %dma_start3A_110 = tpu.memref_slice %arg6[%add3A_14, %dma_start3A_109] : memref<10240x128xf32, #tpu.memory_space<vmem_shared>> -> memref<16x128xf32, #tpu.memory_space<vmem_shared>>
      tpu.enqueue_dma source(%arg10 : memref<16x128xf32, #tpu.memory_space<vmem>>) target(%dma_start3A_110 : memref<16x128xf32, #tpu.memory_space<vmem_shared>>) target_semaphore(%run_scoped3A : memref<!tpu.dma_semaphore, #tpu.memory_space<semaphore_mem>>)
      %dma_wait3A = arith.constant 0 : i32
      %dma_wait3A_111 = tpu.memref_slice %arg6[%add3A_14, %dma_wait3A] : memref<10240x128xf32, #tpu.memory_space<vmem_shared>> -> memref<16x128xf32, #tpu.memory_space<vmem_shared>>
      %dma_wait3A_112 = arith.constant 0 : i32
      %dma_wait3A_113 = tpu.memref_slice %arg6[%add3A_14, %dma_wait3A_112] : memref<10240x128xf32, #tpu.memory_space<vmem_shared>> -> memref<16x128xf32, #tpu.memory_space<vmem_shared>>
      tpu.wait_dma2 semaphore(%run_scoped3A : memref<!tpu.dma_semaphore, #tpu.memory_space<semaphore_mem>>) src(%arg10 : memref<16x128xf32, #tpu.memory_space<vmem>>) dst(%dma_wait3A_113 : memref<16x128xf32, #tpu.memory_space<vmem_shared>>)
      tpu.yield
    }) : () -> ()
    %add3A_15 = arith.constant 32 : i32
    %add3A_16 = arith.addi %mul3A_2, %add3A_15 : i32
    "tpu.region"() ({
      %run_scoped3A = tpu.sem_alloc : memref<!tpu.dma_semaphore, #tpu.memory_space<semaphore_mem>>
      %dma_start3A_107 = arith.constant 0 : i32
      %dma_start3A_108 = tpu.memref_slice %arg6[%add3A_16, %dma_start3A_107] : memref<10240x128xf32, #tpu.memory_space<vmem_shared>> -> memref<16x128xf32, #tpu.memory_space<vmem_shared>>
      %dma_start3A_109 = arith.constant 0 : i32
      %dma_start3A_110 = tpu.memref_slice %arg6[%add3A_16, %dma_start3A_109] : memref<10240x128xf32, #tpu.memory_space<vmem_shared>> -> memref<16x128xf32, #tpu.memory_space<vmem_shared>>
      tpu.enqueue_dma source(%arg10 : memref<16x128xf32, #tpu.memory_space<vmem>>) target(%dma_start3A_110 : memref<16x128xf32, #tpu.memory_space<vmem_shared>>) target_semaphore(%run_scoped3A : memref<!tpu.dma_semaphore, #tpu.memory_space<semaphore_mem>>)
      %dma_wait3A = arith.constant 0 : i32
      %dma_wait3A_111 = tpu.memref_slice %arg6[%add3A_16, %dma_wait3A] : memref<10240x128xf32, #tpu.memory_space<vmem_shared>> -> memref<16x128xf32, #tpu.memory_space<vmem_shared>>
      %dma_wait3A_112 = arith.constant 0 : i32
      %dma_wait3A_113 = tpu.memref_slice %arg6[%add3A_16, %dma_wait3A_112] : memref<10240x128xf32, #tpu.memory_space<vmem_shared>> -> memref<16x128xf32, #tpu.memory_space<vmem_shared>>
      tpu.wait_dma2 semaphore(%run_scoped3A : memref<!tpu.dma_semaphore, #tpu.memory_space<semaphore_mem>>) src(%arg10 : memref<16x128xf32, #tpu.memory_space<vmem>>) dst(%dma_wait3A_113 : memref<16x128xf32, #tpu.memory_space<vmem_shared>>)
      tpu.yield
    }) : () -> ()
    %add3A_17 = arith.constant 48 : i32
    %add3A_18 = arith.addi %mul3A_2, %add3A_17 : i32
    "tpu.region"() ({
      %run_scoped3A = tpu.sem_alloc : memref<!tpu.dma_semaphore, #tpu.memory_space<semaphore_mem>>
      %dma_start3A_107 = arith.constant 0 : i32
      %dma_start3A_108 = tpu.memref_slice %arg6[%add3A_18, %dma_start3A_107] : memref<10240x128xf32, #tpu.memory_space<vmem_shared>> -> memref<16x128xf32, #tpu.memory_space<vmem_shared>>
      %dma_start3A_109 = arith.constant 0 : i32
      %dma_start3A_110 = tpu.memref_slice %arg6[%add3A_18, %dma_start3A_109] : memref<10240x128xf32, #tpu.memory_space<vmem_shared>> -> memref<16x128xf32, #tpu.memory_space<vmem_shared>>
      tpu.enqueue_dma source(%arg10 : memref<16x128xf32, #tpu.memory_space<vmem>>) target(%dma_start3A_110 : memref<16x128xf32, #tpu.memory_space<vmem_shared>>) target_semaphore(%run_scoped3A : memref<!tpu.dma_semaphore, #tpu.memory_space<semaphore_mem>>)
      %dma_wait3A = arith.constant 0 : i32
      %dma_wait3A_111 = tpu.memref_slice %arg6[%add3A_18, %dma_wait3A] : memref<10240x128xf32, #tpu.memory_space<vmem_shared>> -> memref<16x128xf32, #tpu.memory_space<vmem_shared>>
      %dma_wait3A_112 = arith.constant 0 : i32
      %dma_wait3A_113 = tpu.memref_slice %arg6[%add3A_18, %dma_wait3A_112] : memref<10240x128xf32, #tpu.memory_space<vmem_shared>> -> memref<16x128xf32, #tpu.memory_space<vmem_shared>>
      tpu.wait_dma2 semaphore(%run_scoped3A : memref<!tpu.dma_semaphore, #tpu.memory_space<semaphore_mem>>) src(%arg10 : memref<16x128xf32, #tpu.memory_space<vmem>>) dst(%dma_wait3A_113 : memref<16x128xf32, #tpu.memory_space<vmem_shared>>)
      tpu.yield
    }) : () -> ()
    %add3A_19 = arith.constant 64 : i32
    %add3A_20 = arith.addi %mul3A_2, %add3A_19 : i32
    "tpu.region"() ({
      %run_scoped3A = tpu.sem_alloc : memref<!tpu.dma_semaphore, #tpu.memory_space<semaphore_mem>>
      %dma_start3A_107 = arith.constant 0 : i32
      %dma_start3A_108 = tpu.memref_slice %arg6[%add3A_20, %dma_start3A_107] : memref<10240x128xf32, #tpu.memory_space<vmem_shared>> -> memref<16x128xf32, #tpu.memory_space<vmem_shared>>
      %dma_start3A_109 = arith.constant 0 : i32
      %dma_start3A_110 = tpu.memref_slice %arg6[%add3A_20, %dma_start3A_109] : memref<10240x128xf32, #tpu.memory_space<vmem_shared>> -> memref<16x128xf32, #tpu.memory_space<vmem_shared>>
      tpu.enqueue_dma source(%arg10 : memref<16x128xf32, #tpu.memory_space<vmem>>) target(%dma_start3A_110 : memref<16x128xf32, #tpu.memory_space<vmem_shared>>) target_semaphore(%run_scoped3A : memref<!tpu.dma_semaphore, #tpu.memory_space<semaphore_mem>>)
      %dma_wait3A = arith.constant 0 : i32
      %dma_wait3A_111 = tpu.memref_slice %arg6[%add3A_20, %dma_wait3A] : memref<10240x128xf32, #tpu.memory_space<vmem_shared>> -> memref<16x128xf32, #tpu.memory_space<vmem_shared>>
      %dma_wait3A_112 = arith.constant 0 : i32
      %dma_wait3A_113 = tpu.memref_slice %arg6[%add3A_20, %dma_wait3A_112] : memref<10240x128xf32, #tpu.memory_space<vmem_shared>> -> memref<16x128xf32, #tpu.memory_space<vmem_shared>>
      tpu.wait_dma2 semaphore(%run_scoped3A : memref<!tpu.dma_semaphore, #tpu.memory_space<semaphore_mem>>) src(%arg10 : memref<16x128xf32, #tpu.memory_space<vmem>>) dst(%dma_wait3A_113 : memref<16x128xf32, #tpu.memory_space<vmem_shared>>)
      tpu.yield
    }) : () -> ()
    %add3A_21 = arith.constant 80 : i32
    %add3A_22 = arith.addi %mul3A_2, %add3A_21 : i32
    "tpu.region"() ({
      %run_scoped3A = tpu.sem_alloc : memref<!tpu.dma_semaphore, #tpu.memory_space<semaphore_mem>>
      %dma_start3A_107 = arith.constant 0 : i32
      %dma_start3A_108 = tpu.memref_slice %arg6[%add3A_22, %dma_start3A_107] : memref<10240x128xf32, #tpu.memory_space<vmem_shared>> -> memref<16x128xf32, #tpu.memory_space<vmem_shared>>
      %dma_start3A_109 = arith.constant 0 : i32
      %dma_start3A_110 = tpu.memref_slice %arg6[%add3A_22, %dma_start3A_109] : memref<10240x128xf32, #tpu.memory_space<vmem_shared>> -> memref<16x128xf32, #tpu.memory_space<vmem_shared>>
      tpu.enqueue_dma source(%arg10 : memref<16x128xf32, #tpu.memory_space<vmem>>) target(%dma_start3A_110 : memref<16x128xf32, #tpu.memory_space<vmem_shared>>) target_semaphore(%run_scoped3A : memref<!tpu.dma_semaphore, #tpu.memory_space<semaphore_mem>>)
      %dma_wait3A = arith.constant 0 : i32
      %dma_wait3A_111 = tpu.memref_slice %arg6[%add3A_22, %dma_wait3A] : memref<10240x128xf32, #tpu.memory_space<vmem_shared>> -> memref<16x128xf32, #tpu.memory_space<vmem_shared>>
      %dma_wait3A_112 = arith.constant 0 : i32
      %dma_wait3A_113 = tpu.memref_slice %arg6[%add3A_22, %dma_wait3A_112] : memref<10240x128xf32, #tpu.memory_space<vmem_shared>> -> memref<16x128xf32, #tpu.memory_space<vmem_shared>>
      tpu.wait_dma2 semaphore(%run_scoped3A : memref<!tpu.dma_semaphore, #tpu.memory_space<semaphore_mem>>) src(%arg10 : memref<16x128xf32, #tpu.memory_space<vmem>>) dst(%dma_wait3A_113 : memref<16x128xf32, #tpu.memory_space<vmem_shared>>)
      tpu.yield
    }) : () -> ()
    %add3A_23 = arith.constant 96 : i32
    %add3A_24 = arith.addi %mul3A_2, %add3A_23 : i32
    "tpu.region"() ({
      %run_scoped3A = tpu.sem_alloc : memref<!tpu.dma_semaphore, #tpu.memory_space<semaphore_mem>>
      %dma_start3A_107 = arith.constant 0 : i32
      %dma_start3A_108 = tpu.memref_slice %arg6[%add3A_24, %dma_start3A_107] : memref<10240x128xf32, #tpu.memory_space<vmem_shared>> -> memref<16x128xf32, #tpu.memory_space<vmem_shared>>
      %dma_start3A_109 = arith.constant 0 : i32
      %dma_start3A_110 = tpu.memref_slice %arg6[%add3A_24, %dma_start3A_109] : memref<10240x128xf32, #tpu.memory_space<vmem_shared>> -> memref<16x128xf32, #tpu.memory_space<vmem_shared>>
      tpu.enqueue_dma source(%arg10 : memref<16x128xf32, #tpu.memory_space<vmem>>) target(%dma_start3A_110 : memref<16x128xf32, #tpu.memory_space<vmem_shared>>) target_semaphore(%run_scoped3A : memref<!tpu.dma_semaphore, #tpu.memory_space<semaphore_mem>>)
      %dma_wait3A = arith.constant 0 : i32
      %dma_wait3A_111 = tpu.memref_slice %arg6[%add3A_24, %dma_wait3A] : memref<10240x128xf32, #tpu.memory_space<vmem_shared>> -> memref<16x128xf32, #tpu.memory_space<vmem_shared>>
      %dma_wait3A_112 = arith.constant 0 : i32
      %dma_wait3A_113 = tpu.memref_slice %arg6[%add3A_24, %dma_wait3A_112] : memref<10240x128xf32, #tpu.memory_space<vmem_shared>> -> memref<16x128xf32, #tpu.memory_space<vmem_shared>>
      tpu.wait_dma2 semaphore(%run_scoped3A : memref<!tpu.dma_semaphore, #tpu.memory_space<semaphore_mem>>) src(%arg10 : memref<16x128xf32, #tpu.memory_space<vmem>>) dst(%dma_wait3A_113 : memref<16x128xf32, #tpu.memory_space<vmem_shared>>)
      tpu.yield
    }) : () -> ()
    %add3A_25 = arith.constant 112 : i32
    %add3A_26 = arith.addi %mul3A_2, %add3A_25 : i32
    "tpu.region"() ({
      %run_scoped3A = tpu.sem_alloc : memref<!tpu.dma_semaphore, #tpu.memory_space<semaphore_mem>>
      %dma_start3A_107 = arith.constant 0 : i32
      %dma_start3A_108 = tpu.memref_slice %arg6[%add3A_26, %dma_start3A_107] : memref<10240x128xf32, #tpu.memory_space<vmem_shared>> -> memref<16x128xf32, #tpu.memory_space<vmem_shared>>
      %dma_start3A_109 = arith.constant 0 : i32
      %dma_start3A_110 = tpu.memref_slice %arg6[%add3A_26, %dma_start3A_109] : memref<10240x128xf32, #tpu.memory_space<vmem_shared>> -> memref<16x128xf32, #tpu.memory_space<vmem_shared>>
      tpu.enqueue_dma source(%arg10 : memref<16x128xf32, #tpu.memory_space<vmem>>) target(%dma_start3A_110 : memref<16x128xf32, #tpu.memory_space<vmem_shared>>) target_semaphore(%run_scoped3A : memref<!tpu.dma_semaphore, #tpu.memory_space<semaphore_mem>>)
      %dma_wait3A = arith.constant 0 : i32
      %dma_wait3A_111 = tpu.memref_slice %arg6[%add3A_26, %dma_wait3A] : memref<10240x128xf32, #tpu.memory_space<vmem_shared>> -> memref<16x128xf32, #tpu.memory_space<vmem_shared>>
      %dma_wait3A_112 = arith.constant 0 : i32
      %dma_wait3A_113 = tpu.memref_slice %arg6[%add3A_26, %dma_wait3A_112] : memref<10240x128xf32, #tpu.memory_space<vmem_shared>> -> memref<16x128xf32, #tpu.memory_space<vmem_shared>>
      tpu.wait_dma2 semaphore(%run_scoped3A : memref<!tpu.dma_semaphore, #tpu.memory_space<semaphore_mem>>) src(%arg10 : memref<16x128xf32, #tpu.memory_space<vmem>>) dst(%dma_wait3A_113 : memref<16x128xf32, #tpu.memory_space<vmem_shared>>)
      tpu.yield
    }) : () -> ()
    %add3A_27 = arith.constant 128 : i32
    %add3A_28 = arith.addi %mul3A_2, %add3A_27 : i32
    "tpu.region"() ({
      %run_scoped3A = tpu.sem_alloc : memref<!tpu.dma_semaphore, #tpu.memory_space<semaphore_mem>>
      %dma_start3A_107 = arith.constant 0 : i32
      %dma_start3A_108 = tpu.memref_slice %arg6[%add3A_28, %dma_start3A_107] : memref<10240x128xf32, #tpu.memory_space<vmem_shared>> -> memref<16x128xf32, #tpu.memory_space<vmem_shared>>
      %dma_start3A_109 = arith.constant 0 : i32
      %dma_start3A_110 = tpu.memref_slice %arg6[%add3A_28, %dma_start3A_109] : memref<10240x128xf32, #tpu.memory_space<vmem_shared>> -> memref<16x128xf32, #tpu.memory_space<vmem_shared>>
      tpu.enqueue_dma source(%arg10 : memref<16x128xf32, #tpu.memory_space<vmem>>) target(%dma_start3A_110 : memref<16x128xf32, #tpu.memory_space<vmem_shared>>) target_semaphore(%run_scoped3A : memref<!tpu.dma_semaphore, #tpu.memory_space<semaphore_mem>>)
      %dma_wait3A = arith.constant 0 : i32
      %dma_wait3A_111 = tpu.memref_slice %arg6[%add3A_28, %dma_wait3A] : memref<10240x128xf32, #tpu.memory_space<vmem_shared>> -> memref<16x128xf32, #tpu.memory_space<vmem_shared>>
      %dma_wait3A_112 = arith.constant 0 : i32
      %dma_wait3A_113 = tpu.memref_slice %arg6[%add3A_28, %dma_wait3A_112] : memref<10240x128xf32, #tpu.memory_space<vmem_shared>> -> memref<16x128xf32, #tpu.memory_space<vmem_shared>>
      tpu.wait_dma2 semaphore(%run_scoped3A : memref<!tpu.dma_semaphore, #tpu.memory_space<semaphore_mem>>) src(%arg10 : memref<16x128xf32, #tpu.memory_space<vmem>>) dst(%dma_wait3A_113 : memref<16x128xf32, #tpu.memory_space<vmem_shared>>)
      tpu.yield
    }) : () -> ()
    %add3A_29 = arith.constant 144 : i32
    %add3A_30 = arith.addi %mul3A_2, %add3A_29 : i32
    "tpu.region"() ({
      %run_scoped3A = tpu.sem_alloc : memref<!tpu.dma_semaphore, #tpu.memory_space<semaphore_mem>>
      %dma_start3A_107 = arith.constant 0 : i32
      %dma_start3A_108 = tpu.memref_slice %arg6[%add3A_30, %dma_start3A_107] : memref<10240x128xf32, #tpu.memory_space<vmem_shared>> -> memref<16x128xf32, #tpu.memory_space<vmem_shared>>
      %dma_start3A_109 = arith.constant 0 : i32
      %dma_start3A_110 = tpu.memref_slice %arg6[%add3A_30, %dma_start3A_109] : memref<10240x128xf32, #tpu.memory_space<vmem_shared>> -> memref<16x128xf32, #tpu.memory_space<vmem_shared>>
      tpu.enqueue_dma source(%arg10 : memref<16x128xf32, #tpu.memory_space<vmem>>) target(%dma_start3A_110 : memref<16x128xf32, #tpu.memory_space<vmem_shared>>) target_semaphore(%run_scoped3A : memref<!tpu.dma_semaphore, #tpu.memory_space<semaphore_mem>>)
      %dma_wait3A = arith.constant 0 : i32
      %dma_wait3A_111 = tpu.memref_slice %arg6[%add3A_30, %dma_wait3A] : memref<10240x128xf32, #tpu.memory_space<vmem_shared>> -> memref<16x128xf32, #tpu.memory_space<vmem_shared>>
      %dma_wait3A_112 = arith.constant 0 : i32
      %dma_wait3A_113 = tpu.memref_slice %arg6[%add3A_30, %dma_wait3A_112] : memref<10240x128xf32, #tpu.memory_space<vmem_shared>> -> memref<16x128xf32, #tpu.memory_space<vmem_shared>>
      tpu.wait_dma2 semaphore(%run_scoped3A : memref<!tpu.dma_semaphore, #tpu.memory_space<semaphore_mem>>) src(%arg10 : memref<16x128xf32, #tpu.memory_space<vmem>>) dst(%dma_wait3A_113 : memref<16x128xf32, #tpu.memory_space<vmem_shared>>)
      tpu.yield
    }) : () -> ()
    %add3A_31 = arith.constant 160 : i32
    %add3A_32 = arith.addi %mul3A_2, %add3A_31 : i32
    "tpu.region"() ({
      %run_scoped3A = tpu.sem_alloc : memref<!tpu.dma_semaphore, #tpu.memory_space<semaphore_mem>>
      %dma_start3A_107 = arith.constant 0 : i32
      %dma_start3A_108 = tpu.memref_slice %arg6[%add3A_32, %dma_start3A_107] : memref<10240x128xf32, #tpu.memory_space<vmem_shared>> -> memref<16x128xf32, #tpu.memory_space<vmem_shared>>
      %dma_start3A_109 = arith.constant 0 : i32
      %dma_start3A_110 = tpu.memref_slice %arg6[%add3A_32, %dma_start3A_109] : memref<10240x128xf32, #tpu.memory_space<vmem_shared>> -> memref<16x128xf32, #tpu.memory_space<vmem_shared>>
      tpu.enqueue_dma source(%arg10 : memref<16x128xf32, #tpu.memory_space<vmem>>) target(%dma_start3A_110 : memref<16x128xf32, #tpu.memory_space<vmem_shared>>) target_semaphore(%run_scoped3A : memref<!tpu.dma_semaphore, #tpu.memory_space<semaphore_mem>>)
      %dma_wait3A = arith.constant 0 : i32
      %dma_wait3A_111 = tpu.memref_slice %arg6[%add3A_32, %dma_wait3A] : memref<10240x128xf32, #tpu.memory_space<vmem_shared>> -> memref<16x128xf32, #tpu.memory_space<vmem_shared>>
      %dma_wait3A_112 = arith.constant 0 : i32
      %dma_wait3A_113 = tpu.memref_slice %arg6[%add3A_32, %dma_wait3A_112] : memref<10240x128xf32, #tpu.memory_space<vmem_shared>> -> memref<16x128xf32, #tpu.memory_space<vmem_shared>>
      tpu.wait_dma2 semaphore(%run_scoped3A : memref<!tpu.dma_semaphore, #tpu.memory_space<semaphore_mem>>) src(%arg10 : memref<16x128xf32, #tpu.memory_space<vmem>>) dst(%dma_wait3A_113 : memref<16x128xf32, #tpu.memory_space<vmem_shared>>)
      tpu.yield
    }) : () -> ()
    %add3A_33 = arith.constant 176 : i32
    %add3A_34 = arith.addi %mul3A_2, %add3A_33 : i32
    "tpu.region"() ({
      %run_scoped3A = tpu.sem_alloc : memref<!tpu.dma_semaphore, #tpu.memory_space<semaphore_mem>>
      %dma_start3A_107 = arith.constant 0 : i32
      %dma_start3A_108 = tpu.memref_slice %arg6[%add3A_34, %dma_start3A_107] : memref<10240x128xf32, #tpu.memory_space<vmem_shared>> -> memref<16x128xf32, #tpu.memory_space<vmem_shared>>
      %dma_start3A_109 = arith.constant 0 : i32
      %dma_start3A_110 = tpu.memref_slice %arg6[%add3A_34, %dma_start3A_109] : memref<10240x128xf32, #tpu.memory_space<vmem_shared>> -> memref<16x128xf32, #tpu.memory_space<vmem_shared>>
      tpu.enqueue_dma source(%arg10 : memref<16x128xf32, #tpu.memory_space<vmem>>) target(%dma_start3A_110 : memref<16x128xf32, #tpu.memory_space<vmem_shared>>) target_semaphore(%run_scoped3A : memref<!tpu.dma_semaphore, #tpu.memory_space<semaphore_mem>>)
      %dma_wait3A = arith.constant 0 : i32
      %dma_wait3A_111 = tpu.memref_slice %arg6[%add3A_34, %dma_wait3A] : memref<10240x128xf32, #tpu.memory_space<vmem_shared>> -> memref<16x128xf32, #tpu.memory_space<vmem_shared>>
      %dma_wait3A_112 = arith.constant 0 : i32
      %dma_wait3A_113 = tpu.memref_slice %arg6[%add3A_34, %dma_wait3A_112] : memref<10240x128xf32, #tpu.memory_space<vmem_shared>> -> memref<16x128xf32, #tpu.memory_space<vmem_shared>>
      tpu.wait_dma2 semaphore(%run_scoped3A : memref<!tpu.dma_semaphore, #tpu.memory_space<semaphore_mem>>) src(%arg10 : memref<16x128xf32, #tpu.memory_space<vmem>>) dst(%dma_wait3A_113 : memref<16x128xf32, #tpu.memory_space<vmem_shared>>)
      tpu.yield
    }) : () -> ()
    %add3A_35 = arith.constant 192 : i32
    %add3A_36 = arith.addi %mul3A_2, %add3A_35 : i32
    "tpu.region"() ({
      %run_scoped3A = tpu.sem_alloc : memref<!tpu.dma_semaphore, #tpu.memory_space<semaphore_mem>>
      %dma_start3A_107 = arith.constant 0 : i32
      %dma_start3A_108 = tpu.memref_slice %arg6[%add3A_36, %dma_start3A_107] : memref<10240x128xf32, #tpu.memory_space<vmem_shared>> -> memref<16x128xf32, #tpu.memory_space<vmem_shared>>
      %dma_start3A_109 = arith.constant 0 : i32
      %dma_start3A_110 = tpu.memref_slice %arg6[%add3A_36, %dma_start3A_109] : memref<10240x128xf32, #tpu.memory_space<vmem_shared>> -> memref<16x128xf32, #tpu.memory_space<vmem_shared>>
      tpu.enqueue_dma source(%arg10 : memref<16x128xf32, #tpu.memory_space<vmem>>) target(%dma_start3A_110 : memref<16x128xf32, #tpu.memory_space<vmem_shared>>) target_semaphore(%run_scoped3A : memref<!tpu.dma_semaphore, #tpu.memory_space<semaphore_mem>>)
      %dma_wait3A = arith.constant 0 : i32
      %dma_wait3A_111 = tpu.memref_slice %arg6[%add3A_36, %dma_wait3A] : memref<10240x128xf32, #tpu.memory_space<vmem_shared>> -> memref<16x128xf32, #tpu.memory_space<vmem_shared>>
      %dma_wait3A_112 = arith.constant 0 : i32
      %dma_wait3A_113 = tpu.memref_slice %arg6[%add3A_36, %dma_wait3A_112] : memref<10240x128xf32, #tpu.memory_space<vmem_shared>> -> memref<16x128xf32, #tpu.memory_space<vmem_shared>>
      tpu.wait_dma2 semaphore(%run_scoped3A : memref<!tpu.dma_semaphore, #tpu.memory_space<semaphore_mem>>) src(%arg10 : memref<16x128xf32, #tpu.memory_space<vmem>>) dst(%dma_wait3A_113 : memref<16x128xf32, #tpu.memory_space<vmem_shared>>)
      tpu.yield
    }) : () -> ()
    %add3A_37 = arith.constant 208 : i32
    %add3A_38 = arith.addi %mul3A_2, %add3A_37 : i32
    "tpu.region"() ({
      %run_scoped3A = tpu.sem_alloc : memref<!tpu.dma_semaphore, #tpu.memory_space<semaphore_mem>>
      %dma_start3A_107 = arith.constant 0 : i32
      %dma_start3A_108 = tpu.memref_slice %arg6[%add3A_38, %dma_start3A_107] : memref<10240x128xf32, #tpu.memory_space<vmem_shared>> -> memref<16x128xf32, #tpu.memory_space<vmem_shared>>
      %dma_start3A_109 = arith.constant 0 : i32
      %dma_start3A_110 = tpu.memref_slice %arg6[%add3A_38, %dma_start3A_109] : memref<10240x128xf32, #tpu.memory_space<vmem_shared>> -> memref<16x128xf32, #tpu.memory_space<vmem_shared>>
      tpu.enqueue_dma source(%arg10 : memref<16x128xf32, #tpu.memory_space<vmem>>) target(%dma_start3A_110 : memref<16x128xf32, #tpu.memory_space<vmem_shared>>) target_semaphore(%run_scoped3A : memref<!tpu.dma_semaphore, #tpu.memory_space<semaphore_mem>>)
      %dma_wait3A = arith.constant 0 : i32
      %dma_wait3A_111 = tpu.memref_slice %arg6[%add3A_38, %dma_wait3A] : memref<10240x128xf32, #tpu.memory_space<vmem_shared>> -> memref<16x128xf32, #tpu.memory_space<vmem_shared>>
      %dma_wait3A_112 = arith.constant 0 : i32
      %dma_wait3A_113 = tpu.memref_slice %arg6[%add3A_38, %dma_wait3A_112] : memref<10240x128xf32, #tpu.memory_space<vmem_shared>> -> memref<16x128xf32, #tpu.memory_space<vmem_shared>>
      tpu.wait_dma2 semaphore(%run_scoped3A : memref<!tpu.dma_semaphore, #tpu.memory_space<semaphore_mem>>) src(%arg10 : memref<16x128xf32, #tpu.memory_space<vmem>>) dst(%dma_wait3A_113 : memref<16x128xf32, #tpu.memory_space<vmem_shared>>)
      tpu.yield
    }) : () -> ()
    %add3A_39 = arith.constant 224 : i32
    %add3A_40 = arith.addi %mul3A_2, %add3A_39 : i32
    "tpu.region"() ({
      %run_scoped3A = tpu.sem_alloc : memref<!tpu.dma_semaphore, #tpu.memory_space<semaphore_mem>>
      %dma_start3A_107 = arith.constant 0 : i32
      %dma_start3A_108 = tpu.memref_slice %arg6[%add3A_40, %dma_start3A_107] : memref<10240x128xf32, #tpu.memory_space<vmem_shared>> -> memref<16x128xf32, #tpu.memory_space<vmem_shared>>
      %dma_start3A_109 = arith.constant 0 : i32
      %dma_start3A_110 = tpu.memref_slice %arg6[%add3A_40, %dma_start3A_109] : memref<10240x128xf32, #tpu.memory_space<vmem_shared>> -> memref<16x128xf32, #tpu.memory_space<vmem_shared>>
      tpu.enqueue_dma source(%arg10 : memref<16x128xf32, #tpu.memory_space<vmem>>) target(%dma_start3A_110 : memref<16x128xf32, #tpu.memory_space<vmem_shared>>) target_semaphore(%run_scoped3A : memref<!tpu.dma_semaphore, #tpu.memory_space<semaphore_mem>>)
      %dma_wait3A = arith.constant 0 : i32
      %dma_wait3A_111 = tpu.memref_slice %arg6[%add3A_40, %dma_wait3A] : memref<10240x128xf32, #tpu.memory_space<vmem_shared>> -> memref<16x128xf32, #tpu.memory_space<vmem_shared>>
      %dma_wait3A_112 = arith.constant 0 : i32
      %dma_wait3A_113 = tpu.memref_slice %arg6[%add3A_40, %dma_wait3A_112] : memref<10240x128xf32, #tpu.memory_space<vmem_shared>> -> memref<16x128xf32, #tpu.memory_space<vmem_shared>>
      tpu.wait_dma2 semaphore(%run_scoped3A : memref<!tpu.dma_semaphore, #tpu.memory_space<semaphore_mem>>) src(%arg10 : memref<16x128xf32, #tpu.memory_space<vmem>>) dst(%dma_wait3A_113 : memref<16x128xf32, #tpu.memory_space<vmem_shared>>)
      tpu.yield
    }) : () -> ()
    %add3A_41 = arith.constant 240 : i32
    %add3A_42 = arith.addi %mul3A_2, %add3A_41 : i32
    "tpu.region"() ({
      %run_scoped3A = tpu.sem_alloc : memref<!tpu.dma_semaphore, #tpu.memory_space<semaphore_mem>>
      %dma_start3A_107 = arith.constant 0 : i32
      %dma_start3A_108 = tpu.memref_slice %arg6[%add3A_42, %dma_start3A_107] : memref<10240x128xf32, #tpu.memory_space<vmem_shared>> -> memref<16x128xf32, #tpu.memory_space<vmem_shared>>
      %dma_start3A_109 = arith.constant 0 : i32
      %dma_start3A_110 = tpu.memref_slice %arg6[%add3A_42, %dma_start3A_109] : memref<10240x128xf32, #tpu.memory_space<vmem_shared>> -> memref<16x128xf32, #tpu.memory_space<vmem_shared>>
      tpu.enqueue_dma source(%arg10 : memref<16x128xf32, #tpu.memory_space<vmem>>) target(%dma_start3A_110 : memref<16x128xf32, #tpu.memory_space<vmem_shared>>) target_semaphore(%run_scoped3A : memref<!tpu.dma_semaphore, #tpu.memory_space<semaphore_mem>>)
      %dma_wait3A = arith.constant 0 : i32
      %dma_wait3A_111 = tpu.memref_slice %arg6[%add3A_42, %dma_wait3A] : memref<10240x128xf32, #tpu.memory_space<vmem_shared>> -> memref<16x128xf32, #tpu.memory_space<vmem_shared>>
      %dma_wait3A_112 = arith.constant 0 : i32
      %dma_wait3A_113 = tpu.memref_slice %arg6[%add3A_42, %dma_wait3A_112] : memref<10240x128xf32, #tpu.memory_space<vmem_shared>> -> memref<16x128xf32, #tpu.memory_space<vmem_shared>>
      tpu.wait_dma2 semaphore(%run_scoped3A : memref<!tpu.dma_semaphore, #tpu.memory_space<semaphore_mem>>) src(%arg10 : memref<16x128xf32, #tpu.memory_space<vmem>>) dst(%dma_wait3A_113 : memref<16x128xf32, #tpu.memory_space<vmem_shared>>)
      tpu.yield
    }) : () -> ()
    %add3A_43 = arith.constant 256 : i32
    %add3A_44 = arith.addi %mul3A_2, %add3A_43 : i32
    "tpu.region"() ({
      %run_scoped3A = tpu.sem_alloc : memref<!tpu.dma_semaphore, #tpu.memory_space<semaphore_mem>>
      %dma_start3A_107 = arith.constant 0 : i32
      %dma_start3A_108 = tpu.memref_slice %arg6[%add3A_44, %dma_start3A_107] : memref<10240x128xf32, #tpu.memory_space<vmem_shared>> -> memref<16x128xf32, #tpu.memory_space<vmem_shared>>
      %dma_start3A_109 = arith.constant 0 : i32
      %dma_start3A_110 = tpu.memref_slice %arg6[%add3A_44, %dma_start3A_109] : memref<10240x128xf32, #tpu.memory_space<vmem_shared>> -> memref<16x128xf32, #tpu.memory_space<vmem_shared>>
      tpu.enqueue_dma source(%arg10 : memref<16x128xf32, #tpu.memory_space<vmem>>) target(%dma_start3A_110 : memref<16x128xf32, #tpu.memory_space<vmem_shared>>) target_semaphore(%run_scoped3A : memref<!tpu.dma_semaphore, #tpu.memory_space<semaphore_mem>>)
      %dma_wait3A = arith.constant 0 : i32
      %dma_wait3A_111 = tpu.memref_slice %arg6[%add3A_44, %dma_wait3A] : memref<10240x128xf32, #tpu.memory_space<vmem_shared>> -> memref<16x128xf32, #tpu.memory_space<vmem_shared>>
      %dma_wait3A_112 = arith.constant 0 : i32
      %dma_wait3A_113 = tpu.memref_slice %arg6[%add3A_44, %dma_wait3A_112] : memref<10240x128xf32, #tpu.memory_space<vmem_shared>> -> memref<16x128xf32, #tpu.memory_space<vmem_shared>>
      tpu.wait_dma2 semaphore(%run_scoped3A : memref<!tpu.dma_semaphore, #tpu.memory_space<semaphore_mem>>) src(%arg10 : memref<16x128xf32, #tpu.memory_space<vmem>>) dst(%dma_wait3A_113 : memref<16x128xf32, #tpu.memory_space<vmem_shared>>)
      tpu.yield
    }) : () -> ()
    %add3A_45 = arith.constant 272 : i32
    %add3A_46 = arith.addi %mul3A_2, %add3A_45 : i32
    "tpu.region"() ({
      %run_scoped3A = tpu.sem_alloc : memref<!tpu.dma_semaphore, #tpu.memory_space<semaphore_mem>>
      %dma_start3A_107 = arith.constant 0 : i32
      %dma_start3A_108 = tpu.memref_slice %arg6[%add3A_46, %dma_start3A_107] : memref<10240x128xf32, #tpu.memory_space<vmem_shared>> -> memref<16x128xf32, #tpu.memory_space<vmem_shared>>
      %dma_start3A_109 = arith.constant 0 : i32
      %dma_start3A_110 = tpu.memref_slice %arg6[%add3A_46, %dma_start3A_109] : memref<10240x128xf32, #tpu.memory_space<vmem_shared>> -> memref<16x128xf32, #tpu.memory_space<vmem_shared>>
      tpu.enqueue_dma source(%arg10 : memref<16x128xf32, #tpu.memory_space<vmem>>) target(%dma_start3A_110 : memref<16x128xf32, #tpu.memory_space<vmem_shared>>) target_semaphore(%run_scoped3A : memref<!tpu.dma_semaphore, #tpu.memory_space<semaphore_mem>>)
      %dma_wait3A = arith.constant 0 : i32
      %dma_wait3A_111 = tpu.memref_slice %arg6[%add3A_46, %dma_wait3A] : memref<10240x128xf32, #tpu.memory_space<vmem_shared>> -> memref<16x128xf32, #tpu.memory_space<vmem_shared>>
      %dma_wait3A_112 = arith.constant 0 : i32
      %dma_wait3A_113 = tpu.memref_slice %arg6[%add3A_46, %dma_wait3A_112] : memref<10240x128xf32, #tpu.memory_space<vmem_shared>> -> memref<16x128xf32, #tpu.memory_space<vmem_shared>>
      tpu.wait_dma2 semaphore(%run_scoped3A : memref<!tpu.dma_semaphore, #tpu.memory_space<semaphore_mem>>) src(%arg10 : memref<16x128xf32, #tpu.memory_space<vmem>>) dst(%dma_wait3A_113 : memref<16x128xf32, #tpu.memory_space<vmem_shared>>)
      tpu.yield
    }) : () -> ()
    %add3A_47 = arith.constant 288 : i32
    %add3A_48 = arith.addi %mul3A_2, %add3A_47 : i32
    "tpu.region"() ({
      %run_scoped3A = tpu.sem_alloc : memref<!tpu.dma_semaphore, #tpu.memory_space<semaphore_mem>>
      %dma_start3A_107 = arith.constant 0 : i32
      %dma_start3A_108 = tpu.memref_slice %arg6[%add3A_48, %dma_start3A_107] : memref<10240x128xf32, #tpu.memory_space<vmem_shared>> -> memref<16x128xf32, #tpu.memory_space<vmem_shared>>
      %dma_start3A_109 = arith.constant 0 : i32
      %dma_start3A_110 = tpu.memref_slice %arg6[%add3A_48, %dma_start3A_109] : memref<10240x128xf32, #tpu.memory_space<vmem_shared>> -> memref<16x128xf32, #tpu.memory_space<vmem_shared>>
      tpu.enqueue_dma source(%arg10 : memref<16x128xf32, #tpu.memory_space<vmem>>) target(%dma_start3A_110 : memref<16x128xf32, #tpu.memory_space<vmem_shared>>) target_semaphore(%run_scoped3A : memref<!tpu.dma_semaphore, #tpu.memory_space<semaphore_mem>>)
      %dma_wait3A = arith.constant 0 : i32
      %dma_wait3A_111 = tpu.memref_slice %arg6[%add3A_48, %dma_wait3A] : memref<10240x128xf32, #tpu.memory_space<vmem_shared>> -> memref<16x128xf32, #tpu.memory_space<vmem_shared>>
      %dma_wait3A_112 = arith.constant 0 : i32
      %dma_wait3A_113 = tpu.memref_slice %arg6[%add3A_48, %dma_wait3A_112] : memref<10240x128xf32, #tpu.memory_space<vmem_shared>> -> memref<16x128xf32, #tpu.memory_space<vmem_shared>>
      tpu.wait_dma2 semaphore(%run_scoped3A : memref<!tpu.dma_semaphore, #tpu.memory_space<semaphore_mem>>) src(%arg10 : memref<16x128xf32, #tpu.memory_space<vmem>>) dst(%dma_wait3A_113 : memref<16x128xf32, #tpu.memory_space<vmem_shared>>)
      tpu.yield
    }) : () -> ()
    %add3A_49 = arith.constant 304 : i32
    %add3A_50 = arith.addi %mul3A_2, %add3A_49 : i32
    "tpu.region"() ({
      %run_scoped3A = tpu.sem_alloc : memref<!tpu.dma_semaphore, #tpu.memory_space<semaphore_mem>>
      %dma_start3A_107 = arith.constant 0 : i32
      %dma_start3A_108 = tpu.memref_slice %arg6[%add3A_50, %dma_start3A_107] : memref<10240x128xf32, #tpu.memory_space<vmem_shared>> -> memref<16x128xf32, #tpu.memory_space<vmem_shared>>
      %dma_start3A_109 = arith.constant 0 : i32
      %dma_start3A_110 = tpu.memref_slice %arg6[%add3A_50, %dma_start3A_109] : memref<10240x128xf32, #tpu.memory_space<vmem_shared>> -> memref<16x128xf32, #tpu.memory_space<vmem_shared>>
      tpu.enqueue_dma source(%arg10 : memref<16x128xf32, #tpu.memory_space<vmem>>) target(%dma_start3A_110 : memref<16x128xf32, #tpu.memory_space<vmem_shared>>) target_semaphore(%run_scoped3A : memref<!tpu.dma_semaphore, #tpu.memory_space<semaphore_mem>>)
      %dma_wait3A = arith.constant 0 : i32
      %dma_wait3A_111 = tpu.memref_slice %arg6[%add3A_50, %dma_wait3A] : memref<10240x128xf32, #tpu.memory_space<vmem_shared>> -> memref<16x128xf32, #tpu.memory_space<vmem_shared>>
      %dma_wait3A_112 = arith.constant 0 : i32
      %dma_wait3A_113 = tpu.memref_slice %arg6[%add3A_50, %dma_wait3A_112] : memref<10240x128xf32, #tpu.memory_space<vmem_shared>> -> memref<16x128xf32, #tpu.memory_space<vmem_shared>>
      tpu.wait_dma2 semaphore(%run_scoped3A : memref<!tpu.dma_semaphore, #tpu.memory_space<semaphore_mem>>) src(%arg10 : memref<16x128xf32, #tpu.memory_space<vmem>>) dst(%dma_wait3A_113 : memref<16x128xf32, #tpu.memory_space<vmem_shared>>)
      tpu.yield
    }) : () -> ()
    %add3A_51 = arith.constant 320 : i32
    %add3A_52 = arith.addi %mul3A_2, %add3A_51 : i32
    "tpu.region"() ({
      %run_scoped3A = tpu.sem_alloc : memref<!tpu.dma_semaphore, #tpu.memory_space<semaphore_mem>>
      %dma_start3A_107 = arith.constant 0 : i32
      %dma_start3A_108 = tpu.memref_slice %arg6[%add3A_52, %dma_start3A_107] : memref<10240x128xf32, #tpu.memory_space<vmem_shared>> -> memref<16x128xf32, #tpu.memory_space<vmem_shared>>
      %dma_start3A_109 = arith.constant 0 : i32
      %dma_start3A_110 = tpu.memref_slice %arg6[%add3A_52, %dma_start3A_109] : memref<10240x128xf32, #tpu.memory_space<vmem_shared>> -> memref<16x128xf32, #tpu.memory_space<vmem_shared>>
      tpu.enqueue_dma source(%arg10 : memref<16x128xf32, #tpu.memory_space<vmem>>) target(%dma_start3A_110 : memref<16x128xf32, #tpu.memory_space<vmem_shared>>) target_semaphore(%run_scoped3A : memref<!tpu.dma_semaphore, #tpu.memory_space<semaphore_mem>>)
      %dma_wait3A = arith.constant 0 : i32
      %dma_wait3A_111 = tpu.memref_slice %arg6[%add3A_52, %dma_wait3A] : memref<10240x128xf32, #tpu.memory_space<vmem_shared>> -> memref<16x128xf32, #tpu.memory_space<vmem_shared>>
      %dma_wait3A_112 = arith.constant 0 : i32
      %dma_wait3A_113 = tpu.memref_slice %arg6[%add3A_52, %dma_wait3A_112] : memref<10240x128xf32, #tpu.memory_space<vmem_shared>> -> memref<16x128xf32, #tpu.memory_space<vmem_shared>>
      tpu.wait_dma2 semaphore(%run_scoped3A : memref<!tpu.dma_semaphore, #tpu.memory_space<semaphore_mem>>) src(%arg10 : memref<16x128xf32, #tpu.memory_space<vmem>>) dst(%dma_wait3A_113 : memref<16x128xf32, #tpu.memory_space<vmem_shared>>)
      tpu.yield
    }) : () -> ()
    %add3A_53 = arith.constant 336 : i32
    %add3A_54 = arith.addi %mul3A_2, %add3A_53 : i32
    "tpu.region"() ({
      %run_scoped3A = tpu.sem_alloc : memref<!tpu.dma_semaphore, #tpu.memory_space<semaphore_mem>>
      %dma_start3A_107 = arith.constant 0 : i32
      %dma_start3A_108 = tpu.memref_slice %arg6[%add3A_54, %dma_start3A_107] : memref<10240x128xf32, #tpu.memory_space<vmem_shared>> -> memref<16x128xf32, #tpu.memory_space<vmem_shared>>
      %dma_start3A_109 = arith.constant 0 : i32
      %dma_start3A_110 = tpu.memref_slice %arg6[%add3A_54, %dma_start3A_109] : memref<10240x128xf32, #tpu.memory_space<vmem_shared>> -> memref<16x128xf32, #tpu.memory_space<vmem_shared>>
      tpu.enqueue_dma source(%arg10 : memref<16x128xf32, #tpu.memory_space<vmem>>) target(%dma_start3A_110 : memref<16x128xf32, #tpu.memory_space<vmem_shared>>) target_semaphore(%run_scoped3A : memref<!tpu.dma_semaphore, #tpu.memory_space<semaphore_mem>>)
      %dma_wait3A = arith.constant 0 : i32
      %dma_wait3A_111 = tpu.memref_slice %arg6[%add3A_54, %dma_wait3A] : memref<10240x128xf32, #tpu.memory_space<vmem_shared>> -> memref<16x128xf32, #tpu.memory_space<vmem_shared>>
      %dma_wait3A_112 = arith.constant 0 : i32
      %dma_wait3A_113 = tpu.memref_slice %arg6[%add3A_54, %dma_wait3A_112] : memref<10240x128xf32, #tpu.memory_space<vmem_shared>> -> memref<16x128xf32, #tpu.memory_space<vmem_shared>>
      tpu.wait_dma2 semaphore(%run_scoped3A : memref<!tpu.dma_semaphore, #tpu.memory_space<semaphore_mem>>) src(%arg10 : memref<16x128xf32, #tpu.memory_space<vmem>>) dst(%dma_wait3A_113 : memref<16x128xf32, #tpu.memory_space<vmem_shared>>)
      tpu.yield
    }) : () -> ()
    %add3A_55 = arith.constant 352 : i32
    %add3A_56 = arith.addi %mul3A_2, %add3A_55 : i32
    "tpu.region"() ({
      %run_scoped3A = tpu.sem_alloc : memref<!tpu.dma_semaphore, #tpu.memory_space<semaphore_mem>>
      %dma_start3A_107 = arith.constant 0 : i32
      %dma_start3A_108 = tpu.memref_slice %arg6[%add3A_56, %dma_start3A_107] : memref<10240x128xf32, #tpu.memory_space<vmem_shared>> -> memref<16x128xf32, #tpu.memory_space<vmem_shared>>
      %dma_start3A_109 = arith.constant 0 : i32
      %dma_start3A_110 = tpu.memref_slice %arg6[%add3A_56, %dma_start3A_109] : memref<10240x128xf32, #tpu.memory_space<vmem_shared>> -> memref<16x128xf32, #tpu.memory_space<vmem_shared>>
      tpu.enqueue_dma source(%arg10 : memref<16x128xf32, #tpu.memory_space<vmem>>) target(%dma_start3A_110 : memref<16x128xf32, #tpu.memory_space<vmem_shared>>) target_semaphore(%run_scoped3A : memref<!tpu.dma_semaphore, #tpu.memory_space<semaphore_mem>>)
      %dma_wait3A = arith.constant 0 : i32
      %dma_wait3A_111 = tpu.memref_slice %arg6[%add3A_56, %dma_wait3A] : memref<10240x128xf32, #tpu.memory_space<vmem_shared>> -> memref<16x128xf32, #tpu.memory_space<vmem_shared>>
      %dma_wait3A_112 = arith.constant 0 : i32
      %dma_wait3A_113 = tpu.memref_slice %arg6[%add3A_56, %dma_wait3A_112] : memref<10240x128xf32, #tpu.memory_space<vmem_shared>> -> memref<16x128xf32, #tpu.memory_space<vmem_shared>>
      tpu.wait_dma2 semaphore(%run_scoped3A : memref<!tpu.dma_semaphore, #tpu.memory_space<semaphore_mem>>) src(%arg10 : memref<16x128xf32, #tpu.memory_space<vmem>>) dst(%dma_wait3A_113 : memref<16x128xf32, #tpu.memory_space<vmem_shared>>)
      tpu.yield
    }) : () -> ()
    %add3A_57 = arith.constant 368 : i32
    %add3A_58 = arith.addi %mul3A_2, %add3A_57 : i32
    "tpu.region"() ({
      %run_scoped3A = tpu.sem_alloc : memref<!tpu.dma_semaphore, #tpu.memory_space<semaphore_mem>>
      %dma_start3A_107 = arith.constant 0 : i32
      %dma_start3A_108 = tpu.memref_slice %arg6[%add3A_58, %dma_start3A_107] : memref<10240x128xf32, #tpu.memory_space<vmem_shared>> -> memref<16x128xf32, #tpu.memory_space<vmem_shared>>
      %dma_start3A_109 = arith.constant 0 : i32
      %dma_start3A_110 = tpu.memref_slice %arg6[%add3A_58, %dma_start3A_109] : memref<10240x128xf32, #tpu.memory_space<vmem_shared>> -> memref<16x128xf32, #tpu.memory_space<vmem_shared>>
      tpu.enqueue_dma source(%arg10 : memref<16x128xf32, #tpu.memory_space<vmem>>) target(%dma_start3A_110 : memref<16x128xf32, #tpu.memory_space<vmem_shared>>) target_semaphore(%run_scoped3A : memref<!tpu.dma_semaphore, #tpu.memory_space<semaphore_mem>>)
      %dma_wait3A = arith.constant 0 : i32
      %dma_wait3A_111 = tpu.memref_slice %arg6[%add3A_58, %dma_wait3A] : memref<10240x128xf32, #tpu.memory_space<vmem_shared>> -> memref<16x128xf32, #tpu.memory_space<vmem_shared>>
      %dma_wait3A_112 = arith.constant 0 : i32
      %dma_wait3A_113 = tpu.memref_slice %arg6[%add3A_58, %dma_wait3A_112] : memref<10240x128xf32, #tpu.memory_space<vmem_shared>> -> memref<16x128xf32, #tpu.memory_space<vmem_shared>>
      tpu.wait_dma2 semaphore(%run_scoped3A : memref<!tpu.dma_semaphore, #tpu.memory_space<semaphore_mem>>) src(%arg10 : memref<16x128xf32, #tpu.memory_space<vmem>>) dst(%dma_wait3A_113 : memref<16x128xf32, #tpu.memory_space<vmem_shared>>)
      tpu.yield
    }) : () -> ()
    %add3A_59 = arith.constant 384 : i32
    %add3A_60 = arith.addi %mul3A_2, %add3A_59 : i32
    "tpu.region"() ({
      %run_scoped3A = tpu.sem_alloc : memref<!tpu.dma_semaphore, #tpu.memory_space<semaphore_mem>>
      %dma_start3A_107 = arith.constant 0 : i32
      %dma_start3A_108 = tpu.memref_slice %arg6[%add3A_60, %dma_start3A_107] : memref<10240x128xf32, #tpu.memory_space<vmem_shared>> -> memref<16x128xf32, #tpu.memory_space<vmem_shared>>
      %dma_start3A_109 = arith.constant 0 : i32
      %dma_start3A_110 = tpu.memref_slice %arg6[%add3A_60, %dma_start3A_109] : memref<10240x128xf32, #tpu.memory_space<vmem_shared>> -> memref<16x128xf32, #tpu.memory_space<vmem_shared>>
      tpu.enqueue_dma source(%arg10 : memref<16x128xf32, #tpu.memory_space<vmem>>) target(%dma_start3A_110 : memref<16x128xf32, #tpu.memory_space<vmem_shared>>) target_semaphore(%run_scoped3A : memref<!tpu.dma_semaphore, #tpu.memory_space<semaphore_mem>>)
      %dma_wait3A = arith.constant 0 : i32
      %dma_wait3A_111 = tpu.memref_slice %arg6[%add3A_60, %dma_wait3A] : memref<10240x128xf32, #tpu.memory_space<vmem_shared>> -> memref<16x128xf32, #tpu.memory_space<vmem_shared>>
      %dma_wait3A_112 = arith.constant 0 : i32
      %dma_wait3A_113 = tpu.memref_slice %arg6[%add3A_60, %dma_wait3A_112] : memref<10240x128xf32, #tpu.memory_space<vmem_shared>> -> memref<16x128xf32, #tpu.memory_space<vmem_shared>>
      tpu.wait_dma2 semaphore(%run_scoped3A : memref<!tpu.dma_semaphore, #tpu.memory_space<semaphore_mem>>) src(%arg10 : memref<16x128xf32, #tpu.memory_space<vmem>>) dst(%dma_wait3A_113 : memref<16x128xf32, #tpu.memory_space<vmem_shared>>)
      tpu.yield
    }) : () -> ()
    %add3A_61 = arith.constant 400 : i32
    %add3A_62 = arith.addi %mul3A_2, %add3A_61 : i32
    "tpu.region"() ({
      %run_scoped3A = tpu.sem_alloc : memref<!tpu.dma_semaphore, #tpu.memory_space<semaphore_mem>>
      %dma_start3A_107 = arith.constant 0 : i32
      %dma_start3A_108 = tpu.memref_slice %arg6[%add3A_62, %dma_start3A_107] : memref<10240x128xf32, #tpu.memory_space<vmem_shared>> -> memref<16x128xf32, #tpu.memory_space<vmem_shared>>
      %dma_start3A_109 = arith.constant 0 : i32
      %dma_start3A_110 = tpu.memref_slice %arg6[%add3A_62, %dma_start3A_109] : memref<10240x128xf32, #tpu.memory_space<vmem_shared>> -> memref<16x128xf32, #tpu.memory_space<vmem_shared>>
      tpu.enqueue_dma source(%arg10 : memref<16x128xf32, #tpu.memory_space<vmem>>) target(%dma_start3A_110 : memref<16x128xf32, #tpu.memory_space<vmem_shared>>) target_semaphore(%run_scoped3A : memref<!tpu.dma_semaphore, #tpu.memory_space<semaphore_mem>>)
      %dma_wait3A = arith.constant 0 : i32
      %dma_wait3A_111 = tpu.memref_slice %arg6[%add3A_62, %dma_wait3A] : memref<10240x128xf32, #tpu.memory_space<vmem_shared>> -> memref<16x128xf32, #tpu.memory_space<vmem_shared>>
      %dma_wait3A_112 = arith.constant 0 : i32
      %dma_wait3A_113 = tpu.memref_slice %arg6[%add3A_62, %dma_wait3A_112] : memref<10240x128xf32, #tpu.memory_space<vmem_shared>> -> memref<16x128xf32, #tpu.memory_space<vmem_shared>>
      tpu.wait_dma2 semaphore(%run_scoped3A : memref<!tpu.dma_semaphore, #tpu.memory_space<semaphore_mem>>) src(%arg10 : memref<16x128xf32, #tpu.memory_space<vmem>>) dst(%dma_wait3A_113 : memref<16x128xf32, #tpu.memory_space<vmem_shared>>)
      tpu.yield
    }) : () -> ()
    %add3A_63 = arith.constant 416 : i32
    %add3A_64 = arith.addi %mul3A_2, %add3A_63 : i32
    "tpu.region"() ({
      %run_scoped3A = tpu.sem_alloc : memref<!tpu.dma_semaphore, #tpu.memory_space<semaphore_mem>>
      %dma_start3A_107 = arith.constant 0 : i32
      %dma_start3A_108 = tpu.memref_slice %arg6[%add3A_64, %dma_start3A_107] : memref<10240x128xf32, #tpu.memory_space<vmem_shared>> -> memref<16x128xf32, #tpu.memory_space<vmem_shared>>
      %dma_start3A_109 = arith.constant 0 : i32
      %dma_start3A_110 = tpu.memref_slice %arg6[%add3A_64, %dma_start3A_109] : memref<10240x128xf32, #tpu.memory_space<vmem_shared>> -> memref<16x128xf32, #tpu.memory_space<vmem_shared>>
      tpu.enqueue_dma source(%arg10 : memref<16x128xf32, #tpu.memory_space<vmem>>) target(%dma_start3A_110 : memref<16x128xf32, #tpu.memory_space<vmem_shared>>) target_semaphore(%run_scoped3A : memref<!tpu.dma_semaphore, #tpu.memory_space<semaphore_mem>>)
      %dma_wait3A = arith.constant 0 : i32
      %dma_wait3A_111 = tpu.memref_slice %arg6[%add3A_64, %dma_wait3A] : memref<10240x128xf32, #tpu.memory_space<vmem_shared>> -> memref<16x128xf32, #tpu.memory_space<vmem_shared>>
      %dma_wait3A_112 = arith.constant 0 : i32
      %dma_wait3A_113 = tpu.memref_slice %arg6[%add3A_64, %dma_wait3A_112] : memref<10240x128xf32, #tpu.memory_space<vmem_shared>> -> memref<16x128xf32, #tpu.memory_space<vmem_shared>>
      tpu.wait_dma2 semaphore(%run_scoped3A : memref<!tpu.dma_semaphore, #tpu.memory_space<semaphore_mem>>) src(%arg10 : memref<16x128xf32, #tpu.memory_space<vmem>>) dst(%dma_wait3A_113 : memref<16x128xf32, #tpu.memory_space<vmem_shared>>)
      tpu.yield
    }) : () -> ()
    %add3A_65 = arith.constant 432 : i32
    %add3A_66 = arith.addi %mul3A_2, %add3A_65 : i32
    "tpu.region"() ({
      %run_scoped3A = tpu.sem_alloc : memref<!tpu.dma_semaphore, #tpu.memory_space<semaphore_mem>>
      %dma_start3A_107 = arith.constant 0 : i32
      %dma_start3A_108 = tpu.memref_slice %arg6[%add3A_66, %dma_start3A_107] : memref<10240x128xf32, #tpu.memory_space<vmem_shared>> -> memref<16x128xf32, #tpu.memory_space<vmem_shared>>
      %dma_start3A_109 = arith.constant 0 : i32
      %dma_start3A_110 = tpu.memref_slice %arg6[%add3A_66, %dma_start3A_109] : memref<10240x128xf32, #tpu.memory_space<vmem_shared>> -> memref<16x128xf32, #tpu.memory_space<vmem_shared>>
      tpu.enqueue_dma source(%arg10 : memref<16x128xf32, #tpu.memory_space<vmem>>) target(%dma_start3A_110 : memref<16x128xf32, #tpu.memory_space<vmem_shared>>) target_semaphore(%run_scoped3A : memref<!tpu.dma_semaphore, #tpu.memory_space<semaphore_mem>>)
      %dma_wait3A = arith.constant 0 : i32
      %dma_wait3A_111 = tpu.memref_slice %arg6[%add3A_66, %dma_wait3A] : memref<10240x128xf32, #tpu.memory_space<vmem_shared>> -> memref<16x128xf32, #tpu.memory_space<vmem_shared>>
      %dma_wait3A_112 = arith.constant 0 : i32
      %dma_wait3A_113 = tpu.memref_slice %arg6[%add3A_66, %dma_wait3A_112] : memref<10240x128xf32, #tpu.memory_space<vmem_shared>> -> memref<16x128xf32, #tpu.memory_space<vmem_shared>>
      tpu.wait_dma2 semaphore(%run_scoped3A : memref<!tpu.dma_semaphore, #tpu.memory_space<semaphore_mem>>) src(%arg10 : memref<16x128xf32, #tpu.memory_space<vmem>>) dst(%dma_wait3A_113 : memref<16x128xf32, #tpu.memory_space<vmem_shared>>)
      tpu.yield
    }) : () -> ()
    %add3A_67 = arith.constant 448 : i32
    %add3A_68 = arith.addi %mul3A_2, %add3A_67 : i32
    "tpu.region"() ({
      %run_scoped3A = tpu.sem_alloc : memref<!tpu.dma_semaphore, #tpu.memory_space<semaphore_mem>>
      %dma_start3A_107 = arith.constant 0 : i32
      %dma_start3A_108 = tpu.memref_slice %arg6[%add3A_68, %dma_start3A_107] : memref<10240x128xf32, #tpu.memory_space<vmem_shared>> -> memref<16x128xf32, #tpu.memory_space<vmem_shared>>
      %dma_start3A_109 = arith.constant 0 : i32
      %dma_start3A_110 = tpu.memref_slice %arg6[%add3A_68, %dma_start3A_109] : memref<10240x128xf32, #tpu.memory_space<vmem_shared>> -> memref<16x128xf32, #tpu.memory_space<vmem_shared>>
      tpu.enqueue_dma source(%arg10 : memref<16x128xf32, #tpu.memory_space<vmem>>) target(%dma_start3A_110 : memref<16x128xf32, #tpu.memory_space<vmem_shared>>) target_semaphore(%run_scoped3A : memref<!tpu.dma_semaphore, #tpu.memory_space<semaphore_mem>>)
      %dma_wait3A = arith.constant 0 : i32
      %dma_wait3A_111 = tpu.memref_slice %arg6[%add3A_68, %dma_wait3A] : memref<10240x128xf32, #tpu.memory_space<vmem_shared>> -> memref<16x128xf32, #tpu.memory_space<vmem_shared>>
      %dma_wait3A_112 = arith.constant 0 : i32
      %dma_wait3A_113 = tpu.memref_slice %arg6[%add3A_68, %dma_wait3A_112] : memref<10240x128xf32, #tpu.memory_space<vmem_shared>> -> memref<16x128xf32, #tpu.memory_space<vmem_shared>>
      tpu.wait_dma2 semaphore(%run_scoped3A : memref<!tpu.dma_semaphore, #tpu.memory_space<semaphore_mem>>) src(%arg10 : memref<16x128xf32, #tpu.memory_space<vmem>>) dst(%dma_wait3A_113 : memref<16x128xf32, #tpu.memory_space<vmem_shared>>)
      tpu.yield
    }) : () -> ()
    %add3A_69 = arith.constant 464 : i32
    %add3A_70 = arith.addi %mul3A_2, %add3A_69 : i32
    "tpu.region"() ({
      %run_scoped3A = tpu.sem_alloc : memref<!tpu.dma_semaphore, #tpu.memory_space<semaphore_mem>>
      %dma_start3A_107 = arith.constant 0 : i32
      %dma_start3A_108 = tpu.memref_slice %arg6[%add3A_70, %dma_start3A_107] : memref<10240x128xf32, #tpu.memory_space<vmem_shared>> -> memref<16x128xf32, #tpu.memory_space<vmem_shared>>
      %dma_start3A_109 = arith.constant 0 : i32
      %dma_start3A_110 = tpu.memref_slice %arg6[%add3A_70, %dma_start3A_109] : memref<10240x128xf32, #tpu.memory_space<vmem_shared>> -> memref<16x128xf32, #tpu.memory_space<vmem_shared>>
      tpu.enqueue_dma source(%arg10 : memref<16x128xf32, #tpu.memory_space<vmem>>) target(%dma_start3A_110 : memref<16x128xf32, #tpu.memory_space<vmem_shared>>) target_semaphore(%run_scoped3A : memref<!tpu.dma_semaphore, #tpu.memory_space<semaphore_mem>>)
      %dma_wait3A = arith.constant 0 : i32
      %dma_wait3A_111 = tpu.memref_slice %arg6[%add3A_70, %dma_wait3A] : memref<10240x128xf32, #tpu.memory_space<vmem_shared>> -> memref<16x128xf32, #tpu.memory_space<vmem_shared>>
      %dma_wait3A_112 = arith.constant 0 : i32
      %dma_wait3A_113 = tpu.memref_slice %arg6[%add3A_70, %dma_wait3A_112] : memref<10240x128xf32, #tpu.memory_space<vmem_shared>> -> memref<16x128xf32, #tpu.memory_space<vmem_shared>>
      tpu.wait_dma2 semaphore(%run_scoped3A : memref<!tpu.dma_semaphore, #tpu.memory_space<semaphore_mem>>) src(%arg10 : memref<16x128xf32, #tpu.memory_space<vmem>>) dst(%dma_wait3A_113 : memref<16x128xf32, #tpu.memory_space<vmem_shared>>)
      tpu.yield
    }) : () -> ()
    %add3A_71 = arith.constant 480 : i32
    %add3A_72 = arith.addi %mul3A_2, %add3A_71 : i32
    "tpu.region"() ({
      %run_scoped3A = tpu.sem_alloc : memref<!tpu.dma_semaphore, #tpu.memory_space<semaphore_mem>>
      %dma_start3A_107 = arith.constant 0 : i32
      %dma_start3A_108 = tpu.memref_slice %arg6[%add3A_72, %dma_start3A_107] : memref<10240x128xf32, #tpu.memory_space<vmem_shared>> -> memref<16x128xf32, #tpu.memory_space<vmem_shared>>
      %dma_start3A_109 = arith.constant 0 : i32
      %dma_start3A_110 = tpu.memref_slice %arg6[%add3A_72, %dma_start3A_109] : memref<10240x128xf32, #tpu.memory_space<vmem_shared>> -> memref<16x128xf32, #tpu.memory_space<vmem_shared>>
      tpu.enqueue_dma source(%arg10 : memref<16x128xf32, #tpu.memory_space<vmem>>) target(%dma_start3A_110 : memref<16x128xf32, #tpu.memory_space<vmem_shared>>) target_semaphore(%run_scoped3A : memref<!tpu.dma_semaphore, #tpu.memory_space<semaphore_mem>>)
      %dma_wait3A = arith.constant 0 : i32
      %dma_wait3A_111 = tpu.memref_slice %arg6[%add3A_72, %dma_wait3A] : memref<10240x128xf32, #tpu.memory_space<vmem_shared>> -> memref<16x128xf32, #tpu.memory_space<vmem_shared>>
      %dma_wait3A_112 = arith.constant 0 : i32
      %dma_wait3A_113 = tpu.memref_slice %arg6[%add3A_72, %dma_wait3A_112] : memref<10240x128xf32, #tpu.memory_space<vmem_shared>> -> memref<16x128xf32, #tpu.memory_space<vmem_shared>>
      tpu.wait_dma2 semaphore(%run_scoped3A : memref<!tpu.dma_semaphore, #tpu.memory_space<semaphore_mem>>) src(%arg10 : memref<16x128xf32, #tpu.memory_space<vmem>>) dst(%dma_wait3A_113 : memref<16x128xf32, #tpu.memory_space<vmem_shared>>)
      tpu.yield
    }) : () -> ()
    %add3A_73 = arith.constant 496 : i32
    %add3A_74 = arith.addi %mul3A_2, %add3A_73 : i32
    "tpu.region"() ({
      %run_scoped3A = tpu.sem_alloc : memref<!tpu.dma_semaphore, #tpu.memory_space<semaphore_mem>>
      %dma_start3A_107 = arith.constant 0 : i32
      %dma_start3A_108 = tpu.memref_slice %arg6[%add3A_74, %dma_start3A_107] : memref<10240x128xf32, #tpu.memory_space<vmem_shared>> -> memref<16x128xf32, #tpu.memory_space<vmem_shared>>
      %dma_start3A_109 = arith.constant 0 : i32
      %dma_start3A_110 = tpu.memref_slice %arg6[%add3A_74, %dma_start3A_109] : memref<10240x128xf32, #tpu.memory_space<vmem_shared>> -> memref<16x128xf32, #tpu.memory_space<vmem_shared>>
      tpu.enqueue_dma source(%arg10 : memref<16x128xf32, #tpu.memory_space<vmem>>) target(%dma_start3A_110 : memref<16x128xf32, #tpu.memory_space<vmem_shared>>) target_semaphore(%run_scoped3A : memref<!tpu.dma_semaphore, #tpu.memory_space<semaphore_mem>>)
      %dma_wait3A = arith.constant 0 : i32
      %dma_wait3A_111 = tpu.memref_slice %arg6[%add3A_74, %dma_wait3A] : memref<10240x128xf32, #tpu.memory_space<vmem_shared>> -> memref<16x128xf32, #tpu.memory_space<vmem_shared>>
      %dma_wait3A_112 = arith.constant 0 : i32
      %dma_wait3A_113 = tpu.memref_slice %arg6[%add3A_74, %dma_wait3A_112] : memref<10240x128xf32, #tpu.memory_space<vmem_shared>> -> memref<16x128xf32, #tpu.memory_space<vmem_shared>>
      tpu.wait_dma2 semaphore(%run_scoped3A : memref<!tpu.dma_semaphore, #tpu.memory_space<semaphore_mem>>) src(%arg10 : memref<16x128xf32, #tpu.memory_space<vmem>>) dst(%dma_wait3A_113 : memref<16x128xf32, #tpu.memory_space<vmem_shared>>)
      tpu.yield
    }) : () -> ()
    %add3A_75 = arith.constant 512 : i32
    %add3A_76 = arith.addi %mul3A_2, %add3A_75 : i32
    "tpu.region"() ({
      %run_scoped3A = tpu.sem_alloc : memref<!tpu.dma_semaphore, #tpu.memory_space<semaphore_mem>>
      %dma_start3A_107 = arith.constant 0 : i32
      %dma_start3A_108 = tpu.memref_slice %arg6[%add3A_76, %dma_start3A_107] : memref<10240x128xf32, #tpu.memory_space<vmem_shared>> -> memref<16x128xf32, #tpu.memory_space<vmem_shared>>
      %dma_start3A_109 = arith.constant 0 : i32
      %dma_start3A_110 = tpu.memref_slice %arg6[%add3A_76, %dma_start3A_109] : memref<10240x128xf32, #tpu.memory_space<vmem_shared>> -> memref<16x128xf32, #tpu.memory_space<vmem_shared>>
      tpu.enqueue_dma source(%arg10 : memref<16x128xf32, #tpu.memory_space<vmem>>) target(%dma_start3A_110 : memref<16x128xf32, #tpu.memory_space<vmem_shared>>) target_semaphore(%run_scoped3A : memref<!tpu.dma_semaphore, #tpu.memory_space<semaphore_mem>>)
      %dma_wait3A = arith.constant 0 : i32
      %dma_wait3A_111 = tpu.memref_slice %arg6[%add3A_76, %dma_wait3A] : memref<10240x128xf32, #tpu.memory_space<vmem_shared>> -> memref<16x128xf32, #tpu.memory_space<vmem_shared>>
      %dma_wait3A_112 = arith.constant 0 : i32
      %dma_wait3A_113 = tpu.memref_slice %arg6[%add3A_76, %dma_wait3A_112] : memref<10240x128xf32, #tpu.memory_space<vmem_shared>> -> memref<16x128xf32, #tpu.memory_space<vmem_shared>>
      tpu.wait_dma2 semaphore(%run_scoped3A : memref<!tpu.dma_semaphore, #tpu.memory_space<semaphore_mem>>) src(%arg10 : memref<16x128xf32, #tpu.memory_space<vmem>>) dst(%dma_wait3A_113 : memref<16x128xf32, #tpu.memory_space<vmem_shared>>)
      tpu.yield
    }) : () -> ()
    %add3A_77 = arith.constant 528 : i32
    %add3A_78 = arith.addi %mul3A_2, %add3A_77 : i32
    "tpu.region"() ({
      %run_scoped3A = tpu.sem_alloc : memref<!tpu.dma_semaphore, #tpu.memory_space<semaphore_mem>>
      %dma_start3A_107 = arith.constant 0 : i32
      %dma_start3A_108 = tpu.memref_slice %arg6[%add3A_78, %dma_start3A_107] : memref<10240x128xf32, #tpu.memory_space<vmem_shared>> -> memref<16x128xf32, #tpu.memory_space<vmem_shared>>
      %dma_start3A_109 = arith.constant 0 : i32
      %dma_start3A_110 = tpu.memref_slice %arg6[%add3A_78, %dma_start3A_109] : memref<10240x128xf32, #tpu.memory_space<vmem_shared>> -> memref<16x128xf32, #tpu.memory_space<vmem_shared>>
      tpu.enqueue_dma source(%arg10 : memref<16x128xf32, #tpu.memory_space<vmem>>) target(%dma_start3A_110 : memref<16x128xf32, #tpu.memory_space<vmem_shared>>) target_semaphore(%run_scoped3A : memref<!tpu.dma_semaphore, #tpu.memory_space<semaphore_mem>>)
      %dma_wait3A = arith.constant 0 : i32
      %dma_wait3A_111 = tpu.memref_slice %arg6[%add3A_78, %dma_wait3A] : memref<10240x128xf32, #tpu.memory_space<vmem_shared>> -> memref<16x128xf32, #tpu.memory_space<vmem_shared>>
      %dma_wait3A_112 = arith.constant 0 : i32
      %dma_wait3A_113 = tpu.memref_slice %arg6[%add3A_78, %dma_wait3A_112] : memref<10240x128xf32, #tpu.memory_space<vmem_shared>> -> memref<16x128xf32, #tpu.memory_space<vmem_shared>>
      tpu.wait_dma2 semaphore(%run_scoped3A : memref<!tpu.dma_semaphore, #tpu.memory_space<semaphore_mem>>) src(%arg10 : memref<16x128xf32, #tpu.memory_space<vmem>>) dst(%dma_wait3A_113 : memref<16x128xf32, #tpu.memory_space<vmem_shared>>)
      tpu.yield
    }) : () -> ()
    %add3A_79 = arith.constant 544 : i32
    %add3A_80 = arith.addi %mul3A_2, %add3A_79 : i32
    "tpu.region"() ({
      %run_scoped3A = tpu.sem_alloc : memref<!tpu.dma_semaphore, #tpu.memory_space<semaphore_mem>>
      %dma_start3A_107 = arith.constant 0 : i32
      %dma_start3A_108 = tpu.memref_slice %arg6[%add3A_80, %dma_start3A_107] : memref<10240x128xf32, #tpu.memory_space<vmem_shared>> -> memref<16x128xf32, #tpu.memory_space<vmem_shared>>
      %dma_start3A_109 = arith.constant 0 : i32
      %dma_start3A_110 = tpu.memref_slice %arg6[%add3A_80, %dma_start3A_109] : memref<10240x128xf32, #tpu.memory_space<vmem_shared>> -> memref<16x128xf32, #tpu.memory_space<vmem_shared>>
      tpu.enqueue_dma source(%arg10 : memref<16x128xf32, #tpu.memory_space<vmem>>) target(%dma_start3A_110 : memref<16x128xf32, #tpu.memory_space<vmem_shared>>) target_semaphore(%run_scoped3A : memref<!tpu.dma_semaphore, #tpu.memory_space<semaphore_mem>>)
      %dma_wait3A = arith.constant 0 : i32
      %dma_wait3A_111 = tpu.memref_slice %arg6[%add3A_80, %dma_wait3A] : memref<10240x128xf32, #tpu.memory_space<vmem_shared>> -> memref<16x128xf32, #tpu.memory_space<vmem_shared>>
      %dma_wait3A_112 = arith.constant 0 : i32
      %dma_wait3A_113 = tpu.memref_slice %arg6[%add3A_80, %dma_wait3A_112] : memref<10240x128xf32, #tpu.memory_space<vmem_shared>> -> memref<16x128xf32, #tpu.memory_space<vmem_shared>>
      tpu.wait_dma2 semaphore(%run_scoped3A : memref<!tpu.dma_semaphore, #tpu.memory_space<semaphore_mem>>) src(%arg10 : memref<16x128xf32, #tpu.memory_space<vmem>>) dst(%dma_wait3A_113 : memref<16x128xf32, #tpu.memory_space<vmem_shared>>)
      tpu.yield
    }) : () -> ()
    %add3A_81 = arith.constant 560 : i32
    %add3A_82 = arith.addi %mul3A_2, %add3A_81 : i32
    "tpu.region"() ({
      %run_scoped3A = tpu.sem_alloc : memref<!tpu.dma_semaphore, #tpu.memory_space<semaphore_mem>>
      %dma_start3A_107 = arith.constant 0 : i32
      %dma_start3A_108 = tpu.memref_slice %arg6[%add3A_82, %dma_start3A_107] : memref<10240x128xf32, #tpu.memory_space<vmem_shared>> -> memref<16x128xf32, #tpu.memory_space<vmem_shared>>
      %dma_start3A_109 = arith.constant 0 : i32
      %dma_start3A_110 = tpu.memref_slice %arg6[%add3A_82, %dma_start3A_109] : memref<10240x128xf32, #tpu.memory_space<vmem_shared>> -> memref<16x128xf32, #tpu.memory_space<vmem_shared>>
      tpu.enqueue_dma source(%arg10 : memref<16x128xf32, #tpu.memory_space<vmem>>) target(%dma_start3A_110 : memref<16x128xf32, #tpu.memory_space<vmem_shared>>) target_semaphore(%run_scoped3A : memref<!tpu.dma_semaphore, #tpu.memory_space<semaphore_mem>>)
      %dma_wait3A = arith.constant 0 : i32
      %dma_wait3A_111 = tpu.memref_slice %arg6[%add3A_82, %dma_wait3A] : memref<10240x128xf32, #tpu.memory_space<vmem_shared>> -> memref<16x128xf32, #tpu.memory_space<vmem_shared>>
      %dma_wait3A_112 = arith.constant 0 : i32
      %dma_wait3A_113 = tpu.memref_slice %arg6[%add3A_82, %dma_wait3A_112] : memref<10240x128xf32, #tpu.memory_space<vmem_shared>> -> memref<16x128xf32, #tpu.memory_space<vmem_shared>>
      tpu.wait_dma2 semaphore(%run_scoped3A : memref<!tpu.dma_semaphore, #tpu.memory_space<semaphore_mem>>) src(%arg10 : memref<16x128xf32, #tpu.memory_space<vmem>>) dst(%dma_wait3A_113 : memref<16x128xf32, #tpu.memory_space<vmem_shared>>)
      tpu.yield
    }) : () -> ()
    %add3A_83 = arith.constant 576 : i32
    %add3A_84 = arith.addi %mul3A_2, %add3A_83 : i32
    "tpu.region"() ({
      %run_scoped3A = tpu.sem_alloc : memref<!tpu.dma_semaphore, #tpu.memory_space<semaphore_mem>>
      %dma_start3A_107 = arith.constant 0 : i32
      %dma_start3A_108 = tpu.memref_slice %arg6[%add3A_84, %dma_start3A_107] : memref<10240x128xf32, #tpu.memory_space<vmem_shared>> -> memref<16x128xf32, #tpu.memory_space<vmem_shared>>
      %dma_start3A_109 = arith.constant 0 : i32
      %dma_start3A_110 = tpu.memref_slice %arg6[%add3A_84, %dma_start3A_109] : memref<10240x128xf32, #tpu.memory_space<vmem_shared>> -> memref<16x128xf32, #tpu.memory_space<vmem_shared>>
      tpu.enqueue_dma source(%arg10 : memref<16x128xf32, #tpu.memory_space<vmem>>) target(%dma_start3A_110 : memref<16x128xf32, #tpu.memory_space<vmem_shared>>) target_semaphore(%run_scoped3A : memref<!tpu.dma_semaphore, #tpu.memory_space<semaphore_mem>>)
      %dma_wait3A = arith.constant 0 : i32
      %dma_wait3A_111 = tpu.memref_slice %arg6[%add3A_84, %dma_wait3A] : memref<10240x128xf32, #tpu.memory_space<vmem_shared>> -> memref<16x128xf32, #tpu.memory_space<vmem_shared>>
      %dma_wait3A_112 = arith.constant 0 : i32
      %dma_wait3A_113 = tpu.memref_slice %arg6[%add3A_84, %dma_wait3A_112] : memref<10240x128xf32, #tpu.memory_space<vmem_shared>> -> memref<16x128xf32, #tpu.memory_space<vmem_shared>>
      tpu.wait_dma2 semaphore(%run_scoped3A : memref<!tpu.dma_semaphore, #tpu.memory_space<semaphore_mem>>) src(%arg10 : memref<16x128xf32, #tpu.memory_space<vmem>>) dst(%dma_wait3A_113 : memref<16x128xf32, #tpu.memory_space<vmem_shared>>)
      tpu.yield
    }) : () -> ()
    %add3A_85 = arith.constant 592 : i32
    %add3A_86 = arith.addi %mul3A_2, %add3A_85 : i32
    "tpu.region"() ({
      %run_scoped3A = tpu.sem_alloc : memref<!tpu.dma_semaphore, #tpu.memory_space<semaphore_mem>>
      %dma_start3A_107 = arith.constant 0 : i32
      %dma_start3A_108 = tpu.memref_slice %arg6[%add3A_86, %dma_start3A_107] : memref<10240x128xf32, #tpu.memory_space<vmem_shared>> -> memref<16x128xf32, #tpu.memory_space<vmem_shared>>
      %dma_start3A_109 = arith.constant 0 : i32
      %dma_start3A_110 = tpu.memref_slice %arg6[%add3A_86, %dma_start3A_109] : memref<10240x128xf32, #tpu.memory_space<vmem_shared>> -> memref<16x128xf32, #tpu.memory_space<vmem_shared>>
      tpu.enqueue_dma source(%arg10 : memref<16x128xf32, #tpu.memory_space<vmem>>) target(%dma_start3A_110 : memref<16x128xf32, #tpu.memory_space<vmem_shared>>) target_semaphore(%run_scoped3A : memref<!tpu.dma_semaphore, #tpu.memory_space<semaphore_mem>>)
      %dma_wait3A = arith.constant 0 : i32
      %dma_wait3A_111 = tpu.memref_slice %arg6[%add3A_86, %dma_wait3A] : memref<10240x128xf32, #tpu.memory_space<vmem_shared>> -> memref<16x128xf32, #tpu.memory_space<vmem_shared>>
      %dma_wait3A_112 = arith.constant 0 : i32
      %dma_wait3A_113 = tpu.memref_slice %arg6[%add3A_86, %dma_wait3A_112] : memref<10240x128xf32, #tpu.memory_space<vmem_shared>> -> memref<16x128xf32, #tpu.memory_space<vmem_shared>>
      tpu.wait_dma2 semaphore(%run_scoped3A : memref<!tpu.dma_semaphore, #tpu.memory_space<semaphore_mem>>) src(%arg10 : memref<16x128xf32, #tpu.memory_space<vmem>>) dst(%dma_wait3A_113 : memref<16x128xf32, #tpu.memory_space<vmem_shared>>)
      tpu.yield
    }) : () -> ()
    %add3A_87 = arith.constant 608 : i32
    %add3A_88 = arith.addi %mul3A_2, %add3A_87 : i32
    "tpu.region"() ({
      %run_scoped3A = tpu.sem_alloc : memref<!tpu.dma_semaphore, #tpu.memory_space<semaphore_mem>>
      %dma_start3A_107 = arith.constant 0 : i32
      %dma_start3A_108 = tpu.memref_slice %arg6[%add3A_88, %dma_start3A_107] : memref<10240x128xf32, #tpu.memory_space<vmem_shared>> -> memref<16x128xf32, #tpu.memory_space<vmem_shared>>
      %dma_start3A_109 = arith.constant 0 : i32
      %dma_start3A_110 = tpu.memref_slice %arg6[%add3A_88, %dma_start3A_109] : memref<10240x128xf32, #tpu.memory_space<vmem_shared>> -> memref<16x128xf32, #tpu.memory_space<vmem_shared>>
      tpu.enqueue_dma source(%arg10 : memref<16x128xf32, #tpu.memory_space<vmem>>) target(%dma_start3A_110 : memref<16x128xf32, #tpu.memory_space<vmem_shared>>) target_semaphore(%run_scoped3A : memref<!tpu.dma_semaphore, #tpu.memory_space<semaphore_mem>>)
      %dma_wait3A = arith.constant 0 : i32
      %dma_wait3A_111 = tpu.memref_slice %arg6[%add3A_88, %dma_wait3A] : memref<10240x128xf32, #tpu.memory_space<vmem_shared>> -> memref<16x128xf32, #tpu.memory_space<vmem_shared>>
      %dma_wait3A_112 = arith.constant 0 : i32
      %dma_wait3A_113 = tpu.memref_slice %arg6[%add3A_88, %dma_wait3A_112] : memref<10240x128xf32, #tpu.memory_space<vmem_shared>> -> memref<16x128xf32, #tpu.memory_space<vmem_shared>>
      tpu.wait_dma2 semaphore(%run_scoped3A : memref<!tpu.dma_semaphore, #tpu.memory_space<semaphore_mem>>) src(%arg10 : memref<16x128xf32, #tpu.memory_space<vmem>>) dst(%dma_wait3A_113 : memref<16x128xf32, #tpu.memory_space<vmem_shared>>)
      tpu.yield
    }) : () -> ()
    %add3A_89 = arith.constant 624 : i32
    %add3A_90 = arith.addi %mul3A_2, %add3A_89 : i32
    "tpu.region"() ({
      %run_scoped3A = tpu.sem_alloc : memref<!tpu.dma_semaphore, #tpu.memory_space<semaphore_mem>>
      %dma_start3A_107 = arith.constant 0 : i32
      %dma_start3A_108 = tpu.memref_slice %arg6[%add3A_90, %dma_start3A_107] : memref<10240x128xf32, #tpu.memory_space<vmem_shared>> -> memref<16x128xf32, #tpu.memory_space<vmem_shared>>
      %dma_start3A_109 = arith.constant 0 : i32
      %dma_start3A_110 = tpu.memref_slice %arg6[%add3A_90, %dma_start3A_109] : memref<10240x128xf32, #tpu.memory_space<vmem_shared>> -> memref<16x128xf32, #tpu.memory_space<vmem_shared>>
      tpu.enqueue_dma source(%arg10 : memref<16x128xf32, #tpu.memory_space<vmem>>) target(%dma_start3A_110 : memref<16x128xf32, #tpu.memory_space<vmem_shared>>) target_semaphore(%run_scoped3A : memref<!tpu.dma_semaphore, #tpu.memory_space<semaphore_mem>>)
      %dma_wait3A = arith.constant 0 : i32
      %dma_wait3A_111 = tpu.memref_slice %arg6[%add3A_90, %dma_wait3A] : memref<10240x128xf32, #tpu.memory_space<vmem_shared>> -> memref<16x128xf32, #tpu.memory_space<vmem_shared>>
      %dma_wait3A_112 = arith.constant 0 : i32
      %dma_wait3A_113 = tpu.memref_slice %arg6[%add3A_90, %dma_wait3A_112] : memref<10240x128xf32, #tpu.memory_space<vmem_shared>> -> memref<16x128xf32, #tpu.memory_space<vmem_shared>>
      tpu.wait_dma2 semaphore(%run_scoped3A : memref<!tpu.dma_semaphore, #tpu.memory_space<semaphore_mem>>) src(%arg10 : memref<16x128xf32, #tpu.memory_space<vmem>>) dst(%dma_wait3A_113 : memref<16x128xf32, #tpu.memory_space<vmem_shared>>)
      tpu.yield
    }) : () -> ()
    "tpu.trace_stop"() : () -> ()
    %barrier3A = arith.constant 0 : index
    tpu.barrier barrier_id(%barrier3A)
    "tpu.trace_start"() <{level = 10 : i32, message = "edges"}> : () -> ()
    "tpu.region"() ({
      %run_scoped3A = tpu.sem_alloc : memref<!tpu.dma_semaphore, #tpu.memory_space<semaphore_mem>>
      %dma_start3A_107 = arith.constant 0 : i32
      %dma_start3A_108 = arith.constant 0 : i32
      %dma_start3A_109 = tpu.memref_slice %arg3[%add3A, %dma_start3A_107, %dma_start3A_108] : memref<32x104x128xi32, #tpu.memory_space<hbm>> -> memref<1x104x128xi32, #tpu.memory_space<hbm>>
      %dma_start3A_110 = tpu.memref_squeeze %dma_start3A_109 : memref<1x104x128xi32, #tpu.memory_space<hbm>> -> memref<104x128xi32, #tpu.memory_space<hbm>>
      %dma_start3A_111 = arith.constant 0 : i32
      %dma_start3A_112 = arith.constant 0 : i32
      %dma_start3A_113 = tpu.memref_slice %arg3[%add3A, %dma_start3A_111, %dma_start3A_112] : memref<32x104x128xi32, #tpu.memory_space<hbm>> -> memref<1x104x128xi32, #tpu.memory_space<hbm>>
      %dma_start3A_114 = tpu.memref_squeeze %dma_start3A_113 : memref<1x104x128xi32, #tpu.memory_space<hbm>> -> memref<104x128xi32, #tpu.memory_space<hbm>>
      tpu.enqueue_dma source(%dma_start3A_114 : memref<104x128xi32, #tpu.memory_space<hbm>>) target(%arg7 : memref<104x128xi32, #tpu.memory_space<vmem>>) target_semaphore(%run_scoped3A : memref<!tpu.dma_semaphore, #tpu.memory_space<semaphore_mem>>)
      %dma_wait3A = arith.constant 0 : i32
      %dma_wait3A_115 = arith.constant 0 : i32
      %dma_wait3A_116 = tpu.memref_slice %arg3[%add3A, %dma_wait3A, %dma_wait3A_115] : memref<32x104x128xi32, #tpu.memory_space<hbm>> -> memref<1x104x128xi32, #tpu.memory_space<hbm>>
      %dma_wait3A_117 = tpu.memref_squeeze %dma_wait3A_116 : memref<1x104x128xi32, #tpu.memory_space<hbm>> -> memref<104x128xi32, #tpu.memory_space<hbm>>
      %dma_wait3A_118 = arith.constant 0 : i32
      %dma_wait3A_119 = arith.constant 0 : i32
      %dma_wait3A_120 = tpu.memref_slice %arg3[%add3A, %dma_wait3A_118, %dma_wait3A_119] : memref<32x104x128xi32, #tpu.memory_space<hbm>> -> memref<1x104x128xi32, #tpu.memory_space<hbm>>
      %dma_wait3A_121 = tpu.memref_squeeze %dma_wait3A_120 : memref<1x104x128xi32, #tpu.memory_space<hbm>> -> memref<104x128xi32, #tpu.memory_space<hbm>>
      tpu.wait_dma2 semaphore(%run_scoped3A : memref<!tpu.dma_semaphore, #tpu.memory_space<semaphore_mem>>) src(%dma_wait3A_121 : memref<104x128xi32, #tpu.memory_space<hbm>>) dst(%arg7 : memref<104x128xi32, #tpu.memory_space<vmem>>)
      tpu.yield
    }) : () -> ()
    "tpu.region"() ({
      %run_scoped3A = tpu.sem_alloc : memref<!tpu.dma_semaphore, #tpu.memory_space<semaphore_mem>>
      %dma_start3A_107 = arith.constant 0 : i32
      %dma_start3A_108 = arith.constant 0 : i32
      %dma_start3A_109 = tpu.memref_slice %arg4[%add3A, %dma_start3A_107, %dma_start3A_108] : memref<32x104x128xi32, #tpu.memory_space<hbm>> -> memref<1x104x128xi32, #tpu.memory_space<hbm>>
      %dma_start3A_110 = tpu.memref_squeeze %dma_start3A_109 : memref<1x104x128xi32, #tpu.memory_space<hbm>> -> memref<104x128xi32, #tpu.memory_space<hbm>>
      %dma_start3A_111 = arith.constant 0 : i32
      %dma_start3A_112 = arith.constant 0 : i32
      %dma_start3A_113 = tpu.memref_slice %arg4[%add3A, %dma_start3A_111, %dma_start3A_112] : memref<32x104x128xi32, #tpu.memory_space<hbm>> -> memref<1x104x128xi32, #tpu.memory_space<hbm>>
      %dma_start3A_114 = tpu.memref_squeeze %dma_start3A_113 : memref<1x104x128xi32, #tpu.memory_space<hbm>> -> memref<104x128xi32, #tpu.memory_space<hbm>>
      tpu.enqueue_dma source(%dma_start3A_114 : memref<104x128xi32, #tpu.memory_space<hbm>>) target(%arg8 : memref<104x128xi32, #tpu.memory_space<vmem>>) target_semaphore(%run_scoped3A : memref<!tpu.dma_semaphore, #tpu.memory_space<semaphore_mem>>)
      %dma_wait3A = arith.constant 0 : i32
      %dma_wait3A_115 = arith.constant 0 : i32
      %dma_wait3A_116 = tpu.memref_slice %arg4[%add3A, %dma_wait3A, %dma_wait3A_115] : memref<32x104x128xi32, #tpu.memory_space<hbm>> -> memref<1x104x128xi32, #tpu.memory_space<hbm>>
      %dma_wait3A_117 = tpu.memref_squeeze %dma_wait3A_116 : memref<1x104x128xi32, #tpu.memory_space<hbm>> -> memref<104x128xi32, #tpu.memory_space<hbm>>
      %dma_wait3A_118 = arith.constant 0 : i32
      %dma_wait3A_119 = arith.constant 0 : i32
      %dma_wait3A_120 = tpu.memref_slice %arg4[%add3A, %dma_wait3A_118, %dma_wait3A_119] : memref<32x104x128xi32, #tpu.memory_space<hbm>> -> memref<1x104x128xi32, #tpu.memory_space<hbm>>
      %dma_wait3A_121 = tpu.memref_squeeze %dma_wait3A_120 : memref<1x104x128xi32, #tpu.memory_space<hbm>> -> memref<104x128xi32, #tpu.memory_space<hbm>>
      tpu.wait_dma2 semaphore(%run_scoped3A : memref<!tpu.dma_semaphore, #tpu.memory_space<semaphore_mem>>) src(%dma_wait3A_121 : memref<104x128xi32, #tpu.memory_space<hbm>>) dst(%arg8 : memref<104x128xi32, #tpu.memory_space<vmem>>)
      tpu.yield
    }) : () -> ()
    %dma_start3A = arith.constant 0 : i32
    %dma_start3A_91 = arith.constant 0 : i32
    %dma_start3A_92 = tpu.memref_slice %arg7[%dma_start3A, %dma_start3A_91] : memref<104x128xi32, #tpu.memory_space<vmem>> -> memref<1x128xi32, #tpu.memory_space<vmem>>
    %dma_start3A_93 = tpu.memref_squeeze %dma_start3A_92 : memref<1x128xi32, #tpu.memory_space<vmem>> -> memref<128xi32, #tpu.memory_space<vmem>>
    %dma_start3A_94 = arith.constant 0 : i32
    %dma_start3A_95 = arith.constant 0 : i32
    %dma_start3A_96 = tpu.memref_slice %arg2[%dma_start3A_94, %dma_start3A_95] : memref<10240x128xf32, #tpu.memory_space<hbm>> -> memref<10240x128xf32, #tpu.memory_space<hbm>>
    tpu.enqueue_indirect_dma source(%dma_start3A_96 : memref<10240x128xf32, #tpu.memory_space<hbm>>) target(%arg9 : memref<128x128xf32, #tpu.memory_space<vmem>>) offsets(%dma_start3A_93 : memref<128xi32, #tpu.memory_space<vmem>>) semaphore(%arg11 : memref<!tpu.dma_semaphore, #tpu.memory_space<semaphore_mem>>)
    %while3A = arith.constant 0 : i32
    %while3A_97 = arith.constant 0 : i32
    %while3A_98 = arith.subi %select_n3A, %while3A_97 : i32
    %while3A_99 = arith.addi %while3A_97, %while3A_98 : i32
    %while3A_100 = arith.constant 1 : i32
    %while3A_101 = arith.divsi %while3A_98, %while3A_100 : i32
    %while3A_102 = arith.muli %while3A_101, %while3A_100 : i32
    %while3A_103 = arith.addi %while3A_97, %while3A_102 : i32
    %while3A_104 = arith.constant 1 : i32
    scf.for %while3A_107 = %while3A_97 to %while3A_103 step %while3A_104  : i32 {
      %dma_wait3A = arith.constant 0 : i32
      %dma_wait3A_108 = tpu.memref_slice %arg7[%while3A_107, %dma_wait3A] : memref<104x128xi32, #tpu.memory_space<vmem>> -> memref<1x128xi32, #tpu.memory_space<vmem>>
      %dma_wait3A_109 = tpu.memref_squeeze %dma_wait3A_108 : memref<1x128xi32, #tpu.memory_space<vmem>> -> memref<128xi32, #tpu.memory_space<vmem>>
      %dma_wait3A_110 = arith.constant 0 : i32
      %dma_wait3A_111 = arith.constant 0 : i32
      %dma_wait3A_112 = tpu.memref_slice %arg2[%dma_wait3A_110, %dma_wait3A_111] : memref<10240x128xf32, #tpu.memory_space<hbm>> -> memref<10240x128xf32, #tpu.memory_space<hbm>>
      tpu.wait_indirect_dma semaphore(%arg11 : memref<!tpu.dma_semaphore, #tpu.memory_space<semaphore_mem>>) src(%dma_wait3A_112 : memref<10240x128xf32, #tpu.memory_space<hbm>>) dst(%arg9 : memref<128x128xf32, #tpu.memory_space<vmem>>)
      "tpu.region"() ({
        %run_scoped3A = tpu.sem_alloc : memref<!tpu.dma_semaphore, #tpu.memory_space<semaphore_mem>>
        %dma_start3A_116 = arith.constant 0 : i32
        %dma_start3A_117 = tpu.memref_slice %arg8[%while3A_107, %dma_start3A_116] : memref<104x128xi32, #tpu.memory_space<vmem>> -> memref<1x128xi32, #tpu.memory_space<vmem>>
        %dma_start3A_118 = tpu.memref_squeeze %dma_start3A_117 : memref<1x128xi32, #tpu.memory_space<vmem>> -> memref<128xi32, #tpu.memory_space<vmem>>
        %dma_start3A_119 = arith.constant 0 : i32
        %dma_start3A_120 = arith.constant 0 : i32
        %dma_start3A_121 = tpu.memref_slice %arg6[%dma_start3A_119, %dma_start3A_120] : memref<10240x128xf32, #tpu.memory_space<vmem_shared>> -> memref<10240x128xf32, #tpu.memory_space<vmem_shared>>
        tpu.enqueue_indirect_dma source(%arg9 : memref<128x128xf32, #tpu.memory_space<vmem>>) target(%dma_start3A_121 : memref<10240x128xf32, #tpu.memory_space<vmem_shared>>) offsets(%dma_start3A_118 : memref<128xi32, #tpu.memory_space<vmem>>) semaphore(%run_scoped3A : memref<!tpu.dma_semaphore, #tpu.memory_space<semaphore_mem>>) {add = true}
        %dma_wait3A_122 = arith.constant 0 : i32
        %dma_wait3A_123 = tpu.memref_slice %arg8[%while3A_107, %dma_wait3A_122] : memref<104x128xi32, #tpu.memory_space<vmem>> -> memref<1x128xi32, #tpu.memory_space<vmem>>
        %dma_wait3A_124 = tpu.memref_squeeze %dma_wait3A_123 : memref<1x128xi32, #tpu.memory_space<vmem>> -> memref<128xi32, #tpu.memory_space<vmem>>
        %dma_wait3A_125 = arith.constant 0 : i32
        %dma_wait3A_126 = arith.constant 0 : i32
        %dma_wait3A_127 = tpu.memref_slice %arg6[%dma_wait3A_125, %dma_wait3A_126] : memref<10240x128xf32, #tpu.memory_space<vmem_shared>> -> memref<10240x128xf32, #tpu.memory_space<vmem_shared>>
        tpu.wait_indirect_dma semaphore(%run_scoped3A : memref<!tpu.dma_semaphore, #tpu.memory_space<semaphore_mem>>) src(%arg9 : memref<128x128xf32, #tpu.memory_space<vmem>>) dst(%dma_wait3A_127 : memref<10240x128xf32, #tpu.memory_space<vmem_shared>>)
        tpu.yield
      }) : () -> ()
      %add3A_113 = arith.constant 1 : i32
      %add3A_114 = arith.addi %while3A_107, %add3A_113 : i32
      %lt3A = arith.cmpi slt, %add3A_114, %select_n3A : i32
      %convert_element_type3A = arith.extui %lt3A : i1 to i32
      %cond3A = arith.constant 0 : i32
      %cond3A_115 = arith.cmpi ne, %convert_element_type3A, %cond3A : i32
      scf.if %cond3A_115 {
        %add3A_116 = arith.constant 1 : i32
        %add3A_117 = arith.addi %while3A_107, %add3A_116 : i32
        %dma_start3A_118 = arith.constant 0 : i32
        %dma_start3A_119 = tpu.memref_slice %arg7[%add3A_117, %dma_start3A_118] : memref<104x128xi32, #tpu.memory_space<vmem>> -> memref<1x128xi32, #tpu.memory_space<vmem>>
        %dma_start3A_120 = tpu.memref_squeeze %dma_start3A_119 : memref<1x128xi32, #tpu.memory_space<vmem>> -> memref<128xi32, #tpu.memory_space<vmem>>
        %dma_start3A_121 = arith.constant 0 : i32
        %dma_start3A_122 = arith.constant 0 : i32
        %dma_start3A_123 = tpu.memref_slice %arg2[%dma_start3A_121, %dma_start3A_122] : memref<10240x128xf32, #tpu.memory_space<hbm>> -> memref<10240x128xf32, #tpu.memory_space<hbm>>
        tpu.enqueue_indirect_dma source(%dma_start3A_123 : memref<10240x128xf32, #tpu.memory_space<hbm>>) target(%arg9 : memref<128x128xf32, #tpu.memory_space<vmem>>) offsets(%dma_start3A_120 : memref<128xi32, #tpu.memory_space<vmem>>) semaphore(%arg11 : memref<!tpu.dma_semaphore, #tpu.memory_space<semaphore_mem>>)
      } else {
      }
    }
    %while3A_105 = arith.constant 1 : i32
    scf.for %while3A_107 = %while3A_103 to %while3A_99 step %while3A_105  : i32 {
      %dma_wait3A = arith.constant 0 : i32
      %dma_wait3A_108 = tpu.memref_slice %arg7[%while3A_107, %dma_wait3A] : memref<104x128xi32, #tpu.memory_space<vmem>> -> memref<1x128xi32, #tpu.memory_space<vmem>>
      %dma_wait3A_109 = tpu.memref_squeeze %dma_wait3A_108 : memref<1x128xi32, #tpu.memory_space<vmem>> -> memref<128xi32, #tpu.memory_space<vmem>>
      %dma_wait3A_110 = arith.constant 0 : i32
      %dma_wait3A_111 = arith.constant 0 : i32
      %dma_wait3A_112 = tpu.memref_slice %arg2[%dma_wait3A_110, %dma_wait3A_111] : memref<10240x128xf32, #tpu.memory_space<hbm>> -> memref<10240x128xf32, #tpu.memory_space<hbm>>
      tpu.wait_indirect_dma semaphore(%arg11 : memref<!tpu.dma_semaphore, #tpu.memory_space<semaphore_mem>>) src(%dma_wait3A_112 : memref<10240x128xf32, #tpu.memory_space<hbm>>) dst(%arg9 : memref<128x128xf32, #tpu.memory_space<vmem>>)
      "tpu.region"() ({
        %run_scoped3A = tpu.sem_alloc : memref<!tpu.dma_semaphore, #tpu.memory_space<semaphore_mem>>
        %dma_start3A_116 = arith.constant 0 : i32
        %dma_start3A_117 = tpu.memref_slice %arg8[%while3A_107, %dma_start3A_116] : memref<104x128xi32, #tpu.memory_space<vmem>> -> memref<1x128xi32, #tpu.memory_space<vmem>>
        %dma_start3A_118 = tpu.memref_squeeze %dma_start3A_117 : memref<1x128xi32, #tpu.memory_space<vmem>> -> memref<128xi32, #tpu.memory_space<vmem>>
        %dma_start3A_119 = arith.constant 0 : i32
        %dma_start3A_120 = arith.constant 0 : i32
        %dma_start3A_121 = tpu.memref_slice %arg6[%dma_start3A_119, %dma_start3A_120] : memref<10240x128xf32, #tpu.memory_space<vmem_shared>> -> memref<10240x128xf32, #tpu.memory_space<vmem_shared>>
        tpu.enqueue_indirect_dma source(%arg9 : memref<128x128xf32, #tpu.memory_space<vmem>>) target(%dma_start3A_121 : memref<10240x128xf32, #tpu.memory_space<vmem_shared>>) offsets(%dma_start3A_118 : memref<128xi32, #tpu.memory_space<vmem>>) semaphore(%run_scoped3A : memref<!tpu.dma_semaphore, #tpu.memory_space<semaphore_mem>>) {add = true}
        %dma_wait3A_122 = arith.constant 0 : i32
        %dma_wait3A_123 = tpu.memref_slice %arg8[%while3A_107, %dma_wait3A_122] : memref<104x128xi32, #tpu.memory_space<vmem>> -> memref<1x128xi32, #tpu.memory_space<vmem>>
        %dma_wait3A_124 = tpu.memref_squeeze %dma_wait3A_123 : memref<1x128xi32, #tpu.memory_space<vmem>> -> memref<128xi32, #tpu.memory_space<vmem>>
        %dma_wait3A_125 = arith.constant 0 : i32
        %dma_wait3A_126 = arith.constant 0 : i32
        %dma_wait3A_127 = tpu.memref_slice %arg6[%dma_wait3A_125, %dma_wait3A_126] : memref<10240x128xf32, #tpu.memory_space<vmem_shared>> -> memref<10240x128xf32, #tpu.memory_space<vmem_shared>>
        tpu.wait_indirect_dma semaphore(%run_scoped3A : memref<!tpu.dma_semaphore, #tpu.memory_space<semaphore_mem>>) src(%arg9 : memref<128x128xf32, #tpu.memory_space<vmem>>) dst(%dma_wait3A_127 : memref<10240x128xf32, #tpu.memory_space<vmem_shared>>)
        tpu.yield
      }) : () -> ()
      %add3A_113 = arith.constant 1 : i32
      %add3A_114 = arith.addi %while3A_107, %add3A_113 : i32
      %lt3A = arith.cmpi slt, %add3A_114, %select_n3A : i32
      %convert_element_type3A = arith.extui %lt3A : i1 to i32
      %cond3A = arith.constant 0 : i32
      %cond3A_115 = arith.cmpi ne, %convert_element_type3A, %cond3A : i32
      scf.if %cond3A_115 {
        %add3A_116 = arith.constant 1 : i32
        %add3A_117 = arith.addi %while3A_107, %add3A_116 : i32
        %dma_start3A_118 = arith.constant 0 : i32
        %dma_start3A_119 = tpu.memref_slice %arg7[%add3A_117, %dma_start3A_118] : memref<104x128xi32, #tpu.memory_space<vmem>> -> memref<1x128xi32, #tpu.memory_space<vmem>>
        %dma_start3A_120 = tpu.memref_squeeze %dma_start3A_119 : memref<1x128xi32, #tpu.memory_space<vmem>> -> memref<128xi32, #tpu.memory_space<vmem>>
        %dma_start3A_121 = arith.constant 0 : i32
        %dma_start3A_122 = arith.constant 0 : i32
        %dma_start3A_123 = tpu.memref_slice %arg2[%dma_start3A_121, %dma_start3A_122] : memref<10240x128xf32, #tpu.memory_space<hbm>> -> memref<10240x128xf32, #tpu.memory_space<hbm>>
        tpu.enqueue_indirect_dma source(%dma_start3A_123 : memref<10240x128xf32, #tpu.memory_space<hbm>>) target(%arg9 : memref<128x128xf32, #tpu.memory_space<vmem>>) offsets(%dma_start3A_120 : memref<128xi32, #tpu.memory_space<vmem>>) semaphore(%arg11 : memref<!tpu.dma_semaphore, #tpu.memory_space<semaphore_mem>>)
      } else {
      }
    }
    "tpu.trace_stop"() : () -> ()
    %barrier3A_106 = arith.constant 0 : index
    tpu.barrier barrier_id(%barrier3A_106)
    "tpu.trace_start"() <{level = 10 : i32, message = "writeout"}> : () -> ()
    "tpu.region"() ({
      %run_scoped3A = tpu.sem_alloc : memref<!tpu.dma_semaphore, #tpu.memory_space<semaphore_mem>>
      %dma_start3A_107 = arith.constant 0 : i32
      %dma_start3A_108 = tpu.memref_slice %arg5[%arg0, %mul3A_2, %dma_start3A_107] : memref<2x10240x128xf32, #tpu.memory_space<hbm>> -> memref<1x640x128xf32, #tpu.memory_space<hbm>>
      %dma_start3A_109 = tpu.memref_squeeze %dma_start3A_108 : memref<1x640x128xf32, #tpu.memory_space<hbm>> -> memref<640x128xf32, #tpu.memory_space<hbm>>
      %dma_start3A_110 = arith.constant 0 : i32
      %dma_start3A_111 = tpu.memref_slice %arg6[%mul3A_2, %dma_start3A_110] : memref<10240x128xf32, #tpu.memory_space<vmem_shared>> -> memref<640x128xf32, #tpu.memory_space<vmem_shared>>
      tpu.enqueue_dma source(%dma_start3A_111 : memref<640x128xf32, #tpu.memory_space<vmem_shared>>) target(%dma_start3A_109 : memref<640x128xf32, #tpu.memory_space<hbm>>) target_semaphore(%run_scoped3A : memref<!tpu.dma_semaphore, #tpu.memory_space<semaphore_mem>>)
      %dma_wait3A = arith.constant 0 : i32
      %dma_wait3A_112 = tpu.memref_slice %arg5[%arg0, %mul3A_2, %dma_wait3A] : memref<2x10240x128xf32, #tpu.memory_space<hbm>> -> memref<1x640x128xf32, #tpu.memory_space<hbm>>
      %dma_wait3A_113 = tpu.memref_squeeze %dma_wait3A_112 : memref<1x640x128xf32, #tpu.memory_space<hbm>> -> memref<640x128xf32, #tpu.memory_space<hbm>>
      %dma_wait3A_114 = arith.constant 0 : i32
      %dma_wait3A_115 = tpu.memref_slice %arg6[%mul3A_2, %dma_wait3A_114] : memref<10240x128xf32, #tpu.memory_space<vmem_shared>> -> memref<640x128xf32, #tpu.memory_space<vmem_shared>>
      tpu.wait_dma2 semaphore(%run_scoped3A : memref<!tpu.dma_semaphore, #tpu.memory_space<semaphore_mem>>) src(%dma_wait3A_115 : memref<640x128xf32, #tpu.memory_space<vmem_shared>>) dst(%dma_wait3A_113 : memref<640x128xf32, #tpu.memory_space<hbm>>)
      tpu.yield
    }) : () -> ()
    "tpu.trace_stop"() : () -> ()
    return
  }
}

#map = affine_map<(d0, d1) -> (0, 0)>
#map1 = affine_map<(d0, d1) -> (0, 0, 0)>
module attributes {stable_mosaic.version = 14 : i64} {
  func.func @body(%arg0: i32, %arg1: i32, %arg2: memref<10240x128xf32, #tpu.memory_space<hbm>>, %arg3: memref<32x104x128xi32, #tpu.memory_space<hbm>>, %arg4: memref<32x104x128xi32, #tpu.memory_space<hbm>>, %arg5: memref<2x10240x128xf32, #tpu.memory_space<hbm>>, %arg6: memref<10240x128xf32, #tpu.memory_space<vmem_shared>>, %arg7: memref<104x128xi32, #tpu.memory_space<vmem>>, %arg8: memref<104x128xi32, #tpu.memory_space<vmem>>, %arg9: memref<128x128xf32, #tpu.memory_space<vmem>>, %arg10: memref<16x128xf32, #tpu.memory_space<vmem>>, %arg11: memref<!tpu.dma_semaphore, #tpu.memory_space<semaphore_mem>>) attributes {dimension_semantics = [#tpu.dimension_semantics<core_parallel>, #tpu.dimension_semantics<subcore_parallel>], iteration_bounds = array<i64: 2, 16>, scalar_prefetch = 0 : i64, scratch_operands = 6 : i64, tpu.core_type = #tpu.core_type<sc_vector_subcore>, window_params = [{transform_indices = #map}, {transform_indices = #map1}, {transform_indices = #map1}, {transform_indices = #map1}]} {
    %mul3A = arith.constant 16 : i32
    %mul3A_0 = arith.muli %arg0, %mul3A : i32
    %add3A = arith.addi %mul3A_0, %arg1 : i32
    %mul3A_1 = arith.constant 640 : i32
    %mul3A_2 = arith.muli %arg1, %mul3A_1 : i32
    %eq3A = arith.constant 0 : i32
    %eq3A_3 = arith.cmpi eq, %arg0, %eq3A : i32
    %jit3A = arith.constant 53 : i32
    %jit3A_4 = arith.constant 104 : i32
    %select_n3A = arith.select %eq3A_3, %jit3A, %jit3A_4 : i32
    %broadcast_in_dim3A = arith.constant 0.000000e+00 : f32
    "tpu.trace_start"() <{level = 10 : i32, message = "zero"}> : () -> ()
    %broadcast_in_dim3A_5 = vector.broadcast %broadcast_in_dim3A : f32 to vector<16xf32>
    %scan3A = arith.constant 0 : i32
    %scan3A_6 = arith.constant 0 : i32
    %scan3A_7 = arith.constant 16 : i32
    %scan3A_8 = arith.addi %scan3A_6, %scan3A_7 : i32
    %scan3A_9 = arith.constant 1 : i32
    scf.for %scan3A_107 = %scan3A_6 to %scan3A_8 step %scan3A_9  : i32 {
      %swap3A = arith.index_cast %scan3A_107 : i32 to index
      %swap3A_108 = arith.constant 0 : index
      %swap3A_109 = tpu.vector_load %arg10[%swap3A, %swap3A_108] {strides = array<i32>} : memref<16x128xf32, #tpu.memory_space<vmem>>, vector<1x16xf32>,
      %swap3A_110 = vector.shape_cast %swap3A_109 : vector<1x16xf32> to vector<16xf32>
      %swap3A_111 = vector.shape_cast %broadcast_in_dim3A_5 : vector<16xf32> to vector<1x16xf32>
      tpu.vector_store %arg10[%swap3A, %swap3A_108], %swap3A_111 {strides = array<i32>} : memref<16x128xf32, #tpu.memory_space<vmem>>, vector<1x16xf32>,
      %swap3A_112 = arith.index_cast %scan3A_107 : i32 to index
      %swap3A_113 = arith.constant 16 : index
      %swap3A_114 = tpu.vector_load %arg10[%swap3A_112, %swap3A_113] {strides = array<i32>} : memref<16x128xf32, #tpu.memory_space<vmem>>, vector<1x16xf32>,
      %swap3A_115 = vector.shape_cast %swap3A_114 : vector<1x16xf32> to vector<16xf32>
      %swap3A_116 = vector.shape_cast %broadcast_in_dim3A_5 : vector<16xf32> to vector<1x16xf32>
      tpu.vector_store %arg10[%swap3A_112, %swap3A_113], %swap3A_116 {strides = array<i32>} : memref<16x128xf32, #tpu.memory_space<vmem>>, vector<1x16xf32>,
      %swap3A_117 = arith.index_cast %scan3A_107 : i32 to index
      %swap3A_118 = arith.constant 32 : index
      %swap3A_119 = tpu.vector_load %arg10[%swap3A_117, %swap3A_118] {strides = array<i32>} : memref<16x128xf32, #tpu.memory_space<vmem>>, vector<1x16xf32>,
      %swap3A_120 = vector.shape_cast %swap3A_119 : vector<1x16xf32> to vector<16xf32>
      %swap3A_121 = vector.shape_cast %broadcast_in_dim3A_5 : vector<16xf32> to vector<1x16xf32>
      tpu.vector_store %arg10[%swap3A_117, %swap3A_118], %swap3A_121 {strides = array<i32>} : memref<16x128xf32, #tpu.memory_space<vmem>>, vector<1x16xf32>,
      %swap3A_122 = arith.index_cast %scan3A_107 : i32 to index
      %swap3A_123 = arith.constant 48 : index
      %swap3A_124 = tpu.vector_load %arg10[%swap3A_122, %swap3A_123] {strides = array<i32>} : memref<16x128xf32, #tpu.memory_space<vmem>>, vector<1x16xf32>,
      %swap3A_125 = vector.shape_cast %swap3A_124 : vector<1x16xf32> to vector<16xf32>
      %swap3A_126 = vector.shape_cast %broadcast_in_dim3A_5 : vector<16xf32> to vector<1x16xf32>
      tpu.vector_store %arg10[%swap3A_122, %swap3A_123], %swap3A_126 {strides = array<i32>} : memref<16x128xf32, #tpu.memory_space<vmem>>, vector<1x16xf32>,
      %swap3A_127 = arith.index_cast %scan3A_107 : i32 to index
      %swap3A_128 = arith.constant 64 : index
      %swap3A_129 = tpu.vector_load %arg10[%swap3A_127, %swap3A_128] {strides = array<i32>} : memref<16x128xf32, #tpu.memory_space<vmem>>, vector<1x16xf32>,
      %swap3A_130 = vector.shape_cast %swap3A_129 : vector<1x16xf32> to vector<16xf32>
      %swap3A_131 = vector.shape_cast %broadcast_in_dim3A_5 : vector<16xf32> to vector<1x16xf32>
      tpu.vector_store %arg10[%swap3A_127, %swap3A_128], %swap3A_131 {strides = array<i32>} : memref<16x128xf32, #tpu.memory_space<vmem>>, vector<1x16xf32>,
      %swap3A_132 = arith.index_cast %scan3A_107 : i32 to index
      %swap3A_133 = arith.constant 80 : index
      %swap3A_134 = tpu.vector_load %arg10[%swap3A_132, %swap3A_133] {strides = array<i32>} : memref<16x128xf32, #tpu.memory_space<vmem>>, vector<1x16xf32>,
      %swap3A_135 = vector.shape_cast %swap3A_134 : vector<1x16xf32> to vector<16xf32>
      %swap3A_136 = vector.shape_cast %broadcast_in_dim3A_5 : vector<16xf32> to vector<1x16xf32>
      tpu.vector_store %arg10[%swap3A_132, %swap3A_133], %swap3A_136 {strides = array<i32>} : memref<16x128xf32, #tpu.memory_space<vmem>>, vector<1x16xf32>,
      %swap3A_137 = arith.index_cast %scan3A_107 : i32 to index
      %swap3A_138 = arith.constant 96 : index
      %swap3A_139 = tpu.vector_load %arg10[%swap3A_137, %swap3A_138] {strides = array<i32>} : memref<16x128xf32, #tpu.memory_space<vmem>>, vector<1x16xf32>,
      %swap3A_140 = vector.shape_cast %swap3A_139 : vector<1x16xf32> to vector<16xf32>
      %swap3A_141 = vector.shape_cast %broadcast_in_dim3A_5 : vector<16xf32> to vector<1x16xf32>
      tpu.vector_store %arg10[%swap3A_137, %swap3A_138], %swap3A_141 {strides = array<i32>} : memref<16x128xf32, #tpu.memory_space<vmem>>, vector<1x16xf32>,
      %swap3A_142 = arith.index_cast %scan3A_107 : i32 to index
      %swap3A_143 = arith.constant 112 : index
      %swap3A_144 = tpu.vector_load %arg10[%swap3A_142, %swap3A_143] {strides = array<i32>} : memref<16x128xf32, #tpu.memory_space<vmem>>, vector<1x16xf32>,
      %swap3A_145 = vector.shape_cast %swap3A_144 : vector<1x16xf32> to vector<16xf32>
      %swap3A_146 = vector.shape_cast %broadcast_in_dim3A_5 : vector<16xf32> to vector<1x16xf32>
      tpu.vector_store %arg10[%swap3A_142, %swap3A_143], %swap3A_146 {strides = array<i32>} : memref<16x128xf32, #tpu.memory_space<vmem>>, vector<1x16xf32>,
    }
    %scan3A_10 = arith.constant 16 : i32
    %add3A_11 = arith.constant 0 : i32
    %add3A_12 = arith.addi %mul3A_2, %add3A_11 : i32
    "tpu.region"() ({
      %run_scoped3A = tpu.sem_alloc : memref<!tpu.dma_semaphore, #tpu.memory_space<semaphore_mem>>
      %dma_start3A_107 = arith.constant 0 : i32
      %dma_start3A_108 = tpu.memref_slice %arg6[%add3A_12, %dma_start3A_107] : memref<10240x128xf32, #tpu.memory_space<vmem_shared>> -> memref<16x128xf32, #tpu.memory_space<vmem_shared>>
      %dma_start3A_109 = arith.constant 0 : i32
      %dma_start3A_110 = tpu.memref_slice %arg6[%add3A_12, %dma_start3A_109] : memref<10240x128xf32, #tpu.memory_space<vmem_shared>> -> memref<16x128xf32, #tpu.memory_space<vmem_shared>>
      tpu.enqueue_dma source(%arg10 : memref<16x128xf32, #tpu.memory_space<vmem>>) target(%dma_start3A_110 : memref<16x128xf32, #tpu.memory_space<vmem_shared>>) target_semaphore(%run_scoped3A : memref<!tpu.dma_semaphore, #tpu.memory_space<semaphore_mem>>)
      %dma_wait3A = arith.constant 0 : i32
      %dma_wait3A_111 = tpu.memref_slice %arg6[%add3A_12, %dma_wait3A] : memref<10240x128xf32, #tpu.memory_space<vmem_shared>> -> memref<16x128xf32, #tpu.memory_space<vmem_shared>>
      %dma_wait3A_112 = arith.constant 0 : i32
      %dma_wait3A_113 = tpu.memref_slice %arg6[%add3A_12, %dma_wait3A_112] : memref<10240x128xf32, #tpu.memory_space<vmem_shared>> -> memref<16x128xf32, #tpu.memory_space<vmem_shared>>
      tpu.wait_dma2 semaphore(%run_scoped3A : memref<!tpu.dma_semaphore, #tpu.memory_space<semaphore_mem>>) src(%arg10 : memref<16x128xf32, #tpu.memory_space<vmem>>) dst(%dma_wait3A_113 : memref<16x128xf32, #tpu.memory_space<vmem_shared>>)
      tpu.yield
    }) : () -> ()
    %add3A_13 = arith.constant 16 : i32
    %add3A_14 = arith.addi %mul3A_2, %add3A_13 : i32
    "tpu.region"() ({
      %run_scoped3A = tpu.sem_alloc : memref<!tpu.dma_semaphore, #tpu.memory_space<semaphore_mem>>
      %dma_start3A_107 = arith.constant 0 : i32
      %dma_start3A_108 = tpu.memref_slice %arg6[%add3A_14, %dma_start3A_107] : memref<10240x128xf32, #tpu.memory_space<vmem_shared>> -> memref<16x128xf32, #tpu.memory_space<vmem_shared>>
      %dma_start3A_109 = arith.constant 0 : i32
      %dma_start3A_110 = tpu.memref_slice %arg6[%add3A_14, %dma_start3A_109] : memref<10240x128xf32, #tpu.memory_space<vmem_shared>> -> memref<16x128xf32, #tpu.memory_space<vmem_shared>>
      tpu.enqueue_dma source(%arg10 : memref<16x128xf32, #tpu.memory_space<vmem>>) target(%dma_start3A_110 : memref<16x128xf32, #tpu.memory_space<vmem_shared>>) target_semaphore(%run_scoped3A : memref<!tpu.dma_semaphore, #tpu.memory_space<semaphore_mem>>)
      %dma_wait3A = arith.constant 0 : i32
      %dma_wait3A_111 = tpu.memref_slice %arg6[%add3A_14, %dma_wait3A] : memref<10240x128xf32, #tpu.memory_space<vmem_shared>> -> memref<16x128xf32, #tpu.memory_space<vmem_shared>>
      %dma_wait3A_112 = arith.constant 0 : i32
      %dma_wait3A_113 = tpu.memref_slice %arg6[%add3A_14, %dma_wait3A_112] : memref<10240x128xf32, #tpu.memory_space<vmem_shared>> -> memref<16x128xf32, #tpu.memory_space<vmem_shared>>
      tpu.wait_dma2 semaphore(%run_scoped3A : memref<!tpu.dma_semaphore, #tpu.memory_space<semaphore_mem>>) src(%arg10 : memref<16x128xf32, #tpu.memory_space<vmem>>) dst(%dma_wait3A_113 : memref<16x128xf32, #tpu.memory_space<vmem_shared>>)
      tpu.yield
    }) : () -> ()
    %add3A_15 = arith.constant 32 : i32
    %add3A_16 = arith.addi %mul3A_2, %add3A_15 : i32
    "tpu.region"() ({
      %run_scoped3A = tpu.sem_alloc : memref<!tpu.dma_semaphore, #tpu.memory_space<semaphore_mem>>
      %dma_start3A_107 = arith.constant 0 : i32
      %dma_start3A_108 = tpu.memref_slice %arg6[%add3A_16, %dma_start3A_107] : memref<10240x128xf32, #tpu.memory_space<vmem_shared>> -> memref<16x128xf32, #tpu.memory_space<vmem_shared>>
      %dma_start3A_109 = arith.constant 0 : i32
      %dma_start3A_110 = tpu.memref_slice %arg6[%add3A_16, %dma_start3A_109] : memref<10240x128xf32, #tpu.memory_space<vmem_shared>> -> memref<16x128xf32, #tpu.memory_space<vmem_shared>>
      tpu.enqueue_dma source(%arg10 : memref<16x128xf32, #tpu.memory_space<vmem>>) target(%dma_start3A_110 : memref<16x128xf32, #tpu.memory_space<vmem_shared>>) target_semaphore(%run_scoped3A : memref<!tpu.dma_semaphore, #tpu.memory_space<semaphore_mem>>)
      %dma_wait3A = arith.constant 0 : i32
      %dma_wait3A_111 = tpu.memref_slice %arg6[%add3A_16, %dma_wait3A] : memref<10240x128xf32, #tpu.memory_space<vmem_shared>> -> memref<16x128xf32, #tpu.memory_space<vmem_shared>>
      %dma_wait3A_112 = arith.constant 0 : i32
      %dma_wait3A_113 = tpu.memref_slice %arg6[%add3A_16, %dma_wait3A_112] : memref<10240x128xf32, #tpu.memory_space<vmem_shared>> -> memref<16x128xf32, #tpu.memory_space<vmem_shared>>
      tpu.wait_dma2 semaphore(%run_scoped3A : memref<!tpu.dma_semaphore, #tpu.memory_space<semaphore_mem>>) src(%arg10 : memref<16x128xf32, #tpu.memory_space<vmem>>) dst(%dma_wait3A_113 : memref<16x128xf32, #tpu.memory_space<vmem_shared>>)
      tpu.yield
    }) : () -> ()
    %add3A_17 = arith.constant 48 : i32
    %add3A_18 = arith.addi %mul3A_2, %add3A_17 : i32
    "tpu.region"() ({
      %run_scoped3A = tpu.sem_alloc : memref<!tpu.dma_semaphore, #tpu.memory_space<semaphore_mem>>
      %dma_start3A_107 = arith.constant 0 : i32
      %dma_start3A_108 = tpu.memref_slice %arg6[%add3A_18, %dma_start3A_107] : memref<10240x128xf32, #tpu.memory_space<vmem_shared>> -> memref<16x128xf32, #tpu.memory_space<vmem_shared>>
      %dma_start3A_109 = arith.constant 0 : i32
      %dma_start3A_110 = tpu.memref_slice %arg6[%add3A_18, %dma_start3A_109] : memref<10240x128xf32, #tpu.memory_space<vmem_shared>> -> memref<16x128xf32, #tpu.memory_space<vmem_shared>>
      tpu.enqueue_dma source(%arg10 : memref<16x128xf32, #tpu.memory_space<vmem>>) target(%dma_start3A_110 : memref<16x128xf32, #tpu.memory_space<vmem_shared>>) target_semaphore(%run_scoped3A : memref<!tpu.dma_semaphore, #tpu.memory_space<semaphore_mem>>)
      %dma_wait3A = arith.constant 0 : i32
      %dma_wait3A_111 = tpu.memref_slice %arg6[%add3A_18, %dma_wait3A] : memref<10240x128xf32, #tpu.memory_space<vmem_shared>> -> memref<16x128xf32, #tpu.memory_space<vmem_shared>>
      %dma_wait3A_112 = arith.constant 0 : i32
      %dma_wait3A_113 = tpu.memref_slice %arg6[%add3A_18, %dma_wait3A_112] : memref<10240x128xf32, #tpu.memory_space<vmem_shared>> -> memref<16x128xf32, #tpu.memory_space<vmem_shared>>
      tpu.wait_dma2 semaphore(%run_scoped3A : memref<!tpu.dma_semaphore, #tpu.memory_space<semaphore_mem>>) src(%arg10 : memref<16x128xf32, #tpu.memory_space<vmem>>) dst(%dma_wait3A_113 : memref<16x128xf32, #tpu.memory_space<vmem_shared>>)
      tpu.yield
    }) : () -> ()
    %add3A_19 = arith.constant 64 : i32
    %add3A_20 = arith.addi %mul3A_2, %add3A_19 : i32
    "tpu.region"() ({
      %run_scoped3A = tpu.sem_alloc : memref<!tpu.dma_semaphore, #tpu.memory_space<semaphore_mem>>
      %dma_start3A_107 = arith.constant 0 : i32
      %dma_start3A_108 = tpu.memref_slice %arg6[%add3A_20, %dma_start3A_107] : memref<10240x128xf32, #tpu.memory_space<vmem_shared>> -> memref<16x128xf32, #tpu.memory_space<vmem_shared>>
      %dma_start3A_109 = arith.constant 0 : i32
      %dma_start3A_110 = tpu.memref_slice %arg6[%add3A_20, %dma_start3A_109] : memref<10240x128xf32, #tpu.memory_space<vmem_shared>> -> memref<16x128xf32, #tpu.memory_space<vmem_shared>>
      tpu.enqueue_dma source(%arg10 : memref<16x128xf32, #tpu.memory_space<vmem>>) target(%dma_start3A_110 : memref<16x128xf32, #tpu.memory_space<vmem_shared>>) target_semaphore(%run_scoped3A : memref<!tpu.dma_semaphore, #tpu.memory_space<semaphore_mem>>)
      %dma_wait3A = arith.constant 0 : i32
      %dma_wait3A_111 = tpu.memref_slice %arg6[%add3A_20, %dma_wait3A] : memref<10240x128xf32, #tpu.memory_space<vmem_shared>> -> memref<16x128xf32, #tpu.memory_space<vmem_shared>>
      %dma_wait3A_112 = arith.constant 0 : i32
      %dma_wait3A_113 = tpu.memref_slice %arg6[%add3A_20, %dma_wait3A_112] : memref<10240x128xf32, #tpu.memory_space<vmem_shared>> -> memref<16x128xf32, #tpu.memory_space<vmem_shared>>
      tpu.wait_dma2 semaphore(%run_scoped3A : memref<!tpu.dma_semaphore, #tpu.memory_space<semaphore_mem>>) src(%arg10 : memref<16x128xf32, #tpu.memory_space<vmem>>) dst(%dma_wait3A_113 : memref<16x128xf32, #tpu.memory_space<vmem_shared>>)
      tpu.yield
    }) : () -> ()
    %add3A_21 = arith.constant 80 : i32
    %add3A_22 = arith.addi %mul3A_2, %add3A_21 : i32
    "tpu.region"() ({
      %run_scoped3A = tpu.sem_alloc : memref<!tpu.dma_semaphore, #tpu.memory_space<semaphore_mem>>
      %dma_start3A_107 = arith.constant 0 : i32
      %dma_start3A_108 = tpu.memref_slice %arg6[%add3A_22, %dma_start3A_107] : memref<10240x128xf32, #tpu.memory_space<vmem_shared>> -> memref<16x128xf32, #tpu.memory_space<vmem_shared>>
      %dma_start3A_109 = arith.constant 0 : i32
      %dma_start3A_110 = tpu.memref_slice %arg6[%add3A_22, %dma_start3A_109] : memref<10240x128xf32, #tpu.memory_space<vmem_shared>> -> memref<16x128xf32, #tpu.memory_space<vmem_shared>>
      tpu.enqueue_dma source(%arg10 : memref<16x128xf32, #tpu.memory_space<vmem>>) target(%dma_start3A_110 : memref<16x128xf32, #tpu.memory_space<vmem_shared>>) target_semaphore(%run_scoped3A : memref<!tpu.dma_semaphore, #tpu.memory_space<semaphore_mem>>)
      %dma_wait3A = arith.constant 0 : i32
      %dma_wait3A_111 = tpu.memref_slice %arg6[%add3A_22, %dma_wait3A] : memref<10240x128xf32, #tpu.memory_space<vmem_shared>> -> memref<16x128xf32, #tpu.memory_space<vmem_shared>>
      %dma_wait3A_112 = arith.constant 0 : i32
      %dma_wait3A_113 = tpu.memref_slice %arg6[%add3A_22, %dma_wait3A_112] : memref<10240x128xf32, #tpu.memory_space<vmem_shared>> -> memref<16x128xf32, #tpu.memory_space<vmem_shared>>
      tpu.wait_dma2 semaphore(%run_scoped3A : memref<!tpu.dma_semaphore, #tpu.memory_space<semaphore_mem>>) src(%arg10 : memref<16x128xf32, #tpu.memory_space<vmem>>) dst(%dma_wait3A_113 : memref<16x128xf32, #tpu.memory_space<vmem_shared>>)
      tpu.yield
    }) : () -> ()
    %add3A_23 = arith.constant 96 : i32
    %add3A_24 = arith.addi %mul3A_2, %add3A_23 : i32
    "tpu.region"() ({
      %run_scoped3A = tpu.sem_alloc : memref<!tpu.dma_semaphore, #tpu.memory_space<semaphore_mem>>
      %dma_start3A_107 = arith.constant 0 : i32
      %dma_start3A_108 = tpu.memref_slice %arg6[%add3A_24, %dma_start3A_107] : memref<10240x128xf32, #tpu.memory_space<vmem_shared>> -> memref<16x128xf32, #tpu.memory_space<vmem_shared>>
      %dma_start3A_109 = arith.constant 0 : i32
      %dma_start3A_110 = tpu.memref_slice %arg6[%add3A_24, %dma_start3A_109] : memref<10240x128xf32, #tpu.memory_space<vmem_shared>> -> memref<16x128xf32, #tpu.memory_space<vmem_shared>>
      tpu.enqueue_dma source(%arg10 : memref<16x128xf32, #tpu.memory_space<vmem>>) target(%dma_start3A_110 : memref<16x128xf32, #tpu.memory_space<vmem_shared>>) target_semaphore(%run_scoped3A : memref<!tpu.dma_semaphore, #tpu.memory_space<semaphore_mem>>)
      %dma_wait3A = arith.constant 0 : i32
      %dma_wait3A_111 = tpu.memref_slice %arg6[%add3A_24, %dma_wait3A] : memref<10240x128xf32, #tpu.memory_space<vmem_shared>> -> memref<16x128xf32, #tpu.memory_space<vmem_shared>>
      %dma_wait3A_112 = arith.constant 0 : i32
      %dma_wait3A_113 = tpu.memref_slice %arg6[%add3A_24, %dma_wait3A_112] : memref<10240x128xf32, #tpu.memory_space<vmem_shared>> -> memref<16x128xf32, #tpu.memory_space<vmem_shared>>
      tpu.wait_dma2 semaphore(%run_scoped3A : memref<!tpu.dma_semaphore, #tpu.memory_space<semaphore_mem>>) src(%arg10 : memref<16x128xf32, #tpu.memory_space<vmem>>) dst(%dma_wait3A_113 : memref<16x128xf32, #tpu.memory_space<vmem_shared>>)
      tpu.yield
    }) : () -> ()
    %add3A_25 = arith.constant 112 : i32
    %add3A_26 = arith.addi %mul3A_2, %add3A_25 : i32
    "tpu.region"() ({
      %run_scoped3A = tpu.sem_alloc : memref<!tpu.dma_semaphore, #tpu.memory_space<semaphore_mem>>
      %dma_start3A_107 = arith.constant 0 : i32
      %dma_start3A_108 = tpu.memref_slice %arg6[%add3A_26, %dma_start3A_107] : memref<10240x128xf32, #tpu.memory_space<vmem_shared>> -> memref<16x128xf32, #tpu.memory_space<vmem_shared>>
      %dma_start3A_109 = arith.constant 0 : i32
      %dma_start3A_110 = tpu.memref_slice %arg6[%add3A_26, %dma_start3A_109] : memref<10240x128xf32, #tpu.memory_space<vmem_shared>> -> memref<16x128xf32, #tpu.memory_space<vmem_shared>>
      tpu.enqueue_dma source(%arg10 : memref<16x128xf32, #tpu.memory_space<vmem>>) target(%dma_start3A_110 : memref<16x128xf32, #tpu.memory_space<vmem_shared>>) target_semaphore(%run_scoped3A : memref<!tpu.dma_semaphore, #tpu.memory_space<semaphore_mem>>)
      %dma_wait3A = arith.constant 0 : i32
      %dma_wait3A_111 = tpu.memref_slice %arg6[%add3A_26, %dma_wait3A] : memref<10240x128xf32, #tpu.memory_space<vmem_shared>> -> memref<16x128xf32, #tpu.memory_space<vmem_shared>>
      %dma_wait3A_112 = arith.constant 0 : i32
      %dma_wait3A_113 = tpu.memref_slice %arg6[%add3A_26, %dma_wait3A_112] : memref<10240x128xf32, #tpu.memory_space<vmem_shared>> -> memref<16x128xf32, #tpu.memory_space<vmem_shared>>
      tpu.wait_dma2 semaphore(%run_scoped3A : memref<!tpu.dma_semaphore, #tpu.memory_space<semaphore_mem>>) src(%arg10 : memref<16x128xf32, #tpu.memory_space<vmem>>) dst(%dma_wait3A_113 : memref<16x128xf32, #tpu.memory_space<vmem_shared>>)
      tpu.yield
    }) : () -> ()
    %add3A_27 = arith.constant 128 : i32
    %add3A_28 = arith.addi %mul3A_2, %add3A_27 : i32
    "tpu.region"() ({
      %run_scoped3A = tpu.sem_alloc : memref<!tpu.dma_semaphore, #tpu.memory_space<semaphore_mem>>
      %dma_start3A_107 = arith.constant 0 : i32
      %dma_start3A_108 = tpu.memref_slice %arg6[%add3A_28, %dma_start3A_107] : memref<10240x128xf32, #tpu.memory_space<vmem_shared>> -> memref<16x128xf32, #tpu.memory_space<vmem_shared>>
      %dma_start3A_109 = arith.constant 0 : i32
      %dma_start3A_110 = tpu.memref_slice %arg6[%add3A_28, %dma_start3A_109] : memref<10240x128xf32, #tpu.memory_space<vmem_shared>> -> memref<16x128xf32, #tpu.memory_space<vmem_shared>>
      tpu.enqueue_dma source(%arg10 : memref<16x128xf32, #tpu.memory_space<vmem>>) target(%dma_start3A_110 : memref<16x128xf32, #tpu.memory_space<vmem_shared>>) target_semaphore(%run_scoped3A : memref<!tpu.dma_semaphore, #tpu.memory_space<semaphore_mem>>)
      %dma_wait3A = arith.constant 0 : i32
      %dma_wait3A_111 = tpu.memref_slice %arg6[%add3A_28, %dma_wait3A] : memref<10240x128xf32, #tpu.memory_space<vmem_shared>> -> memref<16x128xf32, #tpu.memory_space<vmem_shared>>
      %dma_wait3A_112 = arith.constant 0 : i32
      %dma_wait3A_113 = tpu.memref_slice %arg6[%add3A_28, %dma_wait3A_112] : memref<10240x128xf32, #tpu.memory_space<vmem_shared>> -> memref<16x128xf32, #tpu.memory_space<vmem_shared>>
      tpu.wait_dma2 semaphore(%run_scoped3A : memref<!tpu.dma_semaphore, #tpu.memory_space<semaphore_mem>>) src(%arg10 : memref<16x128xf32, #tpu.memory_space<vmem>>) dst(%dma_wait3A_113 : memref<16x128xf32, #tpu.memory_space<vmem_shared>>)
      tpu.yield
    }) : () -> ()
    %add3A_29 = arith.constant 144 : i32
    %add3A_30 = arith.addi %mul3A_2, %add3A_29 : i32
    "tpu.region"() ({
      %run_scoped3A = tpu.sem_alloc : memref<!tpu.dma_semaphore, #tpu.memory_space<semaphore_mem>>
      %dma_start3A_107 = arith.constant 0 : i32
      %dma_start3A_108 = tpu.memref_slice %arg6[%add3A_30, %dma_start3A_107] : memref<10240x128xf32, #tpu.memory_space<vmem_shared>> -> memref<16x128xf32, #tpu.memory_space<vmem_shared>>
      %dma_start3A_109 = arith.constant 0 : i32
      %dma_start3A_110 = tpu.memref_slice %arg6[%add3A_30, %dma_start3A_109] : memref<10240x128xf32, #tpu.memory_space<vmem_shared>> -> memref<16x128xf32, #tpu.memory_space<vmem_shared>>
      tpu.enqueue_dma source(%arg10 : memref<16x128xf32, #tpu.memory_space<vmem>>) target(%dma_start3A_110 : memref<16x128xf32, #tpu.memory_space<vmem_shared>>) target_semaphore(%run_scoped3A : memref<!tpu.dma_semaphore, #tpu.memory_space<semaphore_mem>>)
      %dma_wait3A = arith.constant 0 : i32
      %dma_wait3A_111 = tpu.memref_slice %arg6[%add3A_30, %dma_wait3A] : memref<10240x128xf32, #tpu.memory_space<vmem_shared>> -> memref<16x128xf32, #tpu.memory_space<vmem_shared>>
      %dma_wait3A_112 = arith.constant 0 : i32
      %dma_wait3A_113 = tpu.memref_slice %arg6[%add3A_30, %dma_wait3A_112] : memref<10240x128xf32, #tpu.memory_space<vmem_shared>> -> memref<16x128xf32, #tpu.memory_space<vmem_shared>>
      tpu.wait_dma2 semaphore(%run_scoped3A : memref<!tpu.dma_semaphore, #tpu.memory_space<semaphore_mem>>) src(%arg10 : memref<16x128xf32, #tpu.memory_space<vmem>>) dst(%dma_wait3A_113 : memref<16x128xf32, #tpu.memory_space<vmem_shared>>)
      tpu.yield
    }) : () -> ()
    %add3A_31 = arith.constant 160 : i32
    %add3A_32 = arith.addi %mul3A_2, %add3A_31 : i32
    "tpu.region"() ({
      %run_scoped3A = tpu.sem_alloc : memref<!tpu.dma_semaphore, #tpu.memory_space<semaphore_mem>>
      %dma_start3A_107 = arith.constant 0 : i32
      %dma_start3A_108 = tpu.memref_slice %arg6[%add3A_32, %dma_start3A_107] : memref<10240x128xf32, #tpu.memory_space<vmem_shared>> -> memref<16x128xf32, #tpu.memory_space<vmem_shared>>
      %dma_start3A_109 = arith.constant 0 : i32
      %dma_start3A_110 = tpu.memref_slice %arg6[%add3A_32, %dma_start3A_109] : memref<10240x128xf32, #tpu.memory_space<vmem_shared>> -> memref<16x128xf32, #tpu.memory_space<vmem_shared>>
      tpu.enqueue_dma source(%arg10 : memref<16x128xf32, #tpu.memory_space<vmem>>) target(%dma_start3A_110 : memref<16x128xf32, #tpu.memory_space<vmem_shared>>) target_semaphore(%run_scoped3A : memref<!tpu.dma_semaphore, #tpu.memory_space<semaphore_mem>>)
      %dma_wait3A = arith.constant 0 : i32
      %dma_wait3A_111 = tpu.memref_slice %arg6[%add3A_32, %dma_wait3A] : memref<10240x128xf32, #tpu.memory_space<vmem_shared>> -> memref<16x128xf32, #tpu.memory_space<vmem_shared>>
      %dma_wait3A_112 = arith.constant 0 : i32
      %dma_wait3A_113 = tpu.memref_slice %arg6[%add3A_32, %dma_wait3A_112] : memref<10240x128xf32, #tpu.memory_space<vmem_shared>> -> memref<16x128xf32, #tpu.memory_space<vmem_shared>>
      tpu.wait_dma2 semaphore(%run_scoped3A : memref<!tpu.dma_semaphore, #tpu.memory_space<semaphore_mem>>) src(%arg10 : memref<16x128xf32, #tpu.memory_space<vmem>>) dst(%dma_wait3A_113 : memref<16x128xf32, #tpu.memory_space<vmem_shared>>)
      tpu.yield
    }) : () -> ()
    %add3A_33 = arith.constant 176 : i32
    %add3A_34 = arith.addi %mul3A_2, %add3A_33 : i32
    "tpu.region"() ({
      %run_scoped3A = tpu.sem_alloc : memref<!tpu.dma_semaphore, #tpu.memory_space<semaphore_mem>>
      %dma_start3A_107 = arith.constant 0 : i32
      %dma_start3A_108 = tpu.memref_slice %arg6[%add3A_34, %dma_start3A_107] : memref<10240x128xf32, #tpu.memory_space<vmem_shared>> -> memref<16x128xf32, #tpu.memory_space<vmem_shared>>
      %dma_start3A_109 = arith.constant 0 : i32
      %dma_start3A_110 = tpu.memref_slice %arg6[%add3A_34, %dma_start3A_109] : memref<10240x128xf32, #tpu.memory_space<vmem_shared>> -> memref<16x128xf32, #tpu.memory_space<vmem_shared>>
      tpu.enqueue_dma source(%arg10 : memref<16x128xf32, #tpu.memory_space<vmem>>) target(%dma_start3A_110 : memref<16x128xf32, #tpu.memory_space<vmem_shared>>) target_semaphore(%run_scoped3A : memref<!tpu.dma_semaphore, #tpu.memory_space<semaphore_mem>>)
      %dma_wait3A = arith.constant 0 : i32
      %dma_wait3A_111 = tpu.memref_slice %arg6[%add3A_34, %dma_wait3A] : memref<10240x128xf32, #tpu.memory_space<vmem_shared>> -> memref<16x128xf32, #tpu.memory_space<vmem_shared>>
      %dma_wait3A_112 = arith.constant 0 : i32
      %dma_wait3A_113 = tpu.memref_slice %arg6[%add3A_34, %dma_wait3A_112] : memref<10240x128xf32, #tpu.memory_space<vmem_shared>> -> memref<16x128xf32, #tpu.memory_space<vmem_shared>>
      tpu.wait_dma2 semaphore(%run_scoped3A : memref<!tpu.dma_semaphore, #tpu.memory_space<semaphore_mem>>) src(%arg10 : memref<16x128xf32, #tpu.memory_space<vmem>>) dst(%dma_wait3A_113 : memref<16x128xf32, #tpu.memory_space<vmem_shared>>)
      tpu.yield
    }) : () -> ()
    %add3A_35 = arith.constant 192 : i32
    %add3A_36 = arith.addi %mul3A_2, %add3A_35 : i32
    "tpu.region"() ({
      %run_scoped3A = tpu.sem_alloc : memref<!tpu.dma_semaphore, #tpu.memory_space<semaphore_mem>>
      %dma_start3A_107 = arith.constant 0 : i32
      %dma_start3A_108 = tpu.memref_slice %arg6[%add3A_36, %dma_start3A_107] : memref<10240x128xf32, #tpu.memory_space<vmem_shared>> -> memref<16x128xf32, #tpu.memory_space<vmem_shared>>
      %dma_start3A_109 = arith.constant 0 : i32
      %dma_start3A_110 = tpu.memref_slice %arg6[%add3A_36, %dma_start3A_109] : memref<10240x128xf32, #tpu.memory_space<vmem_shared>> -> memref<16x128xf32, #tpu.memory_space<vmem_shared>>
      tpu.enqueue_dma source(%arg10 : memref<16x128xf32, #tpu.memory_space<vmem>>) target(%dma_start3A_110 : memref<16x128xf32, #tpu.memory_space<vmem_shared>>) target_semaphore(%run_scoped3A : memref<!tpu.dma_semaphore, #tpu.memory_space<semaphore_mem>>)
      %dma_wait3A = arith.constant 0 : i32
      %dma_wait3A_111 = tpu.memref_slice %arg6[%add3A_36, %dma_wait3A] : memref<10240x128xf32, #tpu.memory_space<vmem_shared>> -> memref<16x128xf32, #tpu.memory_space<vmem_shared>>
      %dma_wait3A_112 = arith.constant 0 : i32
      %dma_wait3A_113 = tpu.memref_slice %arg6[%add3A_36, %dma_wait3A_112] : memref<10240x128xf32, #tpu.memory_space<vmem_shared>> -> memref<16x128xf32, #tpu.memory_space<vmem_shared>>
      tpu.wait_dma2 semaphore(%run_scoped3A : memref<!tpu.dma_semaphore, #tpu.memory_space<semaphore_mem>>) src(%arg10 : memref<16x128xf32, #tpu.memory_space<vmem>>) dst(%dma_wait3A_113 : memref<16x128xf32, #tpu.memory_space<vmem_shared>>)
      tpu.yield
    }) : () -> ()
    %add3A_37 = arith.constant 208 : i32
    %add3A_38 = arith.addi %mul3A_2, %add3A_37 : i32
    "tpu.region"() ({
      %run_scoped3A = tpu.sem_alloc : memref<!tpu.dma_semaphore, #tpu.memory_space<semaphore_mem>>
      %dma_start3A_107 = arith.constant 0 : i32
      %dma_start3A_108 = tpu.memref_slice %arg6[%add3A_38, %dma_start3A_107] : memref<10240x128xf32, #tpu.memory_space<vmem_shared>> -> memref<16x128xf32, #tpu.memory_space<vmem_shared>>
      %dma_start3A_109 = arith.constant 0 : i32
      %dma_start3A_110 = tpu.memref_slice %arg6[%add3A_38, %dma_start3A_109] : memref<10240x128xf32, #tpu.memory_space<vmem_shared>> -> memref<16x128xf32, #tpu.memory_space<vmem_shared>>
      tpu.enqueue_dma source(%arg10 : memref<16x128xf32, #tpu.memory_space<vmem>>) target(%dma_start3A_110 : memref<16x128xf32, #tpu.memory_space<vmem_shared>>) target_semaphore(%run_scoped3A : memref<!tpu.dma_semaphore, #tpu.memory_space<semaphore_mem>>)
      %dma_wait3A = arith.constant 0 : i32
      %dma_wait3A_111 = tpu.memref_slice %arg6[%add3A_38, %dma_wait3A] : memref<10240x128xf32, #tpu.memory_space<vmem_shared>> -> memref<16x128xf32, #tpu.memory_space<vmem_shared>>
      %dma_wait3A_112 = arith.constant 0 : i32
      %dma_wait3A_113 = tpu.memref_slice %arg6[%add3A_38, %dma_wait3A_112] : memref<10240x128xf32, #tpu.memory_space<vmem_shared>> -> memref<16x128xf32, #tpu.memory_space<vmem_shared>>
      tpu.wait_dma2 semaphore(%run_scoped3A : memref<!tpu.dma_semaphore, #tpu.memory_space<semaphore_mem>>) src(%arg10 : memref<16x128xf32, #tpu.memory_space<vmem>>) dst(%dma_wait3A_113 : memref<16x128xf32, #tpu.memory_space<vmem_shared>>)
      tpu.yield
    }) : () -> ()
    %add3A_39 = arith.constant 224 : i32
    %add3A_40 = arith.addi %mul3A_2, %add3A_39 : i32
    "tpu.region"() ({
      %run_scoped3A = tpu.sem_alloc : memref<!tpu.dma_semaphore, #tpu.memory_space<semaphore_mem>>
      %dma_start3A_107 = arith.constant 0 : i32
      %dma_start3A_108 = tpu.memref_slice %arg6[%add3A_40, %dma_start3A_107] : memref<10240x128xf32, #tpu.memory_space<vmem_shared>> -> memref<16x128xf32, #tpu.memory_space<vmem_shared>>
      %dma_start3A_109 = arith.constant 0 : i32
      %dma_start3A_110 = tpu.memref_slice %arg6[%add3A_40, %dma_start3A_109] : memref<10240x128xf32, #tpu.memory_space<vmem_shared>> -> memref<16x128xf32, #tpu.memory_space<vmem_shared>>
      tpu.enqueue_dma source(%arg10 : memref<16x128xf32, #tpu.memory_space<vmem>>) target(%dma_start3A_110 : memref<16x128xf32, #tpu.memory_space<vmem_shared>>) target_semaphore(%run_scoped3A : memref<!tpu.dma_semaphore, #tpu.memory_space<semaphore_mem>>)
      %dma_wait3A = arith.constant 0 : i32
      %dma_wait3A_111 = tpu.memref_slice %arg6[%add3A_40, %dma_wait3A] : memref<10240x128xf32, #tpu.memory_space<vmem_shared>> -> memref<16x128xf32, #tpu.memory_space<vmem_shared>>
      %dma_wait3A_112 = arith.constant 0 : i32
      %dma_wait3A_113 = tpu.memref_slice %arg6[%add3A_40, %dma_wait3A_112] : memref<10240x128xf32, #tpu.memory_space<vmem_shared>> -> memref<16x128xf32, #tpu.memory_space<vmem_shared>>
      tpu.wait_dma2 semaphore(%run_scoped3A : memref<!tpu.dma_semaphore, #tpu.memory_space<semaphore_mem>>) src(%arg10 : memref<16x128xf32, #tpu.memory_space<vmem>>) dst(%dma_wait3A_113 : memref<16x128xf32, #tpu.memory_space<vmem_shared>>)
      tpu.yield
    }) : () -> ()
    %add3A_41 = arith.constant 240 : i32
    %add3A_42 = arith.addi %mul3A_2, %add3A_41 : i32
    "tpu.region"() ({
      %run_scoped3A = tpu.sem_alloc : memref<!tpu.dma_semaphore, #tpu.memory_space<semaphore_mem>>
      %dma_start3A_107 = arith.constant 0 : i32
      %dma_start3A_108 = tpu.memref_slice %arg6[%add3A_42, %dma_start3A_107] : memref<10240x128xf32, #tpu.memory_space<vmem_shared>> -> memref<16x128xf32, #tpu.memory_space<vmem_shared>>
      %dma_start3A_109 = arith.constant 0 : i32
      %dma_start3A_110 = tpu.memref_slice %arg6[%add3A_42, %dma_start3A_109] : memref<10240x128xf32, #tpu.memory_space<vmem_shared>> -> memref<16x128xf32, #tpu.memory_space<vmem_shared>>
      tpu.enqueue_dma source(%arg10 : memref<16x128xf32, #tpu.memory_space<vmem>>) target(%dma_start3A_110 : memref<16x128xf32, #tpu.memory_space<vmem_shared>>) target_semaphore(%run_scoped3A : memref<!tpu.dma_semaphore, #tpu.memory_space<semaphore_mem>>)
      %dma_wait3A = arith.constant 0 : i32
      %dma_wait3A_111 = tpu.memref_slice %arg6[%add3A_42, %dma_wait3A] : memref<10240x128xf32, #tpu.memory_space<vmem_shared>> -> memref<16x128xf32, #tpu.memory_space<vmem_shared>>
      %dma_wait3A_112 = arith.constant 0 : i32
      %dma_wait3A_113 = tpu.memref_slice %arg6[%add3A_42, %dma_wait3A_112] : memref<10240x128xf32, #tpu.memory_space<vmem_shared>> -> memref<16x128xf32, #tpu.memory_space<vmem_shared>>
      tpu.wait_dma2 semaphore(%run_scoped3A : memref<!tpu.dma_semaphore, #tpu.memory_space<semaphore_mem>>) src(%arg10 : memref<16x128xf32, #tpu.memory_space<vmem>>) dst(%dma_wait3A_113 : memref<16x128xf32, #tpu.memory_space<vmem_shared>>)
      tpu.yield
    }) : () -> ()
    %add3A_43 = arith.constant 256 : i32
    %add3A_44 = arith.addi %mul3A_2, %add3A_43 : i32
    "tpu.region"() ({
      %run_scoped3A = tpu.sem_alloc : memref<!tpu.dma_semaphore, #tpu.memory_space<semaphore_mem>>
      %dma_start3A_107 = arith.constant 0 : i32
      %dma_start3A_108 = tpu.memref_slice %arg6[%add3A_44, %dma_start3A_107] : memref<10240x128xf32, #tpu.memory_space<vmem_shared>> -> memref<16x128xf32, #tpu.memory_space<vmem_shared>>
      %dma_start3A_109 = arith.constant 0 : i32
      %dma_start3A_110 = tpu.memref_slice %arg6[%add3A_44, %dma_start3A_109] : memref<10240x128xf32, #tpu.memory_space<vmem_shared>> -> memref<16x128xf32, #tpu.memory_space<vmem_shared>>
      tpu.enqueue_dma source(%arg10 : memref<16x128xf32, #tpu.memory_space<vmem>>) target(%dma_start3A_110 : memref<16x128xf32, #tpu.memory_space<vmem_shared>>) target_semaphore(%run_scoped3A : memref<!tpu.dma_semaphore, #tpu.memory_space<semaphore_mem>>)
      %dma_wait3A = arith.constant 0 : i32
      %dma_wait3A_111 = tpu.memref_slice %arg6[%add3A_44, %dma_wait3A] : memref<10240x128xf32, #tpu.memory_space<vmem_shared>> -> memref<16x128xf32, #tpu.memory_space<vmem_shared>>
      %dma_wait3A_112 = arith.constant 0 : i32
      %dma_wait3A_113 = tpu.memref_slice %arg6[%add3A_44, %dma_wait3A_112] : memref<10240x128xf32, #tpu.memory_space<vmem_shared>> -> memref<16x128xf32, #tpu.memory_space<vmem_shared>>
      tpu.wait_dma2 semaphore(%run_scoped3A : memref<!tpu.dma_semaphore, #tpu.memory_space<semaphore_mem>>) src(%arg10 : memref<16x128xf32, #tpu.memory_space<vmem>>) dst(%dma_wait3A_113 : memref<16x128xf32, #tpu.memory_space<vmem_shared>>)
      tpu.yield
    }) : () -> ()
    %add3A_45 = arith.constant 272 : i32
    %add3A_46 = arith.addi %mul3A_2, %add3A_45 : i32
    "tpu.region"() ({
      %run_scoped3A = tpu.sem_alloc : memref<!tpu.dma_semaphore, #tpu.memory_space<semaphore_mem>>
      %dma_start3A_107 = arith.constant 0 : i32
      %dma_start3A_108 = tpu.memref_slice %arg6[%add3A_46, %dma_start3A_107] : memref<10240x128xf32, #tpu.memory_space<vmem_shared>> -> memref<16x128xf32, #tpu.memory_space<vmem_shared>>
      %dma_start3A_109 = arith.constant 0 : i32
      %dma_start3A_110 = tpu.memref_slice %arg6[%add3A_46, %dma_start3A_109] : memref<10240x128xf32, #tpu.memory_space<vmem_shared>> -> memref<16x128xf32, #tpu.memory_space<vmem_shared>>
      tpu.enqueue_dma source(%arg10 : memref<16x128xf32, #tpu.memory_space<vmem>>) target(%dma_start3A_110 : memref<16x128xf32, #tpu.memory_space<vmem_shared>>) target_semaphore(%run_scoped3A : memref<!tpu.dma_semaphore, #tpu.memory_space<semaphore_mem>>)
      %dma_wait3A = arith.constant 0 : i32
      %dma_wait3A_111 = tpu.memref_slice %arg6[%add3A_46, %dma_wait3A] : memref<10240x128xf32, #tpu.memory_space<vmem_shared>> -> memref<16x128xf32, #tpu.memory_space<vmem_shared>>
      %dma_wait3A_112 = arith.constant 0 : i32
      %dma_wait3A_113 = tpu.memref_slice %arg6[%add3A_46, %dma_wait3A_112] : memref<10240x128xf32, #tpu.memory_space<vmem_shared>> -> memref<16x128xf32, #tpu.memory_space<vmem_shared>>
      tpu.wait_dma2 semaphore(%run_scoped3A : memref<!tpu.dma_semaphore, #tpu.memory_space<semaphore_mem>>) src(%arg10 : memref<16x128xf32, #tpu.memory_space<vmem>>) dst(%dma_wait3A_113 : memref<16x128xf32, #tpu.memory_space<vmem_shared>>)
      tpu.yield
    }) : () -> ()
    %add3A_47 = arith.constant 288 : i32
    %add3A_48 = arith.addi %mul3A_2, %add3A_47 : i32
    "tpu.region"() ({
      %run_scoped3A = tpu.sem_alloc : memref<!tpu.dma_semaphore, #tpu.memory_space<semaphore_mem>>
      %dma_start3A_107 = arith.constant 0 : i32
      %dma_start3A_108 = tpu.memref_slice %arg6[%add3A_48, %dma_start3A_107] : memref<10240x128xf32, #tpu.memory_space<vmem_shared>> -> memref<16x128xf32, #tpu.memory_space<vmem_shared>>
      %dma_start3A_109 = arith.constant 0 : i32
      %dma_start3A_110 = tpu.memref_slice %arg6[%add3A_48, %dma_start3A_109] : memref<10240x128xf32, #tpu.memory_space<vmem_shared>> -> memref<16x128xf32, #tpu.memory_space<vmem_shared>>
      tpu.enqueue_dma source(%arg10 : memref<16x128xf32, #tpu.memory_space<vmem>>) target(%dma_start3A_110 : memref<16x128xf32, #tpu.memory_space<vmem_shared>>) target_semaphore(%run_scoped3A : memref<!tpu.dma_semaphore, #tpu.memory_space<semaphore_mem>>)
      %dma_wait3A = arith.constant 0 : i32
      %dma_wait3A_111 = tpu.memref_slice %arg6[%add3A_48, %dma_wait3A] : memref<10240x128xf32, #tpu.memory_space<vmem_shared>> -> memref<16x128xf32, #tpu.memory_space<vmem_shared>>
      %dma_wait3A_112 = arith.constant 0 : i32
      %dma_wait3A_113 = tpu.memref_slice %arg6[%add3A_48, %dma_wait3A_112] : memref<10240x128xf32, #tpu.memory_space<vmem_shared>> -> memref<16x128xf32, #tpu.memory_space<vmem_shared>>
      tpu.wait_dma2 semaphore(%run_scoped3A : memref<!tpu.dma_semaphore, #tpu.memory_space<semaphore_mem>>) src(%arg10 : memref<16x128xf32, #tpu.memory_space<vmem>>) dst(%dma_wait3A_113 : memref<16x128xf32, #tpu.memory_space<vmem_shared>>)
      tpu.yield
    }) : () -> ()
    %add3A_49 = arith.constant 304 : i32
    %add3A_50 = arith.addi %mul3A_2, %add3A_49 : i32
    "tpu.region"() ({
      %run_scoped3A = tpu.sem_alloc : memref<!tpu.dma_semaphore, #tpu.memory_space<semaphore_mem>>
      %dma_start3A_107 = arith.constant 0 : i32
      %dma_start3A_108 = tpu.memref_slice %arg6[%add3A_50, %dma_start3A_107] : memref<10240x128xf32, #tpu.memory_space<vmem_shared>> -> memref<16x128xf32, #tpu.memory_space<vmem_shared>>
      %dma_start3A_109 = arith.constant 0 : i32
      %dma_start3A_110 = tpu.memref_slice %arg6[%add3A_50, %dma_start3A_109] : memref<10240x128xf32, #tpu.memory_space<vmem_shared>> -> memref<16x128xf32, #tpu.memory_space<vmem_shared>>
      tpu.enqueue_dma source(%arg10 : memref<16x128xf32, #tpu.memory_space<vmem>>) target(%dma_start3A_110 : memref<16x128xf32, #tpu.memory_space<vmem_shared>>) target_semaphore(%run_scoped3A : memref<!tpu.dma_semaphore, #tpu.memory_space<semaphore_mem>>)
      %dma_wait3A = arith.constant 0 : i32
      %dma_wait3A_111 = tpu.memref_slice %arg6[%add3A_50, %dma_wait3A] : memref<10240x128xf32, #tpu.memory_space<vmem_shared>> -> memref<16x128xf32, #tpu.memory_space<vmem_shared>>
      %dma_wait3A_112 = arith.constant 0 : i32
      %dma_wait3A_113 = tpu.memref_slice %arg6[%add3A_50, %dma_wait3A_112] : memref<10240x128xf32, #tpu.memory_space<vmem_shared>> -> memref<16x128xf32, #tpu.memory_space<vmem_shared>>
      tpu.wait_dma2 semaphore(%run_scoped3A : memref<!tpu.dma_semaphore, #tpu.memory_space<semaphore_mem>>) src(%arg10 : memref<16x128xf32, #tpu.memory_space<vmem>>) dst(%dma_wait3A_113 : memref<16x128xf32, #tpu.memory_space<vmem_shared>>)
      tpu.yield
    }) : () -> ()
    %add3A_51 = arith.constant 320 : i32
    %add3A_52 = arith.addi %mul3A_2, %add3A_51 : i32
    "tpu.region"() ({
      %run_scoped3A = tpu.sem_alloc : memref<!tpu.dma_semaphore, #tpu.memory_space<semaphore_mem>>
      %dma_start3A_107 = arith.constant 0 : i32
      %dma_start3A_108 = tpu.memref_slice %arg6[%add3A_52, %dma_start3A_107] : memref<10240x128xf32, #tpu.memory_space<vmem_shared>> -> memref<16x128xf32, #tpu.memory_space<vmem_shared>>
      %dma_start3A_109 = arith.constant 0 : i32
      %dma_start3A_110 = tpu.memref_slice %arg6[%add3A_52, %dma_start3A_109] : memref<10240x128xf32, #tpu.memory_space<vmem_shared>> -> memref<16x128xf32, #tpu.memory_space<vmem_shared>>
      tpu.enqueue_dma source(%arg10 : memref<16x128xf32, #tpu.memory_space<vmem>>) target(%dma_start3A_110 : memref<16x128xf32, #tpu.memory_space<vmem_shared>>) target_semaphore(%run_scoped3A : memref<!tpu.dma_semaphore, #tpu.memory_space<semaphore_mem>>)
      %dma_wait3A = arith.constant 0 : i32
      %dma_wait3A_111 = tpu.memref_slice %arg6[%add3A_52, %dma_wait3A] : memref<10240x128xf32, #tpu.memory_space<vmem_shared>> -> memref<16x128xf32, #tpu.memory_space<vmem_shared>>
      %dma_wait3A_112 = arith.constant 0 : i32
      %dma_wait3A_113 = tpu.memref_slice %arg6[%add3A_52, %dma_wait3A_112] : memref<10240x128xf32, #tpu.memory_space<vmem_shared>> -> memref<16x128xf32, #tpu.memory_space<vmem_shared>>
      tpu.wait_dma2 semaphore(%run_scoped3A : memref<!tpu.dma_semaphore, #tpu.memory_space<semaphore_mem>>) src(%arg10 : memref<16x128xf32, #tpu.memory_space<vmem>>) dst(%dma_wait3A_113 : memref<16x128xf32, #tpu.memory_space<vmem_shared>>)
      tpu.yield
    }) : () -> ()
    %add3A_53 = arith.constant 336 : i32
    %add3A_54 = arith.addi %mul3A_2, %add3A_53 : i32
    "tpu.region"() ({
      %run_scoped3A = tpu.sem_alloc : memref<!tpu.dma_semaphore, #tpu.memory_space<semaphore_mem>>
      %dma_start3A_107 = arith.constant 0 : i32
      %dma_start3A_108 = tpu.memref_slice %arg6[%add3A_54, %dma_start3A_107] : memref<10240x128xf32, #tpu.memory_space<vmem_shared>> -> memref<16x128xf32, #tpu.memory_space<vmem_shared>>
      %dma_start3A_109 = arith.constant 0 : i32
      %dma_start3A_110 = tpu.memref_slice %arg6[%add3A_54, %dma_start3A_109] : memref<10240x128xf32, #tpu.memory_space<vmem_shared>> -> memref<16x128xf32, #tpu.memory_space<vmem_shared>>
      tpu.enqueue_dma source(%arg10 : memref<16x128xf32, #tpu.memory_space<vmem>>) target(%dma_start3A_110 : memref<16x128xf32, #tpu.memory_space<vmem_shared>>) target_semaphore(%run_scoped3A : memref<!tpu.dma_semaphore, #tpu.memory_space<semaphore_mem>>)
      %dma_wait3A = arith.constant 0 : i32
      %dma_wait3A_111 = tpu.memref_slice %arg6[%add3A_54, %dma_wait3A] : memref<10240x128xf32, #tpu.memory_space<vmem_shared>> -> memref<16x128xf32, #tpu.memory_space<vmem_shared>>
      %dma_wait3A_112 = arith.constant 0 : i32
      %dma_wait3A_113 = tpu.memref_slice %arg6[%add3A_54, %dma_wait3A_112] : memref<10240x128xf32, #tpu.memory_space<vmem_shared>> -> memref<16x128xf32, #tpu.memory_space<vmem_shared>>
      tpu.wait_dma2 semaphore(%run_scoped3A : memref<!tpu.dma_semaphore, #tpu.memory_space<semaphore_mem>>) src(%arg10 : memref<16x128xf32, #tpu.memory_space<vmem>>) dst(%dma_wait3A_113 : memref<16x128xf32, #tpu.memory_space<vmem_shared>>)
      tpu.yield
    }) : () -> ()
    %add3A_55 = arith.constant 352 : i32
    %add3A_56 = arith.addi %mul3A_2, %add3A_55 : i32
    "tpu.region"() ({
      %run_scoped3A = tpu.sem_alloc : memref<!tpu.dma_semaphore, #tpu.memory_space<semaphore_mem>>
      %dma_start3A_107 = arith.constant 0 : i32
      %dma_start3A_108 = tpu.memref_slice %arg6[%add3A_56, %dma_start3A_107] : memref<10240x128xf32, #tpu.memory_space<vmem_shared>> -> memref<16x128xf32, #tpu.memory_space<vmem_shared>>
      %dma_start3A_109 = arith.constant 0 : i32
      %dma_start3A_110 = tpu.memref_slice %arg6[%add3A_56, %dma_start3A_109] : memref<10240x128xf32, #tpu.memory_space<vmem_shared>> -> memref<16x128xf32, #tpu.memory_space<vmem_shared>>
      tpu.enqueue_dma source(%arg10 : memref<16x128xf32, #tpu.memory_space<vmem>>) target(%dma_start3A_110 : memref<16x128xf32, #tpu.memory_space<vmem_shared>>) target_semaphore(%run_scoped3A : memref<!tpu.dma_semaphore, #tpu.memory_space<semaphore_mem>>)
      %dma_wait3A = arith.constant 0 : i32
      %dma_wait3A_111 = tpu.memref_slice %arg6[%add3A_56, %dma_wait3A] : memref<10240x128xf32, #tpu.memory_space<vmem_shared>> -> memref<16x128xf32, #tpu.memory_space<vmem_shared>>
      %dma_wait3A_112 = arith.constant 0 : i32
      %dma_wait3A_113 = tpu.memref_slice %arg6[%add3A_56, %dma_wait3A_112] : memref<10240x128xf32, #tpu.memory_space<vmem_shared>> -> memref<16x128xf32, #tpu.memory_space<vmem_shared>>
      tpu.wait_dma2 semaphore(%run_scoped3A : memref<!tpu.dma_semaphore, #tpu.memory_space<semaphore_mem>>) src(%arg10 : memref<16x128xf32, #tpu.memory_space<vmem>>) dst(%dma_wait3A_113 : memref<16x128xf32, #tpu.memory_space<vmem_shared>>)
      tpu.yield
    }) : () -> ()
    %add3A_57 = arith.constant 368 : i32
    %add3A_58 = arith.addi %mul3A_2, %add3A_57 : i32
    "tpu.region"() ({
      %run_scoped3A = tpu.sem_alloc : memref<!tpu.dma_semaphore, #tpu.memory_space<semaphore_mem>>
      %dma_start3A_107 = arith.constant 0 : i32
      %dma_start3A_108 = tpu.memref_slice %arg6[%add3A_58, %dma_start3A_107] : memref<10240x128xf32, #tpu.memory_space<vmem_shared>> -> memref<16x128xf32, #tpu.memory_space<vmem_shared>>
      %dma_start3A_109 = arith.constant 0 : i32
      %dma_start3A_110 = tpu.memref_slice %arg6[%add3A_58, %dma_start3A_109] : memref<10240x128xf32, #tpu.memory_space<vmem_shared>> -> memref<16x128xf32, #tpu.memory_space<vmem_shared>>
      tpu.enqueue_dma source(%arg10 : memref<16x128xf32, #tpu.memory_space<vmem>>) target(%dma_start3A_110 : memref<16x128xf32, #tpu.memory_space<vmem_shared>>) target_semaphore(%run_scoped3A : memref<!tpu.dma_semaphore, #tpu.memory_space<semaphore_mem>>)
      %dma_wait3A = arith.constant 0 : i32
      %dma_wait3A_111 = tpu.memref_slice %arg6[%add3A_58, %dma_wait3A] : memref<10240x128xf32, #tpu.memory_space<vmem_shared>> -> memref<16x128xf32, #tpu.memory_space<vmem_shared>>
      %dma_wait3A_112 = arith.constant 0 : i32
      %dma_wait3A_113 = tpu.memref_slice %arg6[%add3A_58, %dma_wait3A_112] : memref<10240x128xf32, #tpu.memory_space<vmem_shared>> -> memref<16x128xf32, #tpu.memory_space<vmem_shared>>
      tpu.wait_dma2 semaphore(%run_scoped3A : memref<!tpu.dma_semaphore, #tpu.memory_space<semaphore_mem>>) src(%arg10 : memref<16x128xf32, #tpu.memory_space<vmem>>) dst(%dma_wait3A_113 : memref<16x128xf32, #tpu.memory_space<vmem_shared>>)
      tpu.yield
    }) : () -> ()
    %add3A_59 = arith.constant 384 : i32
    %add3A_60 = arith.addi %mul3A_2, %add3A_59 : i32
    "tpu.region"() ({
      %run_scoped3A = tpu.sem_alloc : memref<!tpu.dma_semaphore, #tpu.memory_space<semaphore_mem>>
      %dma_start3A_107 = arith.constant 0 : i32
      %dma_start3A_108 = tpu.memref_slice %arg6[%add3A_60, %dma_start3A_107] : memref<10240x128xf32, #tpu.memory_space<vmem_shared>> -> memref<16x128xf32, #tpu.memory_space<vmem_shared>>
      %dma_start3A_109 = arith.constant 0 : i32
      %dma_start3A_110 = tpu.memref_slice %arg6[%add3A_60, %dma_start3A_109] : memref<10240x128xf32, #tpu.memory_space<vmem_shared>> -> memref<16x128xf32, #tpu.memory_space<vmem_shared>>
      tpu.enqueue_dma source(%arg10 : memref<16x128xf32, #tpu.memory_space<vmem>>) target(%dma_start3A_110 : memref<16x128xf32, #tpu.memory_space<vmem_shared>>) target_semaphore(%run_scoped3A : memref<!tpu.dma_semaphore, #tpu.memory_space<semaphore_mem>>)
      %dma_wait3A = arith.constant 0 : i32
      %dma_wait3A_111 = tpu.memref_slice %arg6[%add3A_60, %dma_wait3A] : memref<10240x128xf32, #tpu.memory_space<vmem_shared>> -> memref<16x128xf32, #tpu.memory_space<vmem_shared>>
      %dma_wait3A_112 = arith.constant 0 : i32
      %dma_wait3A_113 = tpu.memref_slice %arg6[%add3A_60, %dma_wait3A_112] : memref<10240x128xf32, #tpu.memory_space<vmem_shared>> -> memref<16x128xf32, #tpu.memory_space<vmem_shared>>
      tpu.wait_dma2 semaphore(%run_scoped3A : memref<!tpu.dma_semaphore, #tpu.memory_space<semaphore_mem>>) src(%arg10 : memref<16x128xf32, #tpu.memory_space<vmem>>) dst(%dma_wait3A_113 : memref<16x128xf32, #tpu.memory_space<vmem_shared>>)
      tpu.yield
    }) : () -> ()
    %add3A_61 = arith.constant 400 : i32
    %add3A_62 = arith.addi %mul3A_2, %add3A_61 : i32
    "tpu.region"() ({
      %run_scoped3A = tpu.sem_alloc : memref<!tpu.dma_semaphore, #tpu.memory_space<semaphore_mem>>
      %dma_start3A_107 = arith.constant 0 : i32
      %dma_start3A_108 = tpu.memref_slice %arg6[%add3A_62, %dma_start3A_107] : memref<10240x128xf32, #tpu.memory_space<vmem_shared>> -> memref<16x128xf32, #tpu.memory_space<vmem_shared>>
      %dma_start3A_109 = arith.constant 0 : i32
      %dma_start3A_110 = tpu.memref_slice %arg6[%add3A_62, %dma_start3A_109] : memref<10240x128xf32, #tpu.memory_space<vmem_shared>> -> memref<16x128xf32, #tpu.memory_space<vmem_shared>>
      tpu.enqueue_dma source(%arg10 : memref<16x128xf32, #tpu.memory_space<vmem>>) target(%dma_start3A_110 : memref<16x128xf32, #tpu.memory_space<vmem_shared>>) target_semaphore(%run_scoped3A : memref<!tpu.dma_semaphore, #tpu.memory_space<semaphore_mem>>)
      %dma_wait3A = arith.constant 0 : i32
      %dma_wait3A_111 = tpu.memref_slice %arg6[%add3A_62, %dma_wait3A] : memref<10240x128xf32, #tpu.memory_space<vmem_shared>> -> memref<16x128xf32, #tpu.memory_space<vmem_shared>>
      %dma_wait3A_112 = arith.constant 0 : i32
      %dma_wait3A_113 = tpu.memref_slice %arg6[%add3A_62, %dma_wait3A_112] : memref<10240x128xf32, #tpu.memory_space<vmem_shared>> -> memref<16x128xf32, #tpu.memory_space<vmem_shared>>
      tpu.wait_dma2 semaphore(%run_scoped3A : memref<!tpu.dma_semaphore, #tpu.memory_space<semaphore_mem>>) src(%arg10 : memref<16x128xf32, #tpu.memory_space<vmem>>) dst(%dma_wait3A_113 : memref<16x128xf32, #tpu.memory_space<vmem_shared>>)
      tpu.yield
    }) : () -> ()
    %add3A_63 = arith.constant 416 : i32
    %add3A_64 = arith.addi %mul3A_2, %add3A_63 : i32
    "tpu.region"() ({
      %run_scoped3A = tpu.sem_alloc : memref<!tpu.dma_semaphore, #tpu.memory_space<semaphore_mem>>
      %dma_start3A_107 = arith.constant 0 : i32
      %dma_start3A_108 = tpu.memref_slice %arg6[%add3A_64, %dma_start3A_107] : memref<10240x128xf32, #tpu.memory_space<vmem_shared>> -> memref<16x128xf32, #tpu.memory_space<vmem_shared>>
      %dma_start3A_109 = arith.constant 0 : i32
      %dma_start3A_110 = tpu.memref_slice %arg6[%add3A_64, %dma_start3A_109] : memref<10240x128xf32, #tpu.memory_space<vmem_shared>> -> memref<16x128xf32, #tpu.memory_space<vmem_shared>>
      tpu.enqueue_dma source(%arg10 : memref<16x128xf32, #tpu.memory_space<vmem>>) target(%dma_start3A_110 : memref<16x128xf32, #tpu.memory_space<vmem_shared>>) target_semaphore(%run_scoped3A : memref<!tpu.dma_semaphore, #tpu.memory_space<semaphore_mem>>)
      %dma_wait3A = arith.constant 0 : i32
      %dma_wait3A_111 = tpu.memref_slice %arg6[%add3A_64, %dma_wait3A] : memref<10240x128xf32, #tpu.memory_space<vmem_shared>> -> memref<16x128xf32, #tpu.memory_space<vmem_shared>>
      %dma_wait3A_112 = arith.constant 0 : i32
      %dma_wait3A_113 = tpu.memref_slice %arg6[%add3A_64, %dma_wait3A_112] : memref<10240x128xf32, #tpu.memory_space<vmem_shared>> -> memref<16x128xf32, #tpu.memory_space<vmem_shared>>
      tpu.wait_dma2 semaphore(%run_scoped3A : memref<!tpu.dma_semaphore, #tpu.memory_space<semaphore_mem>>) src(%arg10 : memref<16x128xf32, #tpu.memory_space<vmem>>) dst(%dma_wait3A_113 : memref<16x128xf32, #tpu.memory_space<vmem_shared>>)
      tpu.yield
    }) : () -> ()
    %add3A_65 = arith.constant 432 : i32
    %add3A_66 = arith.addi %mul3A_2, %add3A_65 : i32
    "tpu.region"() ({
      %run_scoped3A = tpu.sem_alloc : memref<!tpu.dma_semaphore, #tpu.memory_space<semaphore_mem>>
      %dma_start3A_107 = arith.constant 0 : i32
      %dma_start3A_108 = tpu.memref_slice %arg6[%add3A_66, %dma_start3A_107] : memref<10240x128xf32, #tpu.memory_space<vmem_shared>> -> memref<16x128xf32, #tpu.memory_space<vmem_shared>>
      %dma_start3A_109 = arith.constant 0 : i32
      %dma_start3A_110 = tpu.memref_slice %arg6[%add3A_66, %dma_start3A_109] : memref<10240x128xf32, #tpu.memory_space<vmem_shared>> -> memref<16x128xf32, #tpu.memory_space<vmem_shared>>
      tpu.enqueue_dma source(%arg10 : memref<16x128xf32, #tpu.memory_space<vmem>>) target(%dma_start3A_110 : memref<16x128xf32, #tpu.memory_space<vmem_shared>>) target_semaphore(%run_scoped3A : memref<!tpu.dma_semaphore, #tpu.memory_space<semaphore_mem>>)
      %dma_wait3A = arith.constant 0 : i32
      %dma_wait3A_111 = tpu.memref_slice %arg6[%add3A_66, %dma_wait3A] : memref<10240x128xf32, #tpu.memory_space<vmem_shared>> -> memref<16x128xf32, #tpu.memory_space<vmem_shared>>
      %dma_wait3A_112 = arith.constant 0 : i32
      %dma_wait3A_113 = tpu.memref_slice %arg6[%add3A_66, %dma_wait3A_112] : memref<10240x128xf32, #tpu.memory_space<vmem_shared>> -> memref<16x128xf32, #tpu.memory_space<vmem_shared>>
      tpu.wait_dma2 semaphore(%run_scoped3A : memref<!tpu.dma_semaphore, #tpu.memory_space<semaphore_mem>>) src(%arg10 : memref<16x128xf32, #tpu.memory_space<vmem>>) dst(%dma_wait3A_113 : memref<16x128xf32, #tpu.memory_space<vmem_shared>>)
      tpu.yield
    }) : () -> ()
    %add3A_67 = arith.constant 448 : i32
    %add3A_68 = arith.addi %mul3A_2, %add3A_67 : i32
    "tpu.region"() ({
      %run_scoped3A = tpu.sem_alloc : memref<!tpu.dma_semaphore, #tpu.memory_space<semaphore_mem>>
      %dma_start3A_107 = arith.constant 0 : i32
      %dma_start3A_108 = tpu.memref_slice %arg6[%add3A_68, %dma_start3A_107] : memref<10240x128xf32, #tpu.memory_space<vmem_shared>> -> memref<16x128xf32, #tpu.memory_space<vmem_shared>>
      %dma_start3A_109 = arith.constant 0 : i32
      %dma_start3A_110 = tpu.memref_slice %arg6[%add3A_68, %dma_start3A_109] : memref<10240x128xf32, #tpu.memory_space<vmem_shared>> -> memref<16x128xf32, #tpu.memory_space<vmem_shared>>
      tpu.enqueue_dma source(%arg10 : memref<16x128xf32, #tpu.memory_space<vmem>>) target(%dma_start3A_110 : memref<16x128xf32, #tpu.memory_space<vmem_shared>>) target_semaphore(%run_scoped3A : memref<!tpu.dma_semaphore, #tpu.memory_space<semaphore_mem>>)
      %dma_wait3A = arith.constant 0 : i32
      %dma_wait3A_111 = tpu.memref_slice %arg6[%add3A_68, %dma_wait3A] : memref<10240x128xf32, #tpu.memory_space<vmem_shared>> -> memref<16x128xf32, #tpu.memory_space<vmem_shared>>
      %dma_wait3A_112 = arith.constant 0 : i32
      %dma_wait3A_113 = tpu.memref_slice %arg6[%add3A_68, %dma_wait3A_112] : memref<10240x128xf32, #tpu.memory_space<vmem_shared>> -> memref<16x128xf32, #tpu.memory_space<vmem_shared>>
      tpu.wait_dma2 semaphore(%run_scoped3A : memref<!tpu.dma_semaphore, #tpu.memory_space<semaphore_mem>>) src(%arg10 : memref<16x128xf32, #tpu.memory_space<vmem>>) dst(%dma_wait3A_113 : memref<16x128xf32, #tpu.memory_space<vmem_shared>>)
      tpu.yield
    }) : () -> ()
    %add3A_69 = arith.constant 464 : i32
    %add3A_70 = arith.addi %mul3A_2, %add3A_69 : i32
    "tpu.region"() ({
      %run_scoped3A = tpu.sem_alloc : memref<!tpu.dma_semaphore, #tpu.memory_space<semaphore_mem>>
      %dma_start3A_107 = arith.constant 0 : i32
      %dma_start3A_108 = tpu.memref_slice %arg6[%add3A_70, %dma_start3A_107] : memref<10240x128xf32, #tpu.memory_space<vmem_shared>> -> memref<16x128xf32, #tpu.memory_space<vmem_shared>>
      %dma_start3A_109 = arith.constant 0 : i32
      %dma_start3A_110 = tpu.memref_slice %arg6[%add3A_70, %dma_start3A_109] : memref<10240x128xf32, #tpu.memory_space<vmem_shared>> -> memref<16x128xf32, #tpu.memory_space<vmem_shared>>
      tpu.enqueue_dma source(%arg10 : memref<16x128xf32, #tpu.memory_space<vmem>>) target(%dma_start3A_110 : memref<16x128xf32, #tpu.memory_space<vmem_shared>>) target_semaphore(%run_scoped3A : memref<!tpu.dma_semaphore, #tpu.memory_space<semaphore_mem>>)
      %dma_wait3A = arith.constant 0 : i32
      %dma_wait3A_111 = tpu.memref_slice %arg6[%add3A_70, %dma_wait3A] : memref<10240x128xf32, #tpu.memory_space<vmem_shared>> -> memref<16x128xf32, #tpu.memory_space<vmem_shared>>
      %dma_wait3A_112 = arith.constant 0 : i32
      %dma_wait3A_113 = tpu.memref_slice %arg6[%add3A_70, %dma_wait3A_112] : memref<10240x128xf32, #tpu.memory_space<vmem_shared>> -> memref<16x128xf32, #tpu.memory_space<vmem_shared>>
      tpu.wait_dma2 semaphore(%run_scoped3A : memref<!tpu.dma_semaphore, #tpu.memory_space<semaphore_mem>>) src(%arg10 : memref<16x128xf32, #tpu.memory_space<vmem>>) dst(%dma_wait3A_113 : memref<16x128xf32, #tpu.memory_space<vmem_shared>>)
      tpu.yield
    }) : () -> ()
    %add3A_71 = arith.constant 480 : i32
    %add3A_72 = arith.addi %mul3A_2, %add3A_71 : i32
    "tpu.region"() ({
      %run_scoped3A = tpu.sem_alloc : memref<!tpu.dma_semaphore, #tpu.memory_space<semaphore_mem>>
      %dma_start3A_107 = arith.constant 0 : i32
      %dma_start3A_108 = tpu.memref_slice %arg6[%add3A_72, %dma_start3A_107] : memref<10240x128xf32, #tpu.memory_space<vmem_shared>> -> memref<16x128xf32, #tpu.memory_space<vmem_shared>>
      %dma_start3A_109 = arith.constant 0 : i32
      %dma_start3A_110 = tpu.memref_slice %arg6[%add3A_72, %dma_start3A_109] : memref<10240x128xf32, #tpu.memory_space<vmem_shared>> -> memref<16x128xf32, #tpu.memory_space<vmem_shared>>
      tpu.enqueue_dma source(%arg10 : memref<16x128xf32, #tpu.memory_space<vmem>>) target(%dma_start3A_110 : memref<16x128xf32, #tpu.memory_space<vmem_shared>>) target_semaphore(%run_scoped3A : memref<!tpu.dma_semaphore, #tpu.memory_space<semaphore_mem>>)
      %dma_wait3A = arith.constant 0 : i32
      %dma_wait3A_111 = tpu.memref_slice %arg6[%add3A_72, %dma_wait3A] : memref<10240x128xf32, #tpu.memory_space<vmem_shared>> -> memref<16x128xf32, #tpu.memory_space<vmem_shared>>
      %dma_wait3A_112 = arith.constant 0 : i32
      %dma_wait3A_113 = tpu.memref_slice %arg6[%add3A_72, %dma_wait3A_112] : memref<10240x128xf32, #tpu.memory_space<vmem_shared>> -> memref<16x128xf32, #tpu.memory_space<vmem_shared>>
      tpu.wait_dma2 semaphore(%run_scoped3A : memref<!tpu.dma_semaphore, #tpu.memory_space<semaphore_mem>>) src(%arg10 : memref<16x128xf32, #tpu.memory_space<vmem>>) dst(%dma_wait3A_113 : memref<16x128xf32, #tpu.memory_space<vmem_shared>>)
      tpu.yield
    }) : () -> ()
    %add3A_73 = arith.constant 496 : i32
    %add3A_74 = arith.addi %mul3A_2, %add3A_73 : i32
    "tpu.region"() ({
      %run_scoped3A = tpu.sem_alloc : memref<!tpu.dma_semaphore, #tpu.memory_space<semaphore_mem>>
      %dma_start3A_107 = arith.constant 0 : i32
      %dma_start3A_108 = tpu.memref_slice %arg6[%add3A_74, %dma_start3A_107] : memref<10240x128xf32, #tpu.memory_space<vmem_shared>> -> memref<16x128xf32, #tpu.memory_space<vmem_shared>>
      %dma_start3A_109 = arith.constant 0 : i32
      %dma_start3A_110 = tpu.memref_slice %arg6[%add3A_74, %dma_start3A_109] : memref<10240x128xf32, #tpu.memory_space<vmem_shared>> -> memref<16x128xf32, #tpu.memory_space<vmem_shared>>
      tpu.enqueue_dma source(%arg10 : memref<16x128xf32, #tpu.memory_space<vmem>>) target(%dma_start3A_110 : memref<16x128xf32, #tpu.memory_space<vmem_shared>>) target_semaphore(%run_scoped3A : memref<!tpu.dma_semaphore, #tpu.memory_space<semaphore_mem>>)
      %dma_wait3A = arith.constant 0 : i32
      %dma_wait3A_111 = tpu.memref_slice %arg6[%add3A_74, %dma_wait3A] : memref<10240x128xf32, #tpu.memory_space<vmem_shared>> -> memref<16x128xf32, #tpu.memory_space<vmem_shared>>
      %dma_wait3A_112 = arith.constant 0 : i32
      %dma_wait3A_113 = tpu.memref_slice %arg6[%add3A_74, %dma_wait3A_112] : memref<10240x128xf32, #tpu.memory_space<vmem_shared>> -> memref<16x128xf32, #tpu.memory_space<vmem_shared>>
      tpu.wait_dma2 semaphore(%run_scoped3A : memref<!tpu.dma_semaphore, #tpu.memory_space<semaphore_mem>>) src(%arg10 : memref<16x128xf32, #tpu.memory_space<vmem>>) dst(%dma_wait3A_113 : memref<16x128xf32, #tpu.memory_space<vmem_shared>>)
      tpu.yield
    }) : () -> ()
    %add3A_75 = arith.constant 512 : i32
    %add3A_76 = arith.addi %mul3A_2, %add3A_75 : i32
    "tpu.region"() ({
      %run_scoped3A = tpu.sem_alloc : memref<!tpu.dma_semaphore, #tpu.memory_space<semaphore_mem>>
      %dma_start3A_107 = arith.constant 0 : i32
      %dma_start3A_108 = tpu.memref_slice %arg6[%add3A_76, %dma_start3A_107] : memref<10240x128xf32, #tpu.memory_space<vmem_shared>> -> memref<16x128xf32, #tpu.memory_space<vmem_shared>>
      %dma_start3A_109 = arith.constant 0 : i32
      %dma_start3A_110 = tpu.memref_slice %arg6[%add3A_76, %dma_start3A_109] : memref<10240x128xf32, #tpu.memory_space<vmem_shared>> -> memref<16x128xf32, #tpu.memory_space<vmem_shared>>
      tpu.enqueue_dma source(%arg10 : memref<16x128xf32, #tpu.memory_space<vmem>>) target(%dma_start3A_110 : memref<16x128xf32, #tpu.memory_space<vmem_shared>>) target_semaphore(%run_scoped3A : memref<!tpu.dma_semaphore, #tpu.memory_space<semaphore_mem>>)
      %dma_wait3A = arith.constant 0 : i32
      %dma_wait3A_111 = tpu.memref_slice %arg6[%add3A_76, %dma_wait3A] : memref<10240x128xf32, #tpu.memory_space<vmem_shared>> -> memref<16x128xf32, #tpu.memory_space<vmem_shared>>
      %dma_wait3A_112 = arith.constant 0 : i32
      %dma_wait3A_113 = tpu.memref_slice %arg6[%add3A_76, %dma_wait3A_112] : memref<10240x128xf32, #tpu.memory_space<vmem_shared>> -> memref<16x128xf32, #tpu.memory_space<vmem_shared>>
      tpu.wait_dma2 semaphore(%run_scoped3A : memref<!tpu.dma_semaphore, #tpu.memory_space<semaphore_mem>>) src(%arg10 : memref<16x128xf32, #tpu.memory_space<vmem>>) dst(%dma_wait3A_113 : memref<16x128xf32, #tpu.memory_space<vmem_shared>>)
      tpu.yield
    }) : () -> ()
    %add3A_77 = arith.constant 528 : i32
    %add3A_78 = arith.addi %mul3A_2, %add3A_77 : i32
    "tpu.region"() ({
      %run_scoped3A = tpu.sem_alloc : memref<!tpu.dma_semaphore, #tpu.memory_space<semaphore_mem>>
      %dma_start3A_107 = arith.constant 0 : i32
      %dma_start3A_108 = tpu.memref_slice %arg6[%add3A_78, %dma_start3A_107] : memref<10240x128xf32, #tpu.memory_space<vmem_shared>> -> memref<16x128xf32, #tpu.memory_space<vmem_shared>>
      %dma_start3A_109 = arith.constant 0 : i32
      %dma_start3A_110 = tpu.memref_slice %arg6[%add3A_78, %dma_start3A_109] : memref<10240x128xf32, #tpu.memory_space<vmem_shared>> -> memref<16x128xf32, #tpu.memory_space<vmem_shared>>
      tpu.enqueue_dma source(%arg10 : memref<16x128xf32, #tpu.memory_space<vmem>>) target(%dma_start3A_110 : memref<16x128xf32, #tpu.memory_space<vmem_shared>>) target_semaphore(%run_scoped3A : memref<!tpu.dma_semaphore, #tpu.memory_space<semaphore_mem>>)
      %dma_wait3A = arith.constant 0 : i32
      %dma_wait3A_111 = tpu.memref_slice %arg6[%add3A_78, %dma_wait3A] : memref<10240x128xf32, #tpu.memory_space<vmem_shared>> -> memref<16x128xf32, #tpu.memory_space<vmem_shared>>
      %dma_wait3A_112 = arith.constant 0 : i32
      %dma_wait3A_113 = tpu.memref_slice %arg6[%add3A_78, %dma_wait3A_112] : memref<10240x128xf32, #tpu.memory_space<vmem_shared>> -> memref<16x128xf32, #tpu.memory_space<vmem_shared>>
      tpu.wait_dma2 semaphore(%run_scoped3A : memref<!tpu.dma_semaphore, #tpu.memory_space<semaphore_mem>>) src(%arg10 : memref<16x128xf32, #tpu.memory_space<vmem>>) dst(%dma_wait3A_113 : memref<16x128xf32, #tpu.memory_space<vmem_shared>>)
      tpu.yield
    }) : () -> ()
    %add3A_79 = arith.constant 544 : i32
    %add3A_80 = arith.addi %mul3A_2, %add3A_79 : i32
    "tpu.region"() ({
      %run_scoped3A = tpu.sem_alloc : memref<!tpu.dma_semaphore, #tpu.memory_space<semaphore_mem>>
      %dma_start3A_107 = arith.constant 0 : i32
      %dma_start3A_108 = tpu.memref_slice %arg6[%add3A_80, %dma_start3A_107] : memref<10240x128xf32, #tpu.memory_space<vmem_shared>> -> memref<16x128xf32, #tpu.memory_space<vmem_shared>>
      %dma_start3A_109 = arith.constant 0 : i32
      %dma_start3A_110 = tpu.memref_slice %arg6[%add3A_80, %dma_start3A_109] : memref<10240x128xf32, #tpu.memory_space<vmem_shared>> -> memref<16x128xf32, #tpu.memory_space<vmem_shared>>
      tpu.enqueue_dma source(%arg10 : memref<16x128xf32, #tpu.memory_space<vmem>>) target(%dma_start3A_110 : memref<16x128xf32, #tpu.memory_space<vmem_shared>>) target_semaphore(%run_scoped3A : memref<!tpu.dma_semaphore, #tpu.memory_space<semaphore_mem>>)
      %dma_wait3A = arith.constant 0 : i32
      %dma_wait3A_111 = tpu.memref_slice %arg6[%add3A_80, %dma_wait3A] : memref<10240x128xf32, #tpu.memory_space<vmem_shared>> -> memref<16x128xf32, #tpu.memory_space<vmem_shared>>
      %dma_wait3A_112 = arith.constant 0 : i32
      %dma_wait3A_113 = tpu.memref_slice %arg6[%add3A_80, %dma_wait3A_112] : memref<10240x128xf32, #tpu.memory_space<vmem_shared>> -> memref<16x128xf32, #tpu.memory_space<vmem_shared>>
      tpu.wait_dma2 semaphore(%run_scoped3A : memref<!tpu.dma_semaphore, #tpu.memory_space<semaphore_mem>>) src(%arg10 : memref<16x128xf32, #tpu.memory_space<vmem>>) dst(%dma_wait3A_113 : memref<16x128xf32, #tpu.memory_space<vmem_shared>>)
      tpu.yield
    }) : () -> ()
    %add3A_81 = arith.constant 560 : i32
    %add3A_82 = arith.addi %mul3A_2, %add3A_81 : i32
    "tpu.region"() ({
      %run_scoped3A = tpu.sem_alloc : memref<!tpu.dma_semaphore, #tpu.memory_space<semaphore_mem>>
      %dma_start3A_107 = arith.constant 0 : i32
      %dma_start3A_108 = tpu.memref_slice %arg6[%add3A_82, %dma_start3A_107] : memref<10240x128xf32, #tpu.memory_space<vmem_shared>> -> memref<16x128xf32, #tpu.memory_space<vmem_shared>>
      %dma_start3A_109 = arith.constant 0 : i32
      %dma_start3A_110 = tpu.memref_slice %arg6[%add3A_82, %dma_start3A_109] : memref<10240x128xf32, #tpu.memory_space<vmem_shared>> -> memref<16x128xf32, #tpu.memory_space<vmem_shared>>
      tpu.enqueue_dma source(%arg10 : memref<16x128xf32, #tpu.memory_space<vmem>>) target(%dma_start3A_110 : memref<16x128xf32, #tpu.memory_space<vmem_shared>>) target_semaphore(%run_scoped3A : memref<!tpu.dma_semaphore, #tpu.memory_space<semaphore_mem>>)
      %dma_wait3A = arith.constant 0 : i32
      %dma_wait3A_111 = tpu.memref_slice %arg6[%add3A_82, %dma_wait3A] : memref<10240x128xf32, #tpu.memory_space<vmem_shared>> -> memref<16x128xf32, #tpu.memory_space<vmem_shared>>
      %dma_wait3A_112 = arith.constant 0 : i32
      %dma_wait3A_113 = tpu.memref_slice %arg6[%add3A_82, %dma_wait3A_112] : memref<10240x128xf32, #tpu.memory_space<vmem_shared>> -> memref<16x128xf32, #tpu.memory_space<vmem_shared>>
      tpu.wait_dma2 semaphore(%run_scoped3A : memref<!tpu.dma_semaphore, #tpu.memory_space<semaphore_mem>>) src(%arg10 : memref<16x128xf32, #tpu.memory_space<vmem>>) dst(%dma_wait3A_113 : memref<16x128xf32, #tpu.memory_space<vmem_shared>>)
      tpu.yield
    }) : () -> ()
    %add3A_83 = arith.constant 576 : i32
    %add3A_84 = arith.addi %mul3A_2, %add3A_83 : i32
    "tpu.region"() ({
      %run_scoped3A = tpu.sem_alloc : memref<!tpu.dma_semaphore, #tpu.memory_space<semaphore_mem>>
      %dma_start3A_107 = arith.constant 0 : i32
      %dma_start3A_108 = tpu.memref_slice %arg6[%add3A_84, %dma_start3A_107] : memref<10240x128xf32, #tpu.memory_space<vmem_shared>> -> memref<16x128xf32, #tpu.memory_space<vmem_shared>>
      %dma_start3A_109 = arith.constant 0 : i32
      %dma_start3A_110 = tpu.memref_slice %arg6[%add3A_84, %dma_start3A_109] : memref<10240x128xf32, #tpu.memory_space<vmem_shared>> -> memref<16x128xf32, #tpu.memory_space<vmem_shared>>
      tpu.enqueue_dma source(%arg10 : memref<16x128xf32, #tpu.memory_space<vmem>>) target(%dma_start3A_110 : memref<16x128xf32, #tpu.memory_space<vmem_shared>>) target_semaphore(%run_scoped3A : memref<!tpu.dma_semaphore, #tpu.memory_space<semaphore_mem>>)
      %dma_wait3A = arith.constant 0 : i32
      %dma_wait3A_111 = tpu.memref_slice %arg6[%add3A_84, %dma_wait3A] : memref<10240x128xf32, #tpu.memory_space<vmem_shared>> -> memref<16x128xf32, #tpu.memory_space<vmem_shared>>
      %dma_wait3A_112 = arith.constant 0 : i32
      %dma_wait3A_113 = tpu.memref_slice %arg6[%add3A_84, %dma_wait3A_112] : memref<10240x128xf32, #tpu.memory_space<vmem_shared>> -> memref<16x128xf32, #tpu.memory_space<vmem_shared>>
      tpu.wait_dma2 semaphore(%run_scoped3A : memref<!tpu.dma_semaphore, #tpu.memory_space<semaphore_mem>>) src(%arg10 : memref<16x128xf32, #tpu.memory_space<vmem>>) dst(%dma_wait3A_113 : memref<16x128xf32, #tpu.memory_space<vmem_shared>>)
      tpu.yield
    }) : () -> ()
    %add3A_85 = arith.constant 592 : i32
    %add3A_86 = arith.addi %mul3A_2, %add3A_85 : i32
    "tpu.region"() ({
      %run_scoped3A = tpu.sem_alloc : memref<!tpu.dma_semaphore, #tpu.memory_space<semaphore_mem>>
      %dma_start3A_107 = arith.constant 0 : i32
      %dma_start3A_108 = tpu.memref_slice %arg6[%add3A_86, %dma_start3A_107] : memref<10240x128xf32, #tpu.memory_space<vmem_shared>> -> memref<16x128xf32, #tpu.memory_space<vmem_shared>>
      %dma_start3A_109 = arith.constant 0 : i32
      %dma_start3A_110 = tpu.memref_slice %arg6[%add3A_86, %dma_start3A_109] : memref<10240x128xf32, #tpu.memory_space<vmem_shared>> -> memref<16x128xf32, #tpu.memory_space<vmem_shared>>
      tpu.enqueue_dma source(%arg10 : memref<16x128xf32, #tpu.memory_space<vmem>>) target(%dma_start3A_110 : memref<16x128xf32, #tpu.memory_space<vmem_shared>>) target_semaphore(%run_scoped3A : memref<!tpu.dma_semaphore, #tpu.memory_space<semaphore_mem>>)
      %dma_wait3A = arith.constant 0 : i32
      %dma_wait3A_111 = tpu.memref_slice %arg6[%add3A_86, %dma_wait3A] : memref<10240x128xf32, #tpu.memory_space<vmem_shared>> -> memref<16x128xf32, #tpu.memory_space<vmem_shared>>
      %dma_wait3A_112 = arith.constant 0 : i32
      %dma_wait3A_113 = tpu.memref_slice %arg6[%add3A_86, %dma_wait3A_112] : memref<10240x128xf32, #tpu.memory_space<vmem_shared>> -> memref<16x128xf32, #tpu.memory_space<vmem_shared>>
      tpu.wait_dma2 semaphore(%run_scoped3A : memref<!tpu.dma_semaphore, #tpu.memory_space<semaphore_mem>>) src(%arg10 : memref<16x128xf32, #tpu.memory_space<vmem>>) dst(%dma_wait3A_113 : memref<16x128xf32, #tpu.memory_space<vmem_shared>>)
      tpu.yield
    }) : () -> ()
    %add3A_87 = arith.constant 608 : i32
    %add3A_88 = arith.addi %mul3A_2, %add3A_87 : i32
    "tpu.region"() ({
      %run_scoped3A = tpu.sem_alloc : memref<!tpu.dma_semaphore, #tpu.memory_space<semaphore_mem>>
      %dma_start3A_107 = arith.constant 0 : i32
      %dma_start3A_108 = tpu.memref_slice %arg6[%add3A_88, %dma_start3A_107] : memref<10240x128xf32, #tpu.memory_space<vmem_shared>> -> memref<16x128xf32, #tpu.memory_space<vmem_shared>>
      %dma_start3A_109 = arith.constant 0 : i32
      %dma_start3A_110 = tpu.memref_slice %arg6[%add3A_88, %dma_start3A_109] : memref<10240x128xf32, #tpu.memory_space<vmem_shared>> -> memref<16x128xf32, #tpu.memory_space<vmem_shared>>
      tpu.enqueue_dma source(%arg10 : memref<16x128xf32, #tpu.memory_space<vmem>>) target(%dma_start3A_110 : memref<16x128xf32, #tpu.memory_space<vmem_shared>>) target_semaphore(%run_scoped3A : memref<!tpu.dma_semaphore, #tpu.memory_space<semaphore_mem>>)
      %dma_wait3A = arith.constant 0 : i32
      %dma_wait3A_111 = tpu.memref_slice %arg6[%add3A_88, %dma_wait3A] : memref<10240x128xf32, #tpu.memory_space<vmem_shared>> -> memref<16x128xf32, #tpu.memory_space<vmem_shared>>
      %dma_wait3A_112 = arith.constant 0 : i32
      %dma_wait3A_113 = tpu.memref_slice %arg6[%add3A_88, %dma_wait3A_112] : memref<10240x128xf32, #tpu.memory_space<vmem_shared>> -> memref<16x128xf32, #tpu.memory_space<vmem_shared>>
      tpu.wait_dma2 semaphore(%run_scoped3A : memref<!tpu.dma_semaphore, #tpu.memory_space<semaphore_mem>>) src(%arg10 : memref<16x128xf32, #tpu.memory_space<vmem>>) dst(%dma_wait3A_113 : memref<16x128xf32, #tpu.memory_space<vmem_shared>>)
      tpu.yield
    }) : () -> ()
    %add3A_89 = arith.constant 624 : i32
    %add3A_90 = arith.addi %mul3A_2, %add3A_89 : i32
    "tpu.region"() ({
      %run_scoped3A = tpu.sem_alloc : memref<!tpu.dma_semaphore, #tpu.memory_space<semaphore_mem>>
      %dma_start3A_107 = arith.constant 0 : i32
      %dma_start3A_108 = tpu.memref_slice %arg6[%add3A_90, %dma_start3A_107] : memref<10240x128xf32, #tpu.memory_space<vmem_shared>> -> memref<16x128xf32, #tpu.memory_space<vmem_shared>>
      %dma_start3A_109 = arith.constant 0 : i32
      %dma_start3A_110 = tpu.memref_slice %arg6[%add3A_90, %dma_start3A_109] : memref<10240x128xf32, #tpu.memory_space<vmem_shared>> -> memref<16x128xf32, #tpu.memory_space<vmem_shared>>
      tpu.enqueue_dma source(%arg10 : memref<16x128xf32, #tpu.memory_space<vmem>>) target(%dma_start3A_110 : memref<16x128xf32, #tpu.memory_space<vmem_shared>>) target_semaphore(%run_scoped3A : memref<!tpu.dma_semaphore, #tpu.memory_space<semaphore_mem>>)
      %dma_wait3A = arith.constant 0 : i32
      %dma_wait3A_111 = tpu.memref_slice %arg6[%add3A_90, %dma_wait3A] : memref<10240x128xf32, #tpu.memory_space<vmem_shared>> -> memref<16x128xf32, #tpu.memory_space<vmem_shared>>
      %dma_wait3A_112 = arith.constant 0 : i32
      %dma_wait3A_113 = tpu.memref_slice %arg6[%add3A_90, %dma_wait3A_112] : memref<10240x128xf32, #tpu.memory_space<vmem_shared>> -> memref<16x128xf32, #tpu.memory_space<vmem_shared>>
      tpu.wait_dma2 semaphore(%run_scoped3A : memref<!tpu.dma_semaphore, #tpu.memory_space<semaphore_mem>>) src(%arg10 : memref<16x128xf32, #tpu.memory_space<vmem>>) dst(%dma_wait3A_113 : memref<16x128xf32, #tpu.memory_space<vmem_shared>>)
      tpu.yield
    }) : () -> ()
    "tpu.trace_stop"() : () -> ()
    %barrier3A = arith.constant 0 : index
    tpu.barrier barrier_id(%barrier3A)
    "tpu.trace_start"() <{level = 10 : i32, message = "edges"}> : () -> ()
    "tpu.region"() ({
      %run_scoped3A = tpu.sem_alloc : memref<!tpu.dma_semaphore, #tpu.memory_space<semaphore_mem>>
      %dma_start3A_107 = arith.constant 0 : i32
      %dma_start3A_108 = arith.constant 0 : i32
      %dma_start3A_109 = tpu.memref_slice %arg3[%add3A, %dma_start3A_107, %dma_start3A_108] : memref<32x104x128xi32, #tpu.memory_space<hbm>> -> memref<1x104x128xi32, #tpu.memory_space<hbm>>
      %dma_start3A_110 = tpu.memref_squeeze %dma_start3A_109 : memref<1x104x128xi32, #tpu.memory_space<hbm>> -> memref<104x128xi32, #tpu.memory_space<hbm>>
      %dma_start3A_111 = arith.constant 0 : i32
      %dma_start3A_112 = arith.constant 0 : i32
      %dma_start3A_113 = tpu.memref_slice %arg3[%add3A, %dma_start3A_111, %dma_start3A_112] : memref<32x104x128xi32, #tpu.memory_space<hbm>> -> memref<1x104x128xi32, #tpu.memory_space<hbm>>
      %dma_start3A_114 = tpu.memref_squeeze %dma_start3A_113 : memref<1x104x128xi32, #tpu.memory_space<hbm>> -> memref<104x128xi32, #tpu.memory_space<hbm>>
      tpu.enqueue_dma source(%dma_start3A_114 : memref<104x128xi32, #tpu.memory_space<hbm>>) target(%arg7 : memref<104x128xi32, #tpu.memory_space<vmem>>) target_semaphore(%run_scoped3A : memref<!tpu.dma_semaphore, #tpu.memory_space<semaphore_mem>>)
      %dma_wait3A = arith.constant 0 : i32
      %dma_wait3A_115 = arith.constant 0 : i32
      %dma_wait3A_116 = tpu.memref_slice %arg3[%add3A, %dma_wait3A, %dma_wait3A_115] : memref<32x104x128xi32, #tpu.memory_space<hbm>> -> memref<1x104x128xi32, #tpu.memory_space<hbm>>
      %dma_wait3A_117 = tpu.memref_squeeze %dma_wait3A_116 : memref<1x104x128xi32, #tpu.memory_space<hbm>> -> memref<104x128xi32, #tpu.memory_space<hbm>>
      %dma_wait3A_118 = arith.constant 0 : i32
      %dma_wait3A_119 = arith.constant 0 : i32
      %dma_wait3A_120 = tpu.memref_slice %arg3[%add3A, %dma_wait3A_118, %dma_wait3A_119] : memref<32x104x128xi32, #tpu.memory_space<hbm>> -> memref<1x104x128xi32, #tpu.memory_space<hbm>>
      %dma_wait3A_121 = tpu.memref_squeeze %dma_wait3A_120 : memref<1x104x128xi32, #tpu.memory_space<hbm>> -> memref<104x128xi32, #tpu.memory_space<hbm>>
      tpu.wait_dma2 semaphore(%run_scoped3A : memref<!tpu.dma_semaphore, #tpu.memory_space<semaphore_mem>>) src(%dma_wait3A_121 : memref<104x128xi32, #tpu.memory_space<hbm>>) dst(%arg7 : memref<104x128xi32, #tpu.memory_space<vmem>>)
      tpu.yield
    }) : () -> ()
    "tpu.region"() ({
      %run_scoped3A = tpu.sem_alloc : memref<!tpu.dma_semaphore, #tpu.memory_space<semaphore_mem>>
      %dma_start3A_107 = arith.constant 0 : i32
      %dma_start3A_108 = arith.constant 0 : i32
      %dma_start3A_109 = tpu.memref_slice %arg4[%add3A, %dma_start3A_107, %dma_start3A_108] : memref<32x104x128xi32, #tpu.memory_space<hbm>> -> memref<1x104x128xi32, #tpu.memory_space<hbm>>
      %dma_start3A_110 = tpu.memref_squeeze %dma_start3A_109 : memref<1x104x128xi32, #tpu.memory_space<hbm>> -> memref<104x128xi32, #tpu.memory_space<hbm>>
      %dma_start3A_111 = arith.constant 0 : i32
      %dma_start3A_112 = arith.constant 0 : i32
      %dma_start3A_113 = tpu.memref_slice %arg4[%add3A, %dma_start3A_111, %dma_start3A_112] : memref<32x104x128xi32, #tpu.memory_space<hbm>> -> memref<1x104x128xi32, #tpu.memory_space<hbm>>
      %dma_start3A_114 = tpu.memref_squeeze %dma_start3A_113 : memref<1x104x128xi32, #tpu.memory_space<hbm>> -> memref<104x128xi32, #tpu.memory_space<hbm>>
      tpu.enqueue_dma source(%dma_start3A_114 : memref<104x128xi32, #tpu.memory_space<hbm>>) target(%arg8 : memref<104x128xi32, #tpu.memory_space<vmem>>) target_semaphore(%run_scoped3A : memref<!tpu.dma_semaphore, #tpu.memory_space<semaphore_mem>>)
      %dma_wait3A = arith.constant 0 : i32
      %dma_wait3A_115 = arith.constant 0 : i32
      %dma_wait3A_116 = tpu.memref_slice %arg4[%add3A, %dma_wait3A, %dma_wait3A_115] : memref<32x104x128xi32, #tpu.memory_space<hbm>> -> memref<1x104x128xi32, #tpu.memory_space<hbm>>
      %dma_wait3A_117 = tpu.memref_squeeze %dma_wait3A_116 : memref<1x104x128xi32, #tpu.memory_space<hbm>> -> memref<104x128xi32, #tpu.memory_space<hbm>>
      %dma_wait3A_118 = arith.constant 0 : i32
      %dma_wait3A_119 = arith.constant 0 : i32
      %dma_wait3A_120 = tpu.memref_slice %arg4[%add3A, %dma_wait3A_118, %dma_wait3A_119] : memref<32x104x128xi32, #tpu.memory_space<hbm>> -> memref<1x104x128xi32, #tpu.memory_space<hbm>>
      %dma_wait3A_121 = tpu.memref_squeeze %dma_wait3A_120 : memref<1x104x128xi32, #tpu.memory_space<hbm>> -> memref<104x128xi32, #tpu.memory_space<hbm>>
      tpu.wait_dma2 semaphore(%run_scoped3A : memref<!tpu.dma_semaphore, #tpu.memory_space<semaphore_mem>>) src(%dma_wait3A_121 : memref<104x128xi32, #tpu.memory_space<hbm>>) dst(%arg8 : memref<104x128xi32, #tpu.memory_space<vmem>>)
      tpu.yield
    }) : () -> ()
    %dma_start3A = arith.constant 0 : i32
    %dma_start3A_91 = arith.constant 0 : i32
    %dma_start3A_92 = tpu.memref_slice %arg7[%dma_start3A, %dma_start3A_91] : memref<104x128xi32, #tpu.memory_space<vmem>> -> memref<1x128xi32, #tpu.memory_space<vmem>>
    %dma_start3A_93 = tpu.memref_squeeze %dma_start3A_92 : memref<1x128xi32, #tpu.memory_space<vmem>> -> memref<128xi32, #tpu.memory_space<vmem>>
    %dma_start3A_94 = arith.constant 0 : i32
    %dma_start3A_95 = arith.constant 0 : i32
    %dma_start3A_96 = tpu.memref_slice %arg2[%dma_start3A_94, %dma_start3A_95] : memref<10240x128xf32, #tpu.memory_space<hbm>> -> memref<10240x128xf32, #tpu.memory_space<hbm>>
    tpu.enqueue_indirect_dma source(%dma_start3A_96 : memref<10240x128xf32, #tpu.memory_space<hbm>>) target(%arg9 : memref<128x128xf32, #tpu.memory_space<vmem>>) offsets(%dma_start3A_93 : memref<128xi32, #tpu.memory_space<vmem>>) semaphore(%arg11 : memref<!tpu.dma_semaphore, #tpu.memory_space<semaphore_mem>>)
    %while3A = arith.constant 0 : i32
    %while3A_97 = arith.constant 0 : i32
    %while3A_98 = arith.subi %select_n3A, %while3A_97 : i32
    %while3A_99 = arith.addi %while3A_97, %while3A_98 : i32
    %while3A_100 = arith.constant 1 : i32
    %while3A_101 = arith.divsi %while3A_98, %while3A_100 : i32
    %while3A_102 = arith.muli %while3A_101, %while3A_100 : i32
    %while3A_103 = arith.addi %while3A_97, %while3A_102 : i32
    %while3A_104 = arith.constant 1 : i32
    scf.for %while3A_107 = %while3A_97 to %while3A_103 step %while3A_104  : i32 {
      %dma_wait3A = arith.constant 0 : i32
      %dma_wait3A_108 = tpu.memref_slice %arg7[%while3A_107, %dma_wait3A] : memref<104x128xi32, #tpu.memory_space<vmem>> -> memref<1x128xi32, #tpu.memory_space<vmem>>
      %dma_wait3A_109 = tpu.memref_squeeze %dma_wait3A_108 : memref<1x128xi32, #tpu.memory_space<vmem>> -> memref<128xi32, #tpu.memory_space<vmem>>
      %dma_wait3A_110 = arith.constant 0 : i32
      %dma_wait3A_111 = arith.constant 0 : i32
      %dma_wait3A_112 = tpu.memref_slice %arg2[%dma_wait3A_110, %dma_wait3A_111] : memref<10240x128xf32, #tpu.memory_space<hbm>> -> memref<10240x128xf32, #tpu.memory_space<hbm>>
      tpu.wait_indirect_dma semaphore(%arg11 : memref<!tpu.dma_semaphore, #tpu.memory_space<semaphore_mem>>) src(%dma_wait3A_112 : memref<10240x128xf32, #tpu.memory_space<hbm>>) dst(%arg9 : memref<128x128xf32, #tpu.memory_space<vmem>>)
      "tpu.region"() ({
        %run_scoped3A = tpu.sem_alloc : memref<!tpu.dma_semaphore, #tpu.memory_space<semaphore_mem>>
        %dma_start3A_116 = arith.constant 0 : i32
        %dma_start3A_117 = tpu.memref_slice %arg8[%while3A_107, %dma_start3A_116] : memref<104x128xi32, #tpu.memory_space<vmem>> -> memref<1x128xi32, #tpu.memory_space<vmem>>
        %dma_start3A_118 = tpu.memref_squeeze %dma_start3A_117 : memref<1x128xi32, #tpu.memory_space<vmem>> -> memref<128xi32, #tpu.memory_space<vmem>>
        %dma_start3A_119 = arith.constant 0 : i32
        %dma_start3A_120 = arith.constant 0 : i32
        %dma_start3A_121 = tpu.memref_slice %arg6[%dma_start3A_119, %dma_start3A_120] : memref<10240x128xf32, #tpu.memory_space<vmem_shared>> -> memref<10240x128xf32, #tpu.memory_space<vmem_shared>>
        tpu.enqueue_indirect_dma source(%arg9 : memref<128x128xf32, #tpu.memory_space<vmem>>) target(%dma_start3A_121 : memref<10240x128xf32, #tpu.memory_space<vmem_shared>>) offsets(%dma_start3A_118 : memref<128xi32, #tpu.memory_space<vmem>>) semaphore(%run_scoped3A : memref<!tpu.dma_semaphore, #tpu.memory_space<semaphore_mem>>) {add = true}
        %dma_wait3A_122 = arith.constant 0 : i32
        %dma_wait3A_123 = tpu.memref_slice %arg8[%while3A_107, %dma_wait3A_122] : memref<104x128xi32, #tpu.memory_space<vmem>> -> memref<1x128xi32, #tpu.memory_space<vmem>>
        %dma_wait3A_124 = tpu.memref_squeeze %dma_wait3A_123 : memref<1x128xi32, #tpu.memory_space<vmem>> -> memref<128xi32, #tpu.memory_space<vmem>>
        %dma_wait3A_125 = arith.constant 0 : i32
        %dma_wait3A_126 = arith.constant 0 : i32
        %dma_wait3A_127 = tpu.memref_slice %arg6[%dma_wait3A_125, %dma_wait3A_126] : memref<10240x128xf32, #tpu.memory_space<vmem_shared>> -> memref<10240x128xf32, #tpu.memory_space<vmem_shared>>
        tpu.wait_indirect_dma semaphore(%run_scoped3A : memref<!tpu.dma_semaphore, #tpu.memory_space<semaphore_mem>>) src(%arg9 : memref<128x128xf32, #tpu.memory_space<vmem>>) dst(%dma_wait3A_127 : memref<10240x128xf32, #tpu.memory_space<vmem_shared>>)
        tpu.yield
      }) : () -> ()
      %add3A_113 = arith.constant 1 : i32
      %add3A_114 = arith.addi %while3A_107, %add3A_113 : i32
      %lt3A = arith.cmpi slt, %add3A_114, %select_n3A : i32
      %convert_element_type3A = arith.extui %lt3A : i1 to i32
      %cond3A = arith.constant 0 : i32
      %cond3A_115 = arith.cmpi ne, %convert_element_type3A, %cond3A : i32
      scf.if %cond3A_115 {
        %add3A_116 = arith.constant 1 : i32
        %add3A_117 = arith.addi %while3A_107, %add3A_116 : i32
        %dma_start3A_118 = arith.constant 0 : i32
        %dma_start3A_119 = tpu.memref_slice %arg7[%add3A_117, %dma_start3A_118] : memref<104x128xi32, #tpu.memory_space<vmem>> -> memref<1x128xi32, #tpu.memory_space<vmem>>
        %dma_start3A_120 = tpu.memref_squeeze %dma_start3A_119 : memref<1x128xi32, #tpu.memory_space<vmem>> -> memref<128xi32, #tpu.memory_space<vmem>>
        %dma_start3A_121 = arith.constant 0 : i32
        %dma_start3A_122 = arith.constant 0 : i32
        %dma_start3A_123 = tpu.memref_slice %arg2[%dma_start3A_121, %dma_start3A_122] : memref<10240x128xf32, #tpu.memory_space<hbm>> -> memref<10240x128xf32, #tpu.memory_space<hbm>>
        tpu.enqueue_indirect_dma source(%dma_start3A_123 : memref<10240x128xf32, #tpu.memory_space<hbm>>) target(%arg9 : memref<128x128xf32, #tpu.memory_space<vmem>>) offsets(%dma_start3A_120 : memref<128xi32, #tpu.memory_space<vmem>>) semaphore(%arg11 : memref<!tpu.dma_semaphore, #tpu.memory_space<semaphore_mem>>)
      } else {
      }
    }
    %while3A_105 = arith.constant 1 : i32
    scf.for %while3A_107 = %while3A_103 to %while3A_99 step %while3A_105  : i32 {
      %dma_wait3A = arith.constant 0 : i32
      %dma_wait3A_108 = tpu.memref_slice %arg7[%while3A_107, %dma_wait3A] : memref<104x128xi32, #tpu.memory_space<vmem>> -> memref<1x128xi32, #tpu.memory_space<vmem>>
      %dma_wait3A_109 = tpu.memref_squeeze %dma_wait3A_108 : memref<1x128xi32, #tpu.memory_space<vmem>> -> memref<128xi32, #tpu.memory_space<vmem>>
      %dma_wait3A_110 = arith.constant 0 : i32
      %dma_wait3A_111 = arith.constant 0 : i32
      %dma_wait3A_112 = tpu.memref_slice %arg2[%dma_wait3A_110, %dma_wait3A_111] : memref<10240x128xf32, #tpu.memory_space<hbm>> -> memref<10240x128xf32, #tpu.memory_space<hbm>>
      tpu.wait_indirect_dma semaphore(%arg11 : memref<!tpu.dma_semaphore, #tpu.memory_space<semaphore_mem>>) src(%dma_wait3A_112 : memref<10240x128xf32, #tpu.memory_space<hbm>>) dst(%arg9 : memref<128x128xf32, #tpu.memory_space<vmem>>)
      "tpu.region"() ({
        %run_scoped3A = tpu.sem_alloc : memref<!tpu.dma_semaphore, #tpu.memory_space<semaphore_mem>>
        %dma_start3A_116 = arith.constant 0 : i32
        %dma_start3A_117 = tpu.memref_slice %arg8[%while3A_107, %dma_start3A_116] : memref<104x128xi32, #tpu.memory_space<vmem>> -> memref<1x128xi32, #tpu.memory_space<vmem>>
        %dma_start3A_118 = tpu.memref_squeeze %dma_start3A_117 : memref<1x128xi32, #tpu.memory_space<vmem>> -> memref<128xi32, #tpu.memory_space<vmem>>
        %dma_start3A_119 = arith.constant 0 : i32
        %dma_start3A_120 = arith.constant 0 : i32
        %dma_start3A_121 = tpu.memref_slice %arg6[%dma_start3A_119, %dma_start3A_120] : memref<10240x128xf32, #tpu.memory_space<vmem_shared>> -> memref<10240x128xf32, #tpu.memory_space<vmem_shared>>
        tpu.enqueue_indirect_dma source(%arg9 : memref<128x128xf32, #tpu.memory_space<vmem>>) target(%dma_start3A_121 : memref<10240x128xf32, #tpu.memory_space<vmem_shared>>) offsets(%dma_start3A_118 : memref<128xi32, #tpu.memory_space<vmem>>) semaphore(%run_scoped3A : memref<!tpu.dma_semaphore, #tpu.memory_space<semaphore_mem>>) {add = true}
        %dma_wait3A_122 = arith.constant 0 : i32
        %dma_wait3A_123 = tpu.memref_slice %arg8[%while3A_107, %dma_wait3A_122] : memref<104x128xi32, #tpu.memory_space<vmem>> -> memref<1x128xi32, #tpu.memory_space<vmem>>
        %dma_wait3A_124 = tpu.memref_squeeze %dma_wait3A_123 : memref<1x128xi32, #tpu.memory_space<vmem>> -> memref<128xi32, #tpu.memory_space<vmem>>
        %dma_wait3A_125 = arith.constant 0 : i32
        %dma_wait3A_126 = arith.constant 0 : i32
        %dma_wait3A_127 = tpu.memref_slice %arg6[%dma_wait3A_125, %dma_wait3A_126] : memref<10240x128xf32, #tpu.memory_space<vmem_shared>> -> memref<10240x128xf32, #tpu.memory_space<vmem_shared>>
        tpu.wait_indirect_dma semaphore(%run_scoped3A : memref<!tpu.dma_semaphore, #tpu.memory_space<semaphore_mem>>) src(%arg9 : memref<128x128xf32, #tpu.memory_space<vmem>>) dst(%dma_wait3A_127 : memref<10240x128xf32, #tpu.memory_space<vmem_shared>>)
        tpu.yield
      }) : () -> ()
      %add3A_113 = arith.constant 1 : i32
      %add3A_114 = arith.addi %while3A_107, %add3A_113 : i32
      %lt3A = arith.cmpi slt, %add3A_114, %select_n3A : i32
      %convert_element_type3A = arith.extui %lt3A : i1 to i32
      %cond3A = arith.constant 0 : i32
      %cond3A_115 = arith.cmpi ne, %convert_element_type3A, %cond3A : i32
      scf.if %cond3A_115 {
        %add3A_116 = arith.constant 1 : i32
        %add3A_117 = arith.addi %while3A_107, %add3A_116 : i32
        %dma_start3A_118 = arith.constant 0 : i32
        %dma_start3A_119 = tpu.memref_slice %arg7[%add3A_117, %dma_start3A_118] : memref<104x128xi32, #tpu.memory_space<vmem>> -> memref<1x128xi32, #tpu.memory_space<vmem>>
        %dma_start3A_120 = tpu.memref_squeeze %dma_start3A_119 : memref<1x128xi32, #tpu.memory_space<vmem>> -> memref<128xi32, #tpu.memory_space<vmem>>
        %dma_start3A_121 = arith.constant 0 : i32
        %dma_start3A_122 = arith.constant 0 : i32
        %dma_start3A_123 = tpu.memref_slice %arg2[%dma_start3A_121, %dma_start3A_122] : memref<10240x128xf32, #tpu.memory_space<hbm>> -> memref<10240x128xf32, #tpu.memory_space<hbm>>
        tpu.enqueue_indirect_dma source(%dma_start3A_123 : memref<10240x128xf32, #tpu.memory_space<hbm>>) target(%arg9 : memref<128x128xf32, #tpu.memory_space<vmem>>) offsets(%dma_start3A_120 : memref<128xi32, #tpu.memory_space<vmem>>) semaphore(%arg11 : memref<!tpu.dma_semaphore, #tpu.memory_space<semaphore_mem>>)
      } else {
      }
    }
    "tpu.trace_stop"() : () -> ()
    %barrier3A_106 = arith.constant 0 : index
    tpu.barrier barrier_id(%barrier3A_106)
    "tpu.trace_start"() <{level = 10 : i32, message = "writeout"}> : () -> ()
    "tpu.region"() ({
      %run_scoped3A = tpu.sem_alloc : memref<!tpu.dma_semaphore, #tpu.memory_space<semaphore_mem>>
      %dma_start3A_107 = arith.constant 0 : i32
      %dma_start3A_108 = tpu.memref_slice %arg5[%arg0, %mul3A_2, %dma_start3A_107] : memref<2x10240x128xf32, #tpu.memory_space<hbm>> -> memref<1x640x128xf32, #tpu.memory_space<hbm>>
      %dma_start3A_109 = tpu.memref_squeeze %dma_start3A_108 : memref<1x640x128xf32, #tpu.memory_space<hbm>> -> memref<640x128xf32, #tpu.memory_space<hbm>>
      %dma_start3A_110 = arith.constant 0 : i32
      %dma_start3A_111 = tpu.memref_slice %arg6[%mul3A_2, %dma_start3A_110] : memref<10240x128xf32, #tpu.memory_space<vmem_shared>> -> memref<640x128xf32, #tpu.memory_space<vmem_shared>>
      tpu.enqueue_dma source(%dma_start3A_111 : memref<640x128xf32, #tpu.memory_space<vmem_shared>>) target(%dma_start3A_109 : memref<640x128xf32, #tpu.memory_space<hbm>>) target_semaphore(%run_scoped3A : memref<!tpu.dma_semaphore, #tpu.memory_space<semaphore_mem>>)
      %dma_wait3A = arith.constant 0 : i32
      %dma_wait3A_112 = tpu.memref_slice %arg5[%arg0, %mul3A_2, %dma_wait3A] : memref<2x10240x128xf32, #tpu.memory_space<hbm>> -> memref<1x640x128xf32, #tpu.memory_space<hbm>>
      %dma_wait3A_113 = tpu.memref_squeeze %dma_wait3A_112 : memref<1x640x128xf32, #tpu.memory_space<hbm>> -> memref<640x128xf32, #tpu.memory_space<hbm>>
      %dma_wait3A_114 = arith.constant 0 : i32
      %dma_wait3A_115 = tpu.memref_slice %arg6[%mul3A_2, %dma_wait3A_114] : memref<10240x128xf32, #tpu.memory_space<vmem_shared>> -> memref<640x128xf32, #tpu.memory_space<vmem_shared>>
      tpu.wait_dma2 semaphore(%run_scoped3A : memref<!tpu.dma_semaphore, #tpu.memory_space<semaphore_mem>>) src(%dma_wait3A_115 : memref<640x128xf32, #tpu.memory_space<vmem_shared>>) dst(%dma_wait3A_113 : memref<640x128xf32, #tpu.memory_space<hbm>>)
      tpu.yield
    }) : () -> ()
    "tpu.trace_stop"() : () -> ()
    return
  }
}

module attributes {stable_mosaic.version = 14 : i64} {
  func.func @_sage_dense(%arg0: i32, %arg1: memref<2x2048x128xf32, #tpu.memory_space<vmem>>, %arg2: memref<2x2048x1xf32, #tpu.memory_space<vmem>>, %arg3: memref<2048x128xf32, #tpu.memory_space<vmem>>, %arg4: memref<128x128xf32, #tpu.memory_space<vmem>>, %arg5: memref<1x128xf32, #tpu.memory_space<vmem>>, %arg6: memref<128x128xf32, #tpu.memory_space<vmem>>, %arg7: memref<1x128xf32, #tpu.memory_space<vmem>>, %arg8: memref<1x128xf32, #tpu.memory_space<vmem>>, %arg9: memref<2048x128xf32, #tpu.memory_space<vmem>>) attributes {dimension_semantics = [#tpu.dimension_semantics<arbitrary>], iteration_bounds = array<i64: 5>, scalar_prefetch = 0 : i64, scratch_operands = 0 : i64, tpu.core_type = #tpu.core_type<tc>, window_params = [{transform_indices = @transform_0, window_bounds = array<i64: 2, 2048, 128>}, {transform_indices = @transform_1, window_bounds = array<i64: 2, 2048, 1>}, {transform_indices = @transform_2, window_bounds = array<i64: 2048, 128>}, {pipeline_mode = #tpu.pipeline_mode<synchronous>, transform_indices = @transform_3, window_bounds = array<i64: 128, 128>}, {pipeline_mode = #tpu.pipeline_mode<synchronous>, transform_indices = @transform_4, window_bounds = array<i64: 1, 128>}, {pipeline_mode = #tpu.pipeline_mode<synchronous>, transform_indices = @transform_5, window_bounds = array<i64: 128, 128>}, {pipeline_mode = #tpu.pipeline_mode<synchronous>, transform_indices = @transform_6, window_bounds = array<i64: 1, 128>}, {pipeline_mode = #tpu.pipeline_mode<synchronous>, transform_indices = @transform_7, window_bounds = array<i64: 1, 128>}, {transform_indices = @transform_8, window_bounds = array<i64: 2048, 128>}]} {
    %get3A = arith.constant 0 : index
    %get3A_0 = arith.constant 0 : index
    %get3A_1 = arith.constant 0 : index
    %get3A_2 = vector.load %arg2[%get3A, %get3A_0, %get3A_1] : memref<2x2048x1xf32, #tpu.memory_space<vmem>>, vector<2x2048x1xf32>
    %get3A_3 = arith.constant 0 : index
    %get3A_4 = arith.constant 0 : index
    %get3A_5 = arith.constant 0 : index
    %get3A_6 = vector.load %arg1[%get3A_3, %get3A_4, %get3A_5] : memref<2x2048x128xf32, #tpu.memory_space<vmem>>, vector<2x2048x128xf32>
    %slice3A = vector.extract_strided_slice %get3A_2 {offsets = [0, 0, 0], sizes = [1, 2048, 1], strides = [1, 1, 1]} : vector<2x2048x1xf32> to vector<1x2048x1xf32>
    %squeeze3A = vector.shape_cast %slice3A : vector<1x2048x1xf32> to vector<2048x1xf32>
    %slice3A_7 = vector.extract_strided_slice %get3A_2 {offsets = [1, 0, 0], sizes = [1, 2048, 1], strides = [1, 1, 1]} : vector<2x2048x1xf32> to vector<1x2048x1xf32>
    %squeeze3A_8 = vector.shape_cast %slice3A_7 : vector<1x2048x1xf32> to vector<2048x1xf32>
    %add3A = arith.addf %squeeze3A, %squeeze3A_8 : vector<2048x1xf32>
    %max3A = arith.constant 1.000000e+00 : f32
    %max3A_9 = vector.broadcast %max3A : f32 to vector<2048x1xf32>
    %max3A_10 = arith.maximumf %add3A, %max3A_9 : vector<2048x1xf32>
    %div3A = arith.constant 1.000000e+00 : f32
    %div3A_11 = vector.broadcast %div3A : f32 to vector<2048x1xf32>
    %div3A_12 = arith.divf %div3A_11, %max3A_10 : vector<2048x1xf32>
    %slice3A_13 = vector.extract_strided_slice %get3A_6 {offsets = [0, 0, 0], sizes = [1, 2048, 128], strides = [1, 1, 1]} : vector<2x2048x128xf32> to vector<1x2048x128xf32>
    %squeeze3A_14 = vector.shape_cast %slice3A_13 : vector<1x2048x128xf32> to vector<2048x128xf32>
    %slice3A_15 = vector.extract_strided_slice %get3A_6 {offsets = [1, 0, 0], sizes = [1, 2048, 128], strides = [1, 1, 1]} : vector<2x2048x128xf32> to vector<1x2048x128xf32>
    %squeeze3A_16 = vector.shape_cast %slice3A_15 : vector<1x2048x128xf32> to vector<2048x128xf32>
    %add3A_17 = arith.addf %squeeze3A_14, %squeeze3A_16 : vector<2048x128xf32>
    %mul3A = vector.broadcast %div3A_12 : vector<2048x1xf32> to vector<2048x128xf32>
    %mul3A_18 = arith.mulf %add3A_17, %mul3A : vector<2048x128xf32>
    %get3A_19 = arith.constant 0 : index
    %get3A_20 = arith.constant 0 : index
    %get3A_21 = vector.load %arg4[%get3A_19, %get3A_20] : memref<128x128xf32, #tpu.memory_space<vmem>>, vector<128x128xf32>
    %dot_general3A = arith.constant dense<0.000000e+00> : vector<2048x128xf32>
    %dot_general3A_22 = tpu.matmul %mul3A_18, %get3A_21, %dot_general3A {dimension_numbers = #tpu.dot_dimension_numbers<[1], [1], [0], [0], [0, 0, 1, 0], [], []>, precision = #tpu.contract_precision<fp32>, transpose_lhs_hint = false} : vector<2048x128xf32>, vector<128x128xf32>, vector<2048x128xf32> -> vector<2048x128xf32>
    %get3A_23 = arith.constant 0 : index
    %get3A_24 = arith.constant 0 : index
    %get3A_25 = vector.load %arg3[%get3A_23, %get3A_24] : memref<2048x128xf32, #tpu.memory_space<vmem>>, vector<2048x128xf32>
    %get3A_26 = arith.constant 0 : index
    %get3A_27 = arith.constant 0 : index
    %get3A_28 = vector.load %arg6[%get3A_26, %get3A_27] : memref<128x128xf32, #tpu.memory_space<vmem>>, vector<128x128xf32>
    %dot_general3A_29 = arith.constant dense<0.000000e+00> : vector<2048x128xf32>
    %dot_general3A_30 = tpu.matmul %get3A_25, %get3A_28, %dot_general3A_29 {dimension_numbers = #tpu.dot_dimension_numbers<[1], [1], [0], [0], [0, 0, 1, 0], [], []>, precision = #tpu.contract_precision<fp32>, transpose_lhs_hint = false} : vector<2048x128xf32>, vector<128x128xf32>, vector<2048x128xf32> -> vector<2048x128xf32>
    %add3A_31 = arith.addf %dot_general3A_22, %dot_general3A_30 : vector<2048x128xf32>
    %get3A_32 = arith.constant 0 : index
    %get3A_33 = arith.constant 0 : index
    %get3A_34 = vector.load %arg5[%get3A_32, %get3A_33] : memref<1x128xf32, #tpu.memory_space<vmem>>, vector<1x128xf32>
    %add3A_35 = vector.broadcast %get3A_34 : vector<1x128xf32> to vector<2048x128xf32>
    %add3A_36 = arith.addf %add3A_31, %add3A_35 : vector<2048x128xf32>
    %get3A_37 = arith.constant 0 : index
    %get3A_38 = arith.constant 0 : index
    %get3A_39 = vector.load %arg7[%get3A_37, %get3A_38] : memref<1x128xf32, #tpu.memory_space<vmem>>, vector<1x128xf32>
    %mul3A_40 = vector.broadcast %get3A_39 : vector<1x128xf32> to vector<2048x128xf32>
    %mul3A_41 = arith.mulf %add3A_36, %mul3A_40 : vector<2048x128xf32>
    %get3A_42 = arith.constant 0 : index
    %get3A_43 = arith.constant 0 : index
    %get3A_44 = vector.load %arg8[%get3A_42, %get3A_43] : memref<1x128xf32, #tpu.memory_space<vmem>>, vector<1x128xf32>
    %add3A_45 = vector.broadcast %get3A_44 : vector<1x128xf32> to vector<2048x128xf32>
    %add3A_46 = arith.addf %mul3A_41, %add3A_45 : vector<2048x128xf32>
    %max3A_47 = arith.constant 0.000000e+00 : f32
    %max3A_48 = vector.broadcast %max3A_47 : f32 to vector<2048x128xf32>
    %max3A_49 = arith.maximumf %add3A_46, %max3A_48 : vector<2048x128xf32>
    %swap3A = arith.constant 0 : index
    %swap3A_50 = arith.constant 0 : index
    %swap3A_51 = vector.load %arg9[%swap3A, %swap3A_50] : memref<2048x128xf32, #tpu.memory_space<vmem>>, vector<2048x128xf32>
    tpu.vector_store %arg9[%swap3A, %swap3A_50], %max3A_49 {strides = array<i32>} : memref<2048x128xf32, #tpu.memory_space<vmem>>, vector<2048x128xf32>,
    return
  }
  func.func @transform_0(%arg0: i32) -> (i32, i32, i32) {
    %c0_i32 = arith.constant 0 : i32
    %c0_i32_0 = arith.constant 0 : i32
    %c0_i32_1 = arith.constant 0 : i32
    return %c0_i32, %arg0, %c0_i32_0 : i32, i32, i32
  }
  func.func @transform_1(%arg0: i32) -> (i32, i32, i32) {
    %c0_i32 = arith.constant 0 : i32
    %c0_i32_0 = arith.constant 0 : i32
    %c0_i32_1 = arith.constant 0 : i32
    return %c0_i32, %arg0, %c0_i32_0 : i32, i32, i32
  }
  func.func @transform_2(%arg0: i32) -> (i32, i32) {
    %c0_i32 = arith.constant 0 : i32
    %c0_i32_0 = arith.constant 0 : i32
    return %arg0, %c0_i32 : i32, i32
  }
  func.func @transform_3(%arg0: i32) -> (i32, i32) {
    %c0_i32 = arith.constant 0 : i32
    %c0_i32_0 = arith.constant 0 : i32
    %c0_i32_1 = arith.constant 0 : i32
    return %c0_i32, %c0_i32_0 : i32, i32
  }
  func.func @transform_4(%arg0: i32) -> (i32, i32) {
    %c0_i32 = arith.constant 0 : i32
    %c0_i32_0 = arith.constant 0 : i32
    %c0_i32_1 = arith.constant 0 : i32
    return %c0_i32, %c0_i32_0 : i32, i32
  }
  func.func @transform_5(%arg0: i32) -> (i32, i32) {
    %c0_i32 = arith.constant 0 : i32
    %c0_i32_0 = arith.constant 0 : i32
    %c0_i32_1 = arith.constant 0 : i32
    return %c0_i32, %c0_i32_0 : i32, i32
  }
  func.func @transform_6(%arg0: i32) -> (i32, i32) {
    %c0_i32 = arith.constant 0 : i32
    %c0_i32_0 = arith.constant 0 : i32
    %c0_i32_1 = arith.constant 0 : i32
    return %c0_i32, %c0_i32_0 : i32, i32
  }
  func.func @transform_7(%arg0: i32) -> (i32, i32) {
    %c0_i32 = arith.constant 0 : i32
    %c0_i32_0 = arith.constant 0 : i32
    %c0_i32_1 = arith.constant 0 : i32
    return %c0_i32, %c0_i32_0 : i32, i32
  }
  func.func @transform_8(%arg0: i32) -> (i32, i32) {
    %c0_i32 = arith.constant 0 : i32
    %c0_i32_0 = arith.constant 0 : i32
    return %arg0, %c0_i32 : i32, i32
  }
}

module attributes {stable_mosaic.version = 14 : i64} {
  func.func @_sage_dense_mlp(%arg0: i32, %arg1: memref<2x2048x128xf32, #tpu.memory_space<vmem>>, %arg2: memref<2x2048x1xf32, #tpu.memory_space<vmem>>, %arg3: memref<2048x128xf32, #tpu.memory_space<vmem>>, %arg4: memref<128x128xf32, #tpu.memory_space<vmem>>, %arg5: memref<1x128xf32, #tpu.memory_space<vmem>>, %arg6: memref<128x128xf32, #tpu.memory_space<vmem>>, %arg7: memref<1x128xf32, #tpu.memory_space<vmem>>, %arg8: memref<1x128xf32, #tpu.memory_space<vmem>>, %arg9: memref<128x128xf32, #tpu.memory_space<vmem>>, %arg10: memref<1x128xf32, #tpu.memory_space<vmem>>, %arg11: memref<64x128xf32, #tpu.memory_space<vmem>>, %arg12: memref<1x64xf32, #tpu.memory_space<vmem>>, %arg13: memref<128x64xf32, #tpu.memory_space<vmem>>, %arg14: memref<1x128xf32, #tpu.memory_space<vmem>>, %arg15: memref<2048x1xf32, #tpu.memory_space<vmem>>) attributes {dimension_semantics = [#tpu.dimension_semantics<arbitrary>], iteration_bounds = array<i64: 5>, scalar_prefetch = 0 : i64, scratch_operands = 0 : i64, tpu.core_type = #tpu.core_type<tc>, window_params = [{transform_indices = @transform_0, window_bounds = array<i64: 2, 2048, 128>}, {transform_indices = @transform_1, window_bounds = array<i64: 2, 2048, 1>}, {transform_indices = @transform_2, window_bounds = array<i64: 2048, 128>}, {pipeline_mode = #tpu.pipeline_mode<synchronous>, transform_indices = @transform_3, window_bounds = array<i64: 128, 128>}, {pipeline_mode = #tpu.pipeline_mode<synchronous>, transform_indices = @transform_4, window_bounds = array<i64: 1, 128>}, {pipeline_mode = #tpu.pipeline_mode<synchronous>, transform_indices = @transform_5, window_bounds = array<i64: 128, 128>}, {pipeline_mode = #tpu.pipeline_mode<synchronous>, transform_indices = @transform_6, window_bounds = array<i64: 1, 128>}, {pipeline_mode = #tpu.pipeline_mode<synchronous>, transform_indices = @transform_7, window_bounds = array<i64: 1, 128>}, {pipeline_mode = #tpu.pipeline_mode<synchronous>, transform_indices = @transform_8, window_bounds = array<i64: 128, 128>}, {pipeline_mode = #tpu.pipeline_mode<synchronous>, transform_indices = @transform_9, window_bounds = array<i64: 1, 128>}, {pipeline_mode = #tpu.pipeline_mode<synchronous>, transform_indices = @transform_10, window_bounds = array<i64: 64, 128>}, {pipeline_mode = #tpu.pipeline_mode<synchronous>, transform_indices = @transform_11, window_bounds = array<i64: 1, 64>}, {pipeline_mode = #tpu.pipeline_mode<synchronous>, transform_indices = @transform_12, window_bounds = array<i64: 128, 64>}, {pipeline_mode = #tpu.pipeline_mode<synchronous>, transform_indices = @transform_13, window_bounds = array<i64: 1, 128>}, {transform_indices = @transform_14, window_bounds = array<i64: 2048, 1>}]} {
    %get3A = arith.constant 0 : index
    %get3A_0 = arith.constant 0 : index
    %get3A_1 = arith.constant 0 : index
    %get3A_2 = vector.load %arg2[%get3A, %get3A_0, %get3A_1] : memref<2x2048x1xf32, #tpu.memory_space<vmem>>, vector<2x2048x1xf32>
    %get3A_3 = arith.constant 0 : index
    %get3A_4 = arith.constant 0 : index
    %get3A_5 = arith.constant 0 : index
    %get3A_6 = vector.load %arg1[%get3A_3, %get3A_4, %get3A_5] : memref<2x2048x128xf32, #tpu.memory_space<vmem>>, vector<2x2048x128xf32>
    %slice3A = vector.extract_strided_slice %get3A_2 {offsets = [0, 0, 0], sizes = [1, 2048, 1], strides = [1, 1, 1]} : vector<2x2048x1xf32> to vector<1x2048x1xf32>
    %squeeze3A = vector.shape_cast %slice3A : vector<1x2048x1xf32> to vector<2048x1xf32>
    %slice3A_7 = vector.extract_strided_slice %get3A_2 {offsets = [1, 0, 0], sizes = [1, 2048, 1], strides = [1, 1, 1]} : vector<2x2048x1xf32> to vector<1x2048x1xf32>
    %squeeze3A_8 = vector.shape_cast %slice3A_7 : vector<1x2048x1xf32> to vector<2048x1xf32>
    %add3A = arith.addf %squeeze3A, %squeeze3A_8 : vector<2048x1xf32>
    %max3A = arith.constant 1.000000e+00 : f32
    %max3A_9 = vector.broadcast %max3A : f32 to vector<2048x1xf32>
    %max3A_10 = arith.maximumf %add3A, %max3A_9 : vector<2048x1xf32>
    %div3A = arith.constant 1.000000e+00 : f32
    %div3A_11 = vector.broadcast %div3A : f32 to vector<2048x1xf32>
    %div3A_12 = arith.divf %div3A_11, %max3A_10 : vector<2048x1xf32>
    %slice3A_13 = vector.extract_strided_slice %get3A_6 {offsets = [0, 0, 0], sizes = [1, 2048, 128], strides = [1, 1, 1]} : vector<2x2048x128xf32> to vector<1x2048x128xf32>
    %squeeze3A_14 = vector.shape_cast %slice3A_13 : vector<1x2048x128xf32> to vector<2048x128xf32>
    %slice3A_15 = vector.extract_strided_slice %get3A_6 {offsets = [1, 0, 0], sizes = [1, 2048, 128], strides = [1, 1, 1]} : vector<2x2048x128xf32> to vector<1x2048x128xf32>
    %squeeze3A_16 = vector.shape_cast %slice3A_15 : vector<1x2048x128xf32> to vector<2048x128xf32>
    %add3A_17 = arith.addf %squeeze3A_14, %squeeze3A_16 : vector<2048x128xf32>
    %mul3A = vector.broadcast %div3A_12 : vector<2048x1xf32> to vector<2048x128xf32>
    %mul3A_18 = arith.mulf %add3A_17, %mul3A : vector<2048x128xf32>
    %get3A_19 = arith.constant 0 : index
    %get3A_20 = arith.constant 0 : index
    %get3A_21 = vector.load %arg4[%get3A_19, %get3A_20] : memref<128x128xf32, #tpu.memory_space<vmem>>, vector<128x128xf32>
    %dot_general3A = arith.constant dense<0.000000e+00> : vector<2048x128xf32>
    %dot_general3A_22 = tpu.matmul %mul3A_18, %get3A_21, %dot_general3A {dimension_numbers = #tpu.dot_dimension_numbers<[1], [1], [0], [0], [0, 0, 1, 0], [], []>, precision = #tpu.contract_precision<fp32>, transpose_lhs_hint = false} : vector<2048x128xf32>, vector<128x128xf32>, vector<2048x128xf32> -> vector<2048x128xf32>
    %get3A_23 = arith.constant 0 : index
    %get3A_24 = arith.constant 0 : index
    %get3A_25 = vector.load %arg3[%get3A_23, %get3A_24] : memref<2048x128xf32, #tpu.memory_space<vmem>>, vector<2048x128xf32>
    %get3A_26 = arith.constant 0 : index
    %get3A_27 = arith.constant 0 : index
    %get3A_28 = vector.load %arg6[%get3A_26, %get3A_27] : memref<128x128xf32, #tpu.memory_space<vmem>>, vector<128x128xf32>
    %dot_general3A_29 = arith.constant dense<0.000000e+00> : vector<2048x128xf32>
    %dot_general3A_30 = tpu.matmul %get3A_25, %get3A_28, %dot_general3A_29 {dimension_numbers = #tpu.dot_dimension_numbers<[1], [1], [0], [0], [0, 0, 1, 0], [], []>, precision = #tpu.contract_precision<fp32>, transpose_lhs_hint = false} : vector<2048x128xf32>, vector<128x128xf32>, vector<2048x128xf32> -> vector<2048x128xf32>
    %add3A_31 = arith.addf %dot_general3A_22, %dot_general3A_30 : vector<2048x128xf32>
    %get3A_32 = arith.constant 0 : index
    %get3A_33 = arith.constant 0 : index
    %get3A_34 = vector.load %arg5[%get3A_32, %get3A_33] : memref<1x128xf32, #tpu.memory_space<vmem>>, vector<1x128xf32>
    %add3A_35 = vector.broadcast %get3A_34 : vector<1x128xf32> to vector<2048x128xf32>
    %add3A_36 = arith.addf %add3A_31, %add3A_35 : vector<2048x128xf32>
    %get3A_37 = arith.constant 0 : index
    %get3A_38 = arith.constant 0 : index
    %get3A_39 = vector.load %arg7[%get3A_37, %get3A_38] : memref<1x128xf32, #tpu.memory_space<vmem>>, vector<1x128xf32>
    %mul3A_40 = vector.broadcast %get3A_39 : vector<1x128xf32> to vector<2048x128xf32>
    %mul3A_41 = arith.mulf %add3A_36, %mul3A_40 : vector<2048x128xf32>
    %get3A_42 = arith.constant 0 : index
    %get3A_43 = arith.constant 0 : index
    %get3A_44 = vector.load %arg8[%get3A_42, %get3A_43] : memref<1x128xf32, #tpu.memory_space<vmem>>, vector<1x128xf32>
    %add3A_45 = vector.broadcast %get3A_44 : vector<1x128xf32> to vector<2048x128xf32>
    %add3A_46 = arith.addf %mul3A_41, %add3A_45 : vector<2048x128xf32>
    %max3A_47 = arith.constant 0.000000e+00 : f32
    %max3A_48 = vector.broadcast %max3A_47 : f32 to vector<2048x128xf32>
    %max3A_49 = arith.maximumf %add3A_46, %max3A_48 : vector<2048x128xf32>
    %get3A_50 = arith.constant 0 : index
    %get3A_51 = arith.constant 0 : index
    %get3A_52 = vector.load %arg9[%get3A_50, %get3A_51] : memref<128x128xf32, #tpu.memory_space<vmem>>, vector<128x128xf32>
    %dot_general3A_53 = arith.constant dense<0.000000e+00> : vector<2048x128xf32>
    %dot_general3A_54 = tpu.matmul %max3A_49, %get3A_52, %dot_general3A_53 {dimension_numbers = #tpu.dot_dimension_numbers<[1], [1], [0], [0], [0, 0, 1, 0], [], []>, precision = #tpu.contract_precision<fp32>, transpose_lhs_hint = false} : vector<2048x128xf32>, vector<128x128xf32>, vector<2048x128xf32> -> vector<2048x128xf32>
    %get3A_55 = arith.constant 0 : index
    %get3A_56 = arith.constant 0 : index
    %get3A_57 = vector.load %arg10[%get3A_55, %get3A_56] : memref<1x128xf32, #tpu.memory_space<vmem>>, vector<1x128xf32>
    %add3A_58 = vector.broadcast %get3A_57 : vector<1x128xf32> to vector<2048x128xf32>
    %add3A_59 = arith.addf %dot_general3A_54, %add3A_58 : vector<2048x128xf32>
    %max3A_60 = arith.constant 0.000000e+00 : f32
    %max3A_61 = vector.broadcast %max3A_60 : f32 to vector<2048x128xf32>
    %max3A_62 = arith.maximumf %add3A_59, %max3A_61 : vector<2048x128xf32>
    %get3A_63 = arith.constant 0 : index
    %get3A_64 = arith.constant 0 : index
    %get3A_65 = vector.load %arg11[%get3A_63, %get3A_64] : memref<64x128xf32, #tpu.memory_space<vmem>>, vector<64x128xf32>
    %dot_general3A_66 = arith.constant dense<0.000000e+00> : vector<2048x64xf32>
    %dot_general3A_67 = tpu.matmul %max3A_62, %get3A_65, %dot_general3A_66 {dimension_numbers = #tpu.dot_dimension_numbers<[1], [1], [0], [0], [0, 0, 1, 0], [], []>, precision = #tpu.contract_precision<fp32>, transpose_lhs_hint = false} : vector<2048x128xf32>, vector<64x128xf32>, vector<2048x64xf32> -> vector<2048x64xf32>
    %get3A_68 = arith.constant 0 : index
    %get3A_69 = arith.constant 0 : index
    %get3A_70 = vector.load %arg12[%get3A_68, %get3A_69] : memref<1x64xf32, #tpu.memory_space<vmem>>, vector<1x64xf32>
    %add3A_71 = vector.broadcast %get3A_70 : vector<1x64xf32> to vector<2048x64xf32>
    %add3A_72 = arith.addf %dot_general3A_67, %add3A_71 : vector<2048x64xf32>
    %max3A_73 = arith.constant 0.000000e+00 : f32
    %max3A_74 = vector.broadcast %max3A_73 : f32 to vector<2048x64xf32>
    %max3A_75 = arith.maximumf %add3A_72, %max3A_74 : vector<2048x64xf32>
    %get3A_76 = arith.constant 0 : index
    %get3A_77 = arith.constant 0 : index
    %get3A_78 = vector.load %arg13[%get3A_76, %get3A_77] : memref<128x64xf32, #tpu.memory_space<vmem>>, vector<128x64xf32>
    %dot_general3A_79 = arith.constant dense<0.000000e+00> : vector<2048x128xf32>
    %dot_general3A_80 = tpu.matmul %max3A_75, %get3A_78, %dot_general3A_79 {dimension_numbers = #tpu.dot_dimension_numbers<[1], [1], [0], [0], [0, 0, 1, 0], [], []>, precision = #tpu.contract_precision<fp32>, transpose_lhs_hint = false} : vector<2048x64xf32>, vector<128x64xf32>, vector<2048x128xf32> -> vector<2048x128xf32>
    %get3A_81 = arith.constant 0 : index
    %get3A_82 = arith.constant 0 : index
    %get3A_83 = vector.load %arg14[%get3A_81, %get3A_82] : memref<1x128xf32, #tpu.memory_space<vmem>>, vector<1x128xf32>
    %add3A_84 = vector.broadcast %get3A_83 : vector<1x128xf32> to vector<2048x128xf32>
    %add3A_85 = arith.addf %dot_general3A_80, %add3A_84 : vector<2048x128xf32>
    %logistic3A = arith.negf %add3A_85 : vector<2048x128xf32>
    %logistic3A_86 = math.exp %logistic3A : vector<2048x128xf32>
    %logistic3A_87 = arith.constant 1.000000e+00 : f32
    %logistic3A_88 = vector.broadcast %logistic3A_87 : f32 to vector<2048x128xf32>
    %logistic3A_89 = arith.addf %logistic3A_88, %logistic3A_86 : vector<2048x128xf32>
    %logistic3A_90 = arith.divf %logistic3A_88, %logistic3A_89 : vector<2048x128xf32>
    %slice3A_91 = vector.extract_strided_slice %logistic3A_90 {offsets = [0, 0], sizes = [2048, 1], strides = [1, 1]} : vector<2048x128xf32> to vector<2048x1xf32>
    %swap3A = arith.constant 0 : index
    %swap3A_92 = arith.constant 0 : index
    %swap3A_93 = vector.load %arg15[%swap3A, %swap3A_92] : memref<2048x1xf32, #tpu.memory_space<vmem>>, vector<2048x1xf32>
    tpu.vector_store %arg15[%swap3A, %swap3A_92], %slice3A_91 {strides = array<i32>} : memref<2048x1xf32, #tpu.memory_space<vmem>>, vector<2048x1xf32>,
    return
  }
  func.func @transform_0(%arg0: i32) -> (i32, i32, i32) {
    %c0_i32 = arith.constant 0 : i32
    %c0_i32_0 = arith.constant 0 : i32
    %c0_i32_1 = arith.constant 0 : i32
    return %c0_i32, %arg0, %c0_i32_0 : i32, i32, i32
  }
  func.func @transform_1(%arg0: i32) -> (i32, i32, i32) {
    %c0_i32 = arith.constant 0 : i32
    %c0_i32_0 = arith.constant 0 : i32
    %c0_i32_1 = arith.constant 0 : i32
    return %c0_i32, %arg0, %c0_i32_0 : i32, i32, i32
  }
  func.func @transform_2(%arg0: i32) -> (i32, i32) {
    %c0_i32 = arith.constant 0 : i32
    %c0_i32_0 = arith.constant 0 : i32
    return %arg0, %c0_i32 : i32, i32
  }
  func.func @transform_3(%arg0: i32) -> (i32, i32) {
    %c0_i32 = arith.constant 0 : i32
    %c0_i32_0 = arith.constant 0 : i32
    %c0_i32_1 = arith.constant 0 : i32
    return %c0_i32, %c0_i32_0 : i32, i32
  }
  func.func @transform_4(%arg0: i32) -> (i32, i32) {
    %c0_i32 = arith.constant 0 : i32
    %c0_i32_0 = arith.constant 0 : i32
    %c0_i32_1 = arith.constant 0 : i32
    return %c0_i32, %c0_i32_0 : i32, i32
  }
  func.func @transform_5(%arg0: i32) -> (i32, i32) {
    %c0_i32 = arith.constant 0 : i32
    %c0_i32_0 = arith.constant 0 : i32
    %c0_i32_1 = arith.constant 0 : i32
    return %c0_i32, %c0_i32_0 : i32, i32
  }
  func.func @transform_6(%arg0: i32) -> (i32, i32) {
    %c0_i32 = arith.constant 0 : i32
    %c0_i32_0 = arith.constant 0 : i32
    %c0_i32_1 = arith.constant 0 : i32
    return %c0_i32, %c0_i32_0 : i32, i32
  }
  func.func @transform_7(%arg0: i32) -> (i32, i32) {
    %c0_i32 = arith.constant 0 : i32
    %c0_i32_0 = arith.constant 0 : i32
    %c0_i32_1 = arith.constant 0 : i32
    return %c0_i32, %c0_i32_0 : i32, i32
  }
  func.func @transform_8(%arg0: i32) -> (i32, i32) {
    %c0_i32 = arith.constant 0 : i32
    %c0_i32_0 = arith.constant 0 : i32
    %c0_i32_1 = arith.constant 0 : i32
    return %c0_i32, %c0_i32_0 : i32, i32
  }
  func.func @transform_9(%arg0: i32) -> (i32, i32) {
    %c0_i32 = arith.constant 0 : i32
    %c0_i32_0 = arith.constant 0 : i32
    %c0_i32_1 = arith.constant 0 : i32
    return %c0_i32, %c0_i32_0 : i32, i32
  }
  func.func @transform_10(%arg0: i32) -> (i32, i32) {
    %c0_i32 = arith.constant 0 : i32
    %c0_i32_0 = arith.constant 0 : i32
    %c0_i32_1 = arith.constant 0 : i32
    return %c0_i32, %c0_i32_0 : i32, i32
  }
  func.func @transform_11(%arg0: i32) -> (i32, i32) {
    %c0_i32 = arith.constant 0 : i32
    %c0_i32_0 = arith.constant 0 : i32
    %c0_i32_1 = arith.constant 0 : i32
    return %c0_i32, %c0_i32_0 : i32, i32
  }
  func.func @transform_12(%arg0: i32) -> (i32, i32) {
    %c0_i32 = arith.constant 0 : i32
    %c0_i32_0 = arith.constant 0 : i32
    %c0_i32_1 = arith.constant 0 : i32
    return %c0_i32, %c0_i32_0 : i32, i32
  }
  func.func @transform_13(%arg0: i32) -> (i32, i32) {
    %c0_i32 = arith.constant 0 : i32
    %c0_i32_0 = arith.constant 0 : i32
    %c0_i32_1 = arith.constant 0 : i32
    return %c0_i32, %c0_i32_0 : i32, i32
  }
  func.func @transform_14(%arg0: i32) -> (i32, i32) {
    %c0_i32 = arith.constant 0 : i32
    %c0_i32_0 = arith.constant 0 : i32
    return %arg0, %c0_i32 : i32, i32
  }
}

</mosaic_0001>

<sc_bundles>
// kernel: kernel.11.cloned.1.call-start
scs
__scs_entry_jumppad:
0x0: {  	(pc) =	sbr.rel $0x88, $3  }
0x1: {  	(tag) =	ssettag $0x0;
	lr =	simm.s32 $0x1  }
0x2: {  	[smem:$0x3F8A] =	sst lr;
	_ =	strace $0xD0000000  }
0x3: {  	_ = 	snop  }
0x4: {  	_ = 	snop  }
0x5: {  	_ = 	snop  }
0x6: {  	_ = 	snop  }
0x7: {  	_ = 	snop  }
__scs_overlays_trampoline_lowered:
0x8: {  	[smem:$0x3F99] =	sst s0  }
0x9: {  	[smem:$0x3F9A] =	sst s1  }
0xa: {  	[smem:$0x3F9B] =	sst s2  }
0xb: {  	[smem:$0x3F9C] =	sst s3  }
0xc: {  	[smem:$0x3F9D] =	sst s4  }
0xd: {  	[smem:$0x3F9E] =	sst s5  }
0xe: {  	[smem:$0x3F9F] =	sst s6  }
0xf: {  	[smem:$0x3FA0] =	sst s7  }
0x10: {  	[smem:$0x3FA1] =	sst s8  }
0x11: {  	[smem:$0x3FA2] =	sst s9;
	s0 =	simm.s32 @!p0 $0x0  }
0x12: {  	s1 =	sld [smem:$0x3F88];
	s0 =	simm.s32 @p0 $0x1  }
0x13: {  	[smem:$0x3FA3] =	sst s0;
	s0 =	simm.s32 @!p1 $0x0  }
0x14: {  	s2 =	sld [smem:$0x3F87];
	s0 =	simm.s32 @p1 $0x1  }
0x15: {  	[smem:$0x3FA4] =	sst s0;
	s0 =	simm.s32 @!p2 $0x0  }
0x16: {  	s3 =	sld [smem:$0x3FDB];
	s0 =	simm.s32 @p2 $0x1  }
0x17: {  	s4 =	simm.s32 $0x1BF5;
	[smem:$0x3FA6] =	sst s0  }
0x18: {  	s0 =	sld [smem:$0x3F89];
	_ =	swait.ge [sflag:s4], $0x0  }
0x19: {  	s7 =	sld [smem:$0x3F8A]  }
0x1a: {  	s8 =	sadd.s32 $0xFFFFE003, lr  }
0x1b: {  	s9 =	sadd.s32 $0xFFFFFEF7, lr;
	s5 =	simm.s32 $0xFFFFFFFF;
	p2 =	slt.u32 s8, $0xFFFFF086  }
0x1c: {  	p1 =	slt.u32 s9, $0xF7A;
	s5 =	simm.s32 @!p2 $0x0  }
0x1d: {  	s5 =	simm.s32 @p1 $0x1;
	p0 =	seq.s32 s7, s2  }
0x1e: {  	s7 =	smul.u32 @!p0 $0xF7A, s2;
	p2 =	seq.s32 @!p0 s5, $0x0  }
0x1f: {  	s9 =	smul.u32 $0xF7A, s1;
	s8 =	simm.s32 @!p0 $0x1BF5;
	p2 =	por !p2, p0  }
0x20: {  	[sflag:s8] =	ssyncset.s32 @!p0 $0xFFFFF086;
	s6 =	sadd.s32 @!p0 s3, s7;
	s7 =	simm.s32 @!p0 $0x108  }
0x21: {  	s3 =	sadd.s32 s3, s9;
	s6 =	sadd.s32 @!p0 $0x88, s6;
	s7 =	simm.s32 @p2 $0x1082  }
0x22: {  	[simem:s7], [sflag:s8] =	dma.local @!p0 [hbm:s6], $0xF7A  }
0x23: {  	s9 =	sor.u32 $0xD0000000, s2;
	s6 =	simm.s32 $0x108;
	_ =	swait.ge @!p0 [sflag:s8], $0x0  }
0x24: {  	s3 =	sadd.s32 $0x88, s3;
	s6 =	simm.s32 @!p1 $0x1082;
	[sflag:s4] =	ssyncset.s32 $0xFFFFF086  }
0x25: {  	[simem:s6], [sflag:s4] =	dma.local [hbm:s3], $0xF7A  }
0x26: {  	[smem:$0x3F8A] =	sst s1;
	(tag) =	ssettag s2;
	_ =	strace s9  }
0x27: {  	s1 =	sld [smem:$0x3F9A]  }
0x28: {  	s2 =	sld [smem:$0x3F9B]  }
0x29: {  	s4 =	sld [smem:$0x3F9D]  }
0x2a: {  	p0 =	seq.s32 s5, $0x0;
	s5 =	sld [smem:$0x3F9E]  }
0x2b: {  	s6 =	sld [smem:$0x3F9F]  }
0x2c: {  	s7 =	sld [smem:$0x3FA0]  }
0x2d: {  	s3 =	simm.s32 $0x108;
	s8 =	sld [smem:$0x3FA1]  }
0x2e: {  	s3 =	simm.s32 @!p0 $0x1082;
	s9 =	sld [smem:$0x3FA2]  }
0x2f: {  	lr =	sadd.s32 s0, s3;
	s0 =	sld [smem:$0x3F99]  }
0x30: {  	s3 =	sld [smem:$0x3F9C]  }
0x31: {  	[smem:$0x3FA5] =	sst s10  }
0x32: {  	s10 =	sld [smem:$0x3FA3];
	_ =	sdelay $0x3  }
0x33: {  	p0 =	seq.s32 s10, $0x1;
	s10 =	sld [smem:$0x3FA5];
	_ =	sdelay $0x3  }
0x34: {  	[smem:$0x3FA5] =	sst s10  }
0x35: {  	s10 =	sld [smem:$0x3FA4];
	_ =	sdelay $0x3  }
0x36: {  	p1 =	seq.s32 s10, $0x1;
	s10 =	sld [smem:$0x3FA5];
	_ =	sdelay $0x3  }
0x37: {  	[smem:$0x3FA5] =	sst s10  }
0x38: {  	s10 =	sld [smem:$0x3FA6]  }
0x39: {  	_ = 	snop;
	(pc) =	sbr.ind lr, $3  }
0x3a: {  	_ = 	snop  }
0x3b: {  	_ = 	snop  }
0x3c: {  	p2 =	seq.s32 s10, $0x1;
	s10 =	sld [smem:$0x3FA5]  }
0x3d: {  	_ =	shalt  }
0x3e: {  	_ =	shalt  }
0x3f: {  	_ =	shalt  }
0x40: {  	_ =	shalt  }
0x41: {  	_ =	shalt  }
0x42: {  	_ =	shalt  }
0x43: {  	_ =	shalt  }
0x44: {  	_ =	shalt  }
0x45: {  	_ =	shalt  }
0x46: {  	_ =	shalt  }
0x47: {  	_ =	shalt  }
0x48: {  	_ =	shalt  }
0x49: {  	_ =	shalt  }
0x4a: {  	_ =	shalt  }
0x4b: {  	_ =	shalt  }
0x4c: {  	_ =	shalt  }
0x4d: {  	_ =	shalt  }
0x4e: {  	_ =	shalt  }
0x4f: {  	_ =	shalt  }
0x50: {  	_ =	shalt  }
0x51: {  	_ =	shalt  }
0x52: {  	_ =	shalt  }
0x53: {  	_ =	shalt  }
0x54: {  	_ =	shalt  }
0x55: {  	_ =	shalt  }
0x56: {  	_ =	shalt  }
0x57: {  	_ =	shalt  }
0x58: {  	_ =	shalt  }
0x59: {  	_ =	shalt  }
0x5a: {  	_ =	shalt  }
0x5b: {  	_ =	shalt  }
0x5c: {  	_ =	shalt  }
0x5d: {  	_ =	shalt  }
0x5e: {  	_ =	shalt  }
0x5f: {  	_ =	shalt  }
0x60: {  	_ =	shalt  }
0x61: {  	_ =	shalt  }
0x62: {  	_ =	shalt  }
0x63: {  	_ =	shalt  }
0x64: {  	_ =	shalt  }
0x65: {  	_ =	shalt  }
0x66: {  	_ =	shalt  }
0x67: {  	_ =	shalt  }
0x68: {  	_ =	shalt  }
0x69: {  	_ =	shalt  }
0x6a: {  	_ =	shalt  }
0x6b: {  	_ =	shalt  }
0x6c: {  	_ =	shalt  }
0x6d: {  	_ =	shalt  }
0x6e: {  	_ =	shalt  }
0x6f: {  	_ =	shalt  }
0x70: {  	_ =	shalt  }
0x71: {  	_ =	shalt  }
0x72: {  	_ =	shalt  }
0x73: {  	_ =	shalt  }
0x74: {  	_ =	shalt  }
0x75: {  	_ =	shalt  }
0x76: {  	_ =	shalt  }
0x77: {  	_ =	shalt  }
0x78: {  	_ =	shalt  }
0x79: {  	_ =	shalt  }
0x7a: {  	_ =	shalt  }
0x7b: {  	_ =	shalt  }
0x7c: {  	_ =	shalt  }
0x7d: {  	_ =	shalt  }
0x7e: {  	_ =	shalt  }
0x7f: {  	_ =	shalt  }
0x80: {  	_ =	shalt  }
0x81: {  	_ =	shalt  }
0x82: {  	_ =	shalt  }
0x83: {  	_ =	shalt  }
0x84: {  	_ =	shalt  }
0x85: {  	_ =	shalt  }
0x86: {  	_ =	shalt  }
0x87: {  	_ =	shalt  }
.Lfunc_end0:
.L_simem_size_0:
called_computation.1_lowered:
.L_overlay_start_0:
0x88: {  	s2 =	sld [smem:$0x3FD9]  }
0x89: {  	s3 =	sld [smem:$0x3FFE];
	_ =	sdelay $0x1  }
0x8a: {  	s1 =	srdreg.scid  }
0x8b: {  	s0 =	sand.u32 $0x1, s1  }
0x8c: {  	s16 =	sshll.u32 s0, $0xA;
	s2 =	sadd.s32 s3, s2  }
0x8d: {  	s2 =	sadd.s32 s2, s16  }
0x8e: {  	[smem:$0x3FB1] =	sst s2  }
0x8f: {  	_ = 	snop  }
0x90: {  	(tm) =	ssettm $0x1  }
0x91: {  	s17 =	sld [smem:$0x3FFB];
	_ =	sdelay $0x3  }
0x92: {  	_ =	strace s17  }
0x93: {  	s2 =	sld [smem:$0x3FFC];
	_ =	sdelay $0x3  }
0x94: {  	_ =	strace s2  }
0x95: {  	s2 =	sld [smem:$0x3FFD];
	_ =	sdelay $0x3  }
0x96: {  	_ =	strace s2  }
0x97: {  	_ =	strace $0x8FFFFFFF  }
0x98: {  	s18 =	sld [smem:$0x3FDB];
	_ =	sdelay $0x1  }
0x99: {  	s19 =	simm.s32 $_scs_section_size  }
0x9a: {  	s4 =	simm.s32 $_size__tile_overlayer_lowered;
	s5 =	simm.s32 $_tile_overlayer_lowered  }
0x9b: {  	s22 =	simm.s32 $0x1BFF;
	s21 =	sshll.u32 s5, $0x1;
	s2 =	sadd.s32 s19, s18  }
0x9c: {  	s6 =	simm.s32 $0x0;
	s20 =	sshll.u32 s4, $0x1;
	s4 =	sadd.s32 s21, s2  }
0x9d: {  	[timem:s6], [sflag:s22] =	dma.local [hbm:s4], s20  }
0x9e: {  	_ =	swait.ge [sflag:s22], s20  }
0x9f: {  	s3 =	ssub.s32 $0x0, s20;
	[sflag:s22] =	ssyncset.done $0x0  }
0xa0: {  	[sflag:s22] =	ssyncadd.s32 s3;
	_ =	sdelay $0x1  }
0xa1: {  	s23 =	simm.s32 $0x1B8B  }
0xa2: {  	_ =	swait.ge [sflag:s23], $0x1  }
0xa3: {  	[sflag:s23] =	ssyncset.done $0x0  }
0xa4: {  	s25 =	simm.s32 $0x1B8E;
	s24 =	sld [smem:$0x3FFE];
	[sflag:s23] =	ssyncadd.s32 $0xFFFFFFFF  }
0xa5: {  	s26 =	simm.s32 $execute0_lowered;
	[smem:$0x3FD2] =	sst s25  }
0xa6: {  	s4 =	sshll.u32 s26, $0x1;
	_ =	strace $0x8000004C;
	[dreg:$0x1] =	wrdreg $0xFFFFFFFF  }
0xa7: {  	s28 =	simm.s32 $_size_execute0_lowered;
	s2 =	sadd.s32 s2, s4;
	[dreg:$0x0] =	wrdreg $0x0  }
0xa8: {  	s4 =	sshll.u32 s28, $0x1;
	[dreg:$0x2] =	wrdreg s2  }
0xa9: {  	[dreg:$0x3] =	wrdreg s4  }
0xaa: {  	[dreg:$0x4] =	wrdreg $0xC0  }
0xab: {  	_ =	task [dreg:s6], $0x5FFFF  }
0xac: {  	[dreg:$0x1] =	wrdreg $0xFFFFFFFF  }
0xad: {  	[dreg:$0x0] =	wrdreg $0x60  }
0xae: {  	[dreg:$0x2] =	wrdreg s24  }
0xaf: {  	[dreg:$0x3] =	wrdreg $0x0  }
0xb0: {  	[dreg:$0x4] =	wrdreg $0x9  }
0xb1: {  	_ =	task.clear_ibuf [dreg:s6], $0x5FFFF;
	_ =	strace $0x9000004C  }
0xb2: {  	s29 =	simm.s32 $0x9;
	_ =	strace $0x80000051  }
0xb3: {  	_ =	swait.ge [sflag:s29], $0x1  }
0xb4: {  	[sflag:s29] =	ssyncadd.s32 $0xFFFFFFFF  }
0xb5: {  	_ =	strace $0x90000051  }
0xb6: {  	_ =	sfence  }
0xb7: {  	s30 =	sld [smem:$0x0];
	_ =	sdelay $0x2  }
0xb8: {  	s31 =	sshll.u32 s1, $0xD;
	s1 =	sshrl.u32 s1, $0x2  }
0xb9: {  	s3 =	sand.u32 $0x4000, s31;
	s1 =	sadd.s32 s1, s30  }
0xba: {  	s0 =	sor.u32 s3, s0;
	s1 =	sshll.u32 s1, $0x11  }
0xbb: {  	s0 =	sor.u32 s1, s0  }
0xbc: {  	s0 =	sadd.s32 $0x8F2B, s0  }
0xbd: {  	[sflag:s0] =	ssyncadd.remote.s32 $0x1  }
0xbe: {  	_ =	sfence.sel $0xFFFF  }
0xbf: {  	[dreg:$0x0] =	wrdreg $0xFFFFFFFF;
	(pc) =	sbr.abs _section_cstart, $3  }
0xc0: {  	[dreg:$0x1] =	wrdreg $0xFFFFFFFF  }
0xc1: {  	_ =	task.clear_ibuf [dreg:s6], $0x2FFFF;
	_ =	strace $0x9FFFFFFF  }
0xc2: {  	(tm) =	ssettm $0x7FFFFFFF  }
0xc3: {  	_ =	shalt  }
tec
execute0_lowered:
.L_overlay_start_1:
0x0: {  	(tag) =	ssettag $0x1  }
0x1: {  	s2 =	srdreg.scid  }
0x2: {  	s0 =	rddreg [dreg:$0x0];
	s7 =	stileid.u32;
	s2 =	sand.u32 $0x1, s2  }
0x3: {  	s1 =	rddreg [dreg:$0x1];
	s6 =	smul.u32 $0x14000, s7;
	s3 =	sshll.u32 s2, $0x4  }
0x4: {  	s20 =	ssub.s32 $0x2, s2;
	s3 =	sor.u32 s7, s3;
	s7 =	smul.u32 $0x50000, s7  }
0x5: {  	s4 =	simm.s32 $0x0;
	s5 =	smul.u32 $0x140000, s2;
	s8 =	sshrl.u32 s20, $0x1  }
0x6: {  	[smem:$0x7FF] =	sst s4;
	s8 =	ssub.s32 s20, s8;
	s21 =	sshrl.u32 s7, $0x2  }
0x7: {  	s5 =	sadd.s32 s6, s5;
	s19 =	smax.u32 s8, $0x1;
	s6 =	sadd.s32 s21, s1  }
0x8: {  	_ =	strace $0x8000004D;
	[dreg:$0x15] =	wrdreg s19;
	s22 =	sadd.s32 $0x800, s6  }
0x9: {  	s23 =	sadd.s32 $0x1000, s6;
	[dreg:$0x3] =	wrdreg s22  }
0xa: {  	s24 =	sadd.s32 $0x1800, s6;
	[dreg:$0x4] =	wrdreg s23  }
0xb: {  	s25 =	sadd.s32 $0x2000, s6;
	[dreg:$0x5] =	wrdreg s24  }
0xc: {  	s26 =	sadd.s32 $0x2800, s6;
	[dreg:$0x6] =	wrdreg s25  }
0xd: {  	s31 =	sadd.s32 $0x3000, s6;
	[dreg:$0x7] =	wrdreg s26  }
0xe: {  	s7 =	sadd.s32 $0x3800, s6;
	[dreg:$0x8] =	wrdreg s31  }
0xf: {  	s9 =	sadd.s32 $0x4000, s6;
	[dreg:$0x9] =	wrdreg s7  }
0x10: {  	s10 =	sadd.s32 $0x4800, s6;
	[dreg:$0xa] =	wrdreg s9  }
0x11: {  	s28 =	simm.s32 $0x1A800;
	s11 =	sadd.s32 $0x5000, s6;
	[dreg:$0xb] =	wrdreg s10  }
0x12: {  	s29 =	simm.s32 $0x1;
	s12 =	sadd.s32 $0x5800, s6;
	[dreg:$0xc] =	wrdreg s11  }
0x13: {  	s30 =	simm.s32 $0x0;
	s13 =	sadd.s32 $0x6000, s6;
	[dreg:$0xd] =	wrdreg s12  }
0x14: {  	s3 =	smul.u32 $0x680, s3;
	s14 =	sadd.s32 $0x6800, s6;
	[dreg:$0xe] =	wrdreg s13  }
0x15: {  	s4 =	sadd.s32 $0x1E600, s0;
	s15 =	sadd.s32 $0x7000, s6;
	[dreg:$0xf] =	wrdreg s14  }
0x16: {  	s3 =	sadd.s32 s3, s0;
	s16 =	sadd.s32 $0x7800, s6;
	[dreg:$0x10] =	wrdreg s15  }
0x17: {  	s5 =	sshrl.u32 s5, $0x3;
	s17 =	sadd.s32 $0x4600, s3;
	[dreg:$0x11] =	wrdreg s16  }
0x18: {  	s0 =	sadd.s32 s5, s0;
	s18 =	sadd.s32 $0x11600, s3;
	[dreg:$0x12] =	wrdreg s17  }
0x19: {  	p0 =	seq.s32 s2, $0x0;
	s0 =	sadd.s32 $0x46600, s0;
	[dreg:$0x13] =	wrdreg s18  }
0x1a: {  	s5 =	simm.s32 $0x35;
	s20 =	sadd.s32 $0x8000, s6;
	[dreg:$0x14] =	wrdreg s0  }
0x1b: {  	s5 =	simm.s32 @!p0 $0x68;
	s21 =	sadd.s32 $0x8800, s6;
	[dreg:$0x16] =	wrdreg s20  }
0x1c: {  	s8 =	sadd.s32 $0xC800, s6;
	s19 =	sadd.s32 $0x12000, s6;
	[dreg:$0x17] =	wrdreg s21  }
0x1d: {  	s22 =	sadd.s32 $0x9000, s6;
	s23 =	sadd.s32 $0x9800, s6;
	s24 =	sadd.s32 $0xA000, s6  }
0x1e: {  	s25 =	sadd.s32 $0xA800, s6;
	s26 =	sadd.s32 $0xB000, s6;
	s31 =	sadd.s32 $0xB800, s6  }
0x1f: {  	s7 =	sadd.s32 $0xC000, s6;
	s9 =	sadd.s32 $0xD000, s6;
	s10 =	sadd.s32 $0xD800, s6  }
0x20: {  	s11 =	sadd.s32 $0xE000, s6;
	s12 =	sadd.s32 $0xE800, s6;
	[dreg:$0x18] =	wrdreg s22  }
0x21: {  	s13 =	sadd.s32 $0xF000, s6;
	s14 =	sadd.s32 $0xF800, s6;
	[dreg:$0x19] =	wrdreg s23  }
0x22: {  	s15 =	sadd.s32 $0x10000, s6;
	s16 =	sadd.s32 $0x10800, s6;
	[dreg:$0x1a] =	wrdreg s24  }
0x23: {  	s17 =	sadd.s32 $0x11000, s6;
	s18 =	sadd.s32 $0x11800, s6;
	[dreg:$0x1b] =	wrdreg s25  }
0x24: {  	s20 =	sadd.s32 $0x12800, s6;
	s21 =	sadd.s32 $0x13000, s6;
	[dreg:$0x1c] =	wrdreg s26  }
0x25: {  	[dreg:$0x1d] =	wrdreg s31;
	s22 =	sadd.s32 $0x13800, s6;
	s23 =	simm.s32 $0x1E800  }
0x26: {  	v0 =	vimm.f32 $0.0e+00;
	s24 =	simm.s32 $0x2;
	s25 =	simm.s32 $0x14000;
	s26 =	simm.s32 $0x80  }
.LBB2_1:
0x27: {  	_ =	strace $0x8000004E;
	s0 =	simm.s32 $0x0;
	s2 =	simm.s32 $0x200  }
.LBB2_2:
0x28: {  	p0 =	sne.s32 s2, $0x1E00;
	[tilespmem:s0+$0x1E870] =	vst v0  }
0x29: {  	[tilespmem:s0+$0x1E800] =	vst v0  }
0x2a: {  	[tilespmem:s0+$0x1E810] =	vst v0  }
.Ltmp0:
0x2b: {  	[tilespmem:s0+$0x1E820] =	vst v0;
	(pc) =	sbr.rel @p0 .LBB2_2-.Ltmp0, $4  }
0x2c: {  	[tilespmem:s0+$0x1E830] =	vst v0  }
0x2d: {  	[tilespmem:s0+$0x1E840] =	vst v0  }
0x2e: {  	[tilespmem:s0+$0x1E850] =	vst v0  }
0x2f: {  	[tilespmem:s0+$0x1E860] =	vst v0;
	s0 =	sshra.s32 s2, $0x2;
	s2 =	sadd.s32 $0x200, s2  }
0x30: {  	[tilespmem:s0+$0x1E870] =	vst v0  }
0x31: {  	[tilespmem:s0+$0x1E800] =	vst v0  }
0x32: {  	[tilespmem:s0+$0x1E810] =	vst v0  }
0x33: {  	[tilespmem:s0+$0x1E820] =	vst v0  }
0x34: {  	[tilespmem:s0+$0x1E830] =	vst v0  }
0x35: {  	[tilespmem:s0+$0x1E840] =	vst v0  }
0x36: {  	[tilespmem:s0+$0x1E850] =	vst v0  }
0x37: {  	[tilespmem:s0+$0x1E860] =	vst v0  }
0x38: {  	[spmem:s6] =	stream.linear.scatter [tilespmem:s23], [sflag:$0x2], $0x800, $0x200038;
	[tilespmem:$0x1F000] =	vst v63  }
0x39: {  	_ =	swait.ge [sflag:s24], $0x800  }
0x3a: {  	[sflag:s24] =	ssyncset.done $0x0  }
0x3b: {  	s2 =	rddreg [dreg:$0x3];
	[sflag:s24] =	ssyncadd.s32 $0xFFFFF800  }
0x3c: {  	[spmem:s2] =	stream.linear.scatter [tilespmem:s23], [sflag:$0x2], $0x800, $0x200038;
	[tilespmem:$0x1F000] =	vst v63  }
0x3d: {  	_ =	swait.ge [sflag:s24], $0x800  }
0x3e: {  	[sflag:s24] =	ssyncset.done $0x0  }
0x3f: {  	s3 =	rddreg [dreg:$0x4];
	[sflag:s24] =	ssyncadd.s32 $0xFFFFF800  }
0x40: {  	[spmem:s3] =	stream.linear.scatter [tilespmem:s23], [sflag:$0x2], $0x800, $0x200038;
	[tilespmem:$0x1F000] =	vst v63  }
0x41: {  	_ =	swait.ge [sflag:s24], $0x800  }
0x42: {  	[sflag:s24] =	ssyncset.done $0x0  }
0x43: {  	s2 =	rddreg [dreg:$0x5];
	[sflag:s24] =	ssyncadd.s32 $0xFFFFF800  }
0x44: {  	[spmem:s2] =	stream.linear.scatter [tilespmem:s23], [sflag:$0x2], $0x800, $0x200038;
	[tilespmem:$0x1F000] =	vst v63  }
0x45: {  	_ =	swait.ge [sflag:s24], $0x800  }
0x46: {  	[sflag:s24] =	ssyncset.done $0x0  }
0x47: {  	s3 =	rddreg [dreg:$0x6];
	[sflag:s24] =	ssyncadd.s32 $0xFFFFF800  }
0x48: {  	[spmem:s3] =	stream.linear.scatter [tilespmem:s23], [sflag:$0x2], $0x800, $0x200038;
	[tilespmem:$0x1F000] =	vst v63  }
0x49: {  	_ =	swait.ge [sflag:s24], $0x800  }
0x4a: {  	[sflag:s24] =	ssyncset.done $0x0  }
0x4b: {  	s2 =	rddreg [dreg:$0x7];
	[sflag:s24] =	ssyncadd.s32 $0xFFFFF800  }
0x4c: {  	[spmem:s2] =	stream.linear.scatter [tilespmem:s23], [sflag:$0x2], $0x800, $0x200038;
	[tilespmem:$0x1F000] =	vst v63  }
0x4d: {  	_ =	swait.ge [sflag:s24], $0x800  }
0x4e: {  	[sflag:s24] =	ssyncset.done $0x0  }
0x4f: {  	s3 =	rddreg [dreg:$0x8];
	[sflag:s24] =	ssyncadd.s32 $0xFFFFF800  }
0x50: {  	[spmem:s3] =	stream.linear.scatter [tilespmem:s23], [sflag:$0x2], $0x800, $0x200038;
	[tilespmem:$0x1F000] =	vst v63  }
0x51: {  	_ =	swait.ge [sflag:s24], $0x800  }
0x52: {  	[sflag:s24] =	ssyncset.done $0x0  }
0x53: {  	s2 =	rddreg [dreg:$0x9];
	[sflag:s24] =	ssyncadd.s32 $0xFFFFF800  }
0x54: {  	[spmem:s2] =	stream.linear.scatter [tilespmem:s23], [sflag:$0x2], $0x800, $0x200038;
	[tilespmem:$0x1F000] =	vst v63  }
0x55: {  	_ =	swait.ge [sflag:s24], $0x800  }
0x56: {  	[sflag:s24] =	ssyncset.done $0x0  }
0x57: {  	s3 =	rddreg [dreg:$0xa];
	[sflag:s24] =	ssyncadd.s32 $0xFFFFF800  }
0x58: {  	[spmem:s3] =	stream.linear.scatter [tilespmem:s23], [sflag:$0x2], $0x800, $0x200038;
	[tilespmem:$0x1F000] =	vst v63  }
0x59: {  	_ =	swait.ge [sflag:s24], $0x800  }
0x5a: {  	[sflag:s24] =	ssyncset.done $0x0  }
0x5b: {  	s2 =	rddreg [dreg:$0xb];
	[sflag:s24] =	ssyncadd.s32 $0xFFFFF800  }
0x5c: {  	[spmem:s2] =	stream.linear.scatter [tilespmem:s23], [sflag:$0x2], $0x800, $0x200038;
	[tilespmem:$0x1F000] =	vst v63  }
0x5d: {  	_ =	swait.ge [sflag:s24], $0x800  }
0x5e: {  	[sflag:s24] =	ssyncset.done $0x0  }
0x5f: {  	s3 =	rddreg [dreg:$0xc];
	[sflag:s24] =	ssyncadd.s32 $0xFFFFF800  }
0x60: {  	[spmem:s3] =	stream.linear.scatter [tilespmem:s23], [sflag:$0x2], $0x800, $0x200038;
	[tilespmem:$0x1F000] =	vst v63  }
0x61: {  	_ =	swait.ge [sflag:s24], $0x800  }
0x62: {  	[sflag:s24] =	ssyncset.done $0x0  }
0x63: {  	s2 =	rddreg [dreg:$0xd];
	[sflag:s24] =	ssyncadd.s32 $0xFFFFF800  }
0x64: {  	[spmem:s2] =	stream.linear.scatter [tilespmem:s23], [sflag:$0x2], $0x800, $0x200038;
	[tilespmem:$0x1F000] =	vst v63  }
0x65: {  	_ =	swait.ge [sflag:s24], $0x800  }
0x66: {  	[sflag:s24] =	ssyncset.done $0x0  }
0x67: {  	s3 =	rddreg [dreg:$0xe];
	[sflag:s24] =	ssyncadd.s32 $0xFFFFF800  }
0x68: {  	[spmem:s3] =	stream.linear.scatter [tilespmem:s23], [sflag:$0x2], $0x800, $0x200038;
	[tilespmem:$0x1F000] =	vst v63  }
0x69: {  	_ =	swait.ge [sflag:s24], $0x800  }
0x6a: {  	[sflag:s24] =	ssyncset.done $0x0  }
0x6b: {  	s2 =	rddreg [dreg:$0xf];
	[sflag:s24] =	ssyncadd.s32 $0xFFFFF800  }
0x6c: {  	[spmem:s2] =	stream.linear.scatter [tilespmem:s23], [sflag:$0x2], $0x800, $0x200038;
	[tilespmem:$0x1F000] =	vst v63  }
0x6d: {  	_ =	swait.ge [sflag:s24], $0x800  }
0x6e: {  	[sflag:s24] =	ssyncset.done $0x0  }
0x6f: {  	s3 =	rddreg [dreg:$0x10];
	[sflag:s24] =	ssyncadd.s32 $0xFFFFF800  }
0x70: {  	[spmem:s3] =	stream.linear.scatter [tilespmem:s23], [sflag:$0x2], $0x800, $0x200038;
	[tilespmem:$0x1F000] =	vst v63  }
0x71: {  	_ =	swait.ge [sflag:s24], $0x800  }
0x72: {  	[sflag:s24] =	ssyncset.done $0x0  }
0x73: {  	s2 =	rddreg [dreg:$0x11];
	[sflag:s24] =	ssyncadd.s32 $0xFFFFF800  }
0x74: {  	[spmem:s2] =	stream.linear.scatter [tilespmem:s23], [sflag:$0x2], $0x800, $0x200038;
	[tilespmem:$0x1F000] =	vst v63  }
0x75: {  	_ =	swait.ge [sflag:s24], $0x800  }
0x76: {  	[sflag:s24] =	ssyncset.done $0x0  }
0x77: {  	s3 =	rddreg [dreg:$0x16];
	[sflag:s24] =	ssyncadd.s32 $0xFFFFF800  }
0x78: {  	[spmem:s3] =	stream.linear.scatter [tilespmem:s23], [sflag:$0x2], $0x800, $0x200038;
	[tilespmem:$0x1F000] =	vst v63  }
0x79: {  	_ =	swait.ge [sflag:s24], $0x800  }
0x7a: {  	[sflag:s24] =	ssyncset.done $0x0  }
0x7b: {  	s2 =	rddreg [dreg:$0x17];
	[sflag:s24] =	ssyncadd.s32 $0xFFFFF800  }
0x7c: {  	[spmem:s2] =	stream.linear.scatter [tilespmem:s23], [sflag:$0x2], $0x800, $0x200038;
	[tilespmem:$0x1F000] =	vst v63  }
0x7d: {  	_ =	swait.ge [sflag:s24], $0x800  }
0x7e: {  	[sflag:s24] =	ssyncset.done $0x0  }
0x7f: {  	s3 =	rddreg [dreg:$0x18];
	[sflag:s24] =	ssyncadd.s32 $0xFFFFF800  }
0x80: {  	[spmem:s3] =	stream.linear.scatter [tilespmem:s23], [sflag:$0x2], $0x800, $0x200038;
	[tilespmem:$0x1F000] =	vst v63  }
0x81: {  	_ =	swait.ge [sflag:s24], $0x800  }
0x82: {  	[sflag:s24] =	ssyncset.done $0x0  }
0x83: {  	s2 =	rddreg [dreg:$0x19];
	[sflag:s24] =	ssyncadd.s32 $0xFFFFF800  }
0x84: {  	[spmem:s2] =	stream.linear.scatter [tilespmem:s23], [sflag:$0x2], $0x800, $0x200038;
	[tilespmem:$0x1F000] =	vst v63  }
0x85: {  	_ =	swait.ge [sflag:s24], $0x800  }
0x86: {  	[sflag:s24] =	ssyncset.done $0x0  }
0x87: {  	s3 =	rddreg [dreg:$0x1a];
	[sflag:s24] =	ssyncadd.s32 $0xFFFFF800  }
0x88: {  	[spmem:s3] =	stream.linear.scatter [tilespmem:s23], [sflag:$0x2], $0x800, $0x200038;
	[tilespmem:$0x1F000] =	vst v63  }
0x89: {  	_ =	swait.ge [sflag:s24], $0x800  }
0x8a: {  	[sflag:s24] =	ssyncset.done $0x0  }
0x8b: {  	s2 =	rddreg [dreg:$0x1b];
	[sflag:s24] =	ssyncadd.s32 $0xFFFFF800  }
0x8c: {  	[spmem:s2] =	stream.linear.scatter [tilespmem:s23], [sflag:$0x2], $0x800, $0x200038;
	[tilespmem:$0x1F000] =	vst v63  }
0x8d: {  	_ =	swait.ge [sflag:s24], $0x800  }
0x8e: {  	[sflag:s24] =	ssyncset.done $0x0  }
0x8f: {  	s3 =	rddreg [dreg:$0x1c];
	[sflag:s24] =	ssyncadd.s32 $0xFFFFF800  }
0x90: {  	[spmem:s3] =	stream.linear.scatter [tilespmem:s23], [sflag:$0x2], $0x800, $0x200038;
	[tilespmem:$0x1F000] =	vst v63  }
0x91: {  	_ =	swait.ge [sflag:s24], $0x800  }
0x92: {  	[sflag:s24] =	ssyncset.done $0x0  }
0x93: {  	s2 =	rddreg [dreg:$0x1d];
	[sflag:s24] =	ssyncadd.s32 $0xFFFFF800  }
0x94: {  	[spmem:s2] =	stream.linear.scatter [tilespmem:s23], [sflag:$0x2], $0x800, $0x200038;
	[tilespmem:$0x1F000] =	vst v63  }
0x95: {  	_ =	swait.ge [sflag:s24], $0x800  }
0x96: {  	[sflag:s24] =	ssyncset.done $0x0  }
0x97: {  	[sflag:s24] =	ssyncadd.s32 $0xFFFFF800  }
0x98: {  	[spmem:s7] =	stream.linear.scatter [tilespmem:s23], [sflag:$0x2], $0x800, $0x200038;
	[tilespmem:$0x1F000] =	vst v63  }
0x99: {  	_ =	swait.ge [sflag:s24], $0x800  }
0x9a: {  	[sflag:s24] =	ssyncset.done $0x0  }
0x9b: {  	[sflag:s24] =	ssyncadd.s32 $0xFFFFF800  }
0x9c: {  	[spmem:s8] =	stream.linear.scatter [tilespmem:s23], [sflag:$0x2], $0x800, $0x200038;
	[tilespmem:$0x1F000] =	vst v63  }
0x9d: {  	_ =	swait.ge [sflag:s24], $0x800  }
0x9e: {  	[sflag:s24] =	ssyncset.done $0x0  }
0x9f: {  	[sflag:s24] =	ssyncadd.s32 $0xFFFFF800  }
0xa0: {  	[spmem:s9] =	stream.linear.scatter [tilespmem:s23], [sflag:$0x2], $0x800, $0x200038;
	[tilespmem:$0x1F000] =	vst v63  }
0xa1: {  	_ =	swait.ge [sflag:s24], $0x800  }
0xa2: {  	[sflag:s24] =	ssyncset.done $0x0  }
0xa3: {  	[sflag:s24] =	ssyncadd.s32 $0xFFFFF800  }
0xa4: {  	[spmem:s10] =	stream.linear.scatter [tilespmem:s23], [sflag:$0x2], $0x800, $0x200038;
	[tilespmem:$0x1F000] =	vst v63  }
0xa5: {  	_ =	swait.ge [sflag:s24], $0x800  }
0xa6: {  	[sflag:s24] =	ssyncset.done $0x0  }
0xa7: {  	[sflag:s24] =	ssyncadd.s32 $0xFFFFF800  }
0xa8: {  	[spmem:s11] =	stream.linear.scatter [tilespmem:s23], [sflag:$0x2], $0x800, $0x200038;
	[tilespmem:$0x1F000] =	vst v63  }
0xa9: {  	_ =	swait.ge [sflag:s24], $0x800  }
0xaa: {  	[sflag:s24] =	ssyncset.done $0x0  }
0xab: {  	[sflag:s24] =	ssyncadd.s32 $0xFFFFF800  }
0xac: {  	[spmem:s12] =	stream.linear.scatter [tilespmem:s23], [sflag:$0x2], $0x800, $0x200038;
	[tilespmem:$0x1F000] =	vst v63  }
0xad: {  	_ =	swait.ge [sflag:s24], $0x800  }
0xae: {  	[sflag:s24] =	ssyncset.done $0x0  }
0xaf: {  	[sflag:s24] =	ssyncadd.s32 $0xFFFFF800  }
0xb0: {  	[spmem:s13] =	stream.linear.scatter [tilespmem:s23], [sflag:$0x2], $0x800, $0x200038;
	[tilespmem:$0x1F000] =	vst v63  }
0xb1: {  	_ =	swait.ge [sflag:s24], $0x800  }
0xb2: {  	[sflag:s24] =	ssyncset.done $0x0  }
0xb3: {  	[sflag:s24] =	ssyncadd.s32 $0xFFFFF800  }
0xb4: {  	[spmem:s14] =	stream.linear.scatter [tilespmem:s23], [sflag:$0x2], $0x800, $0x200038;
	[tilespmem:$0x1F000] =	vst v63  }
0xb5: {  	_ =	swait.ge [sflag:s24], $0x800  }
0xb6: {  	[sflag:s24] =	ssyncset.done $0x0  }
0xb7: {  	[sflag:s24] =	ssyncadd.s32 $0xFFFFF800  }
0xb8: {  	[spmem:s15] =	stream.linear.scatter [tilespmem:s23], [sflag:$0x2], $0x800, $0x200038;
	[tilespmem:$0x1F000] =	vst v63  }
0xb9: {  	_ =	swait.ge [sflag:s24], $0x800  }
0xba: {  	[sflag:s24] =	ssyncset.done $0x0  }
0xbb: {  	[sflag:s24] =	ssyncadd.s32 $0xFFFFF800  }
0xbc: {  	[spmem:s16] =	stream.linear.scatter [tilespmem:s23], [sflag:$0x2], $0x800, $0x200038;
	[tilespmem:$0x1F000] =	vst v63  }
0xbd: {  	_ =	swait.ge [sflag:s24], $0x800  }
0xbe: {  	[sflag:s24] =	ssyncset.done $0x0  }
0xbf: {  	[sflag:s24] =	ssyncadd.s32 $0xFFFFF800  }
0xc0: {  	[spmem:s17] =	stream.linear.scatter [tilespmem:s23], [sflag:$0x2], $0x800, $0x200038;
	[tilespmem:$0x1F000] =	vst v63  }
0xc1: {  	_ =	swait.ge [sflag:s24], $0x800  }
0xc2: {  	[sflag:s24] =	ssyncset.done $0x0  }
0xc3: {  	[sflag:s24] =	ssyncadd.s32 $0xFFFFF800  }
0xc4: {  	[spmem:s18] =	stream.linear.scatter [tilespmem:s23], [sflag:$0x2], $0x800, $0x200038;
	[tilespmem:$0x1F000] =	vst v63  }
0xc5: {  	_ =	swait.ge [sflag:s24], $0x800  }
0xc6: {  	[sflag:s24] =	ssyncset.done $0x0  }
0xc7: {  	[sflag:s24] =	ssyncadd.s32 $0xFFFFF800  }
0xc8: {  	[spmem:s19] =	stream.linear.scatter [tilespmem:s23], [sflag:$0x2], $0x800, $0x200038;
	[tilespmem:$0x1F000] =	vst v63  }
0xc9: {  	_ =	swait.ge [sflag:s24], $0x800  }
0xca: {  	[sflag:s24] =	ssyncset.done $0x0  }
0xcb: {  	[sflag:s24] =	ssyncadd.s32 $0xFFFFF800  }
0xcc: {  	[spmem:s20] =	stream.linear.scatter [tilespmem:s23], [sflag:$0x2], $0x800, $0x200038;
	[tilespmem:$0x1F000] =	vst v63  }
0xcd: {  	_ =	swait.ge [sflag:s24], $0x800  }
0xce: {  	[sflag:s24] =	ssyncset.done $0x0  }
0xcf: {  	[sflag:s24] =	ssyncadd.s32 $0xFFFFF800  }
0xd0: {  	[spmem:s21] =	stream.linear.scatter [tilespmem:s23], [sflag:$0x2], $0x800, $0x200038;
	[tilespmem:$0x1F000] =	vst v63  }
0xd1: {  	_ =	swait.ge [sflag:s24], $0x800  }
0xd2: {  	[sflag:s24] =	ssyncset.done $0x0  }
0xd3: {  	[sflag:s24] =	ssyncadd.s32 $0xFFFFF800  }
0xd4: {  	[spmem:s22] =	stream.linear.scatter [tilespmem:s23], [sflag:$0x2], $0x800, $0x200038;
	[tilespmem:$0x1F000] =	vst v63  }
0xd5: {  	_ =	swait.ge [sflag:s24], $0x800  }
0xd6: {  	[sflag:s24] =	ssyncset.done $0x0  }
0xd7: {  	[sflag:s24] =	ssyncadd.s32 $0xFFFFF800  }
0xd8: {  	_ =	strace $0x9000004E  }
0xd9: {  	[bflag:$0x0] =	sbarrier.arrive $0xFFFF  }
0xda: {  	_ =	strace $0x8000004F  }
0xdb: {  	s2 =	simm.s32 $0x0;
	s3 =	rddreg [dreg:$0x12]  }
0xdc: {  	[tilespmem:s25], [sflag:$0x2] =	stream.linear.gather [hbm4b:s3+s2], $0x3400, $0x200038;
	[tilespmem:$0x1F000] =	vst v63  }
0xdd: {  	_ =	swait.ge [sflag:s24], $0x3400  }
0xde: {  	[sflag:s24] =	ssyncset.done $0x0  }
0xdf: {  	s0 =	simm.s32 $0x17400;
	s3 =	rddreg [dreg:$0x13];
	[sflag:s24] =	ssyncadd.s32 $0xFFFFCC00  }
0xe0: {  	[tilespmem:s0], [sflag:$0x2] =	stream.linear.gather [hbm4b:s3+s2], $0x3400, $0x200038;
	[tilespmem:$0x1F000] =	vst v63  }
0xe1: {  	_ =	swait.ge [sflag:s24], $0x3400  }
0xe2: {  	[sflag:s24] =	ssyncset.done $0x0  }
0xe3: {  	[sflag:s24] =	ssyncadd.s32 $0xFFFFCC00  }
0xe4: {  	[tilespmem:s28], [sflag:$0x1] =	stream.indirect.gather [hbm4b:s4+s26], $0x80, s25, s26, $0x2000b8;
	[tilespmem:$0x1F000] =	vst v63  }
0xe5: {  	_ =	swait.ge [sflag:s29], $0x4000  }
0xe6: {  	p0 =	sne.s32 s5, $0x2;
	[sflag:s29] =	ssyncset.done $0x0  }
.Ltmp1:
0xe7: {  	[sflag:s29] =	ssyncadd.s32 $0xFFFFC000;
	(pc) =	sbr.rel @!p0 .LBB2_5-.Ltmp1, $4  }
0xe8: {  	[spmem:s1] =	stream.indirect.scatter.add.f32 [tilespmem:s28], [sflag:$0x2], $0x80, s0, s26, $0x2000b8;
	[tilespmem:$0x1F000] =	vst v63  }
0xe9: {  	_ =	swait.ge [sflag:s24], $0x4000  }
0xea: {  	s31 =	simm.s32 $0x17480;
	s2 =	simm.s32 $0x14080;
	[sflag:s24] =	ssyncset.done $0x0  }
0xeb: {  	s3 =	simm.s32 $0x14100;
	s0 =	simm.s32 $0x2;
	[sflag:s24] =	ssyncadd.s32 $0xFFFFC000  }
.LBB2_4:
0xec: {  	[tilespmem:s28], [sflag:$0x1] =	stream.indirect.gather [hbm4b:s4+s26], $0x80, s2, s26, $0x2000b8;
	[tilespmem:$0x1F000] =	vst v63  }
0xed: {  	s0 =	sadd.s32 $0x1, s0;
	s2 =	smov.u32 s3;
	_ =	swait.ge [sflag:s29], $0x4000  }
0xee: {  	p0 =	sne.s32 s5, s0;
	[sflag:s29] =	ssyncset.done $0x0  }
.Ltmp2:
0xef: {  	[sflag:s29] =	ssyncadd.s32 $0xFFFFC000;
	(pc) =	sbr.rel @p0 .LBB2_4-.Ltmp2, $4  }
0xf0: {  	[spmem:s1] =	stream.indirect.scatter.add.f32 [tilespmem:s28], [sflag:$0x2], $0x80, s31, s26, $0x2000b8;
	[tilespmem:$0x1F000] =	vst v63  }
0xf1: {  	_ =	swait.ge [sflag:s24], $0x4000  }
0xf2: {  	[sflag:s24] =	ssyncset.done $0x0  }
0xf3: {  	s3 =	sadd.s32 $0x80, s3;
	s31 =	sadd.s32 $0x80, s31;
	[sflag:s24] =	ssyncadd.s32 $0xFFFFC000  }
.LBB2_5:
0xf4: {  	[tilespmem:s28], [sflag:$0x1] =	stream.indirect.gather [hbm4b:s4+s26], $0x80, s2, s26, $0x2000b8;
	[tilespmem:$0x1F000] =	vst v63  }
0xf5: {  	_ =	swait.ge [sflag:s29], $0x4000  }
0xf6: {  	[sflag:s29] =	ssyncset.done $0x0  }
0xf7: {  	[sflag:s29] =	ssyncadd.s32 $0xFFFFC000  }
0xf8: {  	[spmem:s1] =	stream.indirect.scatter.add.f32 [tilespmem:s28], [sflag:$0x2], $0x80, s31, s26, $0x2000b8;
	[tilespmem:$0x1F000] =	vst v63  }
0xf9: {  	_ =	swait.ge [sflag:s24], $0x4000  }
0xfa: {  	[sflag:s24] =	ssyncset.done $0x0  }
0xfb: {  	[sflag:s24] =	ssyncadd.s32 $0xFFFFC000  }
0xfc: {  	_ =	strace $0x9000004F  }
0xfd: {  	s0 =	stileid.u32;
	[bflag:$0x0] =	sbarrier.arrive $0xFFFF  }
0xfe: {  	s0 =	sshll.u32 s0, $0x6;
	_ =	strace $0x80000050  }
0xff: {  	s0 =	sor.u32 $0x1C02, s0;
	s31 =	sshrl.u32 s6, $0x3;
	s3 =	rddreg [dreg:$0x14]  }
0x100: {  	[hbm:s3], [sflag:s0] =	dma.local [spmem:s31], $0x2800  }
0x101: {  	_ =	swait.ge [sflag:s24], $0x2800  }
0x102: {  	s30 =	sadd.s32 $0x1, s30;
	s31 =	rddreg [dreg:$0x15]  }
0x103: {  	p0 =	sne.s32 s30, s31  }
.Ltmp3:
0x104: {  	_ = 	snop;
	(pc) =	sbr.rel @p0 .LBB2_1-.Ltmp3, $4  }
0x105: {  	_ = 	snop  }
0x106: {  	[sflag:s24] =	ssyncset.done $0x0  }
0x107: {  	[sflag:s24] =	ssyncadd.s32 $0xFFFFD800  }
0x108: {  	_ =	strace $0x90000050  }
0x109: {  	_ =	sfence.sel $0x180000  }
0x10a: {  	[bflag:$0x0] =	sbarrier.arrive $0xFFFF  }
0x10b: {  	_ =	strace $0x9000004D  }
0x10c: {  	s0 =	stileid.u32;
	[bflag:$0x2] =	sbarrier.arrive $0xFFFF  }
0x10d: {  	p0 =	sne.s32 s0, $0x0;
	s0 =	rddreg [dreg:$0x2]  }
0x10e: {  	s0 =	sadd.s32 @!p0 $0x100000, s0  }
0x10f: {  	[sflag:s0] =	ssyncadd.tile.s32 @!p0 $0x1;
	_ =	shalt  }
.Lfunc_end2:
_tile_overlayer_lowered:
.L_overlay_start_2:
0x110: {  	(tag) =	ssettag $0x2  }
0x111: {  	s0 =	rddreg [dreg:$0x0];
	s2 =	stileid.u32  }
0x112: {  	s1 =	rddreg [dreg:$0x1];
	p0 =	sne.s32 s2, $0x0  }
0x113: {  	s3 =	rddreg [dreg:$0x2];
	[bflag:$0x3] =	sbarrier.arrive $0xFFFF;
	s2 =	simm.s32 @!p0 $0x1C02  }
0x114: {  	[timem:s3], [sflag:s2] =	dma.local @!p0 [hbm:s0], s1  }
0x115: {  	s0 =	simm.s32 @!p0 $0x2  }
0x116: {  	_ =	swait.ge @!p0 [sflag:s0], s1  }
0x117: {  	s1 =	ssub.s32 @!p0 $0x0, s1;
	[sflag:s0] =	ssyncset.done @!p0 $0x0  }
0x118: {  	[sflag:s0] =	ssyncadd.s32 @!p0 s1  }
0x119: {  	[bflag:$0x3] =	sbarrier.arrive $0xFFFF  }
0x11a: {  	_ =	shalt  }

// kernel: kernel.14.cloned.1.call-start
scs
__scs_entry_jumppad:
0x0: {  	(pc) =	sbr.rel $0x88, $3  }
0x1: {  	(tag) =	ssettag $0x0;
	lr =	simm.s32 $0x1  }
0x2: {  	[smem:$0x3F8A] =	sst lr;
	_ =	strace $0xD0000000  }
0x3: {  	_ = 	snop  }
0x4: {  	_ = 	snop  }
0x5: {  	_ = 	snop  }
0x6: {  	_ = 	snop  }
0x7: {  	_ = 	snop  }
__scs_overlays_trampoline_lowered:
0x8: {  	[smem:$0x3F99] =	sst s0  }
0x9: {  	[smem:$0x3F9A] =	sst s1  }
0xa: {  	[smem:$0x3F9B] =	sst s2  }
0xb: {  	[smem:$0x3F9C] =	sst s3  }
0xc: {  	[smem:$0x3F9D] =	sst s4  }
0xd: {  	[smem:$0x3F9E] =	sst s5  }
0xe: {  	[smem:$0x3F9F] =	sst s6  }
0xf: {  	[smem:$0x3FA0] =	sst s7  }
0x10: {  	[smem:$0x3FA1] =	sst s8  }
0x11: {  	[smem:$0x3FA2] =	sst s9;
	s0 =	simm.s32 @!p0 $0x0  }
0x12: {  	s1 =	sld [smem:$0x3F88];
	s0 =	simm.s32 @p0 $0x1  }
0x13: {  	[smem:$0x3FA3] =	sst s0;
	s0 =	simm.s32 @!p1 $0x0  }
0x14: {  	s2 =	sld [smem:$0x3F87];
	s0 =	simm.s32 @p1 $0x1  }
0x15: {  	[smem:$0x3FA4] =	sst s0;
	s0 =	simm.s32 @!p2 $0x0  }
0x16: {  	s3 =	sld [smem:$0x3FDB];
	s0 =	simm.s32 @p2 $0x1  }
0x17: {  	s4 =	simm.s32 $0x1BF5;
	[smem:$0x3FA6] =	sst s0  }
0x18: {  	s0 =	sld [smem:$0x3F89];
	_ =	swait.ge [sflag:s4], $0x0  }
0x19: {  	s7 =	sld [smem:$0x3F8A]  }
0x1a: {  	s8 =	sadd.s32 $0xFFFFE003, lr  }
0x1b: {  	s9 =	sadd.s32 $0xFFFFFEF7, lr;
	s5 =	simm.s32 $0xFFFFFFFF;
	p2 =	slt.u32 s8, $0xFFFFF086  }
0x1c: {  	p1 =	slt.u32 s9, $0xF7A;
	s5 =	simm.s32 @!p2 $0x0  }
0x1d: {  	s5 =	simm.s32 @p1 $0x1;
	p0 =	seq.s32 s7, s2  }
0x1e: {  	s7 =	smul.u32 @!p0 $0xF7A, s2;
	p2 =	seq.s32 @!p0 s5, $0x0  }
0x1f: {  	s9 =	smul.u32 $0xF7A, s1;
	s8 =	simm.s32 @!p0 $0x1BF5;
	p2 =	por !p2, p0  }
0x20: {  	[sflag:s8] =	ssyncset.s32 @!p0 $0xFFFFF086;
	s6 =	sadd.s32 @!p0 s3, s7;
	s7 =	simm.s32 @!p0 $0x108  }
0x21: {  	s3 =	sadd.s32 s3, s9;
	s6 =	sadd.s32 @!p0 $0x88, s6;
	s7 =	simm.s32 @p2 $0x1082  }
0x22: {  	[simem:s7], [sflag:s8] =	dma.local @!p0 [hbm:s6], $0xF7A  }
0x23: {  	s9 =	sor.u32 $0xD0000000, s2;
	s6 =	simm.s32 $0x108;
	_ =	swait.ge @!p0 [sflag:s8], $0x0  }
0x24: {  	s3 =	sadd.s32 $0x88, s3;
	s6 =	simm.s32 @!p1 $0x1082;
	[sflag:s4] =	ssyncset.s32 $0xFFFFF086  }
0x25: {  	[simem:s6], [sflag:s4] =	dma.local [hbm:s3], $0xF7A  }
0x26: {  	[smem:$0x3F8A] =	sst s1;
	(tag) =	ssettag s2;
	_ =	strace s9  }
0x27: {  	s1 =	sld [smem:$0x3F9A]  }
0x28: {  	s2 =	sld [smem:$0x3F9B]  }
0x29: {  	s4 =	sld [smem:$0x3F9D]  }
0x2a: {  	p0 =	seq.s32 s5, $0x0;
	s5 =	sld [smem:$0x3F9E]  }
0x2b: {  	s6 =	sld [smem:$0x3F9F]  }
0x2c: {  	s7 =	sld [smem:$0x3FA0]  }
0x2d: {  	s3 =	simm.s32 $0x108;
	s8 =	sld [smem:$0x3FA1]  }
0x2e: {  	s3 =	simm.s32 @!p0 $0x1082;
	s9 =	sld [smem:$0x3FA2]  }
0x2f: {  	lr =	sadd.s32 s0, s3;
	s0 =	sld [smem:$0x3F99]  }
0x30: {  	s3 =	sld [smem:$0x3F9C]  }
0x31: {  	[smem:$0x3FA5] =	sst s10  }
0x32: {  	s10 =	sld [smem:$0x3FA3];
	_ =	sdelay $0x3  }
0x33: {  	p0 =	seq.s32 s10, $0x1;
	s10 =	sld [smem:$0x3FA5];
	_ =	sdelay $0x3  }
0x34: {  	[smem:$0x3FA5] =	sst s10  }
0x35: {  	s10 =	sld [smem:$0x3FA4];
	_ =	sdelay $0x3  }
0x36: {  	p1 =	seq.s32 s10, $0x1;
	s10 =	sld [smem:$0x3FA5];
	_ =	sdelay $0x3  }
0x37: {  	[smem:$0x3FA5] =	sst s10  }
0x38: {  	s10 =	sld [smem:$0x3FA6]  }
0x39: {  	_ = 	snop;
	(pc) =	sbr.ind lr, $3  }
0x3a: {  	_ = 	snop  }
0x3b: {  	_ = 	snop  }
0x3c: {  	p2 =	seq.s32 s10, $0x1;
	s10 =	sld [smem:$0x3FA5]  }
0x3d: {  	_ =	shalt  }
0x3e: {  	_ =	shalt  }
0x3f: {  	_ =	shalt  }
0x40: {  	_ =	shalt  }
0x41: {  	_ =	shalt  }
0x42: {  	_ =	shalt  }
0x43: {  	_ =	shalt  }
0x44: {  	_ =	shalt  }
0x45: {  	_ =	shalt  }
0x46: {  	_ =	shalt  }
0x47: {  	_ =	shalt  }
0x48: {  	_ =	shalt  }
0x49: {  	_ =	shalt  }
0x4a: {  	_ =	shalt  }
0x4b: {  	_ =	shalt  }
0x4c: {  	_ =	shalt  }
0x4d: {  	_ =	shalt  }
0x4e: {  	_ =	shalt  }
0x4f: {  	_ =	shalt  }
0x50: {  	_ =	shalt  }
0x51: {  	_ =	shalt  }
0x52: {  	_ =	shalt  }
0x53: {  	_ =	shalt  }
0x54: {  	_ =	shalt  }
0x55: {  	_ =	shalt  }
0x56: {  	_ =	shalt  }
0x57: {  	_ =	shalt  }
0x58: {  	_ =	shalt  }
0x59: {  	_ =	shalt  }
0x5a: {  	_ =	shalt  }
0x5b: {  	_ =	shalt  }
0x5c: {  	_ =	shalt  }
0x5d: {  	_ =	shalt  }
0x5e: {  	_ =	shalt  }
0x5f: {  	_ =	shalt  }
0x60: {  	_ =	shalt  }
0x61: {  	_ =	shalt  }
0x62: {  	_ =	shalt  }
0x63: {  	_ =	shalt  }
0x64: {  	_ =	shalt  }
0x65: {  	_ =	shalt  }
0x66: {  	_ =	shalt  }
0x67: {  	_ =	shalt  }
0x68: {  	_ =	shalt  }
0x69: {  	_ =	shalt  }
0x6a: {  	_ =	shalt  }
0x6b: {  	_ =	shalt  }
0x6c: {  	_ =	shalt  }
0x6d: {  	_ =	shalt  }
0x6e: {  	_ =	shalt  }
0x6f: {  	_ =	shalt  }
0x70: {  	_ =	shalt  }
0x71: {  	_ =	shalt  }
0x72: {  	_ =	shalt  }
0x73: {  	_ =	shalt  }
0x74: {  	_ =	shalt  }
0x75: {  	_ =	shalt  }
0x76: {  	_ =	shalt  }
0x77: {  	_ =	shalt  }
0x78: {  	_ =	shalt  }
0x79: {  	_ =	shalt  }
0x7a: {  	_ =	shalt  }
0x7b: {  	_ =	shalt  }
0x7c: {  	_ =	shalt  }
0x7d: {  	_ =	shalt  }
0x7e: {  	_ =	shalt  }
0x7f: {  	_ =	shalt  }
0x80: {  	_ =	shalt  }
0x81: {  	_ =	shalt  }
0x82: {  	_ =	shalt  }
0x83: {  	_ =	shalt  }
0x84: {  	_ =	shalt  }
0x85: {  	_ =	shalt  }
0x86: {  	_ =	shalt  }
0x87: {  	_ =	shalt  }
.Lfunc_end0:
.L_simem_size_0:
called_computation.2_lowered:
.L_overlay_start_0:
0x88: {  	s2 =	sld [smem:$0x3FD9]  }
0x89: {  	s3 =	sld [smem:$0x3FFE];
	_ =	sdelay $0x1  }
0x8a: {  	s1 =	srdreg.scid  }
0x8b: {  	s0 =	sand.u32 $0x1, s1  }
0x8c: {  	s16 =	sshll.u32 s0, $0xA;
	s2 =	sadd.s32 s3, s2  }
0x8d: {  	s2 =	sadd.s32 s2, s16  }
0x8e: {  	[smem:$0x3FB1] =	sst s2  }
0x8f: {  	_ = 	snop  }
0x90: {  	(tm) =	ssettm $0x1  }
0x91: {  	s17 =	sld [smem:$0x3FFB];
	_ =	sdelay $0x3  }
0x92: {  	_ =	strace s17  }
0x93: {  	s2 =	sld [smem:$0x3FFC];
	_ =	sdelay $0x3  }
0x94: {  	_ =	strace s2  }
0x95: {  	s2 =	sld [smem:$0x3FFD];
	_ =	sdelay $0x3  }
0x96: {  	_ =	strace s2  }
0x97: {  	_ =	strace $0x8FFFFFFF  }
0x98: {  	s18 =	sld [smem:$0x3FDB];
	_ =	sdelay $0x1  }
0x99: {  	s19 =	simm.s32 $_scs_section_size  }
0x9a: {  	s4 =	simm.s32 $_size__tile_overlayer_lowered;
	s5 =	simm.s32 $_tile_overlayer_lowered  }
0x9b: {  	s22 =	simm.s32 $0x1BFF;
	s21 =	sshll.u32 s5, $0x1;
	s2 =	sadd.s32 s19, s18  }
0x9c: {  	s6 =	simm.s32 $0x0;
	s20 =	sshll.u32 s4, $0x1;
	s4 =	sadd.s32 s21, s2  }
0x9d: {  	[timem:s6], [sflag:s22] =	dma.local [hbm:s4], s20  }
0x9e: {  	_ =	swait.ge [sflag:s22], s20  }
0x9f: {  	s3 =	ssub.s32 $0x0, s20;
	[sflag:s22] =	ssyncset.done $0x0  }
0xa0: {  	[sflag:s22] =	ssyncadd.s32 s3;
	_ =	sdelay $0x1  }
0xa1: {  	s23 =	simm.s32 $0x1B8B  }
0xa2: {  	_ =	swait.ge [sflag:s23], $0x1  }
0xa3: {  	[sflag:s23] =	ssyncset.done $0x0  }
0xa4: {  	s25 =	simm.s32 $0x1B8E;
	s24 =	sld [smem:$0x3FFE];
	[sflag:s23] =	ssyncadd.s32 $0xFFFFFFFF  }
0xa5: {  	s26 =	simm.s32 $execute0_lowered;
	[smem:$0x3FD2] =	sst s25  }
0xa6: {  	s4 =	sshll.u32 s26, $0x1;
	_ =	strace $0x80000052;
	[dreg:$0x1] =	wrdreg $0xFFFFFFFF  }
0xa7: {  	s28 =	simm.s32 $_size_execute0_lowered;
	s2 =	sadd.s32 s2, s4;
	[dreg:$0x0] =	wrdreg $0x0  }
0xa8: {  	s4 =	sshll.u32 s28, $0x1;
	[dreg:$0x2] =	wrdreg s2  }
0xa9: {  	[dreg:$0x3] =	wrdreg s4  }
0xaa: {  	[dreg:$0x4] =	wrdreg $0xC0  }
0xab: {  	_ =	task [dreg:s6], $0x5FFFF  }
0xac: {  	[dreg:$0x1] =	wrdreg $0xFFFFFFFF  }
0xad: {  	[dreg:$0x0] =	wrdreg $0x60  }
0xae: {  	[dreg:$0x2] =	wrdreg s24  }
0xaf: {  	[dreg:$0x3] =	wrdreg $0x0  }
0xb0: {  	[dreg:$0x4] =	wrdreg $0x9  }
0xb1: {  	_ =	task.clear_ibuf [dreg:s6], $0x5FFFF;
	_ =	strace $0x90000052  }
0xb2: {  	s29 =	simm.s32 $0x9;
	_ =	strace $0x80000057  }
0xb3: {  	_ =	swait.ge [sflag:s29], $0x1  }
0xb4: {  	[sflag:s29] =	ssyncadd.s32 $0xFFFFFFFF  }
0xb5: {  	_ =	strace $0x90000057  }
0xb6: {  	_ =	sfence  }
0xb7: {  	s30 =	sld [smem:$0x0];
	_ =	sdelay $0x2  }
0xb8: {  	s31 =	sshll.u32 s1, $0xD;
	s1 =	sshrl.u32 s1, $0x2  }
0xb9: {  	s3 =	sand.u32 $0x4000, s31;
	s1 =	sadd.s32 s1, s30  }
0xba: {  	s0 =	sor.u32 s3, s0;
	s1 =	sshll.u32 s1, $0x11  }
0xbb: {  	s0 =	sor.u32 s1, s0  }
0xbc: {  	s0 =	sadd.s32 $0x8F2B, s0  }
0xbd: {  	[sflag:s0] =	ssyncadd.remote.s32 $0x1  }
0xbe: {  	_ =	sfence.sel $0xFFFF  }
0xbf: {  	[dreg:$0x0] =	wrdreg $0xFFFFFFFF;
	(pc) =	sbr.abs _section_cstart, $3  }
0xc0: {  	[dreg:$0x1] =	wrdreg $0xFFFFFFFF  }
0xc1: {  	_ =	task.clear_ibuf [dreg:s6], $0x2FFFF;
	_ =	strace $0x9FFFFFFF  }
0xc2: {  	(tm) =	ssettm $0x7FFFFFFF  }
0xc3: {  	_ =	shalt  }
tec
execute0_lowered:
.L_overlay_start_1:
0x0: {  	(tag) =	ssettag $0x1  }
0x1: {  	s2 =	srdreg.scid  }
0x2: {  	s0 =	rddreg [dreg:$0x0];
	s7 =	stileid.u32;
	s2 =	sand.u32 $0x1, s2  }
0x3: {  	s1 =	rddreg [dreg:$0x1];
	s6 =	smul.u32 $0x14000, s7;
	s3 =	sshll.u32 s2, $0x4  }
0x4: {  	s20 =	ssub.s32 $0x2, s2;
	s3 =	sor.u32 s7, s3;
	s7 =	smul.u32 $0x50000, s7  }
0x5: {  	s4 =	simm.s32 $0x0;
	s5 =	smul.u32 $0x140000, s2;
	s8 =	sshrl.u32 s20, $0x1  }
0x6: {  	[smem:$0x7FF] =	sst s4;
	s8 =	ssub.s32 s20, s8;
	s21 =	sshrl.u32 s7, $0x2  }
0x7: {  	s5 =	sadd.s32 s6, s5;
	s19 =	smax.u32 s8, $0x1;
	s6 =	sadd.s32 s21, s1  }
0x8: {  	_ =	strace $0x80000053;
	[dreg:$0x15] =	wrdreg s19;
	s22 =	sadd.s32 $0x800, s6  }
0x9: {  	s23 =	sadd.s32 $0x1000, s6;
	[dreg:$0x3] =	wrdreg s22  }
0xa: {  	s24 =	sadd.s32 $0x1800, s6;
	[dreg:$0x4] =	wrdreg s23  }
0xb: {  	s25 =	sadd.s32 $0x2000, s6;
	[dreg:$0x5] =	wrdreg s24  }
0xc: {  	s26 =	sadd.s32 $0x2800, s6;
	[dreg:$0x6] =	wrdreg s25  }
0xd: {  	s31 =	sadd.s32 $0x3000, s6;
	[dreg:$0x7] =	wrdreg s26  }
0xe: {  	s7 =	sadd.s32 $0x3800, s6;
	[dreg:$0x8] =	wrdreg s31  }
0xf: {  	s9 =	sadd.s32 $0x4000, s6;
	[dreg:$0x9] =	wrdreg s7  }
0x10: {  	s10 =	sadd.s32 $0x4800, s6;
	[dreg:$0xa] =	wrdreg s9  }
0x11: {  	s28 =	simm.s32 $0x1A800;
	s11 =	sadd.s32 $0x5000, s6;
	[dreg:$0xb] =	wrdreg s10  }
0x12: {  	s29 =	simm.s32 $0x1;
	s12 =	sadd.s32 $0x5800, s6;
	[dreg:$0xc] =	wrdreg s11  }
0x13: {  	s30 =	simm.s32 $0x0;
	s13 =	sadd.s32 $0x6000, s6;
	[dreg:$0xd] =	wrdreg s12  }
0x14: {  	s3 =	smul.u32 $0x680, s3;
	s14 =	sadd.s32 $0x6800, s6;
	[dreg:$0xe] =	wrdreg s13  }
0x15: {  	s4 =	sadd.s32 $0x1E600, s0;
	s15 =	sadd.s32 $0x7000, s6;
	[dreg:$0xf] =	wrdreg s14  }
0x16: {  	s3 =	sadd.s32 s3, s0;
	s16 =	sadd.s32 $0x7800, s6;
	[dreg:$0x10] =	wrdreg s15  }
0x17: {  	s5 =	sshrl.u32 s5, $0x3;
	s17 =	sadd.s32 $0x4600, s3;
	[dreg:$0x11] =	wrdreg s16  }
0x18: {  	s0 =	sadd.s32 s5, s0;
	s18 =	sadd.s32 $0x11600, s3;
	[dreg:$0x12] =	wrdreg s17  }
0x19: {  	p0 =	seq.s32 s2, $0x0;
	s0 =	sadd.s32 $0x46600, s0;
	[dreg:$0x13] =	wrdreg s18  }
0x1a: {  	s5 =	simm.s32 $0x35;
	s20 =	sadd.s32 $0x8000, s6;
	[dreg:$0x14] =	wrdreg s0  }
0x1b: {  	s5 =	simm.s32 @!p0 $0x68;
	s21 =	sadd.s32 $0x8800, s6;
	[dreg:$0x16] =	wrdreg s20  }
0x1c: {  	s8 =	sadd.s32 $0xC800, s6;
	s19 =	sadd.s32 $0x12000, s6;
	[dreg:$0x17] =	wrdreg s21  }
0x1d: {  	s22 =	sadd.s32 $0x9000, s6;
	s23 =	sadd.s32 $0x9800, s6;
	s24 =	sadd.s32 $0xA000, s6  }
0x1e: {  	s25 =	sadd.s32 $0xA800, s6;
	s26 =	sadd.s32 $0xB000, s6;
	s31 =	sadd.s32 $0xB800, s6  }
0x1f: {  	s7 =	sadd.s32 $0xC000, s6;
	s9 =	sadd.s32 $0xD000, s6;
	s10 =	sadd.s32 $0xD800, s6  }
0x20: {  	s11 =	sadd.s32 $0xE000, s6;
	s12 =	sadd.s32 $0xE800, s6;
	[dreg:$0x18] =	wrdreg s22  }
0x21: {  	s13 =	sadd.s32 $0xF000, s6;
	s14 =	sadd.s32 $0xF800, s6;
	[dreg:$0x19] =	wrdreg s23  }
0x22: {  	s15 =	sadd.s32 $0x10000, s6;
	s16 =	sadd.s32 $0x10800, s6;
	[dreg:$0x1a] =	wrdreg s24  }
0x23: {  	s17 =	sadd.s32 $0x11000, s6;
	s18 =	sadd.s32 $0x11800, s6;
	[dreg:$0x1b] =	wrdreg s25  }
0x24: {  	s20 =	sadd.s32 $0x12800, s6;
	s21 =	sadd.s32 $0x13000, s6;
	[dreg:$0x1c] =	wrdreg s26  }
0x25: {  	[dreg:$0x1d] =	wrdreg s31;
	s22 =	sadd.s32 $0x13800, s6;
	s23 =	simm.s32 $0x1E800  }
0x26: {  	v0 =	vimm.f32 $0.0e+00;
	s24 =	simm.s32 $0x2;
	s25 =	simm.s32 $0x14000;
	s26 =	simm.s32 $0x80  }
.LBB2_1:
0x27: {  	_ =	strace $0x80000054;
	s0 =	simm.s32 $0x0;
	s2 =	simm.s32 $0x200  }
.LBB2_2:
0x28: {  	p0 =	sne.s32 s2, $0x1E00;
	[tilespmem:s0+$0x1E870] =	vst v0  }
0x29: {  	[tilespmem:s0+$0x1E800] =	vst v0  }
0x2a: {  	[tilespmem:s0+$0x1E810] =	vst v0  }
.Ltmp0:
0x2b: {  	[tilespmem:s0+$0x1E820] =	vst v0;
	(pc) =	sbr.rel @p0 .LBB2_2-.Ltmp0, $4  }
0x2c: {  	[tilespmem:s0+$0x1E830] =	vst v0  }
0x2d: {  	[tilespmem:s0+$0x1E840] =	vst v0  }
0x2e: {  	[tilespmem:s0+$0x1E850] =	vst v0  }
0x2f: {  	[tilespmem:s0+$0x1E860] =	vst v0;
	s0 =	sshra.s32 s2, $0x2;
	s2 =	sadd.s32 $0x200, s2  }
0x30: {  	[tilespmem:s0+$0x1E870] =	vst v0  }
0x31: {  	[tilespmem:s0+$0x1E800] =	vst v0  }
0x32: {  	[tilespmem:s0+$0x1E810] =	vst v0  }
0x33: {  	[tilespmem:s0+$0x1E820] =	vst v0  }
0x34: {  	[tilespmem:s0+$0x1E830] =	vst v0  }
0x35: {  	[tilespmem:s0+$0x1E840] =	vst v0  }
0x36: {  	[tilespmem:s0+$0x1E850] =	vst v0  }
0x37: {  	[tilespmem:s0+$0x1E860] =	vst v0  }
0x38: {  	[spmem:s6] =	stream.linear.scatter [tilespmem:s23], [sflag:$0x2], $0x800, $0x200038;
	[tilespmem:$0x1F000] =	vst v63  }
0x39: {  	_ =	swait.ge [sflag:s24], $0x800  }
0x3a: {  	[sflag:s24] =	ssyncset.done $0x0  }
0x3b: {  	s2 =	rddreg [dreg:$0x3];
	[sflag:s24] =	ssyncadd.s32 $0xFFFFF800  }
0x3c: {  	[spmem:s2] =	stream.linear.scatter [tilespmem:s23], [sflag:$0x2], $0x800, $0x200038;
	[tilespmem:$0x1F000] =	vst v63  }
0x3d: {  	_ =	swait.ge [sflag:s24], $0x800  }
0x3e: {  	[sflag:s24] =	ssyncset.done $0x0  }
0x3f: {  	s3 =	rddreg [dreg:$0x4];
	[sflag:s24] =	ssyncadd.s32 $0xFFFFF800  }
0x40: {  	[spmem:s3] =	stream.linear.scatter [tilespmem:s23], [sflag:$0x2], $0x800, $0x200038;
	[tilespmem:$0x1F000] =	vst v63  }
0x41: {  	_ =	swait.ge [sflag:s24], $0x800  }
0x42: {  	[sflag:s24] =	ssyncset.done $0x0  }
0x43: {  	s2 =	rddreg [dreg:$0x5];
	[sflag:s24] =	ssyncadd.s32 $0xFFFFF800  }
0x44: {  	[spmem:s2] =	stream.linear.scatter [tilespmem:s23], [sflag:$0x2], $0x800, $0x200038;
	[tilespmem:$0x1F000] =	vst v63  }
0x45: {  	_ =	swait.ge [sflag:s24], $0x800  }
0x46: {  	[sflag:s24] =	ssyncset.done $0x0  }
0x47: {  	s3 =	rddreg [dreg:$0x6];
	[sflag:s24] =	ssyncadd.s32 $0xFFFFF800  }
0x48: {  	[spmem:s3] =	stream.linear.scatter [tilespmem:s23], [sflag:$0x2], $0x800, $0x200038;
	[tilespmem:$0x1F000] =	vst v63  }
0x49: {  	_ =	swait.ge [sflag:s24], $0x800  }
0x4a: {  	[sflag:s24] =	ssyncset.done $0x0  }
0x4b: {  	s2 =	rddreg [dreg:$0x7];
	[sflag:s24] =	ssyncadd.s32 $0xFFFFF800  }
0x4c: {  	[spmem:s2] =	stream.linear.scatter [tilespmem:s23], [sflag:$0x2], $0x800, $0x200038;
	[tilespmem:$0x1F000] =	vst v63  }
0x4d: {  	_ =	swait.ge [sflag:s24], $0x800  }
0x4e: {  	[sflag:s24] =	ssyncset.done $0x0  }
0x4f: {  	s3 =	rddreg [dreg:$0x8];
	[sflag:s24] =	ssyncadd.s32 $0xFFFFF800  }
0x50: {  	[spmem:s3] =	stream.linear.scatter [tilespmem:s23], [sflag:$0x2], $0x800, $0x200038;
	[tilespmem:$0x1F000] =	vst v63  }
0x51: {  	_ =	swait.ge [sflag:s24], $0x800  }
0x52: {  	[sflag:s24] =	ssyncset.done $0x0  }
0x53: {  	s2 =	rddreg [dreg:$0x9];
	[sflag:s24] =	ssyncadd.s32 $0xFFFFF800  }
0x54: {  	[spmem:s2] =	stream.linear.scatter [tilespmem:s23], [sflag:$0x2], $0x800, $0x200038;
	[tilespmem:$0x1F000] =	vst v63  }
0x55: {  	_ =	swait.ge [sflag:s24], $0x800  }
0x56: {  	[sflag:s24] =	ssyncset.done $0x0  }
0x57: {  	s3 =	rddreg [dreg:$0xa];
	[sflag:s24] =	ssyncadd.s32 $0xFFFFF800  }
0x58: {  	[spmem:s3] =	stream.linear.scatter [tilespmem:s23], [sflag:$0x2], $0x800, $0x200038;
	[tilespmem:$0x1F000] =	vst v63  }
0x59: {  	_ =	swait.ge [sflag:s24], $0x800  }
0x5a: {  	[sflag:s24] =	ssyncset.done $0x0  }
0x5b: {  	s2 =	rddreg [dreg:$0xb];
	[sflag:s24] =	ssyncadd.s32 $0xFFFFF800  }
0x5c: {  	[spmem:s2] =	stream.linear.scatter [tilespmem:s23], [sflag:$0x2], $0x800, $0x200038;
	[tilespmem:$0x1F000] =	vst v63  }
0x5d: {  	_ =	swait.ge [sflag:s24], $0x800  }
0x5e: {  	[sflag:s24] =	ssyncset.done $0x0  }
0x5f: {  	s3 =	rddreg [dreg:$0xc];
	[sflag:s24] =	ssyncadd.s32 $0xFFFFF800  }
0x60: {  	[spmem:s3] =	stream.linear.scatter [tilespmem:s23], [sflag:$0x2], $0x800, $0x200038;
	[tilespmem:$0x1F000] =	vst v63  }
0x61: {  	_ =	swait.ge [sflag:s24], $0x800  }
0x62: {  	[sflag:s24] =	ssyncset.done $0x0  }
0x63: {  	s2 =	rddreg [dreg:$0xd];
	[sflag:s24] =	ssyncadd.s32 $0xFFFFF800  }
0x64: {  	[spmem:s2] =	stream.linear.scatter [tilespmem:s23], [sflag:$0x2], $0x800, $0x200038;
	[tilespmem:$0x1F000] =	vst v63  }
0x65: {  	_ =	swait.ge [sflag:s24], $0x800  }
0x66: {  	[sflag:s24] =	ssyncset.done $0x0  }
0x67: {  	s3 =	rddreg [dreg:$0xe];
	[sflag:s24] =	ssyncadd.s32 $0xFFFFF800  }
0x68: {  	[spmem:s3] =	stream.linear.scatter [tilespmem:s23], [sflag:$0x2], $0x800, $0x200038;
	[tilespmem:$0x1F000] =	vst v63  }
0x69: {  	_ =	swait.ge [sflag:s24], $0x800  }
0x6a: {  	[sflag:s24] =	ssyncset.done $0x0  }
0x6b: {  	s2 =	rddreg [dreg:$0xf];
	[sflag:s24] =	ssyncadd.s32 $0xFFFFF800  }
0x6c: {  	[spmem:s2] =	stream.linear.scatter [tilespmem:s23], [sflag:$0x2], $0x800, $0x200038;
	[tilespmem:$0x1F000] =	vst v63  }
0x6d: {  	_ =	swait.ge [sflag:s24], $0x800  }
0x6e: {  	[sflag:s24] =	ssyncset.done $0x0  }
0x6f: {  	s3 =	rddreg [dreg:$0x10];
	[sflag:s24] =	ssyncadd.s32 $0xFFFFF800  }
0x70: {  	[spmem:s3] =	stream.linear.scatter [tilespmem:s23], [sflag:$0x2], $0x800, $0x200038;
	[tilespmem:$0x1F000] =	vst v63  }
0x71: {  	_ =	swait.ge [sflag:s24], $0x800  }
0x72: {  	[sflag:s24] =	ssyncset.done $0x0  }
0x73: {  	s2 =	rddreg [dreg:$0x11];
	[sflag:s24] =	ssyncadd.s32 $0xFFFFF800  }
0x74: {  	[spmem:s2] =	stream.linear.scatter [tilespmem:s23], [sflag:$0x2], $0x800, $0x200038;
	[tilespmem:$0x1F000] =	vst v63  }
0x75: {  	_ =	swait.ge [sflag:s24], $0x800  }
0x76: {  	[sflag:s24] =	ssyncset.done $0x0  }
0x77: {  	s3 =	rddreg [dreg:$0x16];
	[sflag:s24] =	ssyncadd.s32 $0xFFFFF800  }
0x78: {  	[spmem:s3] =	stream.linear.scatter [tilespmem:s23], [sflag:$0x2], $0x800, $0x200038;
	[tilespmem:$0x1F000] =	vst v63  }
0x79: {  	_ =	swait.ge [sflag:s24], $0x800  }
0x7a: {  	[sflag:s24] =	ssyncset.done $0x0  }
0x7b: {  	s2 =	rddreg [dreg:$0x17];
	[sflag:s24] =	ssyncadd.s32 $0xFFFFF800  }
0x7c: {  	[spmem:s2] =	stream.linear.scatter [tilespmem:s23], [sflag:$0x2], $0x800, $0x200038;
	[tilespmem:$0x1F000] =	vst v63  }
0x7d: {  	_ =	swait.ge [sflag:s24], $0x800  }
0x7e: {  	[sflag:s24] =	ssyncset.done $0x0  }
0x7f: {  	s3 =	rddreg [dreg:$0x18];
	[sflag:s24] =	ssyncadd.s32 $0xFFFFF800  }
0x80: {  	[spmem:s3] =	stream.linear.scatter [tilespmem:s23], [sflag:$0x2], $0x800, $0x200038;
	[tilespmem:$0x1F000] =	vst v63  }
0x81: {  	_ =	swait.ge [sflag:s24], $0x800  }
0x82: {  	[sflag:s24] =	ssyncset.done $0x0  }
0x83: {  	s2 =	rddreg [dreg:$0x19];
	[sflag:s24] =	ssyncadd.s32 $0xFFFFF800  }
0x84: {  	[spmem:s2] =	stream.linear.scatter [tilespmem:s23], [sflag:$0x2], $0x800, $0x200038;
	[tilespmem:$0x1F000] =	vst v63  }
0x85: {  	_ =	swait.ge [sflag:s24], $0x800  }
0x86: {  	[sflag:s24] =	ssyncset.done $0x0  }
0x87: {  	s3 =	rddreg [dreg:$0x1a];
	[sflag:s24] =	ssyncadd.s32 $0xFFFFF800  }
0x88: {  	[spmem:s3] =	stream.linear.scatter [tilespmem:s23], [sflag:$0x2], $0x800, $0x200038;
	[tilespmem:$0x1F000] =	vst v63  }
0x89: {  	_ =	swait.ge [sflag:s24], $0x800  }
0x8a: {  	[sflag:s24] =	ssyncset.done $0x0  }
0x8b: {  	s2 =	rddreg [dreg:$0x1b];
	[sflag:s24] =	ssyncadd.s32 $0xFFFFF800  }
0x8c: {  	[spmem:s2] =	stream.linear.scatter [tilespmem:s23], [sflag:$0x2], $0x800, $0x200038;
	[tilespmem:$0x1F000] =	vst v63  }
0x8d: {  	_ =	swait.ge [sflag:s24], $0x800  }
0x8e: {  	[sflag:s24] =	ssyncset.done $0x0  }
0x8f: {  	s3 =	rddreg [dreg:$0x1c];
	[sflag:s24] =	ssyncadd.s32 $0xFFFFF800  }
0x90: {  	[spmem:s3] =	stream.linear.scatter [tilespmem:s23], [sflag:$0x2], $0x800, $0x200038;
	[tilespmem:$0x1F000] =	vst v63  }
0x91: {  	_ =	swait.ge [sflag:s24], $0x800  }
0x92: {  	[sflag:s24] =	ssyncset.done $0x0  }
0x93: {  	s2 =	rddreg [dreg:$0x1d];
	[sflag:s24] =	ssyncadd.s32 $0xFFFFF800  }
0x94: {  	[spmem:s2] =	stream.linear.scatter [tilespmem:s23], [sflag:$0x2], $0x800, $0x200038;
	[tilespmem:$0x1F000] =	vst v63  }
0x95: {  	_ =	swait.ge [sflag:s24], $0x800  }
0x96: {  	[sflag:s24] =	ssyncset.done $0x0  }
0x97: {  	[sflag:s24] =	ssyncadd.s32 $0xFFFFF800  }
0x98: {  	[spmem:s7] =	stream.linear.scatter [tilespmem:s23], [sflag:$0x2], $0x800, $0x200038;
	[tilespmem:$0x1F000] =	vst v63  }
0x99: {  	_ =	swait.ge [sflag:s24], $0x800  }
0x9a: {  	[sflag:s24] =	ssyncset.done $0x0  }
0x9b: {  	[sflag:s24] =	ssyncadd.s32 $0xFFFFF800  }
0x9c: {  	[spmem:s8] =	stream.linear.scatter [tilespmem:s23], [sflag:$0x2], $0x800, $0x200038;
	[tilespmem:$0x1F000] =	vst v63  }
0x9d: {  	_ =	swait.ge [sflag:s24], $0x800  }
0x9e: {  	[sflag:s24] =	ssyncset.done $0x0  }
0x9f: {  	[sflag:s24] =	ssyncadd.s32 $0xFFFFF800  }
0xa0: {  	[spmem:s9] =	stream.linear.scatter [tilespmem:s23], [sflag:$0x2], $0x800, $0x200038;
	[tilespmem:$0x1F000] =	vst v63  }
0xa1: {  	_ =	swait.ge [sflag:s24], $0x800  }
0xa2: {  	[sflag:s24] =	ssyncset.done $0x0  }
0xa3: {  	[sflag:s24] =	ssyncadd.s32 $0xFFFFF800  }
0xa4: {  	[spmem:s10] =	stream.linear.scatter [tilespmem:s23], [sflag:$0x2], $0x800, $0x200038;
	[tilespmem:$0x1F000] =	vst v63  }
0xa5: {  	_ =	swait.ge [sflag:s24], $0x800  }
0xa6: {  	[sflag:s24] =	ssyncset.done $0x0  }
0xa7: {  	[sflag:s24] =	ssyncadd.s32 $0xFFFFF800  }
0xa8: {  	[spmem:s11] =	stream.linear.scatter [tilespmem:s23], [sflag:$0x2], $0x800, $0x200038;
	[tilespmem:$0x1F000] =	vst v63  }
0xa9: {  	_ =	swait.ge [sflag:s24], $0x800  }
0xaa: {  	[sflag:s24] =	ssyncset.done $0x0  }
0xab: {  	[sflag:s24] =	ssyncadd.s32 $0xFFFFF800  }
0xac: {  	[spmem:s12] =	stream.linear.scatter [tilespmem:s23], [sflag:$0x2], $0x800, $0x200038;
	[tilespmem:$0x1F000] =	vst v63  }
0xad: {  	_ =	swait.ge [sflag:s24], $0x800  }
0xae: {  	[sflag:s24] =	ssyncset.done $0x0  }
0xaf: {  	[sflag:s24] =	ssyncadd.s32 $0xFFFFF800  }
0xb0: {  	[spmem:s13] =	stream.linear.scatter [tilespmem:s23], [sflag:$0x2], $0x800, $0x200038;
	[tilespmem:$0x1F000] =	vst v63  }
0xb1: {  	_ =	swait.ge [sflag:s24], $0x800  }
0xb2: {  	[sflag:s24] =	ssyncset.done $0x0  }
0xb3: {  	[sflag:s24] =	ssyncadd.s32 $0xFFFFF800  }
0xb4: {  	[spmem:s14] =	stream.linear.scatter [tilespmem:s23], [sflag:$0x2], $0x800, $0x200038;
	[tilespmem:$0x1F000] =	vst v63  }
0xb5: {  	_ =	swait.ge [sflag:s24], $0x800  }
0xb6: {  	[sflag:s24] =	ssyncset.done $0x0  }
0xb7: {  	[sflag:s24] =	ssyncadd.s32 $0xFFFFF800  }
0xb8: {  	[spmem:s15] =	stream.linear.scatter [tilespmem:s23], [sflag:$0x2], $0x800, $0x200038;
	[tilespmem:$0x1F000] =	vst v63  }
0xb9: {  	_ =	swait.ge [sflag:s24], $0x800  }
0xba: {  	[sflag:s24] =	ssyncset.done $0x0  }
0xbb: {  	[sflag:s24] =	ssyncadd.s32 $0xFFFFF800  }
0xbc: {  	[spmem:s16] =	stream.linear.scatter [tilespmem:s23], [sflag:$0x2], $0x800, $0x200038;
	[tilespmem:$0x1F000] =	vst v63  }
0xbd: {  	_ =	swait.ge [sflag:s24], $0x800  }
0xbe: {  	[sflag:s24] =	ssyncset.done $0x0  }
0xbf: {  	[sflag:s24] =	ssyncadd.s32 $0xFFFFF800  }
0xc0: {  	[spmem:s17] =	stream.linear.scatter [tilespmem:s23], [sflag:$0x2], $0x800, $0x200038;
	[tilespmem:$0x1F000] =	vst v63  }
0xc1: {  	_ =	swait.ge [sflag:s24], $0x800  }
0xc2: {  	[sflag:s24] =	ssyncset.done $0x0  }
0xc3: {  	[sflag:s24] =	ssyncadd.s32 $0xFFFFF800  }
0xc4: {  	[spmem:s18] =	stream.linear.scatter [tilespmem:s23], [sflag:$0x2], $0x800, $0x200038;
	[tilespmem:$0x1F000] =	vst v63  }
0xc5: {  	_ =	swait.ge [sflag:s24], $0x800  }
0xc6: {  	[sflag:s24] =	ssyncset.done $0x0  }
0xc7: {  	[sflag:s24] =	ssyncadd.s32 $0xFFFFF800  }
0xc8: {  	[spmem:s19] =	stream.linear.scatter [tilespmem:s23], [sflag:$0x2], $0x800, $0x200038;
	[tilespmem:$0x1F000] =	vst v63  }
0xc9: {  	_ =	swait.ge [sflag:s24], $0x800  }
0xca: {  	[sflag:s24] =	ssyncset.done $0x0  }
0xcb: {  	[sflag:s24] =	ssyncadd.s32 $0xFFFFF800  }
0xcc: {  	[spmem:s20] =	stream.linear.scatter [tilespmem:s23], [sflag:$0x2], $0x800, $0x200038;
	[tilespmem:$0x1F000] =	vst v63  }
0xcd: {  	_ =	swait.ge [sflag:s24], $0x800  }
0xce: {  	[sflag:s24] =	ssyncset.done $0x0  }
0xcf: {  	[sflag:s24] =	ssyncadd.s32 $0xFFFFF800  }
0xd0: {  	[spmem:s21] =	stream.linear.scatter [tilespmem:s23], [sflag:$0x2], $0x800, $0x200038;
	[tilespmem:$0x1F000] =	vst v63  }
0xd1: {  	_ =	swait.ge [sflag:s24], $0x800  }
0xd2: {  	[sflag:s24] =	ssyncset.done $0x0  }
0xd3: {  	[sflag:s24] =	ssyncadd.s32 $0xFFFFF800  }
0xd4: {  	[spmem:s22] =	stream.linear.scatter [tilespmem:s23], [sflag:$0x2], $0x800, $0x200038;
	[tilespmem:$0x1F000] =	vst v63  }
0xd5: {  	_ =	swait.ge [sflag:s24], $0x800  }
0xd6: {  	[sflag:s24] =	ssyncset.done $0x0  }
0xd7: {  	[sflag:s24] =	ssyncadd.s32 $0xFFFFF800  }
0xd8: {  	_ =	strace $0x90000054  }
0xd9: {  	[bflag:$0x0] =	sbarrier.arrive $0xFFFF  }
0xda: {  	_ =	strace $0x80000055  }
0xdb: {  	s2 =	simm.s32 $0x0;
	s3 =	rddreg [dreg:$0x12]  }
0xdc: {  	[tilespmem:s25], [sflag:$0x2] =	stream.linear.gather [hbm4b:s3+s2], $0x3400, $0x200038;
	[tilespmem:$0x1F000] =	vst v63  }
0xdd: {  	_ =	swait.ge [sflag:s24], $0x3400  }
0xde: {  	[sflag:s24] =	ssyncset.done $0x0  }
0xdf: {  	s0 =	simm.s32 $0x17400;
	s3 =	rddreg [dreg:$0x13];
	[sflag:s24] =	ssyncadd.s32 $0xFFFFCC00  }
0xe0: {  	[tilespmem:s0], [sflag:$0x2] =	stream.linear.gather [hbm4b:s3+s2], $0x3400, $0x200038;
	[tilespmem:$0x1F000] =	vst v63  }
0xe1: {  	_ =	swait.ge [sflag:s24], $0x3400  }
0xe2: {  	[sflag:s24] =	ssyncset.done $0x0  }
0xe3: {  	[sflag:s24] =	ssyncadd.s32 $0xFFFFCC00  }
0xe4: {  	[tilespmem:s28], [sflag:$0x1] =	stream.indirect.gather [hbm4b:s4+s26], $0x80, s25, s26, $0x2000b8;
	[tilespmem:$0x1F000] =	vst v63  }
0xe5: {  	_ =	swait.ge [sflag:s29], $0x4000  }
0xe6: {  	p0 =	sne.s32 s5, $0x2;
	[sflag:s29] =	ssyncset.done $0x0  }
.Ltmp1:
0xe7: {  	[sflag:s29] =	ssyncadd.s32 $0xFFFFC000;
	(pc) =	sbr.rel @!p0 .LBB2_5-.Ltmp1, $4  }
0xe8: {  	[spmem:s1] =	stream.indirect.scatter.add.f32 [tilespmem:s28], [sflag:$0x2], $0x80, s0, s26, $0x2000b8;
	[tilespmem:$0x1F000] =	vst v63  }
0xe9: {  	_ =	swait.ge [sflag:s24], $0x4000  }
0xea: {  	s31 =	simm.s32 $0x17480;
	s2 =	simm.s32 $0x14080;
	[sflag:s24] =	ssyncset.done $0x0  }
0xeb: {  	s3 =	simm.s32 $0x14100;
	s0 =	simm.s32 $0x2;
	[sflag:s24] =	ssyncadd.s32 $0xFFFFC000  }
.LBB2_4:
0xec: {  	[tilespmem:s28], [sflag:$0x1] =	stream.indirect.gather [hbm4b:s4+s26], $0x80, s2, s26, $0x2000b8;
	[tilespmem:$0x1F000] =	vst v63  }
0xed: {  	s0 =	sadd.s32 $0x1, s0;
	s2 =	smov.u32 s3;
	_ =	swait.ge [sflag:s29], $0x4000  }
0xee: {  	p0 =	sne.s32 s5, s0;
	[sflag:s29] =	ssyncset.done $0x0  }
.Ltmp2:
0xef: {  	[sflag:s29] =	ssyncadd.s32 $0xFFFFC000;
	(pc) =	sbr.rel @p0 .LBB2_4-.Ltmp2, $4  }
0xf0: {  	[spmem:s1] =	stream.indirect.scatter.add.f32 [tilespmem:s28], [sflag:$0x2], $0x80, s31, s26, $0x2000b8;
	[tilespmem:$0x1F000] =	vst v63  }
0xf1: {  	_ =	swait.ge [sflag:s24], $0x4000  }
0xf2: {  	[sflag:s24] =	ssyncset.done $0x0  }
0xf3: {  	s3 =	sadd.s32 $0x80, s3;
	s31 =	sadd.s32 $0x80, s31;
	[sflag:s24] =	ssyncadd.s32 $0xFFFFC000  }
.LBB2_5:
0xf4: {  	[tilespmem:s28], [sflag:$0x1] =	stream.indirect.gather [hbm4b:s4+s26], $0x80, s2, s26, $0x2000b8;
	[tilespmem:$0x1F000] =	vst v63  }
0xf5: {  	_ =	swait.ge [sflag:s29], $0x4000  }
0xf6: {  	[sflag:s29] =	ssyncset.done $0x0  }
0xf7: {  	[sflag:s29] =	ssyncadd.s32 $0xFFFFC000  }
0xf8: {  	[spmem:s1] =	stream.indirect.scatter.add.f32 [tilespmem:s28], [sflag:$0x2], $0x80, s31, s26, $0x2000b8;
	[tilespmem:$0x1F000] =	vst v63  }
0xf9: {  	_ =	swait.ge [sflag:s24], $0x4000  }
0xfa: {  	[sflag:s24] =	ssyncset.done $0x0  }
0xfb: {  	[sflag:s24] =	ssyncadd.s32 $0xFFFFC000  }
0xfc: {  	_ =	strace $0x90000055  }
0xfd: {  	s0 =	stileid.u32;
	[bflag:$0x0] =	sbarrier.arrive $0xFFFF  }
0xfe: {  	s0 =	sshll.u32 s0, $0x6;
	_ =	strace $0x80000056  }
0xff: {  	s0 =	sor.u32 $0x1C02, s0;
	s31 =	sshrl.u32 s6, $0x3;
	s3 =	rddreg [dreg:$0x14]  }
0x100: {  	[hbm:s3], [sflag:s0] =	dma.local [spmem:s31], $0x2800  }
0x101: {  	_ =	swait.ge [sflag:s24], $0x2800  }
0x102: {  	s30 =	sadd.s32 $0x1, s30;
	s31 =	rddreg [dreg:$0x15]  }
0x103: {  	p0 =	sne.s32 s30, s31  }
.Ltmp3:
0x104: {  	_ = 	snop;
	(pc) =	sbr.rel @p0 .LBB2_1-.Ltmp3, $4  }
0x105: {  	_ = 	snop  }
0x106: {  	[sflag:s24] =	ssyncset.done $0x0  }
0x107: {  	[sflag:s24] =	ssyncadd.s32 $0xFFFFD800  }
0x108: {  	_ =	strace $0x90000056  }
0x109: {  	_ =	sfence.sel $0x180000  }
0x10a: {  	[bflag:$0x0] =	sbarrier.arrive $0xFFFF  }
0x10b: {  	_ =	strace $0x90000053  }
0x10c: {  	s0 =	stileid.u32;
	[bflag:$0x2] =	sbarrier.arrive $0xFFFF  }
0x10d: {  	p0 =	sne.s32 s0, $0x0;
	s0 =	rddreg [dreg:$0x2]  }
0x10e: {  	s0 =	sadd.s32 @!p0 $0x100000, s0  }
0x10f: {  	[sflag:s0] =	ssyncadd.tile.s32 @!p0 $0x1;
	_ =	shalt  }
.Lfunc_end2:
_tile_overlayer_lowered:
.L_overlay_start_2:
0x110: {  	(tag) =	ssettag $0x2  }
0x111: {  	s0 =	rddreg [dreg:$0x0];
	s2 =	stileid.u32  }
0x112: {  	s1 =	rddreg [dreg:$0x1];
	p0 =	sne.s32 s2, $0x0  }
0x113: {  	s3 =	rddreg [dreg:$0x2];
	[bflag:$0x3] =	sbarrier.arrive $0xFFFF;
	s2 =	simm.s32 @!p0 $0x1C02  }
0x114: {  	[timem:s3], [sflag:s2] =	dma.local @!p0 [hbm:s0], s1  }
0x115: {  	s0 =	simm.s32 @!p0 $0x2  }
0x116: {  	_ =	swait.ge @!p0 [sflag:s0], s1  }
0x117: {  	s1 =	ssub.s32 @!p0 $0x0, s1;
	[sflag:s0] =	ssyncset.done @!p0 $0x0  }
0x118: {  	[sflag:s0] =	ssyncadd.s32 @!p0 s1  }
0x119: {  	[bflag:$0x3] =	sbarrier.arrive $0xFFFF  }
0x11a: {  	_ =	shalt  }

// kernel: kernel.8.cloned.1.call-start
scs
__scs_entry_jumppad:
0x0: {  	(pc) =	sbr.rel $0x88, $3  }
0x1: {  	(tag) =	ssettag $0x0;
	lr =	simm.s32 $0x1  }
0x2: {  	[smem:$0x3F8A] =	sst lr;
	_ =	strace $0xD0000000  }
0x3: {  	_ = 	snop  }
0x4: {  	_ = 	snop  }
0x5: {  	_ = 	snop  }
0x6: {  	_ = 	snop  }
0x7: {  	_ = 	snop  }
__scs_overlays_trampoline_lowered:
0x8: {  	[smem:$0x3F99] =	sst s0  }
0x9: {  	[smem:$0x3F9A] =	sst s1  }
0xa: {  	[smem:$0x3F9B] =	sst s2  }
0xb: {  	[smem:$0x3F9C] =	sst s3  }
0xc: {  	[smem:$0x3F9D] =	sst s4  }
0xd: {  	[smem:$0x3F9E] =	sst s5  }
0xe: {  	[smem:$0x3F9F] =	sst s6  }
0xf: {  	[smem:$0x3FA0] =	sst s7  }
0x10: {  	[smem:$0x3FA1] =	sst s8  }
0x11: {  	[smem:$0x3FA2] =	sst s9;
	s0 =	simm.s32 @!p0 $0x0  }
0x12: {  	s1 =	sld [smem:$0x3F88];
	s0 =	simm.s32 @p0 $0x1  }
0x13: {  	[smem:$0x3FA3] =	sst s0;
	s0 =	simm.s32 @!p1 $0x0  }
0x14: {  	s2 =	sld [smem:$0x3F87];
	s0 =	simm.s32 @p1 $0x1  }
0x15: {  	[smem:$0x3FA4] =	sst s0;
	s0 =	simm.s32 @!p2 $0x0  }
0x16: {  	s3 =	sld [smem:$0x3FDB];
	s0 =	simm.s32 @p2 $0x1  }
0x17: {  	s4 =	simm.s32 $0x1BF5;
	[smem:$0x3FA6] =	sst s0  }
0x18: {  	s0 =	sld [smem:$0x3F89];
	_ =	swait.ge [sflag:s4], $0x0  }
0x19: {  	s7 =	sld [smem:$0x3F8A]  }
0x1a: {  	s8 =	sadd.s32 $0xFFFFE003, lr  }
0x1b: {  	s9 =	sadd.s32 $0xFFFFFEF7, lr;
	s5 =	simm.s32 $0xFFFFFFFF;
	p2 =	slt.u32 s8, $0xFFFFF086  }
0x1c: {  	p1 =	slt.u32 s9, $0xF7A;
	s5 =	simm.s32 @!p2 $0x0  }
0x1d: {  	s5 =	simm.s32 @p1 $0x1;
	p0 =	seq.s32 s7, s2  }
0x1e: {  	s7 =	smul.u32 @!p0 $0xF7A, s2;
	p2 =	seq.s32 @!p0 s5, $0x0  }
0x1f: {  	s9 =	smul.u32 $0xF7A, s1;
	s8 =	simm.s32 @!p0 $0x1BF5;
	p2 =	por !p2, p0  }
0x20: {  	[sflag:s8] =	ssyncset.s32 @!p0 $0xFFFFF086;
	s6 =	sadd.s32 @!p0 s3, s7;
	s7 =	simm.s32 @!p0 $0x108  }
0x21: {  	s3 =	sadd.s32 s3, s9;
	s6 =	sadd.s32 @!p0 $0x88, s6;
	s7 =	simm.s32 @p2 $0x1082  }
0x22: {  	[simem:s7], [sflag:s8] =	dma.local @!p0 [hbm:s6], $0xF7A  }
0x23: {  	s9 =	sor.u32 $0xD0000000, s2;
	s6 =	simm.s32 $0x108;
	_ =	swait.ge @!p0 [sflag:s8], $0x0  }
0x24: {  	s3 =	sadd.s32 $0x88, s3;
	s6 =	simm.s32 @!p1 $0x1082;
	[sflag:s4] =	ssyncset.s32 $0xFFFFF086  }
0x25: {  	[simem:s6], [sflag:s4] =	dma.local [hbm:s3], $0xF7A  }
0x26: {  	[smem:$0x3F8A] =	sst s1;
	(tag) =	ssettag s2;
	_ =	strace s9  }
0x27: {  	s1 =	sld [smem:$0x3F9A]  }
0x28: {  	s2 =	sld [smem:$0x3F9B]  }
0x29: {  	s4 =	sld [smem:$0x3F9D]  }
0x2a: {  	p0 =	seq.s32 s5, $0x0;
	s5 =	sld [smem:$0x3F9E]  }
0x2b: {  	s6 =	sld [smem:$0x3F9F]  }
0x2c: {  	s7 =	sld [smem:$0x3FA0]  }
0x2d: {  	s3 =	simm.s32 $0x108;
	s8 =	sld [smem:$0x3FA1]  }
0x2e: {  	s3 =	simm.s32 @!p0 $0x1082;
	s9 =	sld [smem:$0x3FA2]  }
0x2f: {  	lr =	sadd.s32 s0, s3;
	s0 =	sld [smem:$0x3F99]  }
0x30: {  	s3 =	sld [smem:$0x3F9C]  }
0x31: {  	[smem:$0x3FA5] =	sst s10  }
0x32: {  	s10 =	sld [smem:$0x3FA3];
	_ =	sdelay $0x3  }
0x33: {  	p0 =	seq.s32 s10, $0x1;
	s10 =	sld [smem:$0x3FA5];
	_ =	sdelay $0x3  }
0x34: {  	[smem:$0x3FA5] =	sst s10  }
0x35: {  	s10 =	sld [smem:$0x3FA4];
	_ =	sdelay $0x3  }
0x36: {  	p1 =	seq.s32 s10, $0x1;
	s10 =	sld [smem:$0x3FA5];
	_ =	sdelay $0x3  }
0x37: {  	[smem:$0x3FA5] =	sst s10  }
0x38: {  	s10 =	sld [smem:$0x3FA6]  }
0x39: {  	_ = 	snop;
	(pc) =	sbr.ind lr, $3  }
0x3a: {  	_ = 	snop  }
0x3b: {  	_ = 	snop  }
0x3c: {  	p2 =	seq.s32 s10, $0x1;
	s10 =	sld [smem:$0x3FA5]  }
0x3d: {  	_ =	shalt  }
0x3e: {  	_ =	shalt  }
0x3f: {  	_ =	shalt  }
0x40: {  	_ =	shalt  }
0x41: {  	_ =	shalt  }
0x42: {  	_ =	shalt  }
0x43: {  	_ =	shalt  }
0x44: {  	_ =	shalt  }
0x45: {  	_ =	shalt  }
0x46: {  	_ =	shalt  }
0x47: {  	_ =	shalt  }
0x48: {  	_ =	shalt  }
0x49: {  	_ =	shalt  }
0x4a: {  	_ =	shalt  }
0x4b: {  	_ =	shalt  }
0x4c: {  	_ =	shalt  }
0x4d: {  	_ =	shalt  }
0x4e: {  	_ =	shalt  }
0x4f: {  	_ =	shalt  }
0x50: {  	_ =	shalt  }
0x51: {  	_ =	shalt  }
0x52: {  	_ =	shalt  }
0x53: {  	_ =	shalt  }
0x54: {  	_ =	shalt  }
0x55: {  	_ =	shalt  }
0x56: {  	_ =	shalt  }
0x57: {  	_ =	shalt  }
0x58: {  	_ =	shalt  }
0x59: {  	_ =	shalt  }
0x5a: {  	_ =	shalt  }
0x5b: {  	_ =	shalt  }
0x5c: {  	_ =	shalt  }
0x5d: {  	_ =	shalt  }
0x5e: {  	_ =	shalt  }
0x5f: {  	_ =	shalt  }
0x60: {  	_ =	shalt  }
0x61: {  	_ =	shalt  }
0x62: {  	_ =	shalt  }
0x63: {  	_ =	shalt  }
0x64: {  	_ =	shalt  }
0x65: {  	_ =	shalt  }
0x66: {  	_ =	shalt  }
0x67: {  	_ =	shalt  }
0x68: {  	_ =	shalt  }
0x69: {  	_ =	shalt  }
0x6a: {  	_ =	shalt  }
0x6b: {  	_ =	shalt  }
0x6c: {  	_ =	shalt  }
0x6d: {  	_ =	shalt  }
0x6e: {  	_ =	shalt  }
0x6f: {  	_ =	shalt  }
0x70: {  	_ =	shalt  }
0x71: {  	_ =	shalt  }
0x72: {  	_ =	shalt  }
0x73: {  	_ =	shalt  }
0x74: {  	_ =	shalt  }
0x75: {  	_ =	shalt  }
0x76: {  	_ =	shalt  }
0x77: {  	_ =	shalt  }
0x78: {  	_ =	shalt  }
0x79: {  	_ =	shalt  }
0x7a: {  	_ =	shalt  }
0x7b: {  	_ =	shalt  }
0x7c: {  	_ =	shalt  }
0x7d: {  	_ =	shalt  }
0x7e: {  	_ =	shalt  }
0x7f: {  	_ =	shalt  }
0x80: {  	_ =	shalt  }
0x81: {  	_ =	shalt  }
0x82: {  	_ =	shalt  }
0x83: {  	_ =	shalt  }
0x84: {  	_ =	shalt  }
0x85: {  	_ =	shalt  }
0x86: {  	_ =	shalt  }
0x87: {  	_ =	shalt  }
.Lfunc_end0:
.L_simem_size_0:
called_computation_lowered:
.L_overlay_start_0:
0x88: {  	s2 =	sld [smem:$0x3FD9]  }
0x89: {  	s3 =	sld [smem:$0x3FFE];
	_ =	sdelay $0x1  }
0x8a: {  	s1 =	srdreg.scid  }
0x8b: {  	s0 =	sand.u32 $0x1, s1  }
0x8c: {  	s16 =	sshll.u32 s0, $0xA;
	s2 =	sadd.s32 s3, s2  }
0x8d: {  	s2 =	sadd.s32 s2, s16  }
0x8e: {  	[smem:$0x3FB1] =	sst s2  }
0x8f: {  	_ = 	snop  }
0x90: {  	(tm) =	ssettm $0x1  }
0x91: {  	s17 =	sld [smem:$0x3FFB];
	_ =	sdelay $0x3  }
0x92: {  	_ =	strace s17  }
0x93: {  	s2 =	sld [smem:$0x3FFC];
	_ =	sdelay $0x3  }
0x94: {  	_ =	strace s2  }
0x95: {  	s2 =	sld [smem:$0x3FFD];
	_ =	sdelay $0x3  }
0x96: {  	_ =	strace s2  }
0x97: {  	_ =	strace $0x8FFFFFFF  }
0x98: {  	s18 =	sld [smem:$0x3FDB];
	_ =	sdelay $0x1  }
0x99: {  	s19 =	simm.s32 $_scs_section_size  }
0x9a: {  	s4 =	simm.s32 $_size__tile_overlayer_lowered;
	s5 =	simm.s32 $_tile_overlayer_lowered  }
0x9b: {  	s22 =	simm.s32 $0x1BFF;
	s21 =	sshll.u32 s5, $0x1;
	s2 =	sadd.s32 s19, s18  }
0x9c: {  	s6 =	simm.s32 $0x0;
	s20 =	sshll.u32 s4, $0x1;
	s4 =	sadd.s32 s21, s2  }
0x9d: {  	[timem:s6], [sflag:s22] =	dma.local [hbm:s4], s20  }
0x9e: {  	_ =	swait.ge [sflag:s22], s20  }
0x9f: {  	s3 =	ssub.s32 $0x0, s20;
	[sflag:s22] =	ssyncset.done $0x0  }
0xa0: {  	[sflag:s22] =	ssyncadd.s32 s3;
	_ =	sdelay $0x1  }
0xa1: {  	s23 =	simm.s32 $0x1B8B  }
0xa2: {  	_ =	swait.ge [sflag:s23], $0x1  }
0xa3: {  	[sflag:s23] =	ssyncset.done $0x0  }
0xa4: {  	s25 =	simm.s32 $0x1B8E;
	s24 =	sld [smem:$0x3FFE];
	[sflag:s23] =	ssyncadd.s32 $0xFFFFFFFF  }
0xa5: {  	s26 =	simm.s32 $execute0_lowered;
	[smem:$0x3FD2] =	sst s25  }
0xa6: {  	s4 =	sshll.u32 s26, $0x1;
	_ =	strace $0x80000046;
	[dreg:$0x1] =	wrdreg $0xFFFFFFFF  }
0xa7: {  	s28 =	simm.s32 $_size_execute0_lowered;
	s2 =	sadd.s32 s2, s4;
	[dreg:$0x0] =	wrdreg $0x0  }
0xa8: {  	s4 =	sshll.u32 s28, $0x1;
	[dreg:$0x2] =	wrdreg s2  }
0xa9: {  	[dreg:$0x3] =	wrdreg s4  }
0xaa: {  	[dreg:$0x4] =	wrdreg $0xC0  }
0xab: {  	_ =	task [dreg:s6], $0x5FFFF  }
0xac: {  	[dreg:$0x1] =	wrdreg $0xFFFFFFFF  }
0xad: {  	[dreg:$0x0] =	wrdreg $0x60  }
0xae: {  	[dreg:$0x2] =	wrdreg s24  }
0xaf: {  	[dreg:$0x3] =	wrdreg $0x0  }
0xb0: {  	[dreg:$0x4] =	wrdreg $0x1F0000  }
0xb1: {  	[dreg:$0x5] =	wrdreg $0x9  }
0xb2: {  	_ =	task.clear_ibuf [dreg:s6], $0x6FFFF;
	_ =	strace $0x90000046  }
0xb3: {  	s29 =	simm.s32 $0x9;
	_ =	strace $0x8000004B  }
0xb4: {  	_ =	swait.ge [sflag:s29], $0x1  }
0xb5: {  	[sflag:s29] =	ssyncadd.s32 $0xFFFFFFFF  }
0xb6: {  	_ =	strace $0x9000004B  }
0xb7: {  	_ =	sfence  }
0xb8: {  	s30 =	sld [smem:$0x0];
	_ =	sdelay $0x2  }
0xb9: {  	s31 =	sshll.u32 s1, $0xD;
	s1 =	sshrl.u32 s1, $0x2  }
0xba: {  	s3 =	sand.u32 $0x4000, s31;
	s1 =	sadd.s32 s1, s30  }
0xbb: {  	s0 =	sor.u32 s3, s0;
	s1 =	sshll.u32 s1, $0x11  }
0xbc: {  	s0 =	sor.u32 s1, s0  }
0xbd: {  	s0 =	sadd.s32 $0x8F2B, s0  }
0xbe: {  	[sflag:s0] =	ssyncadd.remote.s32 $0x1  }
0xbf: {  	_ =	sfence.sel $0xFFFF  }
0xc0: {  	[dreg:$0x0] =	wrdreg $0xFFFFFFFF;
	(pc) =	sbr.abs _section_cstart, $3  }
0xc1: {  	[dreg:$0x1] =	wrdreg $0xFFFFFFFF  }
0xc2: {  	_ =	task.clear_ibuf [dreg:s6], $0x2FFFF;
	_ =	strace $0x9FFFFFFF  }
0xc3: {  	(tm) =	ssettm $0x7FFFFFFF  }
tec
execute0_lowered:
.L_overlay_start_1:
0x0: {  	(tag) =	ssettag $0x1  }
0x1: {  	s0 =	srdreg.scid;
	s4 =	rddreg [dreg:$0x0]  }
0x2: {  	s10 =	stileid.u32;
	s2 =	rddreg [dreg:$0x1]  }
0x3: {  	s3 =	rddreg [dreg:$0x2];
	s6 =	smul.u32 $0x14000, s10  }
0x4: {  	s7 =	simm.s32 $0x0;
	s0 =	sand.u32 $0x1, s0;
	s8 =	smul.u32 $0x280, s10  }
0x5: {  	[smem:$0x7FF] =	sst s7;
	s1 =	sshll.u32 s0, $0x4;
	s5 =	smul.u32 $0x140000, s0  }
0x6: {  	_ =	strace $0x80000047;
	s21 =	smul.u32 $0x2800, s0;
	s9 =	ssub.s32 $0x2, s0  }
0x7: {  	p0 =	seq.s32 s0, $0x0;
	s1 =	sor.u32 s10, s1;
	s10 =	smul.u32 $0x50000, s10  }
0x8: {  	s23 =	sshrl.u32 s9, $0x1;
	s26 =	sadd.s32 $0x80, s8;
	s18 =	sadd.s32 $0x100, s8  }
0x9: {  	s13 =	sadd.s32 $0x180, s8;
	s14 =	sadd.s32 $0x200, s8;
	s1 =	smul.u32 $0x680, s1  }
0xa: {  	s6 =	sadd.s32 s6, s5;
	s5 =	sadd.s32 $0x1E600, s4;
	s7 =	sadd.s32 s8, s21  }
0xb: {  	s9 =	ssub.s32 s9, s23;
	s17 =	sshll.u32 s26, $0x7;
	s0 =	sadd.s32 s26, s3  }
0xc: {  	s23 =	sadd.s32 s13, s3;
	s6 =	sshrl.u32 s6, $0x3;
	s22 =	sshrl.u32 s7, $0x3  }
0xd: {  	s24 =	sshrl.u32 s10, $0x2;
	s10 =	sadd.s32 s17, s2;
	[dreg:$0xc] =	wrdreg s0  }
0xe: {  	[dreg:$0xe] =	wrdreg s23;
	s1 =	sadd.s32 s1, s4;
	s11 =	sadd.s32 s6, s4  }
0xf: {  	s4 =	sadd.s32 s22, s4;
	[dreg:$0x8] =	wrdreg s10;
	s22 =	sadd.s32 s18, s3  }
0x10: {  	s7 =	sadd.s32 s24, s2;
	s24 =	sadd.s32 s14, s3;
	[dreg:$0xd] =	wrdreg s22  }
0x11: {  	s25 =	sadd.s32 $0x800, s7;
	[dreg:$0xf] =	wrdreg s24  }
0x12: {  	s15 =	sadd.s32 $0x1000, s7;
	[dreg:$0x4] =	wrdreg s25  }
0x13: {  	s16 =	sadd.s32 $0x1800, s7;
	[dreg:$0x5] =	wrdreg s15  }
0x14: {  	s19 =	sshll.u32 s18, $0x7;
	s12 =	sadd.s32 $0x2000, s7;
	[dreg:$0x6] =	wrdreg s16  }
0x15: {  	s20 =	sshll.u32 s13, $0x7;
	s26 =	sadd.s32 $0x11600, s1;
	[dreg:$0x7] =	wrdreg s12  }
0x16: {  	s0 =	simm.s32 $0x1E800;
	s4 =	sadd.s32 $0x46600, s4;
	[dreg:$0x11] =	wrdreg s26  }
0x17: {  	s6 =	simm.s32 $0x35;
	s10 =	sadd.s32 $0x3000, s7;
	[dreg:$0x13] =	wrdreg s4  }
0x18: {  	s6 =	simm.s32 @!p0 $0x68;
	s13 =	sadd.s32 $0x5000, s7;
	[dreg:$0x16] =	wrdreg s10  }
0x19: {  	s17 =	sadd.s32 $0x6800, s7;
	s18 =	sadd.s32 $0x7000, s7;
	[dreg:$0x19] =	wrdreg s13  }
0x1a: {  	s22 =	sadd.s32 $0x9800, s7;
	s23 =	sadd.s32 $0xA000, s7;
	[dreg:$0x1c] =	wrdreg s17  }
0x1b: {  	s24 =	sadd.s32 $0xA800, s7;
	s28 =	sadd.s32 $0x11800, s7;
	[dreg:$0x1d] =	wrdreg s18  }
0x1c: {  	s29 =	sadd.s32 $0x12000, s7;
	s30 =	sadd.s32 $0x12800, s7;
	[smem:$0x7F9] =	sst s22  }
0x1d: {  	s31 =	sadd.s32 $0x13000, s7;
	s12 =	sadd.s32 s19, s2;
	[smem:$0x7FA] =	sst s23  }
0x1e: {  	s15 =	sshll.u32 s14, $0x7;
	s16 =	sadd.s32 s8, s3;
	[smem:$0x7FB] =	sst s24  }
0x1f: {  	s25 =	sadd.s32 $0x4600, s1;
	s1 =	sadd.s32 $0x47000, s11;
	[dreg:$0x9] =	wrdreg s12  }
0x20: {  	s8 =	smax.u32 s9, $0x1;
	s9 =	sadd.s32 $0x2800, s7;
	[dreg:$0x10] =	wrdreg s25  }
0x21: {  	s11 =	sadd.s32 $0x3800, s7;
	s14 =	sadd.s32 $0x5800, s7;
	[dreg:$0x12] =	wrdreg s1  }
0x22: {  	s19 =	sadd.s32 $0x7800, s7;
	s26 =	sadd.s32 $0xB800, s7;
	[dreg:$0x14] =	wrdreg s8  }
0x23: {  	s18 =	sadd.s32 $0xC800, s7;
	s22 =	sadd.s32 $0xE800, s7;
	[dreg:$0x15] =	wrdreg s9  }
0x24: {  	s23 =	sadd.s32 $0xF000, s7;
	s24 =	sadd.s32 $0xF800, s7;
	[dreg:$0x17] =	wrdreg s11  }
0x25: {  	s4 =	simm.s32 $0x2;
	s10 =	simm.s32 $0x1A800;
	[dreg:$0x1a] =	wrdreg s14  }
0x26: {  	s13 =	simm.s32 $0x0;
	s12 =	sadd.s32 s20, s2;
	[dreg:$0x1e] =	wrdreg s19  }
0x27: {  	s21 =	sadd.s32 s15, s2;
	s15 =	sadd.s32 $0x6000, s7;
	[smem:$0x7FD] =	sst s26  }
0x28: {  	s20 =	sadd.s32 $0x8800, s7;
	s25 =	sadd.s32 $0xB000, s7;
	[dreg:$0xa] =	wrdreg s12  }
0x29: {  	s19 =	sadd.s32 $0xD000, s7;
	s26 =	sadd.s32 $0x11000, s7;
	[dreg:$0xb] =	wrdreg s21  }
0x2a: {  	s1 =	sadd.s32 $0x13800, s7;
	s8 =	simm.s32 $0x14000;
	[dreg:$0x1b] =	wrdreg s15  }
0x2b: {  	s9 =	simm.s32 $0x80;
	s11 =	simm.s32 $0x1;
	[dreg:$0x1f] =	wrdreg s20  }
0x2c: {  	s12 =	sadd.s32 $0x4800, s7;
	s21 =	sadd.s32 $0x9000, s7;
	[smem:$0x7FC] =	sst s25  }
0x2d: {  	s20 =	sadd.s32 $0xD800, s7;
	s25 =	sadd.s32 $0x10800, s7;
	[dreg:$0x18] =	wrdreg s12  }
0x2e: {  	v0 =	vimm.f32 $0.0e+00;
	v1 =	vimm.f32 $1.000000000e+00;
	[smem:$0x7F8] =	sst s21;
	s21 =	sadd.s32 $0xE000, s7;
	s12 =	simm.s32 $0x1F280  }
.LBB2_1:
0x2f: {  	_ =	strace $0x80000048;
	s14 =	simm.s32 $0x0;
	s15 =	simm.s32 $0x200  }
.LBB2_2:
0x30: {  	p0 =	sne.s32 s15, $0x1E00;
	[tilespmem:s14+$0x1E870] =	vst v0  }
0x31: {  	[tilespmem:s14+$0x1E800] =	vst v0  }
0x32: {  	[tilespmem:s14+$0x1E810] =	vst v0  }
.Ltmp0:
0x33: {  	[tilespmem:s14+$0x1E820] =	vst v0;
	(pc) =	sbr.rel @p0 .LBB2_2-.Ltmp0, $4  }
0x34: {  	[tilespmem:s14+$0x1E830] =	vst v0  }
0x35: {  	[tilespmem:s14+$0x1E840] =	vst v0  }
0x36: {  	[tilespmem:s14+$0x1E850] =	vst v0  }
0x37: {  	[tilespmem:s14+$0x1E860] =	vst v0;
	s14 =	sshra.s32 s15, $0x2;
	s15 =	sadd.s32 $0x200, s15  }
0x38: {  	[tilespmem:s14+$0x1E870] =	vst v0  }
0x39: {  	[tilespmem:s14+$0x1E800] =	vst v0  }
0x3a: {  	[tilespmem:s14+$0x1E810] =	vst v0  }
0x3b: {  	[tilespmem:s14+$0x1E820] =	vst v0  }
0x3c: {  	[tilespmem:s14+$0x1E830] =	vst v0  }
0x3d: {  	[tilespmem:s14+$0x1E840] =	vst v0  }
0x3e: {  	[tilespmem:s14+$0x1E850] =	vst v0  }
0x3f: {  	[tilespmem:s14+$0x1E860] =	vst v0  }
0x40: {  	[spmem:s7] =	stream.linear.scatter [tilespmem:s0], [sflag:$0x2], $0x800, $0x200038;
	[tilespmem:$0x1F300] =	vst v63  }
0x41: {  	_ =	swait.ge [sflag:s4], $0x800  }
0x42: {  	[sflag:s4] =	ssyncset.done $0x0  }
0x43: {  	s15 =	rddreg [dreg:$0x4];
	[sflag:s4] =	ssyncadd.s32 $0xFFFFF800  }
0x44: {  	[spmem:s15] =	stream.linear.scatter [tilespmem:s0], [sflag:$0x2], $0x800, $0x200038;
	[tilespmem:$0x1F300] =	vst v63  }
0x45: {  	_ =	swait.ge [sflag:s4], $0x800  }
0x46: {  	[sflag:s4] =	ssyncset.done $0x0  }
0x47: {  	s17 =	rddreg [dreg:$0x5];
	[sflag:s4] =	ssyncadd.s32 $0xFFFFF800  }
0x48: {  	[spmem:s17] =	stream.linear.scatter [tilespmem:s0], [sflag:$0x2], $0x800, $0x200038;
	[tilespmem:$0x1F300] =	vst v63  }
0x49: {  	_ =	swait.ge [sflag:s4], $0x800  }
0x4a: {  	[sflag:s4] =	ssyncset.done $0x0  }
0x4b: {  	s15 =	rddreg [dreg:$0x6];
	[sflag:s4] =	ssyncadd.s32 $0xFFFFF800  }
0x4c: {  	[spmem:s15] =	stream.linear.scatter [tilespmem:s0], [sflag:$0x2], $0x800, $0x200038;
	[tilespmem:$0x1F300] =	vst v63  }
0x4d: {  	_ =	swait.ge [sflag:s4], $0x800  }
0x4e: {  	[sflag:s4] =	ssyncset.done $0x0  }
0x4f: {  	s17 =	rddreg [dreg:$0x7];
	[sflag:s4] =	ssyncadd.s32 $0xFFFFF800  }
0x50: {  	[spmem:s17] =	stream.linear.scatter [tilespmem:s0], [sflag:$0x2], $0x800, $0x200038;
	[tilespmem:$0x1F300] =	vst v63  }
0x51: {  	_ =	swait.ge [sflag:s4], $0x800  }
0x52: {  	[sflag:s4] =	ssyncset.done $0x0  }
0x53: {  	s15 =	rddreg [dreg:$0x15];
	[sflag:s4] =	ssyncadd.s32 $0xFFFFF800  }
0x54: {  	[spmem:s15] =	stream.linear.scatter [tilespmem:s0], [sflag:$0x2], $0x800, $0x200038;
	[tilespmem:$0x1F300] =	vst v63  }
0x55: {  	_ =	swait.ge [sflag:s4], $0x800  }
0x56: {  	[sflag:s4] =	ssyncset.done $0x0  }
0x57: {  	s17 =	rddreg [dreg:$0x16];
	[sflag:s4] =	ssyncadd.s32 $0xFFFFF800  }
0x58: {  	[spmem:s17] =	stream.linear.scatter [tilespmem:s0], [sflag:$0x2], $0x800, $0x200038;
	[tilespmem:$0x1F300] =	vst v63  }
0x59: {  	_ =	swait.ge [sflag:s4], $0x800  }
0x5a: {  	[sflag:s4] =	ssyncset.done $0x0  }
0x5b: {  	s15 =	rddreg [dreg:$0x17];
	[sflag:s4] =	ssyncadd.s32 $0xFFFFF800  }
0x5c: {  	[spmem:s15] =	stream.linear.scatter [tilespmem:s0], [sflag:$0x2], $0x800, $0x200038;
	[tilespmem:$0x1F300] =	vst v63  }
0x5d: {  	_ =	swait.ge [sflag:s4], $0x800  }
0x5e: {  	[sflag:s4] =	ssyncset.done $0x0  }
0x5f: {  	s17 =	rddreg [dreg:$0x8];
	[sflag:s4] =	ssyncadd.s32 $0xFFFFF800  }
0x60: {  	[spmem:s17] =	stream.linear.scatter [tilespmem:s0], [sflag:$0x2], $0x800, $0x200038;
	[tilespmem:$0x1F300] =	vst v63  }
0x61: {  	_ =	swait.ge [sflag:s4], $0x800  }
0x62: {  	[sflag:s4] =	ssyncset.done $0x0  }
0x63: {  	s15 =	rddreg [dreg:$0x18];
	[sflag:s4] =	ssyncadd.s32 $0xFFFFF800  }
0x64: {  	[spmem:s15] =	stream.linear.scatter [tilespmem:s0], [sflag:$0x2], $0x800, $0x200038;
	[tilespmem:$0x1F300] =	vst v63  }
0x65: {  	_ =	swait.ge [sflag:s4], $0x800  }
0x66: {  	[sflag:s4] =	ssyncset.done $0x0  }
0x67: {  	s17 =	rddreg [dreg:$0x19];
	[sflag:s4] =	ssyncadd.s32 $0xFFFFF800  }
0x68: {  	[spmem:s17] =	stream.linear.scatter [tilespmem:s0], [sflag:$0x2], $0x800, $0x200038;
	[tilespmem:$0x1F300] =	vst v63  }
0x69: {  	_ =	swait.ge [sflag:s4], $0x800  }
0x6a: {  	[sflag:s4] =	ssyncset.done $0x0  }
0x6b: {  	s15 =	rddreg [dreg:$0x1a];
	[sflag:s4] =	ssyncadd.s32 $0xFFFFF800  }
0x6c: {  	[spmem:s15] =	stream.linear.scatter [tilespmem:s0], [sflag:$0x2], $0x800, $0x200038;
	[tilespmem:$0x1F300] =	vst v63  }
0x6d: {  	_ =	swait.ge [sflag:s4], $0x800  }
0x6e: {  	[sflag:s4] =	ssyncset.done $0x0  }
0x6f: {  	s17 =	rddreg [dreg:$0x1b];
	[sflag:s4] =	ssyncadd.s32 $0xFFFFF800  }
0x70: {  	[spmem:s17] =	stream.linear.scatter [tilespmem:s0], [sflag:$0x2], $0x800, $0x200038;
	[tilespmem:$0x1F300] =	vst v63  }
0x71: {  	_ =	swait.ge [sflag:s4], $0x800  }
0x72: {  	[sflag:s4] =	ssyncset.done $0x0  }
0x73: {  	s15 =	rddreg [dreg:$0x1c];
	[sflag:s4] =	ssyncadd.s32 $0xFFFFF800  }
0x74: {  	[spmem:s15] =	stream.linear.scatter [tilespmem:s0], [sflag:$0x2], $0x800, $0x200038;
	[tilespmem:$0x1F300] =	vst v63  }
0x75: {  	_ =	swait.ge [sflag:s4], $0x800  }
0x76: {  	[sflag:s4] =	ssyncset.done $0x0  }
0x77: {  	s17 =	rddreg [dreg:$0x1d];
	[sflag:s4] =	ssyncadd.s32 $0xFFFFF800  }
0x78: {  	[spmem:s17] =	stream.linear.scatter [tilespmem:s0], [sflag:$0x2], $0x800, $0x200038;
	[tilespmem:$0x1F300] =	vst v63  }
0x79: {  	_ =	swait.ge [sflag:s4], $0x800  }
0x7a: {  	[sflag:s4] =	ssyncset.done $0x0  }
0x7b: {  	s15 =	rddreg [dreg:$0x1e];
	[sflag:s4] =	ssyncadd.s32 $0xFFFFF800  }
0x7c: {  	[spmem:s15] =	stream.linear.scatter [tilespmem:s0], [sflag:$0x2], $0x800, $0x200038;
	[tilespmem:$0x1F300] =	vst v63  }
0x7d: {  	_ =	swait.ge [sflag:s4], $0x800  }
0x7e: {  	[sflag:s4] =	ssyncset.done $0x0  }
0x7f: {  	s17 =	rddreg [dreg:$0x9];
	[sflag:s4] =	ssyncadd.s32 $0xFFFFF800  }
0x80: {  	[spmem:s17] =	stream.linear.scatter [tilespmem:s0], [sflag:$0x2], $0x800, $0x200038;
	[tilespmem:$0x1F300] =	vst v63  }
0x81: {  	_ =	swait.ge [sflag:s4], $0x800  }
0x82: {  	[sflag:s4] =	ssyncset.done $0x0  }
0x83: {  	s15 =	rddreg [dreg:$0x1f];
	[sflag:s4] =	ssyncadd.s32 $0xFFFFF800  }
0x84: {  	[spmem:s15] =	stream.linear.scatter [tilespmem:s0], [sflag:$0x2], $0x800, $0x200038;
	[tilespmem:$0x1F300] =	vst v63  }
0x85: {  	_ =	swait.ge [sflag:s4], $0x800  }
0x86: {  	s17 =	sld [smem:$0x7F8]  }
0x87: {  	[sflag:s4] =	ssyncset.done $0x0  }
0x88: {  	[sflag:s4] =	ssyncadd.s32 $0xFFFFF800  }
0x89: {  	[spmem:s17] =	stream.linear.scatter [tilespmem:s0], [sflag:$0x2], $0x800, $0x200038;
	[tilespmem:$0x1F300] =	vst v63  }
0x8a: {  	_ =	swait.ge [sflag:s4], $0x800  }
0x8b: {  	s15 =	sld [smem:$0x7F9]  }
0x8c: {  	[sflag:s4] =	ssyncset.done $0x0  }
0x8d: {  	[sflag:s4] =	ssyncadd.s32 $0xFFFFF800  }
0x8e: {  	[spmem:s15] =	stream.linear.scatter [tilespmem:s0], [sflag:$0x2], $0x800, $0x200038;
	[tilespmem:$0x1F300] =	vst v63  }
0x8f: {  	_ =	swait.ge [sflag:s4], $0x800  }
0x90: {  	s17 =	sld [smem:$0x7FA]  }
0x91: {  	[sflag:s4] =	ssyncset.done $0x0  }
0x92: {  	[sflag:s4] =	ssyncadd.s32 $0xFFFFF800  }
0x93: {  	[spmem:s17] =	stream.linear.scatter [tilespmem:s0], [sflag:$0x2], $0x800, $0x200038;
	[tilespmem:$0x1F300] =	vst v63  }
0x94: {  	_ =	swait.ge [sflag:s4], $0x800  }
0x95: {  	s15 =	sld [smem:$0x7FB]  }
0x96: {  	[sflag:s4] =	ssyncset.done $0x0  }
0x97: {  	[sflag:s4] =	ssyncadd.s32 $0xFFFFF800  }
0x98: {  	[spmem:s15] =	stream.linear.scatter [tilespmem:s0], [sflag:$0x2], $0x800, $0x200038;
	[tilespmem:$0x1F300] =	vst v63  }
0x99: {  	_ =	swait.ge [sflag:s4], $0x800  }
0x9a: {  	s17 =	sld [smem:$0x7FC]  }
0x9b: {  	[sflag:s4] =	ssyncset.done $0x0  }
0x9c: {  	[sflag:s4] =	ssyncadd.s32 $0xFFFFF800  }
0x9d: {  	[spmem:s17] =	stream.linear.scatter [tilespmem:s0], [sflag:$0x2], $0x800, $0x200038;
	[tilespmem:$0x1F300] =	vst v63  }
0x9e: {  	_ =	swait.ge [sflag:s4], $0x800  }
0x9f: {  	s15 =	sld [smem:$0x7FD]  }
0xa0: {  	[sflag:s4] =	ssyncset.done $0x0  }
0xa1: {  	[sflag:s4] =	ssyncadd.s32 $0xFFFFF800  }
0xa2: {  	[spmem:s15] =	stream.linear.scatter [tilespmem:s0], [sflag:$0x2], $0x800, $0x200038;
	[tilespmem:$0x1F300] =	vst v63  }
0xa3: {  	_ =	swait.ge [sflag:s4], $0x800  }
0xa4: {  	[sflag:s4] =	ssyncset.done $0x0  }
0xa5: {  	s17 =	rddreg [dreg:$0xa];
	[sflag:s4] =	ssyncadd.s32 $0xFFFFF800  }
0xa6: {  	[spmem:s17] =	stream.linear.scatter [tilespmem:s0], [sflag:$0x2], $0x800, $0x200038;
	[tilespmem:$0x1F300] =	vst v63  }
0xa7: {  	_ =	swait.ge [sflag:s4], $0x800  }
0xa8: {  	[sflag:s4] =	ssyncset.done $0x0  }
0xa9: {  	[sflag:s4] =	ssyncadd.s32 $0xFFFFF800  }
0xaa: {  	[spmem:s18] =	stream.linear.scatter [tilespmem:s0], [sflag:$0x2], $0x800, $0x200038;
	[tilespmem:$0x1F300] =	vst v63  }
0xab: {  	_ =	swait.ge [sflag:s4], $0x800  }
0xac: {  	[sflag:s4] =	ssyncset.done $0x0  }
0xad: {  	[sflag:s4] =	ssyncadd.s32 $0xFFFFF800  }
0xae: {  	[spmem:s19] =	stream.linear.scatter [tilespmem:s0], [sflag:$0x2], $0x800, $0x200038;
	[tilespmem:$0x1F300] =	vst v63  }
0xaf: {  	_ =	swait.ge [sflag:s4], $0x800  }
0xb0: {  	[sflag:s4] =	ssyncset.done $0x0  }
0xb1: {  	[sflag:s4] =	ssyncadd.s32 $0xFFFFF800  }
0xb2: {  	[spmem:s20] =	stream.linear.scatter [tilespmem:s0], [sflag:$0x2], $0x800, $0x200038;
	[tilespmem:$0x1F300] =	vst v63  }
0xb3: {  	_ =	swait.ge [sflag:s4], $0x800  }
0xb4: {  	[sflag:s4] =	ssyncset.done $0x0  }
0xb5: {  	[sflag:s4] =	ssyncadd.s32 $0xFFFFF800  }
0xb6: {  	[spmem:s21] =	stream.linear.scatter [tilespmem:s0], [sflag:$0x2], $0x800, $0x200038;
	[tilespmem:$0x1F300] =	vst v63  }
0xb7: {  	_ =	swait.ge [sflag:s4], $0x800  }
0xb8: {  	[sflag:s4] =	ssyncset.done $0x0  }
0xb9: {  	[sflag:s4] =	ssyncadd.s32 $0xFFFFF800  }
0xba: {  	[spmem:s22] =	stream.linear.scatter [tilespmem:s0], [sflag:$0x2], $0x800, $0x200038;
	[tilespmem:$0x1F300] =	vst v63  }
0xbb: {  	_ =	swait.ge [sflag:s4], $0x800  }
0xbc: {  	[sflag:s4] =	ssyncset.done $0x0  }
0xbd: {  	[sflag:s4] =	ssyncadd.s32 $0xFFFFF800  }
0xbe: {  	[spmem:s23] =	stream.linear.scatter [tilespmem:s0], [sflag:$0x2], $0x800, $0x200038;
	[tilespmem:$0x1F300] =	vst v63  }
0xbf: {  	_ =	swait.ge [sflag:s4], $0x800  }
0xc0: {  	[sflag:s4] =	ssyncset.done $0x0  }
0xc1: {  	[sflag:s4] =	ssyncadd.s32 $0xFFFFF800  }
0xc2: {  	[spmem:s24] =	stream.linear.scatter [tilespmem:s0], [sflag:$0x2], $0x800, $0x200038;
	[tilespmem:$0x1F300] =	vst v63  }
0xc3: {  	_ =	swait.ge [sflag:s4], $0x800  }
0xc4: {  	[sflag:s4] =	ssyncset.done $0x0  }
0xc5: {  	s15 =	rddreg [dreg:$0xb];
	[sflag:s4] =	ssyncadd.s32 $0xFFFFF800  }
0xc6: {  	[spmem:s15] =	stream.linear.scatter [tilespmem:s0], [sflag:$0x2], $0x800, $0x200038;
	[tilespmem:$0x1F300] =	vst v63  }
0xc7: {  	_ =	swait.ge [sflag:s4], $0x800  }
0xc8: {  	[sflag:s4] =	ssyncset.done $0x0  }
0xc9: {  	[sflag:s4] =	ssyncadd.s32 $0xFFFFF800  }
0xca: {  	[spmem:s25] =	stream.linear.scatter [tilespmem:s0], [sflag:$0x2], $0x800, $0x200038;
	[tilespmem:$0x1F300] =	vst v63  }
0xcb: {  	_ =	swait.ge [sflag:s4], $0x800  }
0xcc: {  	[sflag:s4] =	ssyncset.done $0x0  }
0xcd: {  	[sflag:s4] =	ssyncadd.s32 $0xFFFFF800  }
0xce: {  	[spmem:s26] =	stream.linear.scatter [tilespmem:s0], [sflag:$0x2], $0x800, $0x200038;
	[tilespmem:$0x1F300] =	vst v63  }
0xcf: {  	_ =	swait.ge [sflag:s4], $0x800  }
0xd0: {  	[sflag:s4] =	ssyncset.done $0x0  }
0xd1: {  	[sflag:s4] =	ssyncadd.s32 $0xFFFFF800  }
0xd2: {  	[spmem:s28] =	stream.linear.scatter [tilespmem:s0], [sflag:$0x2], $0x800, $0x200038;
	[tilespmem:$0x1F300] =	vst v63  }
0xd3: {  	_ =	swait.ge [sflag:s4], $0x800  }
0xd4: {  	[sflag:s4] =	ssyncset.done $0x0  }
0xd5: {  	[sflag:s4] =	ssyncadd.s32 $0xFFFFF800  }
0xd6: {  	[spmem:s29] =	stream.linear.scatter [tilespmem:s0], [sflag:$0x2], $0x800, $0x200038;
	[tilespmem:$0x1F300] =	vst v63  }
0xd7: {  	_ =	swait.ge [sflag:s4], $0x800  }
0xd8: {  	[sflag:s4] =	ssyncset.done $0x0  }
0xd9: {  	[sflag:s4] =	ssyncadd.s32 $0xFFFFF800  }
0xda: {  	[spmem:s30] =	stream.linear.scatter [tilespmem:s0], [sflag:$0x2], $0x800, $0x200038;
	[tilespmem:$0x1F300] =	vst v63  }
0xdb: {  	_ =	swait.ge [sflag:s4], $0x800  }
0xdc: {  	[sflag:s4] =	ssyncset.done $0x0  }
0xdd: {  	[sflag:s4] =	ssyncadd.s32 $0xFFFFF800  }
0xde: {  	[spmem:s31] =	stream.linear.scatter [tilespmem:s0], [sflag:$0x2], $0x800, $0x200038;
	[tilespmem:$0x1F300] =	vst v63  }
0xdf: {  	_ =	swait.ge [sflag:s4], $0x800  }
0xe0: {  	[sflag:s4] =	ssyncset.done $0x0  }
0xe1: {  	[sflag:s4] =	ssyncadd.s32 $0xFFFFF800  }
0xe2: {  	[spmem:s1] =	stream.linear.scatter [tilespmem:s0], [sflag:$0x2], $0x800, $0x200038;
	[tilespmem:$0x1F300] =	vst v63  }
0xe3: {  	_ =	swait.ge [sflag:s4], $0x800  }
0xe4: {  	[sflag:s4] =	ssyncset.done $0x0  }
0xe5: {  	[sflag:s4] =	ssyncadd.s32 $0xFFFFF800  }
0xe6: {  	[tilespmem:$0x1F280] =	vst v1  }
0xe7: {  	[tilespmem:$0x1F290] =	vst v1  }
0xe8: {  	[tilespmem:$0x1F2A0] =	vst v1  }
0xe9: {  	[tilespmem:$0x1F2B0] =	vst v1  }
0xea: {  	[tilespmem:$0x1F2C0] =	vst v1  }
0xeb: {  	[tilespmem:$0x1F2D0] =	vst v1  }
0xec: {  	[tilespmem:$0x1F2E0] =	vst v1  }
0xed: {  	[tilespmem:$0x1F2F0] =	vst v1  }
0xee: {  	[spmem:s16] =	stream.linear.scatter [tilespmem:s0], [sflag:$0x2], $0x80, $0x200038;
	[tilespmem:$0x1F300] =	vst v63  }
0xef: {  	_ =	swait.ge [sflag:s4], $0x80  }
0xf0: {  	[sflag:s4] =	ssyncset.done $0x0  }
0xf1: {  	s17 =	rddreg [dreg:$0xc];
	[sflag:s4] =	ssyncadd.s32 $0xFFFFFF80  }
0xf2: {  	[spmem:s17] =	stream.linear.scatter [tilespmem:s0], [sflag:$0x2], $0x80, $0x200038;
	[tilespmem:$0x1F300] =	vst v63  }
0xf3: {  	_ =	swait.ge [sflag:s4], $0x80  }
0xf4: {  	[sflag:s4] =	ssyncset.done $0x0  }
0xf5: {  	s15 =	rddreg [dreg:$0xd];
	[sflag:s4] =	ssyncadd.s32 $0xFFFFFF80  }
0xf6: {  	[spmem:s15] =	stream.linear.scatter [tilespmem:s0], [sflag:$0x2], $0x80, $0x200038;
	[tilespmem:$0x1F300] =	vst v63  }
0xf7: {  	_ =	swait.ge [sflag:s4], $0x80  }
0xf8: {  	[sflag:s4] =	ssyncset.done $0x0  }
0xf9: {  	s17 =	rddreg [dreg:$0xe];
	[sflag:s4] =	ssyncadd.s32 $0xFFFFFF80  }
0xfa: {  	[spmem:s17] =	stream.linear.scatter [tilespmem:s0], [sflag:$0x2], $0x80, $0x200038;
	[tilespmem:$0x1F300] =	vst v63  }
0xfb: {  	_ =	swait.ge [sflag:s4], $0x80  }
0xfc: {  	[sflag:s4] =	ssyncset.done $0x0  }
0xfd: {  	s15 =	rddreg [dreg:$0xf];
	[sflag:s4] =	ssyncadd.s32 $0xFFFFFF80  }
0xfe: {  	[spmem:s15] =	stream.linear.scatter [tilespmem:s0], [sflag:$0x2], $0x80, $0x200038;
	[tilespmem:$0x1F300] =	vst v63  }
0xff: {  	_ =	swait.ge [sflag:s4], $0x80  }
0x100: {  	[sflag:s4] =	ssyncset.done $0x0  }
0x101: {  	[sflag:s4] =	ssyncadd.s32 $0xFFFFFF80  }
0x102: {  	_ =	strace $0x90000048  }
0x103: {  	[bflag:$0x0] =	sbarrier.arrive $0xFFFF  }
0x104: {  	_ =	strace $0x80000049  }
0x105: {  	s15 =	simm.s32 $0x0;
	s17 =	rddreg [dreg:$0x10]  }
0x106: {  	[tilespmem:s8], [sflag:$0x2] =	stream.linear.gather [hbm4b:s17+s15], $0x3400, $0x200038;
	[tilespmem:$0x1F300] =	vst v63  }
0x107: {  	_ =	swait.ge [sflag:s4], $0x3400  }
0x108: {  	[sflag:s4] =	ssyncset.done $0x0  }
0x109: {  	s14 =	simm.s32 $0x17400;
	s17 =	rddreg [dreg:$0x11];
	[sflag:s4] =	ssyncadd.s32 $0xFFFFCC00  }
0x10a: {  	[tilespmem:s14], [sflag:$0x2] =	stream.linear.gather [hbm4b:s17+s15], $0x3400, $0x200038;
	[tilespmem:$0x1F300] =	vst v63  }
0x10b: {  	_ =	swait.ge [sflag:s4], $0x3400  }
0x10c: {  	[sflag:s4] =	ssyncset.done $0x0  }
0x10d: {  	[sflag:s4] =	ssyncadd.s32 $0xFFFFCC00  }
0x10e: {  	[tilespmem:s10], [sflag:$0x1] =	stream.indirect.gather [hbm4b:s5+s9], $0x80, s8, s9, $0x2000b8;
	[tilespmem:$0x1F300] =	vst v63  }
0x10f: {  	_ =	swait.ge [sflag:s11], $0x4000  }
0x110: {  	[sflag:s11] =	ssyncset.done $0x0  }
0x111: {  	[sflag:s11] =	ssyncadd.s32 $0xFFFFC000  }
0x112: {  	[spmem:s2] =	stream.indirect.scatter.add.f32 [tilespmem:s10], [sflag:$0x2], $0x80, s14, s9, $0x2000b8;
	[tilespmem:$0x1F300] =	vst v63  }
0x113: {  	_ =	swait.ge [sflag:s4], $0x4000  }
0x114: {  	[sflag:s4] =	ssyncset.done $0x0  }
0x115: {  	p0 =	sne.s32 s6, $0x2;
	s15 =	simm.s32 $0x14080;
	[sflag:s4] =	ssyncadd.s32 $0xFFFFC000  }
0x116: {  	[tilespmem:s10], [sflag:$0x1] =	stream.indirect.gather [hbm4b:s5+s9], $0x80, s15, s9, $0x2000b8;
	[tilespmem:$0x1F300] =	vst v63  }
.Ltmp1:
0x117: {  	_ = 	snop;
	(pc) =	sbr.rel @!p0 .LBB2_5-.Ltmp1, $4  }
0x118: {  	_ = 	snop  }
0x119: {  	[spmem:s3] =	stream.indirect.scatter.add.f32 [tilespmem:s12], [sflag:$0x2], $0x1, s14, s9, $0x2000b8;
	[tilespmem:$0x1F300] =	vst v63  }
0x11a: {  	_ =	swait.ge [sflag:s4], $0x80  }
0x11b: {  	s17 =	simm.s32 $0x2;
	s14 =	simm.s32 $0x17480;
	[sflag:s4] =	ssyncset.done $0x0  }
.LBB2_4:
0x11c: {  	s17 =	sadd.s32 $0x1, s17;
	[sflag:s4] =	ssyncadd.s32 $0xFFFFFF80;
	s15 =	sadd.s32 $0x80, s15  }
0x11d: {  	p0 =	sne.s32 s6, s17  }
0x11e: {  	_ =	swait.ge [sflag:s11], $0x4000  }
0x11f: {  	[sflag:s11] =	ssyncset.done $0x0  }
0x120: {  	[sflag:s11] =	ssyncadd.s32 $0xFFFFC000  }
0x121: {  	[spmem:s2] =	stream.indirect.scatter.add.f32 [tilespmem:s10], [sflag:$0x2], $0x80, s14, s9, $0x2000b8;
	[tilespmem:$0x1F300] =	vst v63  }
0x122: {  	_ =	swait.ge [sflag:s4], $0x4000  }
0x123: {  	[sflag:s4] =	ssyncset.done $0x0  }
0x124: {  	[sflag:s4] =	ssyncadd.s32 $0xFFFFC000  }
0x125: {  	[tilespmem:s10], [sflag:$0x1] =	stream.indirect.gather [hbm4b:s5+s9], $0x80, s15, s9, $0x2000b8;
	[tilespmem:$0x1F300] =	vst v63  }
.Ltmp2:
0x126: {  	_ = 	snop;
	(pc) =	sbr.rel @p0 .LBB2_4-.Ltmp2, $4  }
0x127: {  	_ = 	snop  }
0x128: {  	[spmem:s3] =	stream.indirect.scatter.add.f32 [tilespmem:s12], [sflag:$0x2], $0x1, s14, s9, $0x2000b8;
	[tilespmem:$0x1F300] =	vst v63  }
0x129: {  	_ =	swait.ge [sflag:s4], $0x80  }
0x12a: {  	s14 =	sadd.s32 $0x80, s14;
	[sflag:s4] =	ssyncset.done $0x0  }
.LBB2_5:
0x12b: {  	[sflag:s4] =	ssyncadd.s32 $0xFFFFFF80  }
0x12c: {  	_ =	swait.ge [sflag:s11], $0x4000  }
0x12d: {  	[sflag:s11] =	ssyncset.done $0x0  }
0x12e: {  	[sflag:s11] =	ssyncadd.s32 $0xFFFFC000  }
0x12f: {  	[spmem:s2] =	stream.indirect.scatter.add.f32 [tilespmem:s10], [sflag:$0x2], $0x80, s14, s9, $0x2000b8;
	[tilespmem:$0x1F300] =	vst v63  }
0x130: {  	_ =	swait.ge [sflag:s4], $0x4000  }
0x131: {  	[sflag:s4] =	ssyncset.done $0x0  }
0x132: {  	[sflag:s4] =	ssyncadd.s32 $0xFFFFC000  }
0x133: {  	[spmem:s3] =	stream.indirect.scatter.add.f32 [tilespmem:s12], [sflag:$0x2], $0x1, s14, s9, $0x2000b8;
	[tilespmem:$0x1F300] =	vst v63  }
0x134: {  	_ =	swait.ge [sflag:s4], $0x80  }
0x135: {  	[sflag:s4] =	ssyncset.done $0x0  }
0x136: {  	[sflag:s4] =	ssyncadd.s32 $0xFFFFFF80  }
0x137: {  	_ =	strace $0x90000049  }
0x138: {  	s15 =	stileid.u32;
	[bflag:$0x0] =	sbarrier.arrive $0xFFFF  }
0x139: {  	s14 =	sshll.u32 s15, $0x6;
	_ =	strace $0x8000004A  }
0x13a: {  	s15 =	sshrl.u32 s7, $0x3;
	s14 =	sor.u32 $0x1C02, s14;
	s17 =	rddreg [dreg:$0x12]  }
0x13b: {  	[hbm:s17], [sflag:s14] =	dma.local [spmem:s15], $0x2800  }
0x13c: {  	_ =	swait.ge [sflag:s4], $0x2800  }
0x13d: {  	[sflag:s4] =	ssyncset.done $0x0  }
0x13e: {  	s15 =	sshrl.u32 s16, $0x3;
	s17 =	rddreg [dreg:$0x13];
	[sflag:s4] =	ssyncadd.s32 $0xFFFFD800  }
0x13f: {  	[hbm:s17], [sflag:s14] =	dma.local [spmem:s15], $0x50  }
0x140: {  	_ =	swait.ge [sflag:s4], $0x50  }
0x141: {  	s13 =	sadd.s32 $0x1, s13;
	s17 =	rddreg [dreg:$0x14]  }
0x142: {  	p0 =	sne.s32 s13, s17  }
.Ltmp3:
0x143: {  	_ = 	snop;
	(pc) =	sbr.rel @p0 .LBB2_1-.Ltmp3, $4  }
0x144: {  	_ = 	snop  }
0x145: {  	[sflag:s4] =	ssyncset.done $0x0  }
0x146: {  	[sflag:s4] =	ssyncadd.s32 $0xFFFFFFB0  }
0x147: {  	_ =	strace $0x9000004A  }
0x148: {  	_ =	sfence.sel $0x180000  }
0x149: {  	[bflag:$0x0] =	sbarrier.arrive $0xFFFF  }
0x14a: {  	_ =	strace $0x90000047  }
0x14b: {  	s0 =	stileid.u32;
	[bflag:$0x2] =	sbarrier.arrive $0xFFFF  }
0x14c: {  	p0 =	sne.s32 s0, $0x0;
	s0 =	rddreg [dreg:$0x3]  }
0x14d: {  	s0 =	sadd.s32 @!p0 $0x100000, s0  }
0x14e: {  	[sflag:s0] =	ssyncadd.tile.s32 @!p0 $0x1;
	_ =	shalt  }
.Lfunc_end2:
_tile_overlayer_lowered:
.L_overlay_start_2:
0x14f: {  	(tag) =	ssettag $0x2  }
0x150: {  	s0 =	rddreg [dreg:$0x0];
	s2 =	stileid.u32  }
0x151: {  	s1 =	rddreg [dreg:$0x1];
	p0 =	sne.s32 s2, $0x0  }
0x152: {  	s3 =	rddreg [dreg:$0x2];
	[bflag:$0x3] =	sbarrier.arrive $0xFFFF;
	s2 =	simm.s32 @!p0 $0x1C02  }
0x153: {  	[timem:s3], [sflag:s2] =	dma.local @!p0 [hbm:s0], s1  }
0x154: {  	s0 =	simm.s32 @!p0 $0x2  }
0x155: {  	_ =	swait.ge @!p0 [sflag:s0], s1  }
0x156: {  	s1 =	ssub.s32 @!p0 $0x0, s1;
	[sflag:s0] =	ssyncset.done @!p0 $0x0  }
0x157: {  	[sflag:s0] =	ssyncadd.s32 @!p0 s1  }
0x158: {  	[bflag:$0x3] =	sbarrier.arrive $0xFFFF  }
0x159: {  	_ =	shalt  }

</sc_bundles>
